<compile_context>
chip_gen: v7x
topology: tpu7x:2x2x1
jax: 0.10.2.dev20260603
libtpu: 0.0.44.dev20260713+nightly
codegen_flags: <defaults>
</compile_context>

<pallas_src>
import functools

import jax
import jax.numpy as jnp
from jax import lax
from jax.experimental import pallas as pl
from jax.experimental.pallas import tpu as pltpu
from jax.experimental.pallas import tpu_sc as plsc

N = 10000
E = 160000
D = 256
H = 128
C = 32
B = 16

NP = 10240
NW = 32
CHUNK = 128
EPW = 5120
NCH = EPW // CHUNK
EP = NW * EPW
RPT = NP // 16
GCH = 64
NGC = EPW // GCH
NBUF = 4

_mesh = plsc.VectorSubcoreMesh(core_axis_name="c", subcore_axis_name="s")



@functools.partial(
    pl.kernel,
    mesh=_mesh,
    out_type=jax.ShapeDtypeStruct((2, NP), jnp.float32),
    scratch_types=[
        pltpu.VMEM((NCH, CHUNK), jnp.int32),
        pltpu.VMEM((CHUNK,), jnp.float32),
        pltpu.VMEM((RPT,), jnp.float32),
        pltpu.VMEM_SHARED((NP,), jnp.float32),
        pltpu.SemaphoreType.DMA,
    ],
)
def _sc_degree(dst_hbm, out_hbm, idx_v, ones_v, buf_v, shared_deg, sem):
    cid = lax.axis_index("c")
    sid = lax.axis_index("s")
    wid = sid * 2 + cid

    one16 = jnp.ones((16,), jnp.float32)
    for k in range(CHUNK // 16):
        ones_v[pl.ds(k * 16, 16)] = one16

    z16 = jnp.zeros((16,), jnp.float32)

    def _zero(i, carry):
        buf_v[pl.ds(i * 16, 16)] = z16
        return carry

    lax.fori_loop(0, RPT // 16, _zero, 0)
    pltpu.sync_copy(buf_v, shared_deg.at[pl.ds(sid * RPT, RPT)])
    plsc.subcore_barrier()

    pltpu.sync_copy(dst_hbm.at[wid], idx_v)

    def _body(j, carry):
        pltpu.sync_copy(ones_v, shared_deg.at[idx_v.at[j]], add=True)
        return carry

    lax.fori_loop(0, NCH, _body, 0)
    plsc.subcore_barrier()

    pltpu.sync_copy(shared_deg.at[pl.ds(sid * RPT, RPT)], buf_v)
    pltpu.sync_copy(buf_v, out_hbm.at[cid, pl.ds(sid * RPT, RPT)])



@functools.partial(
    pl.kernel,
    mesh=_mesh,
    out_type=jax.ShapeDtypeStruct((2, NP, H), jnp.float32),
    scratch_types=[
        pltpu.VMEM((NCH, CHUNK), jnp.int32),
        pltpu.VMEM((NCH, CHUNK), jnp.int32),
        pltpu.VMEM((GCH, H), jnp.float32),
        pltpu.VMEM((GCH, H), jnp.float32),
        pltpu.VMEM((GCH, H), jnp.float32),
        pltpu.VMEM((GCH, H), jnp.float32),
        pltpu.VMEM_SHARED((NP, H), jnp.float32),
        pltpu.SemaphoreType.DMA,
        pltpu.SemaphoreType.DMA,
        pltpu.SemaphoreType.DMA,
        pltpu.SemaphoreType.DMA,
        pltpu.SemaphoreType.DMA,
        pltpu.SemaphoreType.DMA,
        pltpu.SemaphoreType.DMA,
        pltpu.SemaphoreType.DMA,
    ],
)
def _sc_aggregate(hs_hbm, src_hbm, dst_hbm, out_hbm,
                  src_v, dst_v, rows0, rows1, rows2, rows3, shared_acc,
                  g0, g1, g2, g3, s0, s1, s2, s3):
    cid = lax.axis_index("c")
    sid = lax.axis_index("s")
    wid = sid * 2 + cid
    rows = (rows0, rows1, rows2, rows3)
    semg = (g0, g1, g2, g3)
    sems = (s0, s1, s2, s3)

    z16 = jnp.zeros((16,), jnp.float32)

    def _zrow(i, carry):
        for k in range(H // 16):
            rows0[i, pl.ds(k * 16, 16)] = z16
        return carry

    lax.fori_loop(0, GCH, _zrow, 0)
    for k in range(RPT // GCH):
        pltpu.sync_copy(rows0, shared_acc.at[pl.ds(sid * RPT + k * GCH, GCH)])
    pltpu.sync_copy(src_hbm.at[wid], src_v)
    pltpu.sync_copy(dst_hbm.at[wid], dst_v)
    plsc.subcore_barrier()

    def _sidx(idx_ref, j):
        return idx_ref.at[j // 2, pl.ds((j % 2) * GCH, GCH)]

    for b in range(NBUF - 1):
        pltpu.async_copy(hs_hbm.at[_sidx(src_v, b)], rows[b], semg[b])

    def _body(i, carry):
        for b in range(NBUF):
            j = NBUF * i + b
            o = (b + NBUF - 1) % NBUF

            @pl.when(j >= 1)
            def _wait_prev_scatter():
                pltpu.make_async_copy(rows[o], shared_acc.at[_sidx(dst_v, j)],
                                      sems[o]).wait()

            @pl.when(j + NBUF - 1 < NGC)
            def _issue_gather():
                pltpu.async_copy(hs_hbm.at[_sidx(src_v, j + NBUF - 1)],
                                 rows[o], semg[o])

            pltpu.make_async_copy(hs_hbm.at[_sidx(src_v, j)], rows[b],
                                  semg[b]).wait()
            pltpu.async_copy(rows[b], shared_acc.at[_sidx(dst_v, j)], sems[b],
                             add=True)
        return carry

    lax.fori_loop(0, NGC // NBUF, _body, 0)
    pltpu.make_async_copy(rows[(NGC - 1) % NBUF],
                          shared_acc.at[_sidx(dst_v, NGC - 1)],
                          sems[(NGC - 1) % NBUF]).wait()
    plsc.subcore_barrier()

    for k in range(RPT // CHUNK):
        r = sid * RPT + k * CHUNK
        pltpu.sync_copy(shared_acc.at[pl.ds(r, CHUNK)],
                        out_hbm.at[cid, pl.ds(r, CHUNK)])



_RB = 2560
_NBLK = NP // _RB


def _dis_block(deg_ref):
    return lax.rsqrt(deg_ref[0] + deg_ref[1] + 1.0)


def _tc1_body(x_ref, w_ref, deg_ref, hs_ref):
    dis = _dis_block(deg_ref)
    h = jnp.dot(x_ref[...], w_ref[...], preferred_element_type=jnp.float32)
    hs_ref[...] = h * jnp.broadcast_to(dis, (_RB, H))


_tc1 = pl.pallas_call(
    _tc1_body,
    grid=(_NBLK,),
    in_specs=[
        pl.BlockSpec((_RB, D), lambda i: (i, 0)),
        pl.BlockSpec((D, H), lambda i: (0, 0)),
        pl.BlockSpec((2, _RB, 1), lambda i: (0, i, 0)),
    ],
    out_specs=pl.BlockSpec((_RB, H), lambda i: (i, 0)),
    out_shape=jax.ShapeDtypeStruct((NP, H), jnp.float32),
)


def _tc_mid_body(agg_ref, hsp_ref, deg_ref, b_ref, w_ref, out_ref):
    disb = jnp.broadcast_to(_dis_block(deg_ref), (_RB, H))
    t = (agg_ref[0] + agg_ref[1] + hsp_ref[...]) * disb + b_ref[...]
    t = jnp.where(t >= 0, t, 0.01 * t)
    out_ref[...] = jnp.dot(t, w_ref[...], preferred_element_type=jnp.float32) * disb


_tc_mid = pl.pallas_call(
    _tc_mid_body,
    grid=(_NBLK,),
    in_specs=[
        pl.BlockSpec((2, _RB, H), lambda i: (0, i, 0)),
        pl.BlockSpec((_RB, H), lambda i: (i, 0)),
        pl.BlockSpec((2, _RB, 1), lambda i: (0, i, 0)),
        pl.BlockSpec((1, H), lambda i: (0, 0)),
        pl.BlockSpec((H, H), lambda i: (0, 0)),
    ],
    out_specs=pl.BlockSpec((_RB, H), lambda i: (i, 0)),
    out_shape=jax.ShapeDtypeStruct((NP, H), jnp.float32),
)


def _tc_final_body(agg_ref, hsp_ref, deg_ref, b_ref, batch_ref,
                   wfc_ref, bfc_ref, out_ref):
    dis = lax.rsqrt(deg_ref[0] + deg_ref[1] + 1.0)
    h3 = ((agg_ref[0] + agg_ref[1] + hsp_ref[...])
          * jnp.broadcast_to(dis, (NP, H)) + b_ref[...])
    bt = batch_ref[...]
    iot = lax.broadcasted_iota(jnp.int32, (B, NP), 0)
    onehot = jnp.where(bt == iot, 1.0, 0.0).astype(jnp.float32)
    sums = jnp.dot(onehot, h3, preferred_element_type=jnp.float32)
    cnt = jnp.sum(onehot, axis=1, keepdims=True)
    pooled = sums / jnp.maximum(cnt, 1.0)
    embed = jnp.dot(pooled, wfc_ref[...],
                    preferred_element_type=jnp.float32) + bfc_ref[...]
    m = jnp.max(embed, axis=1, keepdims=True)
    ex = jnp.exp(embed - m)
    lse = jnp.log(jnp.sum(ex, axis=1, keepdims=True)) + m
    out_ref[...] = embed - lse


_tc_final = pl.pallas_call(
    _tc_final_body,
    out_shape=jax.ShapeDtypeStruct((B, C), jnp.float32),
)



def kernel(x, edge_index, batch, W1, b1, W2, b2, W3, b3, Wfc, bfc):
    pad = jnp.arange(EP - E, dtype=jnp.int32)
    src_p = jnp.concatenate([edge_index[0].astype(jnp.int32), pad % N])
    dst_p = jnp.concatenate([edge_index[1].astype(jnp.int32),
                             pad % (NP - N) + N])
    src_p = src_p.reshape(NW, NCH, CHUNK)
    dst_p = dst_p.reshape(NW, NCH, CHUNK)
    x_p = jnp.pad(x, ((0, NP - N), (0, 0)))
    batch_p = jnp.pad(batch, (0, NP - N), constant_values=-1).reshape(1, NP)

    deg2 = _sc_degree(dst_p).reshape(2, NP, 1)
    hs1 = _tc1(x_p, W1, deg2)
    agg1 = _sc_aggregate(hs1, src_p, dst_p)
    hs2 = _tc_mid(agg1, hs1, deg2, b1.reshape(1, H), W2)
    agg2 = _sc_aggregate(hs2, src_p, dst_p)
    hs3 = _tc_mid(agg2, hs2, deg2, b2.reshape(1, H), W3)
    agg3 = _sc_aggregate(hs3, src_p, dst_p)
    logits = _tc_final(agg3, hs3, deg2, b3.reshape(1, H), batch_p,
                       Wfc, bfc.reshape(1, C))
    return logits

# --- scband reference (transcript-rebuilt; emitter-appended) ---
"""Pipeline reference for scband-gnn-13761075216869 (READ-ONLY COPY).

The authoritative reference and input builder live on the scoring server;
editing this copy changes nothing except your own understanding.
"""

import jax, jax.numpy as jnp
import numpy as np

N = 10000
E = 160000
D = 256
H = 128
C = 32
B = 16


def setup_inputs(seed: int = 0) -> dict:
    key = jax.random.key(seed)
    ks = jax.random.split(key, 12)
    x = jax.random.normal(ks[0], (N, D), dtype=jnp.float32)
    edge_index = jax.random.randint(ks[1], (2, E), 0, N, dtype=jnp.int32)
    batch = jnp.sort(jax.random.randint(ks[2], (N,), 0, B, dtype=jnp.int32))
    def glorot(k, fan_in, fan_out):
        lim = jnp.sqrt(6.0 / (fan_in + fan_out))
        return jax.random.uniform(k, (fan_in, fan_out), dtype=jnp.float32, minval=-lim, maxval=lim)
    W1 = glorot(ks[3], D, H)
    b1 = jnp.zeros((H,), dtype=jnp.float32)
    W2 = glorot(ks[4], H, H)
    b2 = jnp.zeros((H,), dtype=jnp.float32)
    W3 = glorot(ks[5], H, H)
    b3 = jnp.zeros((H,), dtype=jnp.float32)
    Wfc = glorot(ks[6], H, C)
    bfc = jnp.zeros((C,), dtype=jnp.float32)
    return {"x": x, "edge_index": edge_index, "batch": batch,
            "W1": W1, "b1": b1, "W2": W2, "b2": b2, "W3": W3, "b3": b3,
            "Wfc": Wfc, "bfc": bfc}


def _gcn_conv(x, src, dst, W, b):
    # GCNConv with normalize=True and add_self_loops (self loops already appended to src/dst)
    h = x @ W
    deg = jnp.zeros((N,), dtype=x.dtype).at[dst].add(jnp.ones_like(dst, dtype=x.dtype))
    dis = jnp.where(deg > 0, 1.0 / jnp.sqrt(deg), 0.0)
    norm = dis[src] * dis[dst]
    msg = h[src] * norm[:, None]
    out = jnp.zeros((N, h.shape[1]), dtype=x.dtype).at[dst].add(msg)
    return out + b


def _leaky_relu(x):
    return jnp.where(x >= 0, x, 0.01 * x)


def reference(x, edge_index, batch, W1, b1, W2, b2, W3, b3, Wfc, bfc):
    loop = jnp.arange(N, dtype=edge_index.dtype)
    src = jnp.concatenate([edge_index[0], loop])
    dst = jnp.concatenate([edge_index[1], loop])
    h = _leaky_relu(_gcn_conv(x, src, dst, W1, b1))
    h = _leaky_relu(_gcn_conv(h, src, dst, W2, b2))
    h = _gcn_conv(h, src, dst, W3, b3)
    # global_mean_pool over batch assignment
    sums = jnp.zeros((B, H), dtype=h.dtype).at[batch].add(h)
    cnt = jnp.zeros((B,), dtype=h.dtype).at[batch].add(jnp.ones_like(batch, dtype=h.dtype))
    pooled = sums / jnp.clip(cnt, 1.0)[:, None]
    embed = pooled @ Wfc + bfc
    logits = jax.nn.log_softmax(embed, axis=-1)
    return logits

if __name__ == "__main__":
    import jax
    _d = setup_inputs()
    print(jax.jit(kernel)(*tuple(_d.values())))

</pallas_src>

<mosaic_0001>
#map = affine_map<(d0, d1) -> (0, 0, 0)>
#map1 = affine_map<(d0, d1) -> (0, 0)>
module attributes {stable_mosaic.version = 14 : i64} {
  func.func @_sc_degree(%arg0: i32, %arg1: i32, %arg2: memref<32x40x128xi32, #tpu.memory_space<hbm>>, %arg3: memref<2x10240xf32, #tpu.memory_space<hbm>>, %arg4: memref<40x128xi32, #tpu.memory_space<vmem>>, %arg5: memref<128xf32, #tpu.memory_space<vmem>>, %arg6: memref<640xf32, #tpu.memory_space<vmem>>, %arg7: memref<10240xf32, #tpu.memory_space<vmem_shared>>, %arg8: memref<!tpu.dma_semaphore, #tpu.memory_space<semaphore_mem>>) attributes {dimension_semantics = [#tpu.dimension_semantics<core_parallel>, #tpu.dimension_semantics<subcore_parallel>], iteration_bounds = array<i64: 2, 16>, scalar_prefetch = 0 : i64, scratch_operands = 5 : i64, tpu.core_type = #tpu.core_type<sc_vector_subcore>, window_params = [{transform_indices = #map}, {transform_indices = #map1}]} {
    %mul3A = arith.constant 2 : i32
    %mul3A_0 = arith.muli %arg1, %mul3A : i32
    %add3A = arith.addi %mul3A_0, %arg0 : i32
    %broadcast_in_dim3A = arith.constant 1.000000e+00 : f32
    %broadcast_in_dim3A_1 = vector.broadcast %broadcast_in_dim3A : f32 to vector<16xf32>
    %swap3A = arith.constant 0 : index
    %swap3A_2 = tpu.vector_load %arg5[%swap3A] {strides = array<i32>} : memref<128xf32, #tpu.memory_space<vmem>>, vector<16xf32>,
    %swap3A_3 = vector.shape_cast %swap3A_2 : vector<16xf32> to vector<16xf32>
    %swap3A_4 = vector.shape_cast %broadcast_in_dim3A_1 : vector<16xf32> to vector<16xf32>
    tpu.vector_store %arg5[%swap3A], %swap3A_4 {strides = array<i32>} : memref<128xf32, #tpu.memory_space<vmem>>, vector<16xf32>,
    %swap3A_5 = arith.constant 16 : index
    %swap3A_6 = tpu.vector_load %arg5[%swap3A_5] {strides = array<i32>} : memref<128xf32, #tpu.memory_space<vmem>>, vector<16xf32>,
    %swap3A_7 = vector.shape_cast %swap3A_6 : vector<16xf32> to vector<16xf32>
    %swap3A_8 = vector.shape_cast %broadcast_in_dim3A_1 : vector<16xf32> to vector<16xf32>
    tpu.vector_store %arg5[%swap3A_5], %swap3A_8 {strides = array<i32>} : memref<128xf32, #tpu.memory_space<vmem>>, vector<16xf32>,
    %swap3A_9 = arith.constant 32 : index
    %swap3A_10 = tpu.vector_load %arg5[%swap3A_9] {strides = array<i32>} : memref<128xf32, #tpu.memory_space<vmem>>, vector<16xf32>,
    %swap3A_11 = vector.shape_cast %swap3A_10 : vector<16xf32> to vector<16xf32>
    %swap3A_12 = vector.shape_cast %broadcast_in_dim3A_1 : vector<16xf32> to vector<16xf32>
    tpu.vector_store %arg5[%swap3A_9], %swap3A_12 {strides = array<i32>} : memref<128xf32, #tpu.memory_space<vmem>>, vector<16xf32>,
    %swap3A_13 = arith.constant 48 : index
    %swap3A_14 = tpu.vector_load %arg5[%swap3A_13] {strides = array<i32>} : memref<128xf32, #tpu.memory_space<vmem>>, vector<16xf32>,
    %swap3A_15 = vector.shape_cast %swap3A_14 : vector<16xf32> to vector<16xf32>
    %swap3A_16 = vector.shape_cast %broadcast_in_dim3A_1 : vector<16xf32> to vector<16xf32>
    tpu.vector_store %arg5[%swap3A_13], %swap3A_16 {strides = array<i32>} : memref<128xf32, #tpu.memory_space<vmem>>, vector<16xf32>,
    %swap3A_17 = arith.constant 64 : index
    %swap3A_18 = tpu.vector_load %arg5[%swap3A_17] {strides = array<i32>} : memref<128xf32, #tpu.memory_space<vmem>>, vector<16xf32>,
    %swap3A_19 = vector.shape_cast %swap3A_18 : vector<16xf32> to vector<16xf32>
    %swap3A_20 = vector.shape_cast %broadcast_in_dim3A_1 : vector<16xf32> to vector<16xf32>
    tpu.vector_store %arg5[%swap3A_17], %swap3A_20 {strides = array<i32>} : memref<128xf32, #tpu.memory_space<vmem>>, vector<16xf32>,
    %swap3A_21 = arith.constant 80 : index
    %swap3A_22 = tpu.vector_load %arg5[%swap3A_21] {strides = array<i32>} : memref<128xf32, #tpu.memory_space<vmem>>, vector<16xf32>,
    %swap3A_23 = vector.shape_cast %swap3A_22 : vector<16xf32> to vector<16xf32>
    %swap3A_24 = vector.shape_cast %broadcast_in_dim3A_1 : vector<16xf32> to vector<16xf32>
    tpu.vector_store %arg5[%swap3A_21], %swap3A_24 {strides = array<i32>} : memref<128xf32, #tpu.memory_space<vmem>>, vector<16xf32>,
    %swap3A_25 = arith.constant 96 : index
    %swap3A_26 = tpu.vector_load %arg5[%swap3A_25] {strides = array<i32>} : memref<128xf32, #tpu.memory_space<vmem>>, vector<16xf32>,
    %swap3A_27 = vector.shape_cast %swap3A_26 : vector<16xf32> to vector<16xf32>
    %swap3A_28 = vector.shape_cast %broadcast_in_dim3A_1 : vector<16xf32> to vector<16xf32>
    tpu.vector_store %arg5[%swap3A_25], %swap3A_28 {strides = array<i32>} : memref<128xf32, #tpu.memory_space<vmem>>, vector<16xf32>,
    %swap3A_29 = arith.constant 112 : index
    %swap3A_30 = tpu.vector_load %arg5[%swap3A_29] {strides = array<i32>} : memref<128xf32, #tpu.memory_space<vmem>>, vector<16xf32>,
    %swap3A_31 = vector.shape_cast %swap3A_30 : vector<16xf32> to vector<16xf32>
    %swap3A_32 = vector.shape_cast %broadcast_in_dim3A_1 : vector<16xf32> to vector<16xf32>
    tpu.vector_store %arg5[%swap3A_29], %swap3A_32 {strides = array<i32>} : memref<128xf32, #tpu.memory_space<vmem>>, vector<16xf32>,
    %broadcast_in_dim3A_33 = arith.constant 0.000000e+00 : f32
    %broadcast_in_dim3A_34 = vector.broadcast %broadcast_in_dim3A_33 : f32 to vector<16xf32>
    %scan3A = arith.constant 0 : i32
    %scan3A_35 = arith.constant 0 : i32
    %scan3A_36 = arith.constant 40 : i32
    %scan3A_37 = arith.addi %scan3A_35, %scan3A_36 : i32
    %scan3A_38 = arith.constant 1 : i32
    scf.for %scan3A_53 = %scan3A_35 to %scan3A_37 step %scan3A_38  : i32 {
      %mul3A_54 = arith.constant 16 : i32
      %mul3A_55 = arith.muli %scan3A_53, %mul3A_54 : i32
      %swap3A_56 = arith.index_cast %mul3A_55 : i32 to index
      %swap3A_57 = tpu.vector_load %arg6[%swap3A_56] {strides = array<i32>} : memref<640xf32, #tpu.memory_space<vmem>>, vector<16xf32>,
      %swap3A_58 = vector.shape_cast %swap3A_57 : vector<16xf32> to vector<16xf32>
      %swap3A_59 = vector.shape_cast %broadcast_in_dim3A_34 : vector<16xf32> to vector<16xf32>
      tpu.vector_store %arg6[%swap3A_56], %swap3A_59 {strides = array<i32>} : memref<640xf32, #tpu.memory_space<vmem>>, vector<16xf32>,
    }
    %scan3A_39 = arith.constant 40 : i32
    %mul3A_40 = arith.constant 640 : i32
    %mul3A_41 = arith.muli %arg1, %mul3A_40 : i32
    "tpu.region"() ({
      %run_scoped3A = tpu.sem_alloc : memref<!tpu.dma_semaphore, #tpu.memory_space<semaphore_mem>>
      %dma_start3A = tpu.memref_slice %arg7[%mul3A_41] : memref<10240xf32, #tpu.memory_space<vmem_shared>> -> memref<640xf32, #tpu.memory_space<vmem_shared>>
      %dma_start3A_53 = tpu.memref_slice %arg7[%mul3A_41] : memref<10240xf32, #tpu.memory_space<vmem_shared>> -> memref<640xf32, #tpu.memory_space<vmem_shared>>
      tpu.enqueue_dma source(%arg6 : memref<640xf32, #tpu.memory_space<vmem>>) target(%dma_start3A_53 : memref<640xf32, #tpu.memory_space<vmem_shared>>) target_semaphore(%run_scoped3A : memref<!tpu.dma_semaphore, #tpu.memory_space<semaphore_mem>>)
      %dma_wait3A = tpu.memref_slice %arg7[%mul3A_41] : memref<10240xf32, #tpu.memory_space<vmem_shared>> -> memref<640xf32, #tpu.memory_space<vmem_shared>>
      %dma_wait3A_54 = tpu.memref_slice %arg7[%mul3A_41] : memref<10240xf32, #tpu.memory_space<vmem_shared>> -> memref<640xf32, #tpu.memory_space<vmem_shared>>
      tpu.wait_dma2 semaphore(%run_scoped3A : memref<!tpu.dma_semaphore, #tpu.memory_space<semaphore_mem>>) src(%arg6 : memref<640xf32, #tpu.memory_space<vmem>>) dst(%dma_wait3A_54 : memref<640xf32, #tpu.memory_space<vmem_shared>>)
      tpu.yield
    }) : () -> ()
    %barrier3A = arith.constant 0 : index
    tpu.barrier barrier_id(%barrier3A)
    "tpu.region"() ({
      %run_scoped3A = tpu.sem_alloc : memref<!tpu.dma_semaphore, #tpu.memory_space<semaphore_mem>>
      %dma_start3A = arith.constant 0 : i32
      %dma_start3A_53 = arith.constant 0 : i32
      %dma_start3A_54 = tpu.memref_slice %arg2[%add3A, %dma_start3A, %dma_start3A_53] : memref<32x40x128xi32, #tpu.memory_space<hbm>> -> memref<1x40x128xi32, #tpu.memory_space<hbm>>
      %dma_start3A_55 = tpu.memref_squeeze %dma_start3A_54 : memref<1x40x128xi32, #tpu.memory_space<hbm>> -> memref<40x128xi32, #tpu.memory_space<hbm>>
      %dma_start3A_56 = arith.constant 0 : i32
      %dma_start3A_57 = arith.constant 0 : i32
      %dma_start3A_58 = tpu.memref_slice %arg2[%add3A, %dma_start3A_56, %dma_start3A_57] : memref<32x40x128xi32, #tpu.memory_space<hbm>> -> memref<1x40x128xi32, #tpu.memory_space<hbm>>
      %dma_start3A_59 = tpu.memref_squeeze %dma_start3A_58 : memref<1x40x128xi32, #tpu.memory_space<hbm>> -> memref<40x128xi32, #tpu.memory_space<hbm>>
      tpu.enqueue_dma source(%dma_start3A_59 : memref<40x128xi32, #tpu.memory_space<hbm>>) target(%arg4 : memref<40x128xi32, #tpu.memory_space<vmem>>) target_semaphore(%run_scoped3A : memref<!tpu.dma_semaphore, #tpu.memory_space<semaphore_mem>>)
      %dma_wait3A = arith.constant 0 : i32
      %dma_wait3A_60 = arith.constant 0 : i32
      %dma_wait3A_61 = tpu.memref_slice %arg2[%add3A, %dma_wait3A, %dma_wait3A_60] : memref<32x40x128xi32, #tpu.memory_space<hbm>> -> memref<1x40x128xi32, #tpu.memory_space<hbm>>
      %dma_wait3A_62 = tpu.memref_squeeze %dma_wait3A_61 : memref<1x40x128xi32, #tpu.memory_space<hbm>> -> memref<40x128xi32, #tpu.memory_space<hbm>>
      %dma_wait3A_63 = arith.constant 0 : i32
      %dma_wait3A_64 = arith.constant 0 : i32
      %dma_wait3A_65 = tpu.memref_slice %arg2[%add3A, %dma_wait3A_63, %dma_wait3A_64] : memref<32x40x128xi32, #tpu.memory_space<hbm>> -> memref<1x40x128xi32, #tpu.memory_space<hbm>>
      %dma_wait3A_66 = tpu.memref_squeeze %dma_wait3A_65 : memref<1x40x128xi32, #tpu.memory_space<hbm>> -> memref<40x128xi32, #tpu.memory_space<hbm>>
      tpu.wait_dma2 semaphore(%run_scoped3A : memref<!tpu.dma_semaphore, #tpu.memory_space<semaphore_mem>>) src(%dma_wait3A_66 : memref<40x128xi32, #tpu.memory_space<hbm>>) dst(%arg4 : memref<40x128xi32, #tpu.memory_space<vmem>>)
      tpu.yield
    }) : () -> ()
    %scan3A_42 = arith.constant 0 : i32
    %scan3A_43 = arith.constant 0 : i32
    %scan3A_44 = arith.constant 40 : i32
    %scan3A_45 = arith.addi %scan3A_43, %scan3A_44 : i32
    %scan3A_46 = arith.constant 1 : i32
    scf.for %scan3A_53 = %scan3A_43 to %scan3A_45 step %scan3A_46  : i32 {
      "tpu.region"() ({
        %run_scoped3A = tpu.sem_alloc : memref<!tpu.dma_semaphore, #tpu.memory_space<semaphore_mem>>
        %dma_start3A = arith.constant 0 : i32
        %dma_start3A_54 = tpu.memref_slice %arg4[%scan3A_53, %dma_start3A] : memref<40x128xi32, #tpu.memory_space<vmem>> -> memref<1x128xi32, #tpu.memory_space<vmem>>
        %dma_start3A_55 = tpu.memref_squeeze %dma_start3A_54 : memref<1x128xi32, #tpu.memory_space<vmem>> -> memref<128xi32, #tpu.memory_space<vmem>>
        %dma_start3A_56 = arith.constant 0 : i32
        %dma_start3A_57 = tpu.memref_slice %arg7[%dma_start3A_56] : memref<10240xf32, #tpu.memory_space<vmem_shared>> -> memref<10240xf32, #tpu.memory_space<vmem_shared>>
        tpu.enqueue_indirect_dma source(%arg5 : memref<128xf32, #tpu.memory_space<vmem>>) target(%dma_start3A_57 : memref<10240xf32, #tpu.memory_space<vmem_shared>>) offsets(%dma_start3A_55 : memref<128xi32, #tpu.memory_space<vmem>>) semaphore(%run_scoped3A : memref<!tpu.dma_semaphore, #tpu.memory_space<semaphore_mem>>) {add = true}
        %dma_wait3A = arith.constant 0 : i32
        %dma_wait3A_58 = tpu.memref_slice %arg4[%scan3A_53, %dma_wait3A] : memref<40x128xi32, #tpu.memory_space<vmem>> -> memref<1x128xi32, #tpu.memory_space<vmem>>
        %dma_wait3A_59 = tpu.memref_squeeze %dma_wait3A_58 : memref<1x128xi32, #tpu.memory_space<vmem>> -> memref<128xi32, #tpu.memory_space<vmem>>
        %dma_wait3A_60 = arith.constant 0 : i32
        %dma_wait3A_61 = tpu.memref_slice %arg7[%dma_wait3A_60] : memref<10240xf32, #tpu.memory_space<vmem_shared>> -> memref<10240xf32, #tpu.memory_space<vmem_shared>>
        tpu.wait_indirect_dma semaphore(%run_scoped3A : memref<!tpu.dma_semaphore, #tpu.memory_space<semaphore_mem>>) src(%arg5 : memref<128xf32, #tpu.memory_space<vmem>>) dst(%dma_wait3A_61 : memref<10240xf32, #tpu.memory_space<vmem_shared>>)
        tpu.yield
      }) : () -> ()
    }
    %scan3A_47 = arith.constant 40 : i32
    %barrier3A_48 = arith.constant 0 : index
    tpu.barrier barrier_id(%barrier3A_48)
    %mul3A_49 = arith.constant 640 : i32
    %mul3A_50 = arith.muli %arg1, %mul3A_49 : i32
    "tpu.region"() ({
      %run_scoped3A = tpu.sem_alloc : memref<!tpu.dma_semaphore, #tpu.memory_space<semaphore_mem>>
      %dma_start3A = tpu.memref_slice %arg7[%mul3A_50] : memref<10240xf32, #tpu.memory_space<vmem_shared>> -> memref<640xf32, #tpu.memory_space<vmem_shared>>
      %dma_start3A_53 = tpu.memref_slice %arg7[%mul3A_50] : memref<10240xf32, #tpu.memory_space<vmem_shared>> -> memref<640xf32, #tpu.memory_space<vmem_shared>>
      tpu.enqueue_dma source(%dma_start3A_53 : memref<640xf32, #tpu.memory_space<vmem_shared>>) target(%arg6 : memref<640xf32, #tpu.memory_space<vmem>>) target_semaphore(%run_scoped3A : memref<!tpu.dma_semaphore, #tpu.memory_space<semaphore_mem>>)
      %dma_wait3A = tpu.memref_slice %arg7[%mul3A_50] : memref<10240xf32, #tpu.memory_space<vmem_shared>> -> memref<640xf32, #tpu.memory_space<vmem_shared>>
      %dma_wait3A_54 = tpu.memref_slice %arg7[%mul3A_50] : memref<10240xf32, #tpu.memory_space<vmem_shared>> -> memref<640xf32, #tpu.memory_space<vmem_shared>>
      tpu.wait_dma2 semaphore(%run_scoped3A : memref<!tpu.dma_semaphore, #tpu.memory_space<semaphore_mem>>) src(%dma_wait3A_54 : memref<640xf32, #tpu.memory_space<vmem_shared>>) dst(%arg6 : memref<640xf32, #tpu.memory_space<vmem>>)
      tpu.yield
    }) : () -> ()
    %mul3A_51 = arith.constant 640 : i32
    %mul3A_52 = arith.muli %arg1, %mul3A_51 : i32
    "tpu.region"() ({
      %run_scoped3A = tpu.sem_alloc : memref<!tpu.dma_semaphore, #tpu.memory_space<semaphore_mem>>
      %dma_start3A = tpu.memref_slice %arg3[%arg0, %mul3A_52] : memref<2x10240xf32, #tpu.memory_space<hbm>> -> memref<1x640xf32, #tpu.memory_space<hbm>>
      %dma_start3A_53 = tpu.memref_squeeze %dma_start3A : memref<1x640xf32, #tpu.memory_space<hbm>> -> memref<640xf32, #tpu.memory_space<hbm>>
      %dma_start3A_54 = tpu.memref_slice %arg3[%arg0, %mul3A_52] : memref<2x10240xf32, #tpu.memory_space<hbm>> -> memref<1x640xf32, #tpu.memory_space<hbm>>
      %dma_start3A_55 = tpu.memref_squeeze %dma_start3A_54 : memref<1x640xf32, #tpu.memory_space<hbm>> -> memref<640xf32, #tpu.memory_space<hbm>>
      tpu.enqueue_dma source(%arg6 : memref<640xf32, #tpu.memory_space<vmem>>) target(%dma_start3A_55 : memref<640xf32, #tpu.memory_space<hbm>>) target_semaphore(%run_scoped3A : memref<!tpu.dma_semaphore, #tpu.memory_space<semaphore_mem>>)
      %dma_wait3A = tpu.memref_slice %arg3[%arg0, %mul3A_52] : memref<2x10240xf32, #tpu.memory_space<hbm>> -> memref<1x640xf32, #tpu.memory_space<hbm>>
      %dma_wait3A_56 = tpu.memref_squeeze %dma_wait3A : memref<1x640xf32, #tpu.memory_space<hbm>> -> memref<640xf32, #tpu.memory_space<hbm>>
      %dma_wait3A_57 = tpu.memref_slice %arg3[%arg0, %mul3A_52] : memref<2x10240xf32, #tpu.memory_space<hbm>> -> memref<1x640xf32, #tpu.memory_space<hbm>>
      %dma_wait3A_58 = tpu.memref_squeeze %dma_wait3A_57 : memref<1x640xf32, #tpu.memory_space<hbm>> -> memref<640xf32, #tpu.memory_space<hbm>>
      tpu.wait_dma2 semaphore(%run_scoped3A : memref<!tpu.dma_semaphore, #tpu.memory_space<semaphore_mem>>) src(%arg6 : memref<640xf32, #tpu.memory_space<vmem>>) dst(%dma_wait3A_58 : memref<640xf32, #tpu.memory_space<hbm>>)
      tpu.yield
    }) : () -> ()
    return
  }
}

#map = affine_map<(d0, d1) -> (0, 0)>
#map1 = affine_map<(d0, d1) -> (0, 0, 0)>
module attributes {stable_mosaic.version = 14 : i64} {
  func.func @_sc_aggregate(%arg0: i32, %arg1: i32, %arg2: memref<10240x128xf32, #tpu.memory_space<hbm>>, %arg3: memref<32x40x128xi32, #tpu.memory_space<hbm>>, %arg4: memref<32x40x128xi32, #tpu.memory_space<hbm>>, %arg5: memref<2x10240x128xf32, #tpu.memory_space<hbm>>, %arg6: memref<40x128xi32, #tpu.memory_space<vmem>>, %arg7: memref<40x128xi32, #tpu.memory_space<vmem>>, %arg8: memref<64x128xf32, #tpu.memory_space<vmem>>, %arg9: memref<64x128xf32, #tpu.memory_space<vmem>>, %arg10: memref<64x128xf32, #tpu.memory_space<vmem>>, %arg11: memref<64x128xf32, #tpu.memory_space<vmem>>, %arg12: memref<10240x128xf32, #tpu.memory_space<vmem_shared>>, %arg13: memref<!tpu.dma_semaphore, #tpu.memory_space<semaphore_mem>>, %arg14: memref<!tpu.dma_semaphore, #tpu.memory_space<semaphore_mem>>, %arg15: memref<!tpu.dma_semaphore, #tpu.memory_space<semaphore_mem>>, %arg16: memref<!tpu.dma_semaphore, #tpu.memory_space<semaphore_mem>>, %arg17: memref<!tpu.dma_semaphore, #tpu.memory_space<semaphore_mem>>, %arg18: memref<!tpu.dma_semaphore, #tpu.memory_space<semaphore_mem>>, %arg19: memref<!tpu.dma_semaphore, #tpu.memory_space<semaphore_mem>>, %arg20: memref<!tpu.dma_semaphore, #tpu.memory_space<semaphore_mem>>) attributes {dimension_semantics = [#tpu.dimension_semantics<core_parallel>, #tpu.dimension_semantics<subcore_parallel>], iteration_bounds = array<i64: 2, 16>, scalar_prefetch = 0 : i64, scratch_operands = 15 : i64, tpu.core_type = #tpu.core_type<sc_vector_subcore>, window_params = [{transform_indices = #map}, {transform_indices = #map1}, {transform_indices = #map1}, {transform_indices = #map1}]} {
    %mul3A = arith.constant 2 : i32
    %mul3A_0 = arith.muli %arg1, %mul3A : i32
    %add3A = arith.addi %mul3A_0, %arg0 : i32
    %broadcast_in_dim3A = arith.constant 0.000000e+00 : f32
    %broadcast_in_dim3A_1 = vector.broadcast %broadcast_in_dim3A : f32 to vector<16xf32>
    %scan3A = arith.constant 0 : i32
    %scan3A_2 = arith.constant 0 : i32
    %scan3A_3 = arith.constant 64 : i32
    %scan3A_4 = arith.addi %scan3A_2, %scan3A_3 : i32
    %scan3A_5 = arith.constant 1 : i32
    scf.for %scan3A_100 = %scan3A_2 to %scan3A_4 step %scan3A_5  : i32 {
      %swap3A = arith.index_cast %scan3A_100 : i32 to index
      %swap3A_101 = arith.constant 0 : index
      %swap3A_102 = tpu.vector_load %arg8[%swap3A, %swap3A_101] {strides = array<i32>} : memref<64x128xf32, #tpu.memory_space<vmem>>, vector<1x16xf32>,
      %swap3A_103 = vector.shape_cast %swap3A_102 : vector<1x16xf32> to vector<16xf32>
      %swap3A_104 = vector.shape_cast %broadcast_in_dim3A_1 : vector<16xf32> to vector<1x16xf32>
      tpu.vector_store %arg8[%swap3A, %swap3A_101], %swap3A_104 {strides = array<i32>} : memref<64x128xf32, #tpu.memory_space<vmem>>, vector<1x16xf32>,
      %swap3A_105 = arith.index_cast %scan3A_100 : i32 to index
      %swap3A_106 = arith.constant 16 : index
      %swap3A_107 = tpu.vector_load %arg8[%swap3A_105, %swap3A_106] {strides = array<i32>} : memref<64x128xf32, #tpu.memory_space<vmem>>, vector<1x16xf32>,
      %swap3A_108 = vector.shape_cast %swap3A_107 : vector<1x16xf32> to vector<16xf32>
      %swap3A_109 = vector.shape_cast %broadcast_in_dim3A_1 : vector<16xf32> to vector<1x16xf32>
      tpu.vector_store %arg8[%swap3A_105, %swap3A_106], %swap3A_109 {strides = array<i32>} : memref<64x128xf32, #tpu.memory_space<vmem>>, vector<1x16xf32>,
      %swap3A_110 = arith.index_cast %scan3A_100 : i32 to index
      %swap3A_111 = arith.constant 32 : index
      %swap3A_112 = tpu.vector_load %arg8[%swap3A_110, %swap3A_111] {strides = array<i32>} : memref<64x128xf32, #tpu.memory_space<vmem>>, vector<1x16xf32>,
      %swap3A_113 = vector.shape_cast %swap3A_112 : vector<1x16xf32> to vector<16xf32>
      %swap3A_114 = vector.shape_cast %broadcast_in_dim3A_1 : vector<16xf32> to vector<1x16xf32>
      tpu.vector_store %arg8[%swap3A_110, %swap3A_111], %swap3A_114 {strides = array<i32>} : memref<64x128xf32, #tpu.memory_space<vmem>>, vector<1x16xf32>,
      %swap3A_115 = arith.index_cast %scan3A_100 : i32 to index
      %swap3A_116 = arith.constant 48 : index
      %swap3A_117 = tpu.vector_load %arg8[%swap3A_115, %swap3A_116] {strides = array<i32>} : memref<64x128xf32, #tpu.memory_space<vmem>>, vector<1x16xf32>,
      %swap3A_118 = vector.shape_cast %swap3A_117 : vector<1x16xf32> to vector<16xf32>
      %swap3A_119 = vector.shape_cast %broadcast_in_dim3A_1 : vector<16xf32> to vector<1x16xf32>
      tpu.vector_store %arg8[%swap3A_115, %swap3A_116], %swap3A_119 {strides = array<i32>} : memref<64x128xf32, #tpu.memory_space<vmem>>, vector<1x16xf32>,
      %swap3A_120 = arith.index_cast %scan3A_100 : i32 to index
      %swap3A_121 = arith.constant 64 : index
      %swap3A_122 = tpu.vector_load %arg8[%swap3A_120, %swap3A_121] {strides = array<i32>} : memref<64x128xf32, #tpu.memory_space<vmem>>, vector<1x16xf32>,
      %swap3A_123 = vector.shape_cast %swap3A_122 : vector<1x16xf32> to vector<16xf32>
      %swap3A_124 = vector.shape_cast %broadcast_in_dim3A_1 : vector<16xf32> to vector<1x16xf32>
      tpu.vector_store %arg8[%swap3A_120, %swap3A_121], %swap3A_124 {strides = array<i32>} : memref<64x128xf32, #tpu.memory_space<vmem>>, vector<1x16xf32>,
      %swap3A_125 = arith.index_cast %scan3A_100 : i32 to index
      %swap3A_126 = arith.constant 80 : index
      %swap3A_127 = tpu.vector_load %arg8[%swap3A_125, %swap3A_126] {strides = array<i32>} : memref<64x128xf32, #tpu.memory_space<vmem>>, vector<1x16xf32>,
      %swap3A_128 = vector.shape_cast %swap3A_127 : vector<1x16xf32> to vector<16xf32>
      %swap3A_129 = vector.shape_cast %broadcast_in_dim3A_1 : vector<16xf32> to vector<1x16xf32>
      tpu.vector_store %arg8[%swap3A_125, %swap3A_126], %swap3A_129 {strides = array<i32>} : memref<64x128xf32, #tpu.memory_space<vmem>>, vector<1x16xf32>,
      %swap3A_130 = arith.index_cast %scan3A_100 : i32 to index
      %swap3A_131 = arith.constant 96 : index
      %swap3A_132 = tpu.vector_load %arg8[%swap3A_130, %swap3A_131] {strides = array<i32>} : memref<64x128xf32, #tpu.memory_space<vmem>>, vector<1x16xf32>,
      %swap3A_133 = vector.shape_cast %swap3A_132 : vector<1x16xf32> to vector<16xf32>
      %swap3A_134 = vector.shape_cast %broadcast_in_dim3A_1 : vector<16xf32> to vector<1x16xf32>
      tpu.vector_store %arg8[%swap3A_130, %swap3A_131], %swap3A_134 {strides = array<i32>} : memref<64x128xf32, #tpu.memory_space<vmem>>, vector<1x16xf32>,
      %swap3A_135 = arith.index_cast %scan3A_100 : i32 to index
      %swap3A_136 = arith.constant 112 : index
      %swap3A_137 = tpu.vector_load %arg8[%swap3A_135, %swap3A_136] {strides = array<i32>} : memref<64x128xf32, #tpu.memory_space<vmem>>, vector<1x16xf32>,
      %swap3A_138 = vector.shape_cast %swap3A_137 : vector<1x16xf32> to vector<16xf32>
      %swap3A_139 = vector.shape_cast %broadcast_in_dim3A_1 : vector<16xf32> to vector<1x16xf32>
      tpu.vector_store %arg8[%swap3A_135, %swap3A_136], %swap3A_139 {strides = array<i32>} : memref<64x128xf32, #tpu.memory_space<vmem>>, vector<1x16xf32>,
    }
    %scan3A_6 = arith.constant 64 : i32
    %mul3A_7 = arith.constant 640 : i32
    %mul3A_8 = arith.muli %arg1, %mul3A_7 : i32
    %add3A_9 = arith.constant 0 : i32
    %add3A_10 = arith.addi %mul3A_8, %add3A_9 : i32
    "tpu.region"() ({
      %run_scoped3A = tpu.sem_alloc : memref<!tpu.dma_semaphore, #tpu.memory_space<semaphore_mem>>
      %dma_start3A_100 = arith.constant 0 : i32
      %dma_start3A_101 = tpu.memref_slice %arg12[%add3A_10, %dma_start3A_100] : memref<10240x128xf32, #tpu.memory_space<vmem_shared>> -> memref<64x128xf32, #tpu.memory_space<vmem_shared>>
      %dma_start3A_102 = arith.constant 0 : i32
      %dma_start3A_103 = tpu.memref_slice %arg12[%add3A_10, %dma_start3A_102] : memref<10240x128xf32, #tpu.memory_space<vmem_shared>> -> memref<64x128xf32, #tpu.memory_space<vmem_shared>>
      tpu.enqueue_dma source(%arg8 : memref<64x128xf32, #tpu.memory_space<vmem>>) target(%dma_start3A_103 : memref<64x128xf32, #tpu.memory_space<vmem_shared>>) target_semaphore(%run_scoped3A : memref<!tpu.dma_semaphore, #tpu.memory_space<semaphore_mem>>)
      %dma_wait3A_104 = arith.constant 0 : i32
      %dma_wait3A_105 = tpu.memref_slice %arg12[%add3A_10, %dma_wait3A_104] : memref<10240x128xf32, #tpu.memory_space<vmem_shared>> -> memref<64x128xf32, #tpu.memory_space<vmem_shared>>
      %dma_wait3A_106 = arith.constant 0 : i32
      %dma_wait3A_107 = tpu.memref_slice %arg12[%add3A_10, %dma_wait3A_106] : memref<10240x128xf32, #tpu.memory_space<vmem_shared>> -> memref<64x128xf32, #tpu.memory_space<vmem_shared>>
      tpu.wait_dma2 semaphore(%run_scoped3A : memref<!tpu.dma_semaphore, #tpu.memory_space<semaphore_mem>>) src(%arg8 : memref<64x128xf32, #tpu.memory_space<vmem>>) dst(%dma_wait3A_107 : memref<64x128xf32, #tpu.memory_space<vmem_shared>>)
      tpu.yield
    }) : () -> ()
    %mul3A_11 = arith.constant 640 : i32
    %mul3A_12 = arith.muli %arg1, %mul3A_11 : i32
    %add3A_13 = arith.constant 64 : i32
    %add3A_14 = arith.addi %mul3A_12, %add3A_13 : i32
    "tpu.region"() ({
      %run_scoped3A = tpu.sem_alloc : memref<!tpu.dma_semaphore, #tpu.memory_space<semaphore_mem>>
      %dma_start3A_100 = arith.constant 0 : i32
      %dma_start3A_101 = tpu.memref_slice %arg12[%add3A_14, %dma_start3A_100] : memref<10240x128xf32, #tpu.memory_space<vmem_shared>> -> memref<64x128xf32, #tpu.memory_space<vmem_shared>>
      %dma_start3A_102 = arith.constant 0 : i32
      %dma_start3A_103 = tpu.memref_slice %arg12[%add3A_14, %dma_start3A_102] : memref<10240x128xf32, #tpu.memory_space<vmem_shared>> -> memref<64x128xf32, #tpu.memory_space<vmem_shared>>
      tpu.enqueue_dma source(%arg8 : memref<64x128xf32, #tpu.memory_space<vmem>>) target(%dma_start3A_103 : memref<64x128xf32, #tpu.memory_space<vmem_shared>>) target_semaphore(%run_scoped3A : memref<!tpu.dma_semaphore, #tpu.memory_space<semaphore_mem>>)
      %dma_wait3A_104 = arith.constant 0 : i32
      %dma_wait3A_105 = tpu.memref_slice %arg12[%add3A_14, %dma_wait3A_104] : memref<10240x128xf32, #tpu.memory_space<vmem_shared>> -> memref<64x128xf32, #tpu.memory_space<vmem_shared>>
      %dma_wait3A_106 = arith.constant 0 : i32
      %dma_wait3A_107 = tpu.memref_slice %arg12[%add3A_14, %dma_wait3A_106] : memref<10240x128xf32, #tpu.memory_space<vmem_shared>> -> memref<64x128xf32, #tpu.memory_space<vmem_shared>>
      tpu.wait_dma2 semaphore(%run_scoped3A : memref<!tpu.dma_semaphore, #tpu.memory_space<semaphore_mem>>) src(%arg8 : memref<64x128xf32, #tpu.memory_space<vmem>>) dst(%dma_wait3A_107 : memref<64x128xf32, #tpu.memory_space<vmem_shared>>)
      tpu.yield
    }) : () -> ()
    %mul3A_15 = arith.constant 640 : i32
    %mul3A_16 = arith.muli %arg1, %mul3A_15 : i32
    %add3A_17 = arith.constant 128 : i32
    %add3A_18 = arith.addi %mul3A_16, %add3A_17 : i32
    "tpu.region"() ({
      %run_scoped3A = tpu.sem_alloc : memref<!tpu.dma_semaphore, #tpu.memory_space<semaphore_mem>>
      %dma_start3A_100 = arith.constant 0 : i32
      %dma_start3A_101 = tpu.memref_slice %arg12[%add3A_18, %dma_start3A_100] : memref<10240x128xf32, #tpu.memory_space<vmem_shared>> -> memref<64x128xf32, #tpu.memory_space<vmem_shared>>
      %dma_start3A_102 = arith.constant 0 : i32
      %dma_start3A_103 = tpu.memref_slice %arg12[%add3A_18, %dma_start3A_102] : memref<10240x128xf32, #tpu.memory_space<vmem_shared>> -> memref<64x128xf32, #tpu.memory_space<vmem_shared>>
      tpu.enqueue_dma source(%arg8 : memref<64x128xf32, #tpu.memory_space<vmem>>) target(%dma_start3A_103 : memref<64x128xf32, #tpu.memory_space<vmem_shared>>) target_semaphore(%run_scoped3A : memref<!tpu.dma_semaphore, #tpu.memory_space<semaphore_mem>>)
      %dma_wait3A_104 = arith.constant 0 : i32
      %dma_wait3A_105 = tpu.memref_slice %arg12[%add3A_18, %dma_wait3A_104] : memref<10240x128xf32, #tpu.memory_space<vmem_shared>> -> memref<64x128xf32, #tpu.memory_space<vmem_shared>>
      %dma_wait3A_106 = arith.constant 0 : i32
      %dma_wait3A_107 = tpu.memref_slice %arg12[%add3A_18, %dma_wait3A_106] : memref<10240x128xf32, #tpu.memory_space<vmem_shared>> -> memref<64x128xf32, #tpu.memory_space<vmem_shared>>
      tpu.wait_dma2 semaphore(%run_scoped3A : memref<!tpu.dma_semaphore, #tpu.memory_space<semaphore_mem>>) src(%arg8 : memref<64x128xf32, #tpu.memory_space<vmem>>) dst(%dma_wait3A_107 : memref<64x128xf32, #tpu.memory_space<vmem_shared>>)
      tpu.yield
    }) : () -> ()
    %mul3A_19 = arith.constant 640 : i32
    %mul3A_20 = arith.muli %arg1, %mul3A_19 : i32
    %add3A_21 = arith.constant 192 : i32
    %add3A_22 = arith.addi %mul3A_20, %add3A_21 : i32
    "tpu.region"() ({
      %run_scoped3A = tpu.sem_alloc : memref<!tpu.dma_semaphore, #tpu.memory_space<semaphore_mem>>
      %dma_start3A_100 = arith.constant 0 : i32
      %dma_start3A_101 = tpu.memref_slice %arg12[%add3A_22, %dma_start3A_100] : memref<10240x128xf32, #tpu.memory_space<vmem_shared>> -> memref<64x128xf32, #tpu.memory_space<vmem_shared>>
      %dma_start3A_102 = arith.constant 0 : i32
      %dma_start3A_103 = tpu.memref_slice %arg12[%add3A_22, %dma_start3A_102] : memref<10240x128xf32, #tpu.memory_space<vmem_shared>> -> memref<64x128xf32, #tpu.memory_space<vmem_shared>>
      tpu.enqueue_dma source(%arg8 : memref<64x128xf32, #tpu.memory_space<vmem>>) target(%dma_start3A_103 : memref<64x128xf32, #tpu.memory_space<vmem_shared>>) target_semaphore(%run_scoped3A : memref<!tpu.dma_semaphore, #tpu.memory_space<semaphore_mem>>)
      %dma_wait3A_104 = arith.constant 0 : i32
      %dma_wait3A_105 = tpu.memref_slice %arg12[%add3A_22, %dma_wait3A_104] : memref<10240x128xf32, #tpu.memory_space<vmem_shared>> -> memref<64x128xf32, #tpu.memory_space<vmem_shared>>
      %dma_wait3A_106 = arith.constant 0 : i32
      %dma_wait3A_107 = tpu.memref_slice %arg12[%add3A_22, %dma_wait3A_106] : memref<10240x128xf32, #tpu.memory_space<vmem_shared>> -> memref<64x128xf32, #tpu.memory_space<vmem_shared>>
      tpu.wait_dma2 semaphore(%run_scoped3A : memref<!tpu.dma_semaphore, #tpu.memory_space<semaphore_mem>>) src(%arg8 : memref<64x128xf32, #tpu.memory_space<vmem>>) dst(%dma_wait3A_107 : memref<64x128xf32, #tpu.memory_space<vmem_shared>>)
      tpu.yield
    }) : () -> ()
    %mul3A_23 = arith.constant 640 : i32
    %mul3A_24 = arith.muli %arg1, %mul3A_23 : i32
    %add3A_25 = arith.constant 256 : i32
    %add3A_26 = arith.addi %mul3A_24, %add3A_25 : i32
    "tpu.region"() ({
      %run_scoped3A = tpu.sem_alloc : memref<!tpu.dma_semaphore, #tpu.memory_space<semaphore_mem>>
      %dma_start3A_100 = arith.constant 0 : i32
      %dma_start3A_101 = tpu.memref_slice %arg12[%add3A_26, %dma_start3A_100] : memref<10240x128xf32, #tpu.memory_space<vmem_shared>> -> memref<64x128xf32, #tpu.memory_space<vmem_shared>>
      %dma_start3A_102 = arith.constant 0 : i32
      %dma_start3A_103 = tpu.memref_slice %arg12[%add3A_26, %dma_start3A_102] : memref<10240x128xf32, #tpu.memory_space<vmem_shared>> -> memref<64x128xf32, #tpu.memory_space<vmem_shared>>
      tpu.enqueue_dma source(%arg8 : memref<64x128xf32, #tpu.memory_space<vmem>>) target(%dma_start3A_103 : memref<64x128xf32, #tpu.memory_space<vmem_shared>>) target_semaphore(%run_scoped3A : memref<!tpu.dma_semaphore, #tpu.memory_space<semaphore_mem>>)
      %dma_wait3A_104 = arith.constant 0 : i32
      %dma_wait3A_105 = tpu.memref_slice %arg12[%add3A_26, %dma_wait3A_104] : memref<10240x128xf32, #tpu.memory_space<vmem_shared>> -> memref<64x128xf32, #tpu.memory_space<vmem_shared>>
      %dma_wait3A_106 = arith.constant 0 : i32
      %dma_wait3A_107 = tpu.memref_slice %arg12[%add3A_26, %dma_wait3A_106] : memref<10240x128xf32, #tpu.memory_space<vmem_shared>> -> memref<64x128xf32, #tpu.memory_space<vmem_shared>>
      tpu.wait_dma2 semaphore(%run_scoped3A : memref<!tpu.dma_semaphore, #tpu.memory_space<semaphore_mem>>) src(%arg8 : memref<64x128xf32, #tpu.memory_space<vmem>>) dst(%dma_wait3A_107 : memref<64x128xf32, #tpu.memory_space<vmem_shared>>)
      tpu.yield
    }) : () -> ()
    %mul3A_27 = arith.constant 640 : i32
    %mul3A_28 = arith.muli %arg1, %mul3A_27 : i32
    %add3A_29 = arith.constant 320 : i32
    %add3A_30 = arith.addi %mul3A_28, %add3A_29 : i32
    "tpu.region"() ({
      %run_scoped3A = tpu.sem_alloc : memref<!tpu.dma_semaphore, #tpu.memory_space<semaphore_mem>>
      %dma_start3A_100 = arith.constant 0 : i32
      %dma_start3A_101 = tpu.memref_slice %arg12[%add3A_30, %dma_start3A_100] : memref<10240x128xf32, #tpu.memory_space<vmem_shared>> -> memref<64x128xf32, #tpu.memory_space<vmem_shared>>
      %dma_start3A_102 = arith.constant 0 : i32
      %dma_start3A_103 = tpu.memref_slice %arg12[%add3A_30, %dma_start3A_102] : memref<10240x128xf32, #tpu.memory_space<vmem_shared>> -> memref<64x128xf32, #tpu.memory_space<vmem_shared>>
      tpu.enqueue_dma source(%arg8 : memref<64x128xf32, #tpu.memory_space<vmem>>) target(%dma_start3A_103 : memref<64x128xf32, #tpu.memory_space<vmem_shared>>) target_semaphore(%run_scoped3A : memref<!tpu.dma_semaphore, #tpu.memory_space<semaphore_mem>>)
      %dma_wait3A_104 = arith.constant 0 : i32
      %dma_wait3A_105 = tpu.memref_slice %arg12[%add3A_30, %dma_wait3A_104] : memref<10240x128xf32, #tpu.memory_space<vmem_shared>> -> memref<64x128xf32, #tpu.memory_space<vmem_shared>>
      %dma_wait3A_106 = arith.constant 0 : i32
      %dma_wait3A_107 = tpu.memref_slice %arg12[%add3A_30, %dma_wait3A_106] : memref<10240x128xf32, #tpu.memory_space<vmem_shared>> -> memref<64x128xf32, #tpu.memory_space<vmem_shared>>
      tpu.wait_dma2 semaphore(%run_scoped3A : memref<!tpu.dma_semaphore, #tpu.memory_space<semaphore_mem>>) src(%arg8 : memref<64x128xf32, #tpu.memory_space<vmem>>) dst(%dma_wait3A_107 : memref<64x128xf32, #tpu.memory_space<vmem_shared>>)
      tpu.yield
    }) : () -> ()
    %mul3A_31 = arith.constant 640 : i32
    %mul3A_32 = arith.muli %arg1, %mul3A_31 : i32
    %add3A_33 = arith.constant 384 : i32
    %add3A_34 = arith.addi %mul3A_32, %add3A_33 : i32
    "tpu.region"() ({
      %run_scoped3A = tpu.sem_alloc : memref<!tpu.dma_semaphore, #tpu.memory_space<semaphore_mem>>
      %dma_start3A_100 = arith.constant 0 : i32
      %dma_start3A_101 = tpu.memref_slice %arg12[%add3A_34, %dma_start3A_100] : memref<10240x128xf32, #tpu.memory_space<vmem_shared>> -> memref<64x128xf32, #tpu.memory_space<vmem_shared>>
      %dma_start3A_102 = arith.constant 0 : i32
      %dma_start3A_103 = tpu.memref_slice %arg12[%add3A_34, %dma_start3A_102] : memref<10240x128xf32, #tpu.memory_space<vmem_shared>> -> memref<64x128xf32, #tpu.memory_space<vmem_shared>>
      tpu.enqueue_dma source(%arg8 : memref<64x128xf32, #tpu.memory_space<vmem>>) target(%dma_start3A_103 : memref<64x128xf32, #tpu.memory_space<vmem_shared>>) target_semaphore(%run_scoped3A : memref<!tpu.dma_semaphore, #tpu.memory_space<semaphore_mem>>)
      %dma_wait3A_104 = arith.constant 0 : i32
      %dma_wait3A_105 = tpu.memref_slice %arg12[%add3A_34, %dma_wait3A_104] : memref<10240x128xf32, #tpu.memory_space<vmem_shared>> -> memref<64x128xf32, #tpu.memory_space<vmem_shared>>
      %dma_wait3A_106 = arith.constant 0 : i32
      %dma_wait3A_107 = tpu.memref_slice %arg12[%add3A_34, %dma_wait3A_106] : memref<10240x128xf32, #tpu.memory_space<vmem_shared>> -> memref<64x128xf32, #tpu.memory_space<vmem_shared>>
      tpu.wait_dma2 semaphore(%run_scoped3A : memref<!tpu.dma_semaphore, #tpu.memory_space<semaphore_mem>>) src(%arg8 : memref<64x128xf32, #tpu.memory_space<vmem>>) dst(%dma_wait3A_107 : memref<64x128xf32, #tpu.memory_space<vmem_shared>>)
      tpu.yield
    }) : () -> ()
    %mul3A_35 = arith.constant 640 : i32
    %mul3A_36 = arith.muli %arg1, %mul3A_35 : i32
    %add3A_37 = arith.constant 448 : i32
    %add3A_38 = arith.addi %mul3A_36, %add3A_37 : i32
    "tpu.region"() ({
      %run_scoped3A = tpu.sem_alloc : memref<!tpu.dma_semaphore, #tpu.memory_space<semaphore_mem>>
      %dma_start3A_100 = arith.constant 0 : i32
      %dma_start3A_101 = tpu.memref_slice %arg12[%add3A_38, %dma_start3A_100] : memref<10240x128xf32, #tpu.memory_space<vmem_shared>> -> memref<64x128xf32, #tpu.memory_space<vmem_shared>>
      %dma_start3A_102 = arith.constant 0 : i32
      %dma_start3A_103 = tpu.memref_slice %arg12[%add3A_38, %dma_start3A_102] : memref<10240x128xf32, #tpu.memory_space<vmem_shared>> -> memref<64x128xf32, #tpu.memory_space<vmem_shared>>
      tpu.enqueue_dma source(%arg8 : memref<64x128xf32, #tpu.memory_space<vmem>>) target(%dma_start3A_103 : memref<64x128xf32, #tpu.memory_space<vmem_shared>>) target_semaphore(%run_scoped3A : memref<!tpu.dma_semaphore, #tpu.memory_space<semaphore_mem>>)
      %dma_wait3A_104 = arith.constant 0 : i32
      %dma_wait3A_105 = tpu.memref_slice %arg12[%add3A_38, %dma_wait3A_104] : memref<10240x128xf32, #tpu.memory_space<vmem_shared>> -> memref<64x128xf32, #tpu.memory_space<vmem_shared>>
      %dma_wait3A_106 = arith.constant 0 : i32
      %dma_wait3A_107 = tpu.memref_slice %arg12[%add3A_38, %dma_wait3A_106] : memref<10240x128xf32, #tpu.memory_space<vmem_shared>> -> memref<64x128xf32, #tpu.memory_space<vmem_shared>>
      tpu.wait_dma2 semaphore(%run_scoped3A : memref<!tpu.dma_semaphore, #tpu.memory_space<semaphore_mem>>) src(%arg8 : memref<64x128xf32, #tpu.memory_space<vmem>>) dst(%dma_wait3A_107 : memref<64x128xf32, #tpu.memory_space<vmem_shared>>)
      tpu.yield
    }) : () -> ()
    %mul3A_39 = arith.constant 640 : i32
    %mul3A_40 = arith.muli %arg1, %mul3A_39 : i32
    %add3A_41 = arith.constant 512 : i32
    %add3A_42 = arith.addi %mul3A_40, %add3A_41 : i32
    "tpu.region"() ({
      %run_scoped3A = tpu.sem_alloc : memref<!tpu.dma_semaphore, #tpu.memory_space<semaphore_mem>>
      %dma_start3A_100 = arith.constant 0 : i32
      %dma_start3A_101 = tpu.memref_slice %arg12[%add3A_42, %dma_start3A_100] : memref<10240x128xf32, #tpu.memory_space<vmem_shared>> -> memref<64x128xf32, #tpu.memory_space<vmem_shared>>
      %dma_start3A_102 = arith.constant 0 : i32
      %dma_start3A_103 = tpu.memref_slice %arg12[%add3A_42, %dma_start3A_102] : memref<10240x128xf32, #tpu.memory_space<vmem_shared>> -> memref<64x128xf32, #tpu.memory_space<vmem_shared>>
      tpu.enqueue_dma source(%arg8 : memref<64x128xf32, #tpu.memory_space<vmem>>) target(%dma_start3A_103 : memref<64x128xf32, #tpu.memory_space<vmem_shared>>) target_semaphore(%run_scoped3A : memref<!tpu.dma_semaphore, #tpu.memory_space<semaphore_mem>>)
      %dma_wait3A_104 = arith.constant 0 : i32
      %dma_wait3A_105 = tpu.memref_slice %arg12[%add3A_42, %dma_wait3A_104] : memref<10240x128xf32, #tpu.memory_space<vmem_shared>> -> memref<64x128xf32, #tpu.memory_space<vmem_shared>>
      %dma_wait3A_106 = arith.constant 0 : i32
      %dma_wait3A_107 = tpu.memref_slice %arg12[%add3A_42, %dma_wait3A_106] : memref<10240x128xf32, #tpu.memory_space<vmem_shared>> -> memref<64x128xf32, #tpu.memory_space<vmem_shared>>
      tpu.wait_dma2 semaphore(%run_scoped3A : memref<!tpu.dma_semaphore, #tpu.memory_space<semaphore_mem>>) src(%arg8 : memref<64x128xf32, #tpu.memory_space<vmem>>) dst(%dma_wait3A_107 : memref<64x128xf32, #tpu.memory_space<vmem_shared>>)
      tpu.yield
    }) : () -> ()
    %mul3A_43 = arith.constant 640 : i32
    %mul3A_44 = arith.muli %arg1, %mul3A_43 : i32
    %add3A_45 = arith.constant 576 : i32
    %add3A_46 = arith.addi %mul3A_44, %add3A_45 : i32
    "tpu.region"() ({
      %run_scoped3A = tpu.sem_alloc : memref<!tpu.dma_semaphore, #tpu.memory_space<semaphore_mem>>
      %dma_start3A_100 = arith.constant 0 : i32
      %dma_start3A_101 = tpu.memref_slice %arg12[%add3A_46, %dma_start3A_100] : memref<10240x128xf32, #tpu.memory_space<vmem_shared>> -> memref<64x128xf32, #tpu.memory_space<vmem_shared>>
      %dma_start3A_102 = arith.constant 0 : i32
      %dma_start3A_103 = tpu.memref_slice %arg12[%add3A_46, %dma_start3A_102] : memref<10240x128xf32, #tpu.memory_space<vmem_shared>> -> memref<64x128xf32, #tpu.memory_space<vmem_shared>>
      tpu.enqueue_dma source(%arg8 : memref<64x128xf32, #tpu.memory_space<vmem>>) target(%dma_start3A_103 : memref<64x128xf32, #tpu.memory_space<vmem_shared>>) target_semaphore(%run_scoped3A : memref<!tpu.dma_semaphore, #tpu.memory_space<semaphore_mem>>)
      %dma_wait3A_104 = arith.constant 0 : i32
      %dma_wait3A_105 = tpu.memref_slice %arg12[%add3A_46, %dma_wait3A_104] : memref<10240x128xf32, #tpu.memory_space<vmem_shared>> -> memref<64x128xf32, #tpu.memory_space<vmem_shared>>
      %dma_wait3A_106 = arith.constant 0 : i32
      %dma_wait3A_107 = tpu.memref_slice %arg12[%add3A_46, %dma_wait3A_106] : memref<10240x128xf32, #tpu.memory_space<vmem_shared>> -> memref<64x128xf32, #tpu.memory_space<vmem_shared>>
      tpu.wait_dma2 semaphore(%run_scoped3A : memref<!tpu.dma_semaphore, #tpu.memory_space<semaphore_mem>>) src(%arg8 : memref<64x128xf32, #tpu.memory_space<vmem>>) dst(%dma_wait3A_107 : memref<64x128xf32, #tpu.memory_space<vmem_shared>>)
      tpu.yield
    }) : () -> ()
    "tpu.region"() ({
      %run_scoped3A = tpu.sem_alloc : memref<!tpu.dma_semaphore, #tpu.memory_space<semaphore_mem>>
      %dma_start3A_100 = arith.constant 0 : i32
      %dma_start3A_101 = arith.constant 0 : i32
      %dma_start3A_102 = tpu.memref_slice %arg3[%add3A, %dma_start3A_100, %dma_start3A_101] : memref<32x40x128xi32, #tpu.memory_space<hbm>> -> memref<1x40x128xi32, #tpu.memory_space<hbm>>
      %dma_start3A_103 = tpu.memref_squeeze %dma_start3A_102 : memref<1x40x128xi32, #tpu.memory_space<hbm>> -> memref<40x128xi32, #tpu.memory_space<hbm>>
      %dma_start3A_104 = arith.constant 0 : i32
      %dma_start3A_105 = arith.constant 0 : i32
      %dma_start3A_106 = tpu.memref_slice %arg3[%add3A, %dma_start3A_104, %dma_start3A_105] : memref<32x40x128xi32, #tpu.memory_space<hbm>> -> memref<1x40x128xi32, #tpu.memory_space<hbm>>
      %dma_start3A_107 = tpu.memref_squeeze %dma_start3A_106 : memref<1x40x128xi32, #tpu.memory_space<hbm>> -> memref<40x128xi32, #tpu.memory_space<hbm>>
      tpu.enqueue_dma source(%dma_start3A_107 : memref<40x128xi32, #tpu.memory_space<hbm>>) target(%arg6 : memref<40x128xi32, #tpu.memory_space<vmem>>) target_semaphore(%run_scoped3A : memref<!tpu.dma_semaphore, #tpu.memory_space<semaphore_mem>>)
      %dma_wait3A_108 = arith.constant 0 : i32
      %dma_wait3A_109 = arith.constant 0 : i32
      %dma_wait3A_110 = tpu.memref_slice %arg3[%add3A, %dma_wait3A_108, %dma_wait3A_109] : memref<32x40x128xi32, #tpu.memory_space<hbm>> -> memref<1x40x128xi32, #tpu.memory_space<hbm>>
      %dma_wait3A_111 = tpu.memref_squeeze %dma_wait3A_110 : memref<1x40x128xi32, #tpu.memory_space<hbm>> -> memref<40x128xi32, #tpu.memory_space<hbm>>
      %dma_wait3A_112 = arith.constant 0 : i32
      %dma_wait3A_113 = arith.constant 0 : i32
      %dma_wait3A_114 = tpu.memref_slice %arg3[%add3A, %dma_wait3A_112, %dma_wait3A_113] : memref<32x40x128xi32, #tpu.memory_space<hbm>> -> memref<1x40x128xi32, #tpu.memory_space<hbm>>
      %dma_wait3A_115 = tpu.memref_squeeze %dma_wait3A_114 : memref<1x40x128xi32, #tpu.memory_space<hbm>> -> memref<40x128xi32, #tpu.memory_space<hbm>>
      tpu.wait_dma2 semaphore(%run_scoped3A : memref<!tpu.dma_semaphore, #tpu.memory_space<semaphore_mem>>) src(%dma_wait3A_115 : memref<40x128xi32, #tpu.memory_space<hbm>>) dst(%arg6 : memref<40x128xi32, #tpu.memory_space<vmem>>)
      tpu.yield
    }) : () -> ()
    "tpu.region"() ({
      %run_scoped3A = tpu.sem_alloc : memref<!tpu.dma_semaphore, #tpu.memory_space<semaphore_mem>>
      %dma_start3A_100 = arith.constant 0 : i32
      %dma_start3A_101 = arith.constant 0 : i32
      %dma_start3A_102 = tpu.memref_slice %arg4[%add3A, %dma_start3A_100, %dma_start3A_101] : memref<32x40x128xi32, #tpu.memory_space<hbm>> -> memref<1x40x128xi32, #tpu.memory_space<hbm>>
      %dma_start3A_103 = tpu.memref_squeeze %dma_start3A_102 : memref<1x40x128xi32, #tpu.memory_space<hbm>> -> memref<40x128xi32, #tpu.memory_space<hbm>>
      %dma_start3A_104 = arith.constant 0 : i32
      %dma_start3A_105 = arith.constant 0 : i32
      %dma_start3A_106 = tpu.memref_slice %arg4[%add3A, %dma_start3A_104, %dma_start3A_105] : memref<32x40x128xi32, #tpu.memory_space<hbm>> -> memref<1x40x128xi32, #tpu.memory_space<hbm>>
      %dma_start3A_107 = tpu.memref_squeeze %dma_start3A_106 : memref<1x40x128xi32, #tpu.memory_space<hbm>> -> memref<40x128xi32, #tpu.memory_space<hbm>>
      tpu.enqueue_dma source(%dma_start3A_107 : memref<40x128xi32, #tpu.memory_space<hbm>>) target(%arg7 : memref<40x128xi32, #tpu.memory_space<vmem>>) target_semaphore(%run_scoped3A : memref<!tpu.dma_semaphore, #tpu.memory_space<semaphore_mem>>)
      %dma_wait3A_108 = arith.constant 0 : i32
      %dma_wait3A_109 = arith.constant 0 : i32
      %dma_wait3A_110 = tpu.memref_slice %arg4[%add3A, %dma_wait3A_108, %dma_wait3A_109] : memref<32x40x128xi32, #tpu.memory_space<hbm>> -> memref<1x40x128xi32, #tpu.memory_space<hbm>>
      %dma_wait3A_111 = tpu.memref_squeeze %dma_wait3A_110 : memref<1x40x128xi32, #tpu.memory_space<hbm>> -> memref<40x128xi32, #tpu.memory_space<hbm>>
      %dma_wait3A_112 = arith.constant 0 : i32
      %dma_wait3A_113 = arith.constant 0 : i32
      %dma_wait3A_114 = tpu.memref_slice %arg4[%add3A, %dma_wait3A_112, %dma_wait3A_113] : memref<32x40x128xi32, #tpu.memory_space<hbm>> -> memref<1x40x128xi32, #tpu.memory_space<hbm>>
      %dma_wait3A_115 = tpu.memref_squeeze %dma_wait3A_114 : memref<1x40x128xi32, #tpu.memory_space<hbm>> -> memref<40x128xi32, #tpu.memory_space<hbm>>
      tpu.wait_dma2 semaphore(%run_scoped3A : memref<!tpu.dma_semaphore, #tpu.memory_space<semaphore_mem>>) src(%dma_wait3A_115 : memref<40x128xi32, #tpu.memory_space<hbm>>) dst(%arg7 : memref<40x128xi32, #tpu.memory_space<vmem>>)
      tpu.yield
    }) : () -> ()
    %barrier3A = arith.constant 0 : index
    tpu.barrier barrier_id(%barrier3A)
    %dma_start3A = arith.constant 0 : i32
    %dma_start3A_47 = arith.constant 0 : i32
    %dma_start3A_48 = tpu.memref_slice %arg6[%dma_start3A, %dma_start3A_47] : memref<40x128xi32, #tpu.memory_space<vmem>> -> memref<1x64xi32, #tpu.memory_space<vmem>>
    %dma_start3A_49 = tpu.memref_squeeze %dma_start3A_48 : memref<1x64xi32, #tpu.memory_space<vmem>> -> memref<64xi32, #tpu.memory_space<vmem>>
    %dma_start3A_50 = arith.constant 0 : i32
    %dma_start3A_51 = arith.constant 0 : i32
    %dma_start3A_52 = tpu.memref_slice %arg2[%dma_start3A_50, %dma_start3A_51] : memref<10240x128xf32, #tpu.memory_space<hbm>> -> memref<10240x128xf32, #tpu.memory_space<hbm>>
    tpu.enqueue_indirect_dma source(%dma_start3A_52 : memref<10240x128xf32, #tpu.memory_space<hbm>>) target(%arg8 : memref<64x128xf32, #tpu.memory_space<vmem>>) offsets(%dma_start3A_49 : memref<64xi32, #tpu.memory_space<vmem>>) semaphore(%arg13 : memref<!tpu.dma_semaphore, #tpu.memory_space<semaphore_mem>>)
    %dma_start3A_53 = arith.constant 0 : i32
    %dma_start3A_54 = arith.constant 64 : i32
    %dma_start3A_55 = tpu.memref_slice %arg6[%dma_start3A_53, %dma_start3A_54] : memref<40x128xi32, #tpu.memory_space<vmem>> -> memref<1x64xi32, #tpu.memory_space<vmem>>
    %dma_start3A_56 = tpu.memref_squeeze %dma_start3A_55 : memref<1x64xi32, #tpu.memory_space<vmem>> -> memref<64xi32, #tpu.memory_space<vmem>>
    %dma_start3A_57 = arith.constant 0 : i32
    %dma_start3A_58 = arith.constant 0 : i32
    %dma_start3A_59 = tpu.memref_slice %arg2[%dma_start3A_57, %dma_start3A_58] : memref<10240x128xf32, #tpu.memory_space<hbm>> -> memref<10240x128xf32, #tpu.memory_space<hbm>>
    tpu.enqueue_indirect_dma source(%dma_start3A_59 : memref<10240x128xf32, #tpu.memory_space<hbm>>) target(%arg9 : memref<64x128xf32, #tpu.memory_space<vmem>>) offsets(%dma_start3A_56 : memref<64xi32, #tpu.memory_space<vmem>>) semaphore(%arg14 : memref<!tpu.dma_semaphore, #tpu.memory_space<semaphore_mem>>)
    %dma_start3A_60 = arith.constant 1 : i32
    %dma_start3A_61 = arith.constant 0 : i32
    %dma_start3A_62 = tpu.memref_slice %arg6[%dma_start3A_60, %dma_start3A_61] : memref<40x128xi32, #tpu.memory_space<vmem>> -> memref<1x64xi32, #tpu.memory_space<vmem>>
    %dma_start3A_63 = tpu.memref_squeeze %dma_start3A_62 : memref<1x64xi32, #tpu.memory_space<vmem>> -> memref<64xi32, #tpu.memory_space<vmem>>
    %dma_start3A_64 = arith.constant 0 : i32
    %dma_start3A_65 = arith.constant 0 : i32
    %dma_start3A_66 = tpu.memref_slice %arg2[%dma_start3A_64, %dma_start3A_65] : memref<10240x128xf32, #tpu.memory_space<hbm>> -> memref<10240x128xf32, #tpu.memory_space<hbm>>
    tpu.enqueue_indirect_dma source(%dma_start3A_66 : memref<10240x128xf32, #tpu.memory_space<hbm>>) target(%arg10 : memref<64x128xf32, #tpu.memory_space<vmem>>) offsets(%dma_start3A_63 : memref<64xi32, #tpu.memory_space<vmem>>) semaphore(%arg15 : memref<!tpu.dma_semaphore, #tpu.memory_space<semaphore_mem>>)
    %scan3A_67 = arith.constant 0 : i32
    %scan3A_68 = arith.constant 0 : i32
    %scan3A_69 = arith.constant 20 : i32
    %scan3A_70 = arith.addi %scan3A_68, %scan3A_69 : i32
    %scan3A_71 = arith.constant 1 : i32
    scf.for %scan3A_100 = %scan3A_68 to %scan3A_70 step %scan3A_71  : i32 {
      %mul3A_101 = arith.constant 4 : i32
      %mul3A_102 = arith.muli %mul3A_101, %scan3A_100 : i32
      %add3A_103 = arith.constant 0 : i32
      %add3A_104 = arith.addi %mul3A_102, %add3A_103 : i32
      %ge3A = arith.constant 1 : i32
      %ge3A_105 = arith.cmpi sge, %add3A_104, %ge3A : i32
      %convert_element_type3A = arith.extui %ge3A_105 : i1 to i32
      %cond3A = arith.constant 0 : i32
      %cond3A_106 = arith.cmpi ne, %convert_element_type3A, %cond3A : i32
      scf.if %cond3A_106 {
        %jit3A_536 = arith.constant 2 : i32
        %div3A_537 = arith.divsi %add3A_104, %jit3A_536 : i32
        %sign3A_538 = arith.constant 0 : i32
        %sign3A_539 = arith.cmpi sgt, %add3A_104, %sign3A_538 : i32
        %sign3A_540 = arith.extui %sign3A_539 : i1 to i32
        %sign3A_541 = arith.constant 0 : i32
        %sign3A_542 = arith.cmpi slt, %add3A_104, %sign3A_541 : i32
        %sign3A_543 = arith.extui %sign3A_542 : i1 to i32
        %sign3A_544 = arith.subi %sign3A_540, %sign3A_543 : i32
        %sign3A_545 = arith.constant 0 : i32
        %sign3A_546 = arith.cmpi sgt, %jit3A_536, %sign3A_545 : i32
        %sign3A_547 = arith.extui %sign3A_546 : i1 to i32
        %sign3A_548 = arith.constant 0 : i32
        %sign3A_549 = arith.cmpi slt, %jit3A_536, %sign3A_548 : i32
        %sign3A_550 = arith.extui %sign3A_549 : i1 to i32
        %sign3A_551 = arith.subi %sign3A_547, %sign3A_550 : i32
        %ne3A_552 = arith.cmpi ne, %sign3A_544, %sign3A_551 : i32
        %rem3A_553 = arith.remsi %add3A_104, %jit3A_536 : i32
        %ne3A_554 = arith.constant 0 : i32
        %ne3A_555 = arith.cmpi ne, %rem3A_553, %ne3A_554 : i32
        %and3A_556 = arith.andi %ne3A_552, %ne3A_555 : i1
        %sub3A_557 = arith.constant 1 : i32
        %sub3A_558 = arith.subi %div3A_537, %sub3A_557 : i32
        %select_n3A_559 = arith.select %and3A_556, %sub3A_558, %div3A_537 : i32
        %jit3A_560 = arith.constant 2 : i32
        %eq3A_561 = arith.constant 0 : i32
        %eq3A_562 = arith.cmpi eq, %jit3A_560, %eq3A_561 : i32
        %jit3A_563 = arith.constant 1 : i32
        %select_n3A_564 = arith.select %eq3A_562, %jit3A_563, %jit3A_560 : i32
        %rem3A_565 = arith.remsi %add3A_104, %select_n3A_564 : i32
        %ne3A_566 = arith.constant 0 : i32
        %ne3A_567 = arith.cmpi ne, %rem3A_565, %ne3A_566 : i32
        %lt3A_568 = arith.constant 0 : i32
        %lt3A_569 = arith.cmpi slt, %rem3A_565, %lt3A_568 : i32
        %lt3A_570 = arith.constant 0 : i32
        %lt3A_571 = arith.cmpi slt, %select_n3A_564, %lt3A_570 : i32
        %ne3A_572 = arith.xori %lt3A_569, %lt3A_571 : i1
        %and3A_573 = arith.andi %ne3A_572, %ne3A_567 : i1
        %add3A_574 = arith.addi %rem3A_565, %select_n3A_564 : i32
        %select_n3A_575 = arith.select %and3A_573, %add3A_574, %rem3A_565 : i32
        %mul3A_576 = arith.constant 64 : i32
        %mul3A_577 = arith.muli %select_n3A_575, %mul3A_576 : i32
        %dma_wait3A_578 = tpu.memref_slice %arg7[%select_n3A_559, %mul3A_577] : memref<40x128xi32, #tpu.memory_space<vmem>> -> memref<1x64xi32, #tpu.memory_space<vmem>>
        %dma_wait3A_579 = tpu.memref_squeeze %dma_wait3A_578 : memref<1x64xi32, #tpu.memory_space<vmem>> -> memref<64xi32, #tpu.memory_space<vmem>>
        %dma_wait3A_580 = arith.constant 0 : i32
        %dma_wait3A_581 = arith.constant 0 : i32
        %dma_wait3A_582 = tpu.memref_slice %arg12[%dma_wait3A_580, %dma_wait3A_581] : memref<10240x128xf32, #tpu.memory_space<vmem_shared>> -> memref<10240x128xf32, #tpu.memory_space<vmem_shared>>
        tpu.wait_indirect_dma semaphore(%arg20 : memref<!tpu.dma_semaphore, #tpu.memory_space<semaphore_mem>>) src(%arg11 : memref<64x128xf32, #tpu.memory_space<vmem>>) dst(%dma_wait3A_582 : memref<10240x128xf32, #tpu.memory_space<vmem_shared>>)
      } else {
      }
      %add3A_107 = arith.constant 4 : i32
      %add3A_108 = arith.addi %add3A_104, %add3A_107 : i32
      %sub3A = arith.constant 1 : i32
      %sub3A_109 = arith.subi %add3A_108, %sub3A : i32
      %lt3A = arith.constant 80 : i32
      %lt3A_110 = arith.cmpi slt, %sub3A_109, %lt3A : i32
      %convert_element_type3A_111 = arith.extui %lt3A_110 : i1 to i32
      %cond3A_112 = arith.constant 0 : i32
      %cond3A_113 = arith.cmpi ne, %convert_element_type3A_111, %cond3A_112 : i32
      scf.if %cond3A_113 {
        %add3A_536 = arith.constant 4 : i32
        %add3A_537 = arith.addi %add3A_104, %add3A_536 : i32
        %sub3A_538 = arith.constant 1 : i32
        %sub3A_539 = arith.subi %add3A_537, %sub3A_538 : i32
        %jit3A_540 = arith.constant 2 : i32
        %div3A_541 = arith.divsi %sub3A_539, %jit3A_540 : i32
        %sign3A_542 = arith.constant 0 : i32
        %sign3A_543 = arith.cmpi sgt, %sub3A_539, %sign3A_542 : i32
        %sign3A_544 = arith.extui %sign3A_543 : i1 to i32
        %sign3A_545 = arith.constant 0 : i32
        %sign3A_546 = arith.cmpi slt, %sub3A_539, %sign3A_545 : i32
        %sign3A_547 = arith.extui %sign3A_546 : i1 to i32
        %sign3A_548 = arith.subi %sign3A_544, %sign3A_547 : i32
        %sign3A_549 = arith.constant 0 : i32
        %sign3A_550 = arith.cmpi sgt, %jit3A_540, %sign3A_549 : i32
        %sign3A_551 = arith.extui %sign3A_550 : i1 to i32
        %sign3A_552 = arith.constant 0 : i32
        %sign3A_553 = arith.cmpi slt, %jit3A_540, %sign3A_552 : i32
        %sign3A_554 = arith.extui %sign3A_553 : i1 to i32
        %sign3A_555 = arith.subi %sign3A_551, %sign3A_554 : i32
        %ne3A_556 = arith.cmpi ne, %sign3A_548, %sign3A_555 : i32
        %rem3A_557 = arith.remsi %sub3A_539, %jit3A_540 : i32
        %ne3A_558 = arith.constant 0 : i32
        %ne3A_559 = arith.cmpi ne, %rem3A_557, %ne3A_558 : i32
        %and3A_560 = arith.andi %ne3A_556, %ne3A_559 : i1
        %sub3A_561 = arith.constant 1 : i32
        %sub3A_562 = arith.subi %div3A_541, %sub3A_561 : i32
        %select_n3A_563 = arith.select %and3A_560, %sub3A_562, %div3A_541 : i32
        %jit3A_564 = arith.constant 2 : i32
        %eq3A_565 = arith.constant 0 : i32
        %eq3A_566 = arith.cmpi eq, %jit3A_564, %eq3A_565 : i32
        %jit3A_567 = arith.constant 1 : i32
        %select_n3A_568 = arith.select %eq3A_566, %jit3A_567, %jit3A_564 : i32
        %rem3A_569 = arith.remsi %sub3A_539, %select_n3A_568 : i32
        %ne3A_570 = arith.constant 0 : i32
        %ne3A_571 = arith.cmpi ne, %rem3A_569, %ne3A_570 : i32
        %lt3A_572 = arith.constant 0 : i32
        %lt3A_573 = arith.cmpi slt, %rem3A_569, %lt3A_572 : i32
        %lt3A_574 = arith.constant 0 : i32
        %lt3A_575 = arith.cmpi slt, %select_n3A_568, %lt3A_574 : i32
        %ne3A_576 = arith.xori %lt3A_573, %lt3A_575 : i1
        %and3A_577 = arith.andi %ne3A_576, %ne3A_571 : i1
        %add3A_578 = arith.addi %rem3A_569, %select_n3A_568 : i32
        %select_n3A_579 = arith.select %and3A_577, %add3A_578, %rem3A_569 : i32
        %mul3A_580 = arith.constant 64 : i32
        %mul3A_581 = arith.muli %select_n3A_579, %mul3A_580 : i32
        %dma_start3A_582 = tpu.memref_slice %arg6[%select_n3A_563, %mul3A_581] : memref<40x128xi32, #tpu.memory_space<vmem>> -> memref<1x64xi32, #tpu.memory_space<vmem>>
        %dma_start3A_583 = tpu.memref_squeeze %dma_start3A_582 : memref<1x64xi32, #tpu.memory_space<vmem>> -> memref<64xi32, #tpu.memory_space<vmem>>
        %dma_start3A_584 = arith.constant 0 : i32
        %dma_start3A_585 = arith.constant 0 : i32
        %dma_start3A_586 = tpu.memref_slice %arg2[%dma_start3A_584, %dma_start3A_585] : memref<10240x128xf32, #tpu.memory_space<hbm>> -> memref<10240x128xf32, #tpu.memory_space<hbm>>
        tpu.enqueue_indirect_dma source(%dma_start3A_586 : memref<10240x128xf32, #tpu.memory_space<hbm>>) target(%arg11 : memref<64x128xf32, #tpu.memory_space<vmem>>) offsets(%dma_start3A_583 : memref<64xi32, #tpu.memory_space<vmem>>) semaphore(%arg16 : memref<!tpu.dma_semaphore, #tpu.memory_space<semaphore_mem>>)
      } else {
      }
      %jit3A = arith.constant 2 : i32
      %div3A = arith.divsi %add3A_104, %jit3A : i32
      %sign3A = arith.constant 0 : i32
      %sign3A_114 = arith.cmpi sgt, %add3A_104, %sign3A : i32
      %sign3A_115 = arith.extui %sign3A_114 : i1 to i32
      %sign3A_116 = arith.constant 0 : i32
      %sign3A_117 = arith.cmpi slt, %add3A_104, %sign3A_116 : i32
      %sign3A_118 = arith.extui %sign3A_117 : i1 to i32
      %sign3A_119 = arith.subi %sign3A_115, %sign3A_118 : i32
      %sign3A_120 = arith.constant 0 : i32
      %sign3A_121 = arith.cmpi sgt, %jit3A, %sign3A_120 : i32
      %sign3A_122 = arith.extui %sign3A_121 : i1 to i32
      %sign3A_123 = arith.constant 0 : i32
      %sign3A_124 = arith.cmpi slt, %jit3A, %sign3A_123 : i32
      %sign3A_125 = arith.extui %sign3A_124 : i1 to i32
      %sign3A_126 = arith.subi %sign3A_122, %sign3A_125 : i32
      %ne3A = arith.cmpi ne, %sign3A_119, %sign3A_126 : i32
      %rem3A = arith.remsi %add3A_104, %jit3A : i32
      %ne3A_127 = arith.constant 0 : i32
      %ne3A_128 = arith.cmpi ne, %rem3A, %ne3A_127 : i32
      %and3A = arith.andi %ne3A, %ne3A_128 : i1
      %sub3A_129 = arith.constant 1 : i32
      %sub3A_130 = arith.subi %div3A, %sub3A_129 : i32
      %select_n3A = arith.select %and3A, %sub3A_130, %div3A : i32
      %jit3A_131 = arith.constant 2 : i32
      %eq3A = arith.constant 0 : i32
      %eq3A_132 = arith.cmpi eq, %jit3A_131, %eq3A : i32
      %jit3A_133 = arith.constant 1 : i32
      %select_n3A_134 = arith.select %eq3A_132, %jit3A_133, %jit3A_131 : i32
      %rem3A_135 = arith.remsi %add3A_104, %select_n3A_134 : i32
      %ne3A_136 = arith.constant 0 : i32
      %ne3A_137 = arith.cmpi ne, %rem3A_135, %ne3A_136 : i32
      %lt3A_138 = arith.constant 0 : i32
      %lt3A_139 = arith.cmpi slt, %rem3A_135, %lt3A_138 : i32
      %lt3A_140 = arith.constant 0 : i32
      %lt3A_141 = arith.cmpi slt, %select_n3A_134, %lt3A_140 : i32
      %ne3A_142 = arith.xori %lt3A_139, %lt3A_141 : i1
      %and3A_143 = arith.andi %ne3A_142, %ne3A_137 : i1
      %add3A_144 = arith.addi %rem3A_135, %select_n3A_134 : i32
      %select_n3A_145 = arith.select %and3A_143, %add3A_144, %rem3A_135 : i32
      %mul3A_146 = arith.constant 64 : i32
      %mul3A_147 = arith.muli %select_n3A_145, %mul3A_146 : i32
      %dma_wait3A_148 = tpu.memref_slice %arg6[%select_n3A, %mul3A_147] : memref<40x128xi32, #tpu.memory_space<vmem>> -> memref<1x64xi32, #tpu.memory_space<vmem>>
      %dma_wait3A_149 = tpu.memref_squeeze %dma_wait3A_148 : memref<1x64xi32, #tpu.memory_space<vmem>> -> memref<64xi32, #tpu.memory_space<vmem>>
      %dma_wait3A_150 = arith.constant 0 : i32
      %dma_wait3A_151 = arith.constant 0 : i32
      %dma_wait3A_152 = tpu.memref_slice %arg2[%dma_wait3A_150, %dma_wait3A_151] : memref<10240x128xf32, #tpu.memory_space<hbm>> -> memref<10240x128xf32, #tpu.memory_space<hbm>>
      tpu.wait_indirect_dma semaphore(%arg13 : memref<!tpu.dma_semaphore, #tpu.memory_space<semaphore_mem>>) src(%dma_wait3A_152 : memref<10240x128xf32, #tpu.memory_space<hbm>>) dst(%arg8 : memref<64x128xf32, #tpu.memory_space<vmem>>)
      %jit3A_153 = arith.constant 2 : i32
      %div3A_154 = arith.divsi %add3A_104, %jit3A_153 : i32
      %sign3A_155 = arith.constant 0 : i32
      %sign3A_156 = arith.cmpi sgt, %add3A_104, %sign3A_155 : i32
      %sign3A_157 = arith.extui %sign3A_156 : i1 to i32
      %sign3A_158 = arith.constant 0 : i32
      %sign3A_159 = arith.cmpi slt, %add3A_104, %sign3A_158 : i32
      %sign3A_160 = arith.extui %sign3A_159 : i1 to i32
      %sign3A_161 = arith.subi %sign3A_157, %sign3A_160 : i32
      %sign3A_162 = arith.constant 0 : i32
      %sign3A_163 = arith.cmpi sgt, %jit3A_153, %sign3A_162 : i32
      %sign3A_164 = arith.extui %sign3A_163 : i1 to i32
      %sign3A_165 = arith.constant 0 : i32
      %sign3A_166 = arith.cmpi slt, %jit3A_153, %sign3A_165 : i32
      %sign3A_167 = arith.extui %sign3A_166 : i1 to i32
      %sign3A_168 = arith.subi %sign3A_164, %sign3A_167 : i32
      %ne3A_169 = arith.cmpi ne, %sign3A_161, %sign3A_168 : i32
      %rem3A_170 = arith.remsi %add3A_104, %jit3A_153 : i32
      %ne3A_171 = arith.constant 0 : i32
      %ne3A_172 = arith.cmpi ne, %rem3A_170, %ne3A_171 : i32
      %and3A_173 = arith.andi %ne3A_169, %ne3A_172 : i1
      %sub3A_174 = arith.constant 1 : i32
      %sub3A_175 = arith.subi %div3A_154, %sub3A_174 : i32
      %select_n3A_176 = arith.select %and3A_173, %sub3A_175, %div3A_154 : i32
      %jit3A_177 = arith.constant 2 : i32
      %eq3A_178 = arith.constant 0 : i32
      %eq3A_179 = arith.cmpi eq, %jit3A_177, %eq3A_178 : i32
      %jit3A_180 = arith.constant 1 : i32
      %select_n3A_181 = arith.select %eq3A_179, %jit3A_180, %jit3A_177 : i32
      %rem3A_182 = arith.remsi %add3A_104, %select_n3A_181 : i32
      %ne3A_183 = arith.constant 0 : i32
      %ne3A_184 = arith.cmpi ne, %rem3A_182, %ne3A_183 : i32
      %lt3A_185 = arith.constant 0 : i32
      %lt3A_186 = arith.cmpi slt, %rem3A_182, %lt3A_185 : i32
      %lt3A_187 = arith.constant 0 : i32
      %lt3A_188 = arith.cmpi slt, %select_n3A_181, %lt3A_187 : i32
      %ne3A_189 = arith.xori %lt3A_186, %lt3A_188 : i1
      %and3A_190 = arith.andi %ne3A_189, %ne3A_184 : i1
      %add3A_191 = arith.addi %rem3A_182, %select_n3A_181 : i32
      %select_n3A_192 = arith.select %and3A_190, %add3A_191, %rem3A_182 : i32
      %mul3A_193 = arith.constant 64 : i32
      %mul3A_194 = arith.muli %select_n3A_192, %mul3A_193 : i32
      %dma_start3A_195 = tpu.memref_slice %arg7[%select_n3A_176, %mul3A_194] : memref<40x128xi32, #tpu.memory_space<vmem>> -> memref<1x64xi32, #tpu.memory_space<vmem>>
      %dma_start3A_196 = tpu.memref_squeeze %dma_start3A_195 : memref<1x64xi32, #tpu.memory_space<vmem>> -> memref<64xi32, #tpu.memory_space<vmem>>
      %dma_start3A_197 = arith.constant 0 : i32
      %dma_start3A_198 = arith.constant 0 : i32
      %dma_start3A_199 = tpu.memref_slice %arg12[%dma_start3A_197, %dma_start3A_198] : memref<10240x128xf32, #tpu.memory_space<vmem_shared>> -> memref<10240x128xf32, #tpu.memory_space<vmem_shared>>
      tpu.enqueue_indirect_dma source(%arg8 : memref<64x128xf32, #tpu.memory_space<vmem>>) target(%dma_start3A_199 : memref<10240x128xf32, #tpu.memory_space<vmem_shared>>) offsets(%dma_start3A_196 : memref<64xi32, #tpu.memory_space<vmem>>) semaphore(%arg17 : memref<!tpu.dma_semaphore, #tpu.memory_space<semaphore_mem>>) {add = true}
      %mul3A_200 = arith.constant 4 : i32
      %mul3A_201 = arith.muli %mul3A_200, %scan3A_100 : i32
      %add3A_202 = arith.constant 1 : i32
      %add3A_203 = arith.addi %mul3A_201, %add3A_202 : i32
      %ge3A_204 = arith.constant 1 : i32
      %ge3A_205 = arith.cmpi sge, %add3A_203, %ge3A_204 : i32
      %convert_element_type3A_206 = arith.extui %ge3A_205 : i1 to i32
      %cond3A_207 = arith.constant 0 : i32
      %cond3A_208 = arith.cmpi ne, %convert_element_type3A_206, %cond3A_207 : i32
      scf.if %cond3A_208 {
        %jit3A_536 = arith.constant 2 : i32
        %div3A_537 = arith.divsi %add3A_203, %jit3A_536 : i32
        %sign3A_538 = arith.constant 0 : i32
        %sign3A_539 = arith.cmpi sgt, %add3A_203, %sign3A_538 : i32
        %sign3A_540 = arith.extui %sign3A_539 : i1 to i32
        %sign3A_541 = arith.constant 0 : i32
        %sign3A_542 = arith.cmpi slt, %add3A_203, %sign3A_541 : i32
        %sign3A_543 = arith.extui %sign3A_542 : i1 to i32
        %sign3A_544 = arith.subi %sign3A_540, %sign3A_543 : i32
        %sign3A_545 = arith.constant 0 : i32
        %sign3A_546 = arith.cmpi sgt, %jit3A_536, %sign3A_545 : i32
        %sign3A_547 = arith.extui %sign3A_546 : i1 to i32
        %sign3A_548 = arith.constant 0 : i32
        %sign3A_549 = arith.cmpi slt, %jit3A_536, %sign3A_548 : i32
        %sign3A_550 = arith.extui %sign3A_549 : i1 to i32
        %sign3A_551 = arith.subi %sign3A_547, %sign3A_550 : i32
        %ne3A_552 = arith.cmpi ne, %sign3A_544, %sign3A_551 : i32
        %rem3A_553 = arith.remsi %add3A_203, %jit3A_536 : i32
        %ne3A_554 = arith.constant 0 : i32
        %ne3A_555 = arith.cmpi ne, %rem3A_553, %ne3A_554 : i32
        %and3A_556 = arith.andi %ne3A_552, %ne3A_555 : i1
        %sub3A_557 = arith.constant 1 : i32
        %sub3A_558 = arith.subi %div3A_537, %sub3A_557 : i32
        %select_n3A_559 = arith.select %and3A_556, %sub3A_558, %div3A_537 : i32
        %jit3A_560 = arith.constant 2 : i32
        %eq3A_561 = arith.constant 0 : i32
        %eq3A_562 = arith.cmpi eq, %jit3A_560, %eq3A_561 : i32
        %jit3A_563 = arith.constant 1 : i32
        %select_n3A_564 = arith.select %eq3A_562, %jit3A_563, %jit3A_560 : i32
        %rem3A_565 = arith.remsi %add3A_203, %select_n3A_564 : i32
        %ne3A_566 = arith.constant 0 : i32
        %ne3A_567 = arith.cmpi ne, %rem3A_565, %ne3A_566 : i32
        %lt3A_568 = arith.constant 0 : i32
        %lt3A_569 = arith.cmpi slt, %rem3A_565, %lt3A_568 : i32
        %lt3A_570 = arith.constant 0 : i32
        %lt3A_571 = arith.cmpi slt, %select_n3A_564, %lt3A_570 : i32
        %ne3A_572 = arith.xori %lt3A_569, %lt3A_571 : i1
        %and3A_573 = arith.andi %ne3A_572, %ne3A_567 : i1
        %add3A_574 = arith.addi %rem3A_565, %select_n3A_564 : i32
        %select_n3A_575 = arith.select %and3A_573, %add3A_574, %rem3A_565 : i32
        %mul3A_576 = arith.constant 64 : i32
        %mul3A_577 = arith.muli %select_n3A_575, %mul3A_576 : i32
        %dma_wait3A_578 = tpu.memref_slice %arg7[%select_n3A_559, %mul3A_577] : memref<40x128xi32, #tpu.memory_space<vmem>> -> memref<1x64xi32, #tpu.memory_space<vmem>>
        %dma_wait3A_579 = tpu.memref_squeeze %dma_wait3A_578 : memref<1x64xi32, #tpu.memory_space<vmem>> -> memref<64xi32, #tpu.memory_space<vmem>>
        %dma_wait3A_580 = arith.constant 0 : i32
        %dma_wait3A_581 = arith.constant 0 : i32
        %dma_wait3A_582 = tpu.memref_slice %arg12[%dma_wait3A_580, %dma_wait3A_581] : memref<10240x128xf32, #tpu.memory_space<vmem_shared>> -> memref<10240x128xf32, #tpu.memory_space<vmem_shared>>
        tpu.wait_indirect_dma semaphore(%arg17 : memref<!tpu.dma_semaphore, #tpu.memory_space<semaphore_mem>>) src(%arg8 : memref<64x128xf32, #tpu.memory_space<vmem>>) dst(%dma_wait3A_582 : memref<10240x128xf32, #tpu.memory_space<vmem_shared>>)
      } else {
      }
      %add3A_209 = arith.constant 4 : i32
      %add3A_210 = arith.addi %add3A_203, %add3A_209 : i32
      %sub3A_211 = arith.constant 1 : i32
      %sub3A_212 = arith.subi %add3A_210, %sub3A_211 : i32
      %lt3A_213 = arith.constant 80 : i32
      %lt3A_214 = arith.cmpi slt, %sub3A_212, %lt3A_213 : i32
      %convert_element_type3A_215 = arith.extui %lt3A_214 : i1 to i32
      %cond3A_216 = arith.constant 0 : i32
      %cond3A_217 = arith.cmpi ne, %convert_element_type3A_215, %cond3A_216 : i32
      scf.if %cond3A_217 {
        %add3A_536 = arith.constant 4 : i32
        %add3A_537 = arith.addi %add3A_203, %add3A_536 : i32
        %sub3A_538 = arith.constant 1 : i32
        %sub3A_539 = arith.subi %add3A_537, %sub3A_538 : i32
        %jit3A_540 = arith.constant 2 : i32
        %div3A_541 = arith.divsi %sub3A_539, %jit3A_540 : i32
        %sign3A_542 = arith.constant 0 : i32
        %sign3A_543 = arith.cmpi sgt, %sub3A_539, %sign3A_542 : i32
        %sign3A_544 = arith.extui %sign3A_543 : i1 to i32
        %sign3A_545 = arith.constant 0 : i32
        %sign3A_546 = arith.cmpi slt, %sub3A_539, %sign3A_545 : i32
        %sign3A_547 = arith.extui %sign3A_546 : i1 to i32
        %sign3A_548 = arith.subi %sign3A_544, %sign3A_547 : i32
        %sign3A_549 = arith.constant 0 : i32
        %sign3A_550 = arith.cmpi sgt, %jit3A_540, %sign3A_549 : i32
        %sign3A_551 = arith.extui %sign3A_550 : i1 to i32
        %sign3A_552 = arith.constant 0 : i32
        %sign3A_553 = arith.cmpi slt, %jit3A_540, %sign3A_552 : i32
        %sign3A_554 = arith.extui %sign3A_553 : i1 to i32
        %sign3A_555 = arith.subi %sign3A_551, %sign3A_554 : i32
        %ne3A_556 = arith.cmpi ne, %sign3A_548, %sign3A_555 : i32
        %rem3A_557 = arith.remsi %sub3A_539, %jit3A_540 : i32
        %ne3A_558 = arith.constant 0 : i32
        %ne3A_559 = arith.cmpi ne, %rem3A_557, %ne3A_558 : i32
        %and3A_560 = arith.andi %ne3A_556, %ne3A_559 : i1
        %sub3A_561 = arith.constant 1 : i32
        %sub3A_562 = arith.subi %div3A_541, %sub3A_561 : i32
        %select_n3A_563 = arith.select %and3A_560, %sub3A_562, %div3A_541 : i32
        %jit3A_564 = arith.constant 2 : i32
        %eq3A_565 = arith.constant 0 : i32
        %eq3A_566 = arith.cmpi eq, %jit3A_564, %eq3A_565 : i32
        %jit3A_567 = arith.constant 1 : i32
        %select_n3A_568 = arith.select %eq3A_566, %jit3A_567, %jit3A_564 : i32
        %rem3A_569 = arith.remsi %sub3A_539, %select_n3A_568 : i32
        %ne3A_570 = arith.constant 0 : i32
        %ne3A_571 = arith.cmpi ne, %rem3A_569, %ne3A_570 : i32
        %lt3A_572 = arith.constant 0 : i32
        %lt3A_573 = arith.cmpi slt, %rem3A_569, %lt3A_572 : i32
        %lt3A_574 = arith.constant 0 : i32
        %lt3A_575 = arith.cmpi slt, %select_n3A_568, %lt3A_574 : i32
        %ne3A_576 = arith.xori %lt3A_573, %lt3A_575 : i1
        %and3A_577 = arith.andi %ne3A_576, %ne3A_571 : i1
        %add3A_578 = arith.addi %rem3A_569, %select_n3A_568 : i32
        %select_n3A_579 = arith.select %and3A_577, %add3A_578, %rem3A_569 : i32
        %mul3A_580 = arith.constant 64 : i32
        %mul3A_581 = arith.muli %select_n3A_579, %mul3A_580 : i32
        %dma_start3A_582 = tpu.memref_slice %arg6[%select_n3A_563, %mul3A_581] : memref<40x128xi32, #tpu.memory_space<vmem>> -> memref<1x64xi32, #tpu.memory_space<vmem>>
        %dma_start3A_583 = tpu.memref_squeeze %dma_start3A_582 : memref<1x64xi32, #tpu.memory_space<vmem>> -> memref<64xi32, #tpu.memory_space<vmem>>
        %dma_start3A_584 = arith.constant 0 : i32
        %dma_start3A_585 = arith.constant 0 : i32
        %dma_start3A_586 = tpu.memref_slice %arg2[%dma_start3A_584, %dma_start3A_585] : memref<10240x128xf32, #tpu.memory_space<hbm>> -> memref<10240x128xf32, #tpu.memory_space<hbm>>
        tpu.enqueue_indirect_dma source(%dma_start3A_586 : memref<10240x128xf32, #tpu.memory_space<hbm>>) target(%arg8 : memref<64x128xf32, #tpu.memory_space<vmem>>) offsets(%dma_start3A_583 : memref<64xi32, #tpu.memory_space<vmem>>) semaphore(%arg13 : memref<!tpu.dma_semaphore, #tpu.memory_space<semaphore_mem>>)
      } else {
      }
      %jit3A_218 = arith.constant 2 : i32
      %div3A_219 = arith.divsi %add3A_203, %jit3A_218 : i32
      %sign3A_220 = arith.constant 0 : i32
      %sign3A_221 = arith.cmpi sgt, %add3A_203, %sign3A_220 : i32
      %sign3A_222 = arith.extui %sign3A_221 : i1 to i32
      %sign3A_223 = arith.constant 0 : i32
      %sign3A_224 = arith.cmpi slt, %add3A_203, %sign3A_223 : i32
      %sign3A_225 = arith.extui %sign3A_224 : i1 to i32
      %sign3A_226 = arith.subi %sign3A_222, %sign3A_225 : i32
      %sign3A_227 = arith.constant 0 : i32
      %sign3A_228 = arith.cmpi sgt, %jit3A_218, %sign3A_227 : i32
      %sign3A_229 = arith.extui %sign3A_228 : i1 to i32
      %sign3A_230 = arith.constant 0 : i32
      %sign3A_231 = arith.cmpi slt, %jit3A_218, %sign3A_230 : i32
      %sign3A_232 = arith.extui %sign3A_231 : i1 to i32
      %sign3A_233 = arith.subi %sign3A_229, %sign3A_232 : i32
      %ne3A_234 = arith.cmpi ne, %sign3A_226, %sign3A_233 : i32
      %rem3A_235 = arith.remsi %add3A_203, %jit3A_218 : i32
      %ne3A_236 = arith.constant 0 : i32
      %ne3A_237 = arith.cmpi ne, %rem3A_235, %ne3A_236 : i32
      %and3A_238 = arith.andi %ne3A_234, %ne3A_237 : i1
      %sub3A_239 = arith.constant 1 : i32
      %sub3A_240 = arith.subi %div3A_219, %sub3A_239 : i32
      %select_n3A_241 = arith.select %and3A_238, %sub3A_240, %div3A_219 : i32
      %jit3A_242 = arith.constant 2 : i32
      %eq3A_243 = arith.constant 0 : i32
      %eq3A_244 = arith.cmpi eq, %jit3A_242, %eq3A_243 : i32
      %jit3A_245 = arith.constant 1 : i32
      %select_n3A_246 = arith.select %eq3A_244, %jit3A_245, %jit3A_242 : i32
      %rem3A_247 = arith.remsi %add3A_203, %select_n3A_246 : i32
      %ne3A_248 = arith.constant 0 : i32
      %ne3A_249 = arith.cmpi ne, %rem3A_247, %ne3A_248 : i32
      %lt3A_250 = arith.constant 0 : i32
      %lt3A_251 = arith.cmpi slt, %rem3A_247, %lt3A_250 : i32
      %lt3A_252 = arith.constant 0 : i32
      %lt3A_253 = arith.cmpi slt, %select_n3A_246, %lt3A_252 : i32
      %ne3A_254 = arith.xori %lt3A_251, %lt3A_253 : i1
      %and3A_255 = arith.andi %ne3A_254, %ne3A_249 : i1
      %add3A_256 = arith.addi %rem3A_247, %select_n3A_246 : i32
      %select_n3A_257 = arith.select %and3A_255, %add3A_256, %rem3A_247 : i32
      %mul3A_258 = arith.constant 64 : i32
      %mul3A_259 = arith.muli %select_n3A_257, %mul3A_258 : i32
      %dma_wait3A_260 = tpu.memref_slice %arg6[%select_n3A_241, %mul3A_259] : memref<40x128xi32, #tpu.memory_space<vmem>> -> memref<1x64xi32, #tpu.memory_space<vmem>>
      %dma_wait3A_261 = tpu.memref_squeeze %dma_wait3A_260 : memref<1x64xi32, #tpu.memory_space<vmem>> -> memref<64xi32, #tpu.memory_space<vmem>>
      %dma_wait3A_262 = arith.constant 0 : i32
      %dma_wait3A_263 = arith.constant 0 : i32
      %dma_wait3A_264 = tpu.memref_slice %arg2[%dma_wait3A_262, %dma_wait3A_263] : memref<10240x128xf32, #tpu.memory_space<hbm>> -> memref<10240x128xf32, #tpu.memory_space<hbm>>
      tpu.wait_indirect_dma semaphore(%arg14 : memref<!tpu.dma_semaphore, #tpu.memory_space<semaphore_mem>>) src(%dma_wait3A_264 : memref<10240x128xf32, #tpu.memory_space<hbm>>) dst(%arg9 : memref<64x128xf32, #tpu.memory_space<vmem>>)
      %jit3A_265 = arith.constant 2 : i32
      %div3A_266 = arith.divsi %add3A_203, %jit3A_265 : i32
      %sign3A_267 = arith.constant 0 : i32
      %sign3A_268 = arith.cmpi sgt, %add3A_203, %sign3A_267 : i32
      %sign3A_269 = arith.extui %sign3A_268 : i1 to i32
      %sign3A_270 = arith.constant 0 : i32
      %sign3A_271 = arith.cmpi slt, %add3A_203, %sign3A_270 : i32
      %sign3A_272 = arith.extui %sign3A_271 : i1 to i32
      %sign3A_273 = arith.subi %sign3A_269, %sign3A_272 : i32
      %sign3A_274 = arith.constant 0 : i32
      %sign3A_275 = arith.cmpi sgt, %jit3A_265, %sign3A_274 : i32
      %sign3A_276 = arith.extui %sign3A_275 : i1 to i32
      %sign3A_277 = arith.constant 0 : i32
      %sign3A_278 = arith.cmpi slt, %jit3A_265, %sign3A_277 : i32
      %sign3A_279 = arith.extui %sign3A_278 : i1 to i32
      %sign3A_280 = arith.subi %sign3A_276, %sign3A_279 : i32
      %ne3A_281 = arith.cmpi ne, %sign3A_273, %sign3A_280 : i32
      %rem3A_282 = arith.remsi %add3A_203, %jit3A_265 : i32
      %ne3A_283 = arith.constant 0 : i32
      %ne3A_284 = arith.cmpi ne, %rem3A_282, %ne3A_283 : i32
      %and3A_285 = arith.andi %ne3A_281, %ne3A_284 : i1
      %sub3A_286 = arith.constant 1 : i32
      %sub3A_287 = arith.subi %div3A_266, %sub3A_286 : i32
      %select_n3A_288 = arith.select %and3A_285, %sub3A_287, %div3A_266 : i32
      %jit3A_289 = arith.constant 2 : i32
      %eq3A_290 = arith.constant 0 : i32
      %eq3A_291 = arith.cmpi eq, %jit3A_289, %eq3A_290 : i32
      %jit3A_292 = arith.constant 1 : i32
      %select_n3A_293 = arith.select %eq3A_291, %jit3A_292, %jit3A_289 : i32
      %rem3A_294 = arith.remsi %add3A_203, %select_n3A_293 : i32
      %ne3A_295 = arith.constant 0 : i32
      %ne3A_296 = arith.cmpi ne, %rem3A_294, %ne3A_295 : i32
      %lt3A_297 = arith.constant 0 : i32
      %lt3A_298 = arith.cmpi slt, %rem3A_294, %lt3A_297 : i32
      %lt3A_299 = arith.constant 0 : i32
      %lt3A_300 = arith.cmpi slt, %select_n3A_293, %lt3A_299 : i32
      %ne3A_301 = arith.xori %lt3A_298, %lt3A_300 : i1
      %and3A_302 = arith.andi %ne3A_301, %ne3A_296 : i1
      %add3A_303 = arith.addi %rem3A_294, %select_n3A_293 : i32
      %select_n3A_304 = arith.select %and3A_302, %add3A_303, %rem3A_294 : i32
      %mul3A_305 = arith.constant 64 : i32
      %mul3A_306 = arith.muli %select_n3A_304, %mul3A_305 : i32
      %dma_start3A_307 = tpu.memref_slice %arg7[%select_n3A_288, %mul3A_306] : memref<40x128xi32, #tpu.memory_space<vmem>> -> memref<1x64xi32, #tpu.memory_space<vmem>>
      %dma_start3A_308 = tpu.memref_squeeze %dma_start3A_307 : memref<1x64xi32, #tpu.memory_space<vmem>> -> memref<64xi32, #tpu.memory_space<vmem>>
      %dma_start3A_309 = arith.constant 0 : i32
      %dma_start3A_310 = arith.constant 0 : i32
      %dma_start3A_311 = tpu.memref_slice %arg12[%dma_start3A_309, %dma_start3A_310] : memref<10240x128xf32, #tpu.memory_space<vmem_shared>> -> memref<10240x128xf32, #tpu.memory_space<vmem_shared>>
      tpu.enqueue_indirect_dma source(%arg9 : memref<64x128xf32, #tpu.memory_space<vmem>>) target(%dma_start3A_311 : memref<10240x128xf32, #tpu.memory_space<vmem_shared>>) offsets(%dma_start3A_308 : memref<64xi32, #tpu.memory_space<vmem>>) semaphore(%arg18 : memref<!tpu.dma_semaphore, #tpu.memory_space<semaphore_mem>>) {add = true}
      %mul3A_312 = arith.constant 4 : i32
      %mul3A_313 = arith.muli %mul3A_312, %scan3A_100 : i32
      %add3A_314 = arith.constant 2 : i32
      %add3A_315 = arith.addi %mul3A_313, %add3A_314 : i32
      %ge3A_316 = arith.constant 1 : i32
      %ge3A_317 = arith.cmpi sge, %add3A_315, %ge3A_316 : i32
      %convert_element_type3A_318 = arith.extui %ge3A_317 : i1 to i32
      %cond3A_319 = arith.constant 0 : i32
      %cond3A_320 = arith.cmpi ne, %convert_element_type3A_318, %cond3A_319 : i32
      scf.if %cond3A_320 {
        %jit3A_536 = arith.constant 2 : i32
        %div3A_537 = arith.divsi %add3A_315, %jit3A_536 : i32
        %sign3A_538 = arith.constant 0 : i32
        %sign3A_539 = arith.cmpi sgt, %add3A_315, %sign3A_538 : i32
        %sign3A_540 = arith.extui %sign3A_539 : i1 to i32
        %sign3A_541 = arith.constant 0 : i32
        %sign3A_542 = arith.cmpi slt, %add3A_315, %sign3A_541 : i32
        %sign3A_543 = arith.extui %sign3A_542 : i1 to i32
        %sign3A_544 = arith.subi %sign3A_540, %sign3A_543 : i32
        %sign3A_545 = arith.constant 0 : i32
        %sign3A_546 = arith.cmpi sgt, %jit3A_536, %sign3A_545 : i32
        %sign3A_547 = arith.extui %sign3A_546 : i1 to i32
        %sign3A_548 = arith.constant 0 : i32
        %sign3A_549 = arith.cmpi slt, %jit3A_536, %sign3A_548 : i32
        %sign3A_550 = arith.extui %sign3A_549 : i1 to i32
        %sign3A_551 = arith.subi %sign3A_547, %sign3A_550 : i32
        %ne3A_552 = arith.cmpi ne, %sign3A_544, %sign3A_551 : i32
        %rem3A_553 = arith.remsi %add3A_315, %jit3A_536 : i32
        %ne3A_554 = arith.constant 0 : i32
        %ne3A_555 = arith.cmpi ne, %rem3A_553, %ne3A_554 : i32
        %and3A_556 = arith.andi %ne3A_552, %ne3A_555 : i1
        %sub3A_557 = arith.constant 1 : i32
        %sub3A_558 = arith.subi %div3A_537, %sub3A_557 : i32
        %select_n3A_559 = arith.select %and3A_556, %sub3A_558, %div3A_537 : i32
        %jit3A_560 = arith.constant 2 : i32
        %eq3A_561 = arith.constant 0 : i32
        %eq3A_562 = arith.cmpi eq, %jit3A_560, %eq3A_561 : i32
        %jit3A_563 = arith.constant 1 : i32
        %select_n3A_564 = arith.select %eq3A_562, %jit3A_563, %jit3A_560 : i32
        %rem3A_565 = arith.remsi %add3A_315, %select_n3A_564 : i32
        %ne3A_566 = arith.constant 0 : i32
        %ne3A_567 = arith.cmpi ne, %rem3A_565, %ne3A_566 : i32
        %lt3A_568 = arith.constant 0 : i32
        %lt3A_569 = arith.cmpi slt, %rem3A_565, %lt3A_568 : i32
        %lt3A_570 = arith.constant 0 : i32
        %lt3A_571 = arith.cmpi slt, %select_n3A_564, %lt3A_570 : i32
        %ne3A_572 = arith.xori %lt3A_569, %lt3A_571 : i1
        %and3A_573 = arith.andi %ne3A_572, %ne3A_567 : i1
        %add3A_574 = arith.addi %rem3A_565, %select_n3A_564 : i32
        %select_n3A_575 = arith.select %and3A_573, %add3A_574, %rem3A_565 : i32
        %mul3A_576 = arith.constant 64 : i32
        %mul3A_577 = arith.muli %select_n3A_575, %mul3A_576 : i32
        %dma_wait3A_578 = tpu.memref_slice %arg7[%select_n3A_559, %mul3A_577] : memref<40x128xi32, #tpu.memory_space<vmem>> -> memref<1x64xi32, #tpu.memory_space<vmem>>
        %dma_wait3A_579 = tpu.memref_squeeze %dma_wait3A_578 : memref<1x64xi32, #tpu.memory_space<vmem>> -> memref<64xi32, #tpu.memory_space<vmem>>
        %dma_wait3A_580 = arith.constant 0 : i32
        %dma_wait3A_581 = arith.constant 0 : i32
        %dma_wait3A_582 = tpu.memref_slice %arg12[%dma_wait3A_580, %dma_wait3A_581] : memref<10240x128xf32, #tpu.memory_space<vmem_shared>> -> memref<10240x128xf32, #tpu.memory_space<vmem_shared>>
        tpu.wait_indirect_dma semaphore(%arg18 : memref<!tpu.dma_semaphore, #tpu.memory_space<semaphore_mem>>) src(%arg9 : memref<64x128xf32, #tpu.memory_space<vmem>>) dst(%dma_wait3A_582 : memref<10240x128xf32, #tpu.memory_space<vmem_shared>>)
      } else {
      }
      %add3A_321 = arith.constant 4 : i32
      %add3A_322 = arith.addi %add3A_315, %add3A_321 : i32
      %sub3A_323 = arith.constant 1 : i32
      %sub3A_324 = arith.subi %add3A_322, %sub3A_323 : i32
      %lt3A_325 = arith.constant 80 : i32
      %lt3A_326 = arith.cmpi slt, %sub3A_324, %lt3A_325 : i32
      %convert_element_type3A_327 = arith.extui %lt3A_326 : i1 to i32
      %cond3A_328 = arith.constant 0 : i32
      %cond3A_329 = arith.cmpi ne, %convert_element_type3A_327, %cond3A_328 : i32
      scf.if %cond3A_329 {
        %add3A_536 = arith.constant 4 : i32
        %add3A_537 = arith.addi %add3A_315, %add3A_536 : i32
        %sub3A_538 = arith.constant 1 : i32
        %sub3A_539 = arith.subi %add3A_537, %sub3A_538 : i32
        %jit3A_540 = arith.constant 2 : i32
        %div3A_541 = arith.divsi %sub3A_539, %jit3A_540 : i32
        %sign3A_542 = arith.constant 0 : i32
        %sign3A_543 = arith.cmpi sgt, %sub3A_539, %sign3A_542 : i32
        %sign3A_544 = arith.extui %sign3A_543 : i1 to i32
        %sign3A_545 = arith.constant 0 : i32
        %sign3A_546 = arith.cmpi slt, %sub3A_539, %sign3A_545 : i32
        %sign3A_547 = arith.extui %sign3A_546 : i1 to i32
        %sign3A_548 = arith.subi %sign3A_544, %sign3A_547 : i32
        %sign3A_549 = arith.constant 0 : i32
        %sign3A_550 = arith.cmpi sgt, %jit3A_540, %sign3A_549 : i32
        %sign3A_551 = arith.extui %sign3A_550 : i1 to i32
        %sign3A_552 = arith.constant 0 : i32
        %sign3A_553 = arith.cmpi slt, %jit3A_540, %sign3A_552 : i32
        %sign3A_554 = arith.extui %sign3A_553 : i1 to i32
        %sign3A_555 = arith.subi %sign3A_551, %sign3A_554 : i32
        %ne3A_556 = arith.cmpi ne, %sign3A_548, %sign3A_555 : i32
        %rem3A_557 = arith.remsi %sub3A_539, %jit3A_540 : i32
        %ne3A_558 = arith.constant 0 : i32
        %ne3A_559 = arith.cmpi ne, %rem3A_557, %ne3A_558 : i32
        %and3A_560 = arith.andi %ne3A_556, %ne3A_559 : i1
        %sub3A_561 = arith.constant 1 : i32
        %sub3A_562 = arith.subi %div3A_541, %sub3A_561 : i32
        %select_n3A_563 = arith.select %and3A_560, %sub3A_562, %div3A_541 : i32
        %jit3A_564 = arith.constant 2 : i32
        %eq3A_565 = arith.constant 0 : i32
        %eq3A_566 = arith.cmpi eq, %jit3A_564, %eq3A_565 : i32
        %jit3A_567 = arith.constant 1 : i32
        %select_n3A_568 = arith.select %eq3A_566, %jit3A_567, %jit3A_564 : i32
        %rem3A_569 = arith.remsi %sub3A_539, %select_n3A_568 : i32
        %ne3A_570 = arith.constant 0 : i32
        %ne3A_571 = arith.cmpi ne, %rem3A_569, %ne3A_570 : i32
        %lt3A_572 = arith.constant 0 : i32
        %lt3A_573 = arith.cmpi slt, %rem3A_569, %lt3A_572 : i32
        %lt3A_574 = arith.constant 0 : i32
        %lt3A_575 = arith.cmpi slt, %select_n3A_568, %lt3A_574 : i32
        %ne3A_576 = arith.xori %lt3A_573, %lt3A_575 : i1
        %and3A_577 = arith.andi %ne3A_576, %ne3A_571 : i1
        %add3A_578 = arith.addi %rem3A_569, %select_n3A_568 : i32
        %select_n3A_579 = arith.select %and3A_577, %add3A_578, %rem3A_569 : i32
        %mul3A_580 = arith.constant 64 : i32
        %mul3A_581 = arith.muli %select_n3A_579, %mul3A_580 : i32
        %dma_start3A_582 = tpu.memref_slice %arg6[%select_n3A_563, %mul3A_581] : memref<40x128xi32, #tpu.memory_space<vmem>> -> memref<1x64xi32, #tpu.memory_space<vmem>>
        %dma_start3A_583 = tpu.memref_squeeze %dma_start3A_582 : memref<1x64xi32, #tpu.memory_space<vmem>> -> memref<64xi32, #tpu.memory_space<vmem>>
        %dma_start3A_584 = arith.constant 0 : i32
        %dma_start3A_585 = arith.constant 0 : i32
        %dma_start3A_586 = tpu.memref_slice %arg2[%dma_start3A_584, %dma_start3A_585] : memref<10240x128xf32, #tpu.memory_space<hbm>> -> memref<10240x128xf32, #tpu.memory_space<hbm>>
        tpu.enqueue_indirect_dma source(%dma_start3A_586 : memref<10240x128xf32, #tpu.memory_space<hbm>>) target(%arg9 : memref<64x128xf32, #tpu.memory_space<vmem>>) offsets(%dma_start3A_583 : memref<64xi32, #tpu.memory_space<vmem>>) semaphore(%arg14 : memref<!tpu.dma_semaphore, #tpu.memory_space<semaphore_mem>>)
      } else {
      }
      %jit3A_330 = arith.constant 2 : i32
      %div3A_331 = arith.divsi %add3A_315, %jit3A_330 : i32
      %sign3A_332 = arith.constant 0 : i32
      %sign3A_333 = arith.cmpi sgt, %add3A_315, %sign3A_332 : i32
      %sign3A_334 = arith.extui %sign3A_333 : i1 to i32
      %sign3A_335 = arith.constant 0 : i32
      %sign3A_336 = arith.cmpi slt, %add3A_315, %sign3A_335 : i32
      %sign3A_337 = arith.extui %sign3A_336 : i1 to i32
      %sign3A_338 = arith.subi %sign3A_334, %sign3A_337 : i32
      %sign3A_339 = arith.constant 0 : i32
      %sign3A_340 = arith.cmpi sgt, %jit3A_330, %sign3A_339 : i32
      %sign3A_341 = arith.extui %sign3A_340 : i1 to i32
      %sign3A_342 = arith.constant 0 : i32
      %sign3A_343 = arith.cmpi slt, %jit3A_330, %sign3A_342 : i32
      %sign3A_344 = arith.extui %sign3A_343 : i1 to i32
      %sign3A_345 = arith.subi %sign3A_341, %sign3A_344 : i32
      %ne3A_346 = arith.cmpi ne, %sign3A_338, %sign3A_345 : i32
      %rem3A_347 = arith.remsi %add3A_315, %jit3A_330 : i32
      %ne3A_348 = arith.constant 0 : i32
      %ne3A_349 = arith.cmpi ne, %rem3A_347, %ne3A_348 : i32
      %and3A_350 = arith.andi %ne3A_346, %ne3A_349 : i1
      %sub3A_351 = arith.constant 1 : i32
      %sub3A_352 = arith.subi %div3A_331, %sub3A_351 : i32
      %select_n3A_353 = arith.select %and3A_350, %sub3A_352, %div3A_331 : i32
      %jit3A_354 = arith.constant 2 : i32
      %eq3A_355 = arith.constant 0 : i32
      %eq3A_356 = arith.cmpi eq, %jit3A_354, %eq3A_355 : i32
      %jit3A_357 = arith.constant 1 : i32
      %select_n3A_358 = arith.select %eq3A_356, %jit3A_357, %jit3A_354 : i32
      %rem3A_359 = arith.remsi %add3A_315, %select_n3A_358 : i32
      %ne3A_360 = arith.constant 0 : i32
      %ne3A_361 = arith.cmpi ne, %rem3A_359, %ne3A_360 : i32
      %lt3A_362 = arith.constant 0 : i32
      %lt3A_363 = arith.cmpi slt, %rem3A_359, %lt3A_362 : i32
      %lt3A_364 = arith.constant 0 : i32
      %lt3A_365 = arith.cmpi slt, %select_n3A_358, %lt3A_364 : i32
      %ne3A_366 = arith.xori %lt3A_363, %lt3A_365 : i1
      %and3A_367 = arith.andi %ne3A_366, %ne3A_361 : i1
      %add3A_368 = arith.addi %rem3A_359, %select_n3A_358 : i32
      %select_n3A_369 = arith.select %and3A_367, %add3A_368, %rem3A_359 : i32
      %mul3A_370 = arith.constant 64 : i32
      %mul3A_371 = arith.muli %select_n3A_369, %mul3A_370 : i32
      %dma_wait3A_372 = tpu.memref_slice %arg6[%select_n3A_353, %mul3A_371] : memref<40x128xi32, #tpu.memory_space<vmem>> -> memref<1x64xi32, #tpu.memory_space<vmem>>
      %dma_wait3A_373 = tpu.memref_squeeze %dma_wait3A_372 : memref<1x64xi32, #tpu.memory_space<vmem>> -> memref<64xi32, #tpu.memory_space<vmem>>
      %dma_wait3A_374 = arith.constant 0 : i32
      %dma_wait3A_375 = arith.constant 0 : i32
      %dma_wait3A_376 = tpu.memref_slice %arg2[%dma_wait3A_374, %dma_wait3A_375] : memref<10240x128xf32, #tpu.memory_space<hbm>> -> memref<10240x128xf32, #tpu.memory_space<hbm>>
      tpu.wait_indirect_dma semaphore(%arg15 : memref<!tpu.dma_semaphore, #tpu.memory_space<semaphore_mem>>) src(%dma_wait3A_376 : memref<10240x128xf32, #tpu.memory_space<hbm>>) dst(%arg10 : memref<64x128xf32, #tpu.memory_space<vmem>>)
      %jit3A_377 = arith.constant 2 : i32
      %div3A_378 = arith.divsi %add3A_315, %jit3A_377 : i32
      %sign3A_379 = arith.constant 0 : i32
      %sign3A_380 = arith.cmpi sgt, %add3A_315, %sign3A_379 : i32
      %sign3A_381 = arith.extui %sign3A_380 : i1 to i32
      %sign3A_382 = arith.constant 0 : i32
      %sign3A_383 = arith.cmpi slt, %add3A_315, %sign3A_382 : i32
      %sign3A_384 = arith.extui %sign3A_383 : i1 to i32
      %sign3A_385 = arith.subi %sign3A_381, %sign3A_384 : i32
      %sign3A_386 = arith.constant 0 : i32
      %sign3A_387 = arith.cmpi sgt, %jit3A_377, %sign3A_386 : i32
      %sign3A_388 = arith.extui %sign3A_387 : i1 to i32
      %sign3A_389 = arith.constant 0 : i32
      %sign3A_390 = arith.cmpi slt, %jit3A_377, %sign3A_389 : i32
      %sign3A_391 = arith.extui %sign3A_390 : i1 to i32
      %sign3A_392 = arith.subi %sign3A_388, %sign3A_391 : i32
      %ne3A_393 = arith.cmpi ne, %sign3A_385, %sign3A_392 : i32
      %rem3A_394 = arith.remsi %add3A_315, %jit3A_377 : i32
      %ne3A_395 = arith.constant 0 : i32
      %ne3A_396 = arith.cmpi ne, %rem3A_394, %ne3A_395 : i32
      %and3A_397 = arith.andi %ne3A_393, %ne3A_396 : i1
      %sub3A_398 = arith.constant 1 : i32
      %sub3A_399 = arith.subi %div3A_378, %sub3A_398 : i32
      %select_n3A_400 = arith.select %and3A_397, %sub3A_399, %div3A_378 : i32
      %jit3A_401 = arith.constant 2 : i32
      %eq3A_402 = arith.constant 0 : i32
      %eq3A_403 = arith.cmpi eq, %jit3A_401, %eq3A_402 : i32
      %jit3A_404 = arith.constant 1 : i32
      %select_n3A_405 = arith.select %eq3A_403, %jit3A_404, %jit3A_401 : i32
      %rem3A_406 = arith.remsi %add3A_315, %select_n3A_405 : i32
      %ne3A_407 = arith.constant 0 : i32
      %ne3A_408 = arith.cmpi ne, %rem3A_406, %ne3A_407 : i32
      %lt3A_409 = arith.constant 0 : i32
      %lt3A_410 = arith.cmpi slt, %rem3A_406, %lt3A_409 : i32
      %lt3A_411 = arith.constant 0 : i32
      %lt3A_412 = arith.cmpi slt, %select_n3A_405, %lt3A_411 : i32
      %ne3A_413 = arith.xori %lt3A_410, %lt3A_412 : i1
      %and3A_414 = arith.andi %ne3A_413, %ne3A_408 : i1
      %add3A_415 = arith.addi %rem3A_406, %select_n3A_405 : i32
      %select_n3A_416 = arith.select %and3A_414, %add3A_415, %rem3A_406 : i32
      %mul3A_417 = arith.constant 64 : i32
      %mul3A_418 = arith.muli %select_n3A_416, %mul3A_417 : i32
      %dma_start3A_419 = tpu.memref_slice %arg7[%select_n3A_400, %mul3A_418] : memref<40x128xi32, #tpu.memory_space<vmem>> -> memref<1x64xi32, #tpu.memory_space<vmem>>
      %dma_start3A_420 = tpu.memref_squeeze %dma_start3A_419 : memref<1x64xi32, #tpu.memory_space<vmem>> -> memref<64xi32, #tpu.memory_space<vmem>>
      %dma_start3A_421 = arith.constant 0 : i32
      %dma_start3A_422 = arith.constant 0 : i32
      %dma_start3A_423 = tpu.memref_slice %arg12[%dma_start3A_421, %dma_start3A_422] : memref<10240x128xf32, #tpu.memory_space<vmem_shared>> -> memref<10240x128xf32, #tpu.memory_space<vmem_shared>>
      tpu.enqueue_indirect_dma source(%arg10 : memref<64x128xf32, #tpu.memory_space<vmem>>) target(%dma_start3A_423 : memref<10240x128xf32, #tpu.memory_space<vmem_shared>>) offsets(%dma_start3A_420 : memref<64xi32, #tpu.memory_space<vmem>>) semaphore(%arg19 : memref<!tpu.dma_semaphore, #tpu.memory_space<semaphore_mem>>) {add = true}
      %mul3A_424 = arith.constant 4 : i32
      %mul3A_425 = arith.muli %mul3A_424, %scan3A_100 : i32
      %add3A_426 = arith.constant 3 : i32
      %add3A_427 = arith.addi %mul3A_425, %add3A_426 : i32
      %ge3A_428 = arith.constant 1 : i32
      %ge3A_429 = arith.cmpi sge, %add3A_427, %ge3A_428 : i32
      %convert_element_type3A_430 = arith.extui %ge3A_429 : i1 to i32
      %cond3A_431 = arith.constant 0 : i32
      %cond3A_432 = arith.cmpi ne, %convert_element_type3A_430, %cond3A_431 : i32
      scf.if %cond3A_432 {
        %jit3A_536 = arith.constant 2 : i32
        %div3A_537 = arith.divsi %add3A_427, %jit3A_536 : i32
        %sign3A_538 = arith.constant 0 : i32
        %sign3A_539 = arith.cmpi sgt, %add3A_427, %sign3A_538 : i32
        %sign3A_540 = arith.extui %sign3A_539 : i1 to i32
        %sign3A_541 = arith.constant 0 : i32
        %sign3A_542 = arith.cmpi slt, %add3A_427, %sign3A_541 : i32
        %sign3A_543 = arith.extui %sign3A_542 : i1 to i32
        %sign3A_544 = arith.subi %sign3A_540, %sign3A_543 : i32
        %sign3A_545 = arith.constant 0 : i32
        %sign3A_546 = arith.cmpi sgt, %jit3A_536, %sign3A_545 : i32
        %sign3A_547 = arith.extui %sign3A_546 : i1 to i32
        %sign3A_548 = arith.constant 0 : i32
        %sign3A_549 = arith.cmpi slt, %jit3A_536, %sign3A_548 : i32
        %sign3A_550 = arith.extui %sign3A_549 : i1 to i32
        %sign3A_551 = arith.subi %sign3A_547, %sign3A_550 : i32
        %ne3A_552 = arith.cmpi ne, %sign3A_544, %sign3A_551 : i32
        %rem3A_553 = arith.remsi %add3A_427, %jit3A_536 : i32
        %ne3A_554 = arith.constant 0 : i32
        %ne3A_555 = arith.cmpi ne, %rem3A_553, %ne3A_554 : i32
        %and3A_556 = arith.andi %ne3A_552, %ne3A_555 : i1
        %sub3A_557 = arith.constant 1 : i32
        %sub3A_558 = arith.subi %div3A_537, %sub3A_557 : i32
        %select_n3A_559 = arith.select %and3A_556, %sub3A_558, %div3A_537 : i32
        %jit3A_560 = arith.constant 2 : i32
        %eq3A_561 = arith.constant 0 : i32
        %eq3A_562 = arith.cmpi eq, %jit3A_560, %eq3A_561 : i32
        %jit3A_563 = arith.constant 1 : i32
        %select_n3A_564 = arith.select %eq3A_562, %jit3A_563, %jit3A_560 : i32
        %rem3A_565 = arith.remsi %add3A_427, %select_n3A_564 : i32
        %ne3A_566 = arith.constant 0 : i32
        %ne3A_567 = arith.cmpi ne, %rem3A_565, %ne3A_566 : i32
        %lt3A_568 = arith.constant 0 : i32
        %lt3A_569 = arith.cmpi slt, %rem3A_565, %lt3A_568 : i32
        %lt3A_570 = arith.constant 0 : i32
        %lt3A_571 = arith.cmpi slt, %select_n3A_564, %lt3A_570 : i32
        %ne3A_572 = arith.xori %lt3A_569, %lt3A_571 : i1
        %and3A_573 = arith.andi %ne3A_572, %ne3A_567 : i1
        %add3A_574 = arith.addi %rem3A_565, %select_n3A_564 : i32
        %select_n3A_575 = arith.select %and3A_573, %add3A_574, %rem3A_565 : i32
        %mul3A_576 = arith.constant 64 : i32
        %mul3A_577 = arith.muli %select_n3A_575, %mul3A_576 : i32
        %dma_wait3A_578 = tpu.memref_slice %arg7[%select_n3A_559, %mul3A_577] : memref<40x128xi32, #tpu.memory_space<vmem>> -> memref<1x64xi32, #tpu.memory_space<vmem>>
        %dma_wait3A_579 = tpu.memref_squeeze %dma_wait3A_578 : memref<1x64xi32, #tpu.memory_space<vmem>> -> memref<64xi32, #tpu.memory_space<vmem>>
        %dma_wait3A_580 = arith.constant 0 : i32
        %dma_wait3A_581 = arith.constant 0 : i32
        %dma_wait3A_582 = tpu.memref_slice %arg12[%dma_wait3A_580, %dma_wait3A_581] : memref<10240x128xf32, #tpu.memory_space<vmem_shared>> -> memref<10240x128xf32, #tpu.memory_space<vmem_shared>>
        tpu.wait_indirect_dma semaphore(%arg19 : memref<!tpu.dma_semaphore, #tpu.memory_space<semaphore_mem>>) src(%arg10 : memref<64x128xf32, #tpu.memory_space<vmem>>) dst(%dma_wait3A_582 : memref<10240x128xf32, #tpu.memory_space<vmem_shared>>)
      } else {
      }
      %add3A_433 = arith.constant 4 : i32
      %add3A_434 = arith.addi %add3A_427, %add3A_433 : i32
      %sub3A_435 = arith.constant 1 : i32
      %sub3A_436 = arith.subi %add3A_434, %sub3A_435 : i32
      %lt3A_437 = arith.constant 80 : i32
      %lt3A_438 = arith.cmpi slt, %sub3A_436, %lt3A_437 : i32
      %convert_element_type3A_439 = arith.extui %lt3A_438 : i1 to i32
      %cond3A_440 = arith.constant 0 : i32
      %cond3A_441 = arith.cmpi ne, %convert_element_type3A_439, %cond3A_440 : i32
      scf.if %cond3A_441 {
        %add3A_536 = arith.constant 4 : i32
        %add3A_537 = arith.addi %add3A_427, %add3A_536 : i32
        %sub3A_538 = arith.constant 1 : i32
        %sub3A_539 = arith.subi %add3A_537, %sub3A_538 : i32
        %jit3A_540 = arith.constant 2 : i32
        %div3A_541 = arith.divsi %sub3A_539, %jit3A_540 : i32
        %sign3A_542 = arith.constant 0 : i32
        %sign3A_543 = arith.cmpi sgt, %sub3A_539, %sign3A_542 : i32
        %sign3A_544 = arith.extui %sign3A_543 : i1 to i32
        %sign3A_545 = arith.constant 0 : i32
        %sign3A_546 = arith.cmpi slt, %sub3A_539, %sign3A_545 : i32
        %sign3A_547 = arith.extui %sign3A_546 : i1 to i32
        %sign3A_548 = arith.subi %sign3A_544, %sign3A_547 : i32
        %sign3A_549 = arith.constant 0 : i32
        %sign3A_550 = arith.cmpi sgt, %jit3A_540, %sign3A_549 : i32
        %sign3A_551 = arith.extui %sign3A_550 : i1 to i32
        %sign3A_552 = arith.constant 0 : i32
        %sign3A_553 = arith.cmpi slt, %jit3A_540, %sign3A_552 : i32
        %sign3A_554 = arith.extui %sign3A_553 : i1 to i32
        %sign3A_555 = arith.subi %sign3A_551, %sign3A_554 : i32
        %ne3A_556 = arith.cmpi ne, %sign3A_548, %sign3A_555 : i32
        %rem3A_557 = arith.remsi %sub3A_539, %jit3A_540 : i32
        %ne3A_558 = arith.constant 0 : i32
        %ne3A_559 = arith.cmpi ne, %rem3A_557, %ne3A_558 : i32
        %and3A_560 = arith.andi %ne3A_556, %ne3A_559 : i1
        %sub3A_561 = arith.constant 1 : i32
        %sub3A_562 = arith.subi %div3A_541, %sub3A_561 : i32
        %select_n3A_563 = arith.select %and3A_560, %sub3A_562, %div3A_541 : i32
        %jit3A_564 = arith.constant 2 : i32
        %eq3A_565 = arith.constant 0 : i32
        %eq3A_566 = arith.cmpi eq, %jit3A_564, %eq3A_565 : i32
        %jit3A_567 = arith.constant 1 : i32
        %select_n3A_568 = arith.select %eq3A_566, %jit3A_567, %jit3A_564 : i32
        %rem3A_569 = arith.remsi %sub3A_539, %select_n3A_568 : i32
        %ne3A_570 = arith.constant 0 : i32
        %ne3A_571 = arith.cmpi ne, %rem3A_569, %ne3A_570 : i32
        %lt3A_572 = arith.constant 0 : i32
        %lt3A_573 = arith.cmpi slt, %rem3A_569, %lt3A_572 : i32
        %lt3A_574 = arith.constant 0 : i32
        %lt3A_575 = arith.cmpi slt, %select_n3A_568, %lt3A_574 : i32
        %ne3A_576 = arith.xori %lt3A_573, %lt3A_575 : i1
        %and3A_577 = arith.andi %ne3A_576, %ne3A_571 : i1
        %add3A_578 = arith.addi %rem3A_569, %select_n3A_568 : i32
        %select_n3A_579 = arith.select %and3A_577, %add3A_578, %rem3A_569 : i32
        %mul3A_580 = arith.constant 64 : i32
        %mul3A_581 = arith.muli %select_n3A_579, %mul3A_580 : i32
        %dma_start3A_582 = tpu.memref_slice %arg6[%select_n3A_563, %mul3A_581] : memref<40x128xi32, #tpu.memory_space<vmem>> -> memref<1x64xi32, #tpu.memory_space<vmem>>
        %dma_start3A_583 = tpu.memref_squeeze %dma_start3A_582 : memref<1x64xi32, #tpu.memory_space<vmem>> -> memref<64xi32, #tpu.memory_space<vmem>>
        %dma_start3A_584 = arith.constant 0 : i32
        %dma_start3A_585 = arith.constant 0 : i32
        %dma_start3A_586 = tpu.memref_slice %arg2[%dma_start3A_584, %dma_start3A_585] : memref<10240x128xf32, #tpu.memory_space<hbm>> -> memref<10240x128xf32, #tpu.memory_space<hbm>>
        tpu.enqueue_indirect_dma source(%dma_start3A_586 : memref<10240x128xf32, #tpu.memory_space<hbm>>) target(%arg10 : memref<64x128xf32, #tpu.memory_space<vmem>>) offsets(%dma_start3A_583 : memref<64xi32, #tpu.memory_space<vmem>>) semaphore(%arg15 : memref<!tpu.dma_semaphore, #tpu.memory_space<semaphore_mem>>)
      } else {
      }
      %jit3A_442 = arith.constant 2 : i32
      %div3A_443 = arith.divsi %add3A_427, %jit3A_442 : i32
      %sign3A_444 = arith.constant 0 : i32
      %sign3A_445 = arith.cmpi sgt, %add3A_427, %sign3A_444 : i32
      %sign3A_446 = arith.extui %sign3A_445 : i1 to i32
      %sign3A_447 = arith.constant 0 : i32
      %sign3A_448 = arith.cmpi slt, %add3A_427, %sign3A_447 : i32
      %sign3A_449 = arith.extui %sign3A_448 : i1 to i32
      %sign3A_450 = arith.subi %sign3A_446, %sign3A_449 : i32
      %sign3A_451 = arith.constant 0 : i32
      %sign3A_452 = arith.cmpi sgt, %jit3A_442, %sign3A_451 : i32
      %sign3A_453 = arith.extui %sign3A_452 : i1 to i32
      %sign3A_454 = arith.constant 0 : i32
      %sign3A_455 = arith.cmpi slt, %jit3A_442, %sign3A_454 : i32
      %sign3A_456 = arith.extui %sign3A_455 : i1 to i32
      %sign3A_457 = arith.subi %sign3A_453, %sign3A_456 : i32
      %ne3A_458 = arith.cmpi ne, %sign3A_450, %sign3A_457 : i32
      %rem3A_459 = arith.remsi %add3A_427, %jit3A_442 : i32
      %ne3A_460 = arith.constant 0 : i32
      %ne3A_461 = arith.cmpi ne, %rem3A_459, %ne3A_460 : i32
      %and3A_462 = arith.andi %ne3A_458, %ne3A_461 : i1
      %sub3A_463 = arith.constant 1 : i32
      %sub3A_464 = arith.subi %div3A_443, %sub3A_463 : i32
      %select_n3A_465 = arith.select %and3A_462, %sub3A_464, %div3A_443 : i32
      %jit3A_466 = arith.constant 2 : i32
      %eq3A_467 = arith.constant 0 : i32
      %eq3A_468 = arith.cmpi eq, %jit3A_466, %eq3A_467 : i32
      %jit3A_469 = arith.constant 1 : i32
      %select_n3A_470 = arith.select %eq3A_468, %jit3A_469, %jit3A_466 : i32
      %rem3A_471 = arith.remsi %add3A_427, %select_n3A_470 : i32
      %ne3A_472 = arith.constant 0 : i32
      %ne3A_473 = arith.cmpi ne, %rem3A_471, %ne3A_472 : i32
      %lt3A_474 = arith.constant 0 : i32
      %lt3A_475 = arith.cmpi slt, %rem3A_471, %lt3A_474 : i32
      %lt3A_476 = arith.constant 0 : i32
      %lt3A_477 = arith.cmpi slt, %select_n3A_470, %lt3A_476 : i32
      %ne3A_478 = arith.xori %lt3A_475, %lt3A_477 : i1
      %and3A_479 = arith.andi %ne3A_478, %ne3A_473 : i1
      %add3A_480 = arith.addi %rem3A_471, %select_n3A_470 : i32
      %select_n3A_481 = arith.select %and3A_479, %add3A_480, %rem3A_471 : i32
      %mul3A_482 = arith.constant 64 : i32
      %mul3A_483 = arith.muli %select_n3A_481, %mul3A_482 : i32
      %dma_wait3A_484 = tpu.memref_slice %arg6[%select_n3A_465, %mul3A_483] : memref<40x128xi32, #tpu.memory_space<vmem>> -> memref<1x64xi32, #tpu.memory_space<vmem>>
      %dma_wait3A_485 = tpu.memref_squeeze %dma_wait3A_484 : memref<1x64xi32, #tpu.memory_space<vmem>> -> memref<64xi32, #tpu.memory_space<vmem>>
      %dma_wait3A_486 = arith.constant 0 : i32
      %dma_wait3A_487 = arith.constant 0 : i32
      %dma_wait3A_488 = tpu.memref_slice %arg2[%dma_wait3A_486, %dma_wait3A_487] : memref<10240x128xf32, #tpu.memory_space<hbm>> -> memref<10240x128xf32, #tpu.memory_space<hbm>>
      tpu.wait_indirect_dma semaphore(%arg16 : memref<!tpu.dma_semaphore, #tpu.memory_space<semaphore_mem>>) src(%dma_wait3A_488 : memref<10240x128xf32, #tpu.memory_space<hbm>>) dst(%arg11 : memref<64x128xf32, #tpu.memory_space<vmem>>)
      %jit3A_489 = arith.constant 2 : i32
      %div3A_490 = arith.divsi %add3A_427, %jit3A_489 : i32
      %sign3A_491 = arith.constant 0 : i32
      %sign3A_492 = arith.cmpi sgt, %add3A_427, %sign3A_491 : i32
      %sign3A_493 = arith.extui %sign3A_492 : i1 to i32
      %sign3A_494 = arith.constant 0 : i32
      %sign3A_495 = arith.cmpi slt, %add3A_427, %sign3A_494 : i32
      %sign3A_496 = arith.extui %sign3A_495 : i1 to i32
      %sign3A_497 = arith.subi %sign3A_493, %sign3A_496 : i32
      %sign3A_498 = arith.constant 0 : i32
      %sign3A_499 = arith.cmpi sgt, %jit3A_489, %sign3A_498 : i32
      %sign3A_500 = arith.extui %sign3A_499 : i1 to i32
      %sign3A_501 = arith.constant 0 : i32
      %sign3A_502 = arith.cmpi slt, %jit3A_489, %sign3A_501 : i32
      %sign3A_503 = arith.extui %sign3A_502 : i1 to i32
      %sign3A_504 = arith.subi %sign3A_500, %sign3A_503 : i32
      %ne3A_505 = arith.cmpi ne, %sign3A_497, %sign3A_504 : i32
      %rem3A_506 = arith.remsi %add3A_427, %jit3A_489 : i32
      %ne3A_507 = arith.constant 0 : i32
      %ne3A_508 = arith.cmpi ne, %rem3A_506, %ne3A_507 : i32
      %and3A_509 = arith.andi %ne3A_505, %ne3A_508 : i1
      %sub3A_510 = arith.constant 1 : i32
      %sub3A_511 = arith.subi %div3A_490, %sub3A_510 : i32
      %select_n3A_512 = arith.select %and3A_509, %sub3A_511, %div3A_490 : i32
      %jit3A_513 = arith.constant 2 : i32
      %eq3A_514 = arith.constant 0 : i32
      %eq3A_515 = arith.cmpi eq, %jit3A_513, %eq3A_514 : i32
      %jit3A_516 = arith.constant 1 : i32
      %select_n3A_517 = arith.select %eq3A_515, %jit3A_516, %jit3A_513 : i32
      %rem3A_518 = arith.remsi %add3A_427, %select_n3A_517 : i32
      %ne3A_519 = arith.constant 0 : i32
      %ne3A_520 = arith.cmpi ne, %rem3A_518, %ne3A_519 : i32
      %lt3A_521 = arith.constant 0 : i32
      %lt3A_522 = arith.cmpi slt, %rem3A_518, %lt3A_521 : i32
      %lt3A_523 = arith.constant 0 : i32
      %lt3A_524 = arith.cmpi slt, %select_n3A_517, %lt3A_523 : i32
      %ne3A_525 = arith.xori %lt3A_522, %lt3A_524 : i1
      %and3A_526 = arith.andi %ne3A_525, %ne3A_520 : i1
      %add3A_527 = arith.addi %rem3A_518, %select_n3A_517 : i32
      %select_n3A_528 = arith.select %and3A_526, %add3A_527, %rem3A_518 : i32
      %mul3A_529 = arith.constant 64 : i32
      %mul3A_530 = arith.muli %select_n3A_528, %mul3A_529 : i32
      %dma_start3A_531 = tpu.memref_slice %arg7[%select_n3A_512, %mul3A_530] : memref<40x128xi32, #tpu.memory_space<vmem>> -> memref<1x64xi32, #tpu.memory_space<vmem>>
      %dma_start3A_532 = tpu.memref_squeeze %dma_start3A_531 : memref<1x64xi32, #tpu.memory_space<vmem>> -> memref<64xi32, #tpu.memory_space<vmem>>
      %dma_start3A_533 = arith.constant 0 : i32
      %dma_start3A_534 = arith.constant 0 : i32
      %dma_start3A_535 = tpu.memref_slice %arg12[%dma_start3A_533, %dma_start3A_534] : memref<10240x128xf32, #tpu.memory_space<vmem_shared>> -> memref<10240x128xf32, #tpu.memory_space<vmem_shared>>
      tpu.enqueue_indirect_dma source(%arg11 : memref<64x128xf32, #tpu.memory_space<vmem>>) target(%dma_start3A_535 : memref<10240x128xf32, #tpu.memory_space<vmem_shared>>) offsets(%dma_start3A_532 : memref<64xi32, #tpu.memory_space<vmem>>) semaphore(%arg20 : memref<!tpu.dma_semaphore, #tpu.memory_space<semaphore_mem>>) {add = true}
    }
    %scan3A_72 = arith.constant 20 : i32
    %dma_wait3A = arith.constant 39 : i32
    %dma_wait3A_73 = arith.constant 64 : i32
    %dma_wait3A_74 = tpu.memref_slice %arg7[%dma_wait3A, %dma_wait3A_73] : memref<40x128xi32, #tpu.memory_space<vmem>> -> memref<1x64xi32, #tpu.memory_space<vmem>>
    %dma_wait3A_75 = tpu.memref_squeeze %dma_wait3A_74 : memref<1x64xi32, #tpu.memory_space<vmem>> -> memref<64xi32, #tpu.memory_space<vmem>>
    %dma_wait3A_76 = arith.constant 0 : i32
    %dma_wait3A_77 = arith.constant 0 : i32
    %dma_wait3A_78 = tpu.memref_slice %arg12[%dma_wait3A_76, %dma_wait3A_77] : memref<10240x128xf32, #tpu.memory_space<vmem_shared>> -> memref<10240x128xf32, #tpu.memory_space<vmem_shared>>
    tpu.wait_indirect_dma semaphore(%arg20 : memref<!tpu.dma_semaphore, #tpu.memory_space<semaphore_mem>>) src(%arg11 : memref<64x128xf32, #tpu.memory_space<vmem>>) dst(%dma_wait3A_78 : memref<10240x128xf32, #tpu.memory_space<vmem_shared>>)
    %barrier3A_79 = arith.constant 0 : index
    tpu.barrier barrier_id(%barrier3A_79)
    %mul3A_80 = arith.constant 640 : i32
    %mul3A_81 = arith.muli %arg1, %mul3A_80 : i32
    %add3A_82 = arith.constant 0 : i32
    %add3A_83 = arith.addi %mul3A_81, %add3A_82 : i32
    "tpu.region"() ({
      %run_scoped3A = tpu.sem_alloc : memref<!tpu.dma_semaphore, #tpu.memory_space<semaphore_mem>>
      %dma_start3A_100 = arith.constant 0 : i32
      %dma_start3A_101 = tpu.memref_slice %arg5[%arg0, %add3A_83, %dma_start3A_100] : memref<2x10240x128xf32, #tpu.memory_space<hbm>> -> memref<1x128x128xf32, #tpu.memory_space<hbm>>
      %dma_start3A_102 = tpu.memref_squeeze %dma_start3A_101 : memref<1x128x128xf32, #tpu.memory_space<hbm>> -> memref<128x128xf32, #tpu.memory_space<hbm>>
      %dma_start3A_103 = arith.constant 0 : i32
      %dma_start3A_104 = tpu.memref_slice %arg12[%add3A_83, %dma_start3A_103] : memref<10240x128xf32, #tpu.memory_space<vmem_shared>> -> memref<128x128xf32, #tpu.memory_space<vmem_shared>>
      tpu.enqueue_dma source(%dma_start3A_104 : memref<128x128xf32, #tpu.memory_space<vmem_shared>>) target(%dma_start3A_102 : memref<128x128xf32, #tpu.memory_space<hbm>>) target_semaphore(%run_scoped3A : memref<!tpu.dma_semaphore, #tpu.memory_space<semaphore_mem>>)
      %dma_wait3A_105 = arith.constant 0 : i32
      %dma_wait3A_106 = tpu.memref_slice %arg5[%arg0, %add3A_83, %dma_wait3A_105] : memref<2x10240x128xf32, #tpu.memory_space<hbm>> -> memref<1x128x128xf32, #tpu.memory_space<hbm>>
      %dma_wait3A_107 = tpu.memref_squeeze %dma_wait3A_106 : memref<1x128x128xf32, #tpu.memory_space<hbm>> -> memref<128x128xf32, #tpu.memory_space<hbm>>
      %dma_wait3A_108 = arith.constant 0 : i32
      %dma_wait3A_109 = tpu.memref_slice %arg12[%add3A_83, %dma_wait3A_108] : memref<10240x128xf32, #tpu.memory_space<vmem_shared>> -> memref<128x128xf32, #tpu.memory_space<vmem_shared>>
      tpu.wait_dma2 semaphore(%run_scoped3A : memref<!tpu.dma_semaphore, #tpu.memory_space<semaphore_mem>>) src(%dma_wait3A_109 : memref<128x128xf32, #tpu.memory_space<vmem_shared>>) dst(%dma_wait3A_107 : memref<128x128xf32, #tpu.memory_space<hbm>>)
      tpu.yield
    }) : () -> ()
    %mul3A_84 = arith.constant 640 : i32
    %mul3A_85 = arith.muli %arg1, %mul3A_84 : i32
    %add3A_86 = arith.constant 128 : i32
    %add3A_87 = arith.addi %mul3A_85, %add3A_86 : i32
    "tpu.region"() ({
      %run_scoped3A = tpu.sem_alloc : memref<!tpu.dma_semaphore, #tpu.memory_space<semaphore_mem>>
      %dma_start3A_100 = arith.constant 0 : i32
      %dma_start3A_101 = tpu.memref_slice %arg5[%arg0, %add3A_87, %dma_start3A_100] : memref<2x10240x128xf32, #tpu.memory_space<hbm>> -> memref<1x128x128xf32, #tpu.memory_space<hbm>>
      %dma_start3A_102 = tpu.memref_squeeze %dma_start3A_101 : memref<1x128x128xf32, #tpu.memory_space<hbm>> -> memref<128x128xf32, #tpu.memory_space<hbm>>
      %dma_start3A_103 = arith.constant 0 : i32
      %dma_start3A_104 = tpu.memref_slice %arg12[%add3A_87, %dma_start3A_103] : memref<10240x128xf32, #tpu.memory_space<vmem_shared>> -> memref<128x128xf32, #tpu.memory_space<vmem_shared>>
      tpu.enqueue_dma source(%dma_start3A_104 : memref<128x128xf32, #tpu.memory_space<vmem_shared>>) target(%dma_start3A_102 : memref<128x128xf32, #tpu.memory_space<hbm>>) target_semaphore(%run_scoped3A : memref<!tpu.dma_semaphore, #tpu.memory_space<semaphore_mem>>)
      %dma_wait3A_105 = arith.constant 0 : i32
      %dma_wait3A_106 = tpu.memref_slice %arg5[%arg0, %add3A_87, %dma_wait3A_105] : memref<2x10240x128xf32, #tpu.memory_space<hbm>> -> memref<1x128x128xf32, #tpu.memory_space<hbm>>
      %dma_wait3A_107 = tpu.memref_squeeze %dma_wait3A_106 : memref<1x128x128xf32, #tpu.memory_space<hbm>> -> memref<128x128xf32, #tpu.memory_space<hbm>>
      %dma_wait3A_108 = arith.constant 0 : i32
      %dma_wait3A_109 = tpu.memref_slice %arg12[%add3A_87, %dma_wait3A_108] : memref<10240x128xf32, #tpu.memory_space<vmem_shared>> -> memref<128x128xf32, #tpu.memory_space<vmem_shared>>
      tpu.wait_dma2 semaphore(%run_scoped3A : memref<!tpu.dma_semaphore, #tpu.memory_space<semaphore_mem>>) src(%dma_wait3A_109 : memref<128x128xf32, #tpu.memory_space<vmem_shared>>) dst(%dma_wait3A_107 : memref<128x128xf32, #tpu.memory_space<hbm>>)
      tpu.yield
    }) : () -> ()
    %mul3A_88 = arith.constant 640 : i32
    %mul3A_89 = arith.muli %arg1, %mul3A_88 : i32
    %add3A_90 = arith.constant 256 : i32
    %add3A_91 = arith.addi %mul3A_89, %add3A_90 : i32
    "tpu.region"() ({
      %run_scoped3A = tpu.sem_alloc : memref<!tpu.dma_semaphore, #tpu.memory_space<semaphore_mem>>
      %dma_start3A_100 = arith.constant 0 : i32
      %dma_start3A_101 = tpu.memref_slice %arg5[%arg0, %add3A_91, %dma_start3A_100] : memref<2x10240x128xf32, #tpu.memory_space<hbm>> -> memref<1x128x128xf32, #tpu.memory_space<hbm>>
      %dma_start3A_102 = tpu.memref_squeeze %dma_start3A_101 : memref<1x128x128xf32, #tpu.memory_space<hbm>> -> memref<128x128xf32, #tpu.memory_space<hbm>>
      %dma_start3A_103 = arith.constant 0 : i32
      %dma_start3A_104 = tpu.memref_slice %arg12[%add3A_91, %dma_start3A_103] : memref<10240x128xf32, #tpu.memory_space<vmem_shared>> -> memref<128x128xf32, #tpu.memory_space<vmem_shared>>
      tpu.enqueue_dma source(%dma_start3A_104 : memref<128x128xf32, #tpu.memory_space<vmem_shared>>) target(%dma_start3A_102 : memref<128x128xf32, #tpu.memory_space<hbm>>) target_semaphore(%run_scoped3A : memref<!tpu.dma_semaphore, #tpu.memory_space<semaphore_mem>>)
      %dma_wait3A_105 = arith.constant 0 : i32
      %dma_wait3A_106 = tpu.memref_slice %arg5[%arg0, %add3A_91, %dma_wait3A_105] : memref<2x10240x128xf32, #tpu.memory_space<hbm>> -> memref<1x128x128xf32, #tpu.memory_space<hbm>>
      %dma_wait3A_107 = tpu.memref_squeeze %dma_wait3A_106 : memref<1x128x128xf32, #tpu.memory_space<hbm>> -> memref<128x128xf32, #tpu.memory_space<hbm>>
      %dma_wait3A_108 = arith.constant 0 : i32
      %dma_wait3A_109 = tpu.memref_slice %arg12[%add3A_91, %dma_wait3A_108] : memref<10240x128xf32, #tpu.memory_space<vmem_shared>> -> memref<128x128xf32, #tpu.memory_space<vmem_shared>>
      tpu.wait_dma2 semaphore(%run_scoped3A : memref<!tpu.dma_semaphore, #tpu.memory_space<semaphore_mem>>) src(%dma_wait3A_109 : memref<128x128xf32, #tpu.memory_space<vmem_shared>>) dst(%dma_wait3A_107 : memref<128x128xf32, #tpu.memory_space<hbm>>)
      tpu.yield
    }) : () -> ()
    %mul3A_92 = arith.constant 640 : i32
    %mul3A_93 = arith.muli %arg1, %mul3A_92 : i32
    %add3A_94 = arith.constant 384 : i32
    %add3A_95 = arith.addi %mul3A_93, %add3A_94 : i32
    "tpu.region"() ({
      %run_scoped3A = tpu.sem_alloc : memref<!tpu.dma_semaphore, #tpu.memory_space<semaphore_mem>>
      %dma_start3A_100 = arith.constant 0 : i32
      %dma_start3A_101 = tpu.memref_slice %arg5[%arg0, %add3A_95, %dma_start3A_100] : memref<2x10240x128xf32, #tpu.memory_space<hbm>> -> memref<1x128x128xf32, #tpu.memory_space<hbm>>
      %dma_start3A_102 = tpu.memref_squeeze %dma_start3A_101 : memref<1x128x128xf32, #tpu.memory_space<hbm>> -> memref<128x128xf32, #tpu.memory_space<hbm>>
      %dma_start3A_103 = arith.constant 0 : i32
      %dma_start3A_104 = tpu.memref_slice %arg12[%add3A_95, %dma_start3A_103] : memref<10240x128xf32, #tpu.memory_space<vmem_shared>> -> memref<128x128xf32, #tpu.memory_space<vmem_shared>>
      tpu.enqueue_dma source(%dma_start3A_104 : memref<128x128xf32, #tpu.memory_space<vmem_shared>>) target(%dma_start3A_102 : memref<128x128xf32, #tpu.memory_space<hbm>>) target_semaphore(%run_scoped3A : memref<!tpu.dma_semaphore, #tpu.memory_space<semaphore_mem>>)
      %dma_wait3A_105 = arith.constant 0 : i32
      %dma_wait3A_106 = tpu.memref_slice %arg5[%arg0, %add3A_95, %dma_wait3A_105] : memref<2x10240x128xf32, #tpu.memory_space<hbm>> -> memref<1x128x128xf32, #tpu.memory_space<hbm>>
      %dma_wait3A_107 = tpu.memref_squeeze %dma_wait3A_106 : memref<1x128x128xf32, #tpu.memory_space<hbm>> -> memref<128x128xf32, #tpu.memory_space<hbm>>
      %dma_wait3A_108 = arith.constant 0 : i32
      %dma_wait3A_109 = tpu.memref_slice %arg12[%add3A_95, %dma_wait3A_108] : memref<10240x128xf32, #tpu.memory_space<vmem_shared>> -> memref<128x128xf32, #tpu.memory_space<vmem_shared>>
      tpu.wait_dma2 semaphore(%run_scoped3A : memref<!tpu.dma_semaphore, #tpu.memory_space<semaphore_mem>>) src(%dma_wait3A_109 : memref<128x128xf32, #tpu.memory_space<vmem_shared>>) dst(%dma_wait3A_107 : memref<128x128xf32, #tpu.memory_space<hbm>>)
      tpu.yield
    }) : () -> ()
    %mul3A_96 = arith.constant 640 : i32
    %mul3A_97 = arith.muli %arg1, %mul3A_96 : i32
    %add3A_98 = arith.constant 512 : i32
    %add3A_99 = arith.addi %mul3A_97, %add3A_98 : i32
    "tpu.region"() ({
      %run_scoped3A = tpu.sem_alloc : memref<!tpu.dma_semaphore, #tpu.memory_space<semaphore_mem>>
      %dma_start3A_100 = arith.constant 0 : i32
      %dma_start3A_101 = tpu.memref_slice %arg5[%arg0, %add3A_99, %dma_start3A_100] : memref<2x10240x128xf32, #tpu.memory_space<hbm>> -> memref<1x128x128xf32, #tpu.memory_space<hbm>>
      %dma_start3A_102 = tpu.memref_squeeze %dma_start3A_101 : memref<1x128x128xf32, #tpu.memory_space<hbm>> -> memref<128x128xf32, #tpu.memory_space<hbm>>
      %dma_start3A_103 = arith.constant 0 : i32
      %dma_start3A_104 = tpu.memref_slice %arg12[%add3A_99, %dma_start3A_103] : memref<10240x128xf32, #tpu.memory_space<vmem_shared>> -> memref<128x128xf32, #tpu.memory_space<vmem_shared>>
      tpu.enqueue_dma source(%dma_start3A_104 : memref<128x128xf32, #tpu.memory_space<vmem_shared>>) target(%dma_start3A_102 : memref<128x128xf32, #tpu.memory_space<hbm>>) target_semaphore(%run_scoped3A : memref<!tpu.dma_semaphore, #tpu.memory_space<semaphore_mem>>)
      %dma_wait3A_105 = arith.constant 0 : i32
      %dma_wait3A_106 = tpu.memref_slice %arg5[%arg0, %add3A_99, %dma_wait3A_105] : memref<2x10240x128xf32, #tpu.memory_space<hbm>> -> memref<1x128x128xf32, #tpu.memory_space<hbm>>
      %dma_wait3A_107 = tpu.memref_squeeze %dma_wait3A_106 : memref<1x128x128xf32, #tpu.memory_space<hbm>> -> memref<128x128xf32, #tpu.memory_space<hbm>>
      %dma_wait3A_108 = arith.constant 0 : i32
      %dma_wait3A_109 = tpu.memref_slice %arg12[%add3A_99, %dma_wait3A_108] : memref<10240x128xf32, #tpu.memory_space<vmem_shared>> -> memref<128x128xf32, #tpu.memory_space<vmem_shared>>
      tpu.wait_dma2 semaphore(%run_scoped3A : memref<!tpu.dma_semaphore, #tpu.memory_space<semaphore_mem>>) src(%dma_wait3A_109 : memref<128x128xf32, #tpu.memory_space<vmem_shared>>) dst(%dma_wait3A_107 : memref<128x128xf32, #tpu.memory_space<hbm>>)
      tpu.yield
    }) : () -> ()
    return
  }
}

#map = affine_map<(d0, d1) -> (0, 0)>
#map1 = affine_map<(d0, d1) -> (0, 0, 0)>
module attributes {stable_mosaic.version = 14 : i64} {
  func.func @_sc_aggregate(%arg0: i32, %arg1: i32, %arg2: memref<10240x128xf32, #tpu.memory_space<hbm>>, %arg3: memref<32x40x128xi32, #tpu.memory_space<hbm>>, %arg4: memref<32x40x128xi32, #tpu.memory_space<hbm>>, %arg5: memref<2x10240x128xf32, #tpu.memory_space<hbm>>, %arg6: memref<40x128xi32, #tpu.memory_space<vmem>>, %arg7: memref<40x128xi32, #tpu.memory_space<vmem>>, %arg8: memref<64x128xf32, #tpu.memory_space<vmem>>, %arg9: memref<64x128xf32, #tpu.memory_space<vmem>>, %arg10: memref<64x128xf32, #tpu.memory_space<vmem>>, %arg11: memref<64x128xf32, #tpu.memory_space<vmem>>, %arg12: memref<10240x128xf32, #tpu.memory_space<vmem_shared>>, %arg13: memref<!tpu.dma_semaphore, #tpu.memory_space<semaphore_mem>>, %arg14: memref<!tpu.dma_semaphore, #tpu.memory_space<semaphore_mem>>, %arg15: memref<!tpu.dma_semaphore, #tpu.memory_space<semaphore_mem>>, %arg16: memref<!tpu.dma_semaphore, #tpu.memory_space<semaphore_mem>>, %arg17: memref<!tpu.dma_semaphore, #tpu.memory_space<semaphore_mem>>, %arg18: memref<!tpu.dma_semaphore, #tpu.memory_space<semaphore_mem>>, %arg19: memref<!tpu.dma_semaphore, #tpu.memory_space<semaphore_mem>>, %arg20: memref<!tpu.dma_semaphore, #tpu.memory_space<semaphore_mem>>) attributes {dimension_semantics = [#tpu.dimension_semantics<core_parallel>, #tpu.dimension_semantics<subcore_parallel>], iteration_bounds = array<i64: 2, 16>, scalar_prefetch = 0 : i64, scratch_operands = 15 : i64, tpu.core_type = #tpu.core_type<sc_vector_subcore>, window_params = [{transform_indices = #map}, {transform_indices = #map1}, {transform_indices = #map1}, {transform_indices = #map1}]} {
    %mul3A = arith.constant 2 : i32
    %mul3A_0 = arith.muli %arg1, %mul3A : i32
    %add3A = arith.addi %mul3A_0, %arg0 : i32
    %broadcast_in_dim3A = arith.constant 0.000000e+00 : f32
    %broadcast_in_dim3A_1 = vector.broadcast %broadcast_in_dim3A : f32 to vector<16xf32>
    %scan3A = arith.constant 0 : i32
    %scan3A_2 = arith.constant 0 : i32
    %scan3A_3 = arith.constant 64 : i32
    %scan3A_4 = arith.addi %scan3A_2, %scan3A_3 : i32
    %scan3A_5 = arith.constant 1 : i32
    scf.for %scan3A_100 = %scan3A_2 to %scan3A_4 step %scan3A_5  : i32 {
      %swap3A = arith.index_cast %scan3A_100 : i32 to index
      %swap3A_101 = arith.constant 0 : index
      %swap3A_102 = tpu.vector_load %arg8[%swap3A, %swap3A_101] {strides = array<i32>} : memref<64x128xf32, #tpu.memory_space<vmem>>, vector<1x16xf32>,
      %swap3A_103 = vector.shape_cast %swap3A_102 : vector<1x16xf32> to vector<16xf32>
      %swap3A_104 = vector.shape_cast %broadcast_in_dim3A_1 : vector<16xf32> to vector<1x16xf32>
      tpu.vector_store %arg8[%swap3A, %swap3A_101], %swap3A_104 {strides = array<i32>} : memref<64x128xf32, #tpu.memory_space<vmem>>, vector<1x16xf32>,
      %swap3A_105 = arith.index_cast %scan3A_100 : i32 to index
      %swap3A_106 = arith.constant 16 : index
      %swap3A_107 = tpu.vector_load %arg8[%swap3A_105, %swap3A_106] {strides = array<i32>} : memref<64x128xf32, #tpu.memory_space<vmem>>, vector<1x16xf32>,
      %swap3A_108 = vector.shape_cast %swap3A_107 : vector<1x16xf32> to vector<16xf32>
      %swap3A_109 = vector.shape_cast %broadcast_in_dim3A_1 : vector<16xf32> to vector<1x16xf32>
      tpu.vector_store %arg8[%swap3A_105, %swap3A_106], %swap3A_109 {strides = array<i32>} : memref<64x128xf32, #tpu.memory_space<vmem>>, vector<1x16xf32>,
      %swap3A_110 = arith.index_cast %scan3A_100 : i32 to index
      %swap3A_111 = arith.constant 32 : index
      %swap3A_112 = tpu.vector_load %arg8[%swap3A_110, %swap3A_111] {strides = array<i32>} : memref<64x128xf32, #tpu.memory_space<vmem>>, vector<1x16xf32>,
      %swap3A_113 = vector.shape_cast %swap3A_112 : vector<1x16xf32> to vector<16xf32>
      %swap3A_114 = vector.shape_cast %broadcast_in_dim3A_1 : vector<16xf32> to vector<1x16xf32>
      tpu.vector_store %arg8[%swap3A_110, %swap3A_111], %swap3A_114 {strides = array<i32>} : memref<64x128xf32, #tpu.memory_space<vmem>>, vector<1x16xf32>,
      %swap3A_115 = arith.index_cast %scan3A_100 : i32 to index
      %swap3A_116 = arith.constant 48 : index
      %swap3A_117 = tpu.vector_load %arg8[%swap3A_115, %swap3A_116] {strides = array<i32>} : memref<64x128xf32, #tpu.memory_space<vmem>>, vector<1x16xf32>,
      %swap3A_118 = vector.shape_cast %swap3A_117 : vector<1x16xf32> to vector<16xf32>
      %swap3A_119 = vector.shape_cast %broadcast_in_dim3A_1 : vector<16xf32> to vector<1x16xf32>
      tpu.vector_store %arg8[%swap3A_115, %swap3A_116], %swap3A_119 {strides = array<i32>} : memref<64x128xf32, #tpu.memory_space<vmem>>, vector<1x16xf32>,
      %swap3A_120 = arith.index_cast %scan3A_100 : i32 to index
      %swap3A_121 = arith.constant 64 : index
      %swap3A_122 = tpu.vector_load %arg8[%swap3A_120, %swap3A_121] {strides = array<i32>} : memref<64x128xf32, #tpu.memory_space<vmem>>, vector<1x16xf32>,
      %swap3A_123 = vector.shape_cast %swap3A_122 : vector<1x16xf32> to vector<16xf32>
      %swap3A_124 = vector.shape_cast %broadcast_in_dim3A_1 : vector<16xf32> to vector<1x16xf32>
      tpu.vector_store %arg8[%swap3A_120, %swap3A_121], %swap3A_124 {strides = array<i32>} : memref<64x128xf32, #tpu.memory_space<vmem>>, vector<1x16xf32>,
      %swap3A_125 = arith.index_cast %scan3A_100 : i32 to index
      %swap3A_126 = arith.constant 80 : index
      %swap3A_127 = tpu.vector_load %arg8[%swap3A_125, %swap3A_126] {strides = array<i32>} : memref<64x128xf32, #tpu.memory_space<vmem>>, vector<1x16xf32>,
      %swap3A_128 = vector.shape_cast %swap3A_127 : vector<1x16xf32> to vector<16xf32>
      %swap3A_129 = vector.shape_cast %broadcast_in_dim3A_1 : vector<16xf32> to vector<1x16xf32>
      tpu.vector_store %arg8[%swap3A_125, %swap3A_126], %swap3A_129 {strides = array<i32>} : memref<64x128xf32, #tpu.memory_space<vmem>>, vector<1x16xf32>,
      %swap3A_130 = arith.index_cast %scan3A_100 : i32 to index
      %swap3A_131 = arith.constant 96 : index
      %swap3A_132 = tpu.vector_load %arg8[%swap3A_130, %swap3A_131] {strides = array<i32>} : memref<64x128xf32, #tpu.memory_space<vmem>>, vector<1x16xf32>,
      %swap3A_133 = vector.shape_cast %swap3A_132 : vector<1x16xf32> to vector<16xf32>
      %swap3A_134 = vector.shape_cast %broadcast_in_dim3A_1 : vector<16xf32> to vector<1x16xf32>
      tpu.vector_store %arg8[%swap3A_130, %swap3A_131], %swap3A_134 {strides = array<i32>} : memref<64x128xf32, #tpu.memory_space<vmem>>, vector<1x16xf32>,
      %swap3A_135 = arith.index_cast %scan3A_100 : i32 to index
      %swap3A_136 = arith.constant 112 : index
      %swap3A_137 = tpu.vector_load %arg8[%swap3A_135, %swap3A_136] {strides = array<i32>} : memref<64x128xf32, #tpu.memory_space<vmem>>, vector<1x16xf32>,
      %swap3A_138 = vector.shape_cast %swap3A_137 : vector<1x16xf32> to vector<16xf32>
      %swap3A_139 = vector.shape_cast %broadcast_in_dim3A_1 : vector<16xf32> to vector<1x16xf32>
      tpu.vector_store %arg8[%swap3A_135, %swap3A_136], %swap3A_139 {strides = array<i32>} : memref<64x128xf32, #tpu.memory_space<vmem>>, vector<1x16xf32>,
    }
    %scan3A_6 = arith.constant 64 : i32
    %mul3A_7 = arith.constant 640 : i32
    %mul3A_8 = arith.muli %arg1, %mul3A_7 : i32
    %add3A_9 = arith.constant 0 : i32
    %add3A_10 = arith.addi %mul3A_8, %add3A_9 : i32
    "tpu.region"() ({
      %run_scoped3A = tpu.sem_alloc : memref<!tpu.dma_semaphore, #tpu.memory_space<semaphore_mem>>
      %dma_start3A_100 = arith.constant 0 : i32
      %dma_start3A_101 = tpu.memref_slice %arg12[%add3A_10, %dma_start3A_100] : memref<10240x128xf32, #tpu.memory_space<vmem_shared>> -> memref<64x128xf32, #tpu.memory_space<vmem_shared>>
      %dma_start3A_102 = arith.constant 0 : i32
      %dma_start3A_103 = tpu.memref_slice %arg12[%add3A_10, %dma_start3A_102] : memref<10240x128xf32, #tpu.memory_space<vmem_shared>> -> memref<64x128xf32, #tpu.memory_space<vmem_shared>>
      tpu.enqueue_dma source(%arg8 : memref<64x128xf32, #tpu.memory_space<vmem>>) target(%dma_start3A_103 : memref<64x128xf32, #tpu.memory_space<vmem_shared>>) target_semaphore(%run_scoped3A : memref<!tpu.dma_semaphore, #tpu.memory_space<semaphore_mem>>)
      %dma_wait3A_104 = arith.constant 0 : i32
      %dma_wait3A_105 = tpu.memref_slice %arg12[%add3A_10, %dma_wait3A_104] : memref<10240x128xf32, #tpu.memory_space<vmem_shared>> -> memref<64x128xf32, #tpu.memory_space<vmem_shared>>
      %dma_wait3A_106 = arith.constant 0 : i32
      %dma_wait3A_107 = tpu.memref_slice %arg12[%add3A_10, %dma_wait3A_106] : memref<10240x128xf32, #tpu.memory_space<vmem_shared>> -> memref<64x128xf32, #tpu.memory_space<vmem_shared>>
      tpu.wait_dma2 semaphore(%run_scoped3A : memref<!tpu.dma_semaphore, #tpu.memory_space<semaphore_mem>>) src(%arg8 : memref<64x128xf32, #tpu.memory_space<vmem>>) dst(%dma_wait3A_107 : memref<64x128xf32, #tpu.memory_space<vmem_shared>>)
      tpu.yield
    }) : () -> ()
    %mul3A_11 = arith.constant 640 : i32
    %mul3A_12 = arith.muli %arg1, %mul3A_11 : i32
    %add3A_13 = arith.constant 64 : i32
    %add3A_14 = arith.addi %mul3A_12, %add3A_13 : i32
    "tpu.region"() ({
      %run_scoped3A = tpu.sem_alloc : memref<!tpu.dma_semaphore, #tpu.memory_space<semaphore_mem>>
      %dma_start3A_100 = arith.constant 0 : i32
      %dma_start3A_101 = tpu.memref_slice %arg12[%add3A_14, %dma_start3A_100] : memref<10240x128xf32, #tpu.memory_space<vmem_shared>> -> memref<64x128xf32, #tpu.memory_space<vmem_shared>>
      %dma_start3A_102 = arith.constant 0 : i32
      %dma_start3A_103 = tpu.memref_slice %arg12[%add3A_14, %dma_start3A_102] : memref<10240x128xf32, #tpu.memory_space<vmem_shared>> -> memref<64x128xf32, #tpu.memory_space<vmem_shared>>
      tpu.enqueue_dma source(%arg8 : memref<64x128xf32, #tpu.memory_space<vmem>>) target(%dma_start3A_103 : memref<64x128xf32, #tpu.memory_space<vmem_shared>>) target_semaphore(%run_scoped3A : memref<!tpu.dma_semaphore, #tpu.memory_space<semaphore_mem>>)
      %dma_wait3A_104 = arith.constant 0 : i32
      %dma_wait3A_105 = tpu.memref_slice %arg12[%add3A_14, %dma_wait3A_104] : memref<10240x128xf32, #tpu.memory_space<vmem_shared>> -> memref<64x128xf32, #tpu.memory_space<vmem_shared>>
      %dma_wait3A_106 = arith.constant 0 : i32
      %dma_wait3A_107 = tpu.memref_slice %arg12[%add3A_14, %dma_wait3A_106] : memref<10240x128xf32, #tpu.memory_space<vmem_shared>> -> memref<64x128xf32, #tpu.memory_space<vmem_shared>>
      tpu.wait_dma2 semaphore(%run_scoped3A : memref<!tpu.dma_semaphore, #tpu.memory_space<semaphore_mem>>) src(%arg8 : memref<64x128xf32, #tpu.memory_space<vmem>>) dst(%dma_wait3A_107 : memref<64x128xf32, #tpu.memory_space<vmem_shared>>)
      tpu.yield
    }) : () -> ()
    %mul3A_15 = arith.constant 640 : i32
    %mul3A_16 = arith.muli %arg1, %mul3A_15 : i32
    %add3A_17 = arith.constant 128 : i32
    %add3A_18 = arith.addi %mul3A_16, %add3A_17 : i32
    "tpu.region"() ({
      %run_scoped3A = tpu.sem_alloc : memref<!tpu.dma_semaphore, #tpu.memory_space<semaphore_mem>>
      %dma_start3A_100 = arith.constant 0 : i32
      %dma_start3A_101 = tpu.memref_slice %arg12[%add3A_18, %dma_start3A_100] : memref<10240x128xf32, #tpu.memory_space<vmem_shared>> -> memref<64x128xf32, #tpu.memory_space<vmem_shared>>
      %dma_start3A_102 = arith.constant 0 : i32
      %dma_start3A_103 = tpu.memref_slice %arg12[%add3A_18, %dma_start3A_102] : memref<10240x128xf32, #tpu.memory_space<vmem_shared>> -> memref<64x128xf32, #tpu.memory_space<vmem_shared>>
      tpu.enqueue_dma source(%arg8 : memref<64x128xf32, #tpu.memory_space<vmem>>) target(%dma_start3A_103 : memref<64x128xf32, #tpu.memory_space<vmem_shared>>) target_semaphore(%run_scoped3A : memref<!tpu.dma_semaphore, #tpu.memory_space<semaphore_mem>>)
      %dma_wait3A_104 = arith.constant 0 : i32
      %dma_wait3A_105 = tpu.memref_slice %arg12[%add3A_18, %dma_wait3A_104] : memref<10240x128xf32, #tpu.memory_space<vmem_shared>> -> memref<64x128xf32, #tpu.memory_space<vmem_shared>>
      %dma_wait3A_106 = arith.constant 0 : i32
      %dma_wait3A_107 = tpu.memref_slice %arg12[%add3A_18, %dma_wait3A_106] : memref<10240x128xf32, #tpu.memory_space<vmem_shared>> -> memref<64x128xf32, #tpu.memory_space<vmem_shared>>
      tpu.wait_dma2 semaphore(%run_scoped3A : memref<!tpu.dma_semaphore, #tpu.memory_space<semaphore_mem>>) src(%arg8 : memref<64x128xf32, #tpu.memory_space<vmem>>) dst(%dma_wait3A_107 : memref<64x128xf32, #tpu.memory_space<vmem_shared>>)
      tpu.yield
    }) : () -> ()
    %mul3A_19 = arith.constant 640 : i32
    %mul3A_20 = arith.muli %arg1, %mul3A_19 : i32
    %add3A_21 = arith.constant 192 : i32
    %add3A_22 = arith.addi %mul3A_20, %add3A_21 : i32
    "tpu.region"() ({
      %run_scoped3A = tpu.sem_alloc : memref<!tpu.dma_semaphore, #tpu.memory_space<semaphore_mem>>
      %dma_start3A_100 = arith.constant 0 : i32
      %dma_start3A_101 = tpu.memref_slice %arg12[%add3A_22, %dma_start3A_100] : memref<10240x128xf32, #tpu.memory_space<vmem_shared>> -> memref<64x128xf32, #tpu.memory_space<vmem_shared>>
      %dma_start3A_102 = arith.constant 0 : i32
      %dma_start3A_103 = tpu.memref_slice %arg12[%add3A_22, %dma_start3A_102] : memref<10240x128xf32, #tpu.memory_space<vmem_shared>> -> memref<64x128xf32, #tpu.memory_space<vmem_shared>>
      tpu.enqueue_dma source(%arg8 : memref<64x128xf32, #tpu.memory_space<vmem>>) target(%dma_start3A_103 : memref<64x128xf32, #tpu.memory_space<vmem_shared>>) target_semaphore(%run_scoped3A : memref<!tpu.dma_semaphore, #tpu.memory_space<semaphore_mem>>)
      %dma_wait3A_104 = arith.constant 0 : i32
      %dma_wait3A_105 = tpu.memref_slice %arg12[%add3A_22, %dma_wait3A_104] : memref<10240x128xf32, #tpu.memory_space<vmem_shared>> -> memref<64x128xf32, #tpu.memory_space<vmem_shared>>
      %dma_wait3A_106 = arith.constant 0 : i32
      %dma_wait3A_107 = tpu.memref_slice %arg12[%add3A_22, %dma_wait3A_106] : memref<10240x128xf32, #tpu.memory_space<vmem_shared>> -> memref<64x128xf32, #tpu.memory_space<vmem_shared>>
      tpu.wait_dma2 semaphore(%run_scoped3A : memref<!tpu.dma_semaphore, #tpu.memory_space<semaphore_mem>>) src(%arg8 : memref<64x128xf32, #tpu.memory_space<vmem>>) dst(%dma_wait3A_107 : memref<64x128xf32, #tpu.memory_space<vmem_shared>>)
      tpu.yield
    }) : () -> ()
    %mul3A_23 = arith.constant 640 : i32
    %mul3A_24 = arith.muli %arg1, %mul3A_23 : i32
    %add3A_25 = arith.constant 256 : i32
    %add3A_26 = arith.addi %mul3A_24, %add3A_25 : i32
    "tpu.region"() ({
      %run_scoped3A = tpu.sem_alloc : memref<!tpu.dma_semaphore, #tpu.memory_space<semaphore_mem>>
      %dma_start3A_100 = arith.constant 0 : i32
      %dma_start3A_101 = tpu.memref_slice %arg12[%add3A_26, %dma_start3A_100] : memref<10240x128xf32, #tpu.memory_space<vmem_shared>> -> memref<64x128xf32, #tpu.memory_space<vmem_shared>>
      %dma_start3A_102 = arith.constant 0 : i32
      %dma_start3A_103 = tpu.memref_slice %arg12[%add3A_26, %dma_start3A_102] : memref<10240x128xf32, #tpu.memory_space<vmem_shared>> -> memref<64x128xf32, #tpu.memory_space<vmem_shared>>
      tpu.enqueue_dma source(%arg8 : memref<64x128xf32, #tpu.memory_space<vmem>>) target(%dma_start3A_103 : memref<64x128xf32, #tpu.memory_space<vmem_shared>>) target_semaphore(%run_scoped3A : memref<!tpu.dma_semaphore, #tpu.memory_space<semaphore_mem>>)
      %dma_wait3A_104 = arith.constant 0 : i32
      %dma_wait3A_105 = tpu.memref_slice %arg12[%add3A_26, %dma_wait3A_104] : memref<10240x128xf32, #tpu.memory_space<vmem_shared>> -> memref<64x128xf32, #tpu.memory_space<vmem_shared>>
      %dma_wait3A_106 = arith.constant 0 : i32
      %dma_wait3A_107 = tpu.memref_slice %arg12[%add3A_26, %dma_wait3A_106] : memref<10240x128xf32, #tpu.memory_space<vmem_shared>> -> memref<64x128xf32, #tpu.memory_space<vmem_shared>>
      tpu.wait_dma2 semaphore(%run_scoped3A : memref<!tpu.dma_semaphore, #tpu.memory_space<semaphore_mem>>) src(%arg8 : memref<64x128xf32, #tpu.memory_space<vmem>>) dst(%dma_wait3A_107 : memref<64x128xf32, #tpu.memory_space<vmem_shared>>)
      tpu.yield
    }) : () -> ()
    %mul3A_27 = arith.constant 640 : i32
    %mul3A_28 = arith.muli %arg1, %mul3A_27 : i32
    %add3A_29 = arith.constant 320 : i32
    %add3A_30 = arith.addi %mul3A_28, %add3A_29 : i32
    "tpu.region"() ({
      %run_scoped3A = tpu.sem_alloc : memref<!tpu.dma_semaphore, #tpu.memory_space<semaphore_mem>>
      %dma_start3A_100 = arith.constant 0 : i32
      %dma_start3A_101 = tpu.memref_slice %arg12[%add3A_30, %dma_start3A_100] : memref<10240x128xf32, #tpu.memory_space<vmem_shared>> -> memref<64x128xf32, #tpu.memory_space<vmem_shared>>
      %dma_start3A_102 = arith.constant 0 : i32
      %dma_start3A_103 = tpu.memref_slice %arg12[%add3A_30, %dma_start3A_102] : memref<10240x128xf32, #tpu.memory_space<vmem_shared>> -> memref<64x128xf32, #tpu.memory_space<vmem_shared>>
      tpu.enqueue_dma source(%arg8 : memref<64x128xf32, #tpu.memory_space<vmem>>) target(%dma_start3A_103 : memref<64x128xf32, #tpu.memory_space<vmem_shared>>) target_semaphore(%run_scoped3A : memref<!tpu.dma_semaphore, #tpu.memory_space<semaphore_mem>>)
      %dma_wait3A_104 = arith.constant 0 : i32
      %dma_wait3A_105 = tpu.memref_slice %arg12[%add3A_30, %dma_wait3A_104] : memref<10240x128xf32, #tpu.memory_space<vmem_shared>> -> memref<64x128xf32, #tpu.memory_space<vmem_shared>>
      %dma_wait3A_106 = arith.constant 0 : i32
      %dma_wait3A_107 = tpu.memref_slice %arg12[%add3A_30, %dma_wait3A_106] : memref<10240x128xf32, #tpu.memory_space<vmem_shared>> -> memref<64x128xf32, #tpu.memory_space<vmem_shared>>
      tpu.wait_dma2 semaphore(%run_scoped3A : memref<!tpu.dma_semaphore, #tpu.memory_space<semaphore_mem>>) src(%arg8 : memref<64x128xf32, #tpu.memory_space<vmem>>) dst(%dma_wait3A_107 : memref<64x128xf32, #tpu.memory_space<vmem_shared>>)
      tpu.yield
    }) : () -> ()
    %mul3A_31 = arith.constant 640 : i32
    %mul3A_32 = arith.muli %arg1, %mul3A_31 : i32
    %add3A_33 = arith.constant 384 : i32
    %add3A_34 = arith.addi %mul3A_32, %add3A_33 : i32
    "tpu.region"() ({
      %run_scoped3A = tpu.sem_alloc : memref<!tpu.dma_semaphore, #tpu.memory_space<semaphore_mem>>
      %dma_start3A_100 = arith.constant 0 : i32
      %dma_start3A_101 = tpu.memref_slice %arg12[%add3A_34, %dma_start3A_100] : memref<10240x128xf32, #tpu.memory_space<vmem_shared>> -> memref<64x128xf32, #tpu.memory_space<vmem_shared>>
      %dma_start3A_102 = arith.constant 0 : i32
      %dma_start3A_103 = tpu.memref_slice %arg12[%add3A_34, %dma_start3A_102] : memref<10240x128xf32, #tpu.memory_space<vmem_shared>> -> memref<64x128xf32, #tpu.memory_space<vmem_shared>>
      tpu.enqueue_dma source(%arg8 : memref<64x128xf32, #tpu.memory_space<vmem>>) target(%dma_start3A_103 : memref<64x128xf32, #tpu.memory_space<vmem_shared>>) target_semaphore(%run_scoped3A : memref<!tpu.dma_semaphore, #tpu.memory_space<semaphore_mem>>)
      %dma_wait3A_104 = arith.constant 0 : i32
      %dma_wait3A_105 = tpu.memref_slice %arg12[%add3A_34, %dma_wait3A_104] : memref<10240x128xf32, #tpu.memory_space<vmem_shared>> -> memref<64x128xf32, #tpu.memory_space<vmem_shared>>
      %dma_wait3A_106 = arith.constant 0 : i32
      %dma_wait3A_107 = tpu.memref_slice %arg12[%add3A_34, %dma_wait3A_106] : memref<10240x128xf32, #tpu.memory_space<vmem_shared>> -> memref<64x128xf32, #tpu.memory_space<vmem_shared>>
      tpu.wait_dma2 semaphore(%run_scoped3A : memref<!tpu.dma_semaphore, #tpu.memory_space<semaphore_mem>>) src(%arg8 : memref<64x128xf32, #tpu.memory_space<vmem>>) dst(%dma_wait3A_107 : memref<64x128xf32, #tpu.memory_space<vmem_shared>>)
      tpu.yield
    }) : () -> ()
    %mul3A_35 = arith.constant 640 : i32
    %mul3A_36 = arith.muli %arg1, %mul3A_35 : i32
    %add3A_37 = arith.constant 448 : i32
    %add3A_38 = arith.addi %mul3A_36, %add3A_37 : i32
    "tpu.region"() ({
      %run_scoped3A = tpu.sem_alloc : memref<!tpu.dma_semaphore, #tpu.memory_space<semaphore_mem>>
      %dma_start3A_100 = arith.constant 0 : i32
      %dma_start3A_101 = tpu.memref_slice %arg12[%add3A_38, %dma_start3A_100] : memref<10240x128xf32, #tpu.memory_space<vmem_shared>> -> memref<64x128xf32, #tpu.memory_space<vmem_shared>>
      %dma_start3A_102 = arith.constant 0 : i32
      %dma_start3A_103 = tpu.memref_slice %arg12[%add3A_38, %dma_start3A_102] : memref<10240x128xf32, #tpu.memory_space<vmem_shared>> -> memref<64x128xf32, #tpu.memory_space<vmem_shared>>
      tpu.enqueue_dma source(%arg8 : memref<64x128xf32, #tpu.memory_space<vmem>>) target(%dma_start3A_103 : memref<64x128xf32, #tpu.memory_space<vmem_shared>>) target_semaphore(%run_scoped3A : memref<!tpu.dma_semaphore, #tpu.memory_space<semaphore_mem>>)
      %dma_wait3A_104 = arith.constant 0 : i32
      %dma_wait3A_105 = tpu.memref_slice %arg12[%add3A_38, %dma_wait3A_104] : memref<10240x128xf32, #tpu.memory_space<vmem_shared>> -> memref<64x128xf32, #tpu.memory_space<vmem_shared>>
      %dma_wait3A_106 = arith.constant 0 : i32
      %dma_wait3A_107 = tpu.memref_slice %arg12[%add3A_38, %dma_wait3A_106] : memref<10240x128xf32, #tpu.memory_space<vmem_shared>> -> memref<64x128xf32, #tpu.memory_space<vmem_shared>>
      tpu.wait_dma2 semaphore(%run_scoped3A : memref<!tpu.dma_semaphore, #tpu.memory_space<semaphore_mem>>) src(%arg8 : memref<64x128xf32, #tpu.memory_space<vmem>>) dst(%dma_wait3A_107 : memref<64x128xf32, #tpu.memory_space<vmem_shared>>)
      tpu.yield
    }) : () -> ()
    %mul3A_39 = arith.constant 640 : i32
    %mul3A_40 = arith.muli %arg1, %mul3A_39 : i32
    %add3A_41 = arith.constant 512 : i32
    %add3A_42 = arith.addi %mul3A_40, %add3A_41 : i32
    "tpu.region"() ({
      %run_scoped3A = tpu.sem_alloc : memref<!tpu.dma_semaphore, #tpu.memory_space<semaphore_mem>>
      %dma_start3A_100 = arith.constant 0 : i32
      %dma_start3A_101 = tpu.memref_slice %arg12[%add3A_42, %dma_start3A_100] : memref<10240x128xf32, #tpu.memory_space<vmem_shared>> -> memref<64x128xf32, #tpu.memory_space<vmem_shared>>
      %dma_start3A_102 = arith.constant 0 : i32
      %dma_start3A_103 = tpu.memref_slice %arg12[%add3A_42, %dma_start3A_102] : memref<10240x128xf32, #tpu.memory_space<vmem_shared>> -> memref<64x128xf32, #tpu.memory_space<vmem_shared>>
      tpu.enqueue_dma source(%arg8 : memref<64x128xf32, #tpu.memory_space<vmem>>) target(%dma_start3A_103 : memref<64x128xf32, #tpu.memory_space<vmem_shared>>) target_semaphore(%run_scoped3A : memref<!tpu.dma_semaphore, #tpu.memory_space<semaphore_mem>>)
      %dma_wait3A_104 = arith.constant 0 : i32
      %dma_wait3A_105 = tpu.memref_slice %arg12[%add3A_42, %dma_wait3A_104] : memref<10240x128xf32, #tpu.memory_space<vmem_shared>> -> memref<64x128xf32, #tpu.memory_space<vmem_shared>>
      %dma_wait3A_106 = arith.constant 0 : i32
      %dma_wait3A_107 = tpu.memref_slice %arg12[%add3A_42, %dma_wait3A_106] : memref<10240x128xf32, #tpu.memory_space<vmem_shared>> -> memref<64x128xf32, #tpu.memory_space<vmem_shared>>
      tpu.wait_dma2 semaphore(%run_scoped3A : memref<!tpu.dma_semaphore, #tpu.memory_space<semaphore_mem>>) src(%arg8 : memref<64x128xf32, #tpu.memory_space<vmem>>) dst(%dma_wait3A_107 : memref<64x128xf32, #tpu.memory_space<vmem_shared>>)
      tpu.yield
    }) : () -> ()
    %mul3A_43 = arith.constant 640 : i32
    %mul3A_44 = arith.muli %arg1, %mul3A_43 : i32
    %add3A_45 = arith.constant 576 : i32
    %add3A_46 = arith.addi %mul3A_44, %add3A_45 : i32
    "tpu.region"() ({
      %run_scoped3A = tpu.sem_alloc : memref<!tpu.dma_semaphore, #tpu.memory_space<semaphore_mem>>
      %dma_start3A_100 = arith.constant 0 : i32
      %dma_start3A_101 = tpu.memref_slice %arg12[%add3A_46, %dma_start3A_100] : memref<10240x128xf32, #tpu.memory_space<vmem_shared>> -> memref<64x128xf32, #tpu.memory_space<vmem_shared>>
      %dma_start3A_102 = arith.constant 0 : i32
      %dma_start3A_103 = tpu.memref_slice %arg12[%add3A_46, %dma_start3A_102] : memref<10240x128xf32, #tpu.memory_space<vmem_shared>> -> memref<64x128xf32, #tpu.memory_space<vmem_shared>>
      tpu.enqueue_dma source(%arg8 : memref<64x128xf32, #tpu.memory_space<vmem>>) target(%dma_start3A_103 : memref<64x128xf32, #tpu.memory_space<vmem_shared>>) target_semaphore(%run_scoped3A : memref<!tpu.dma_semaphore, #tpu.memory_space<semaphore_mem>>)
      %dma_wait3A_104 = arith.constant 0 : i32
      %dma_wait3A_105 = tpu.memref_slice %arg12[%add3A_46, %dma_wait3A_104] : memref<10240x128xf32, #tpu.memory_space<vmem_shared>> -> memref<64x128xf32, #tpu.memory_space<vmem_shared>>
      %dma_wait3A_106 = arith.constant 0 : i32
      %dma_wait3A_107 = tpu.memref_slice %arg12[%add3A_46, %dma_wait3A_106] : memref<10240x128xf32, #tpu.memory_space<vmem_shared>> -> memref<64x128xf32, #tpu.memory_space<vmem_shared>>
      tpu.wait_dma2 semaphore(%run_scoped3A : memref<!tpu.dma_semaphore, #tpu.memory_space<semaphore_mem>>) src(%arg8 : memref<64x128xf32, #tpu.memory_space<vmem>>) dst(%dma_wait3A_107 : memref<64x128xf32, #tpu.memory_space<vmem_shared>>)
      tpu.yield
    }) : () -> ()
    "tpu.region"() ({
      %run_scoped3A = tpu.sem_alloc : memref<!tpu.dma_semaphore, #tpu.memory_space<semaphore_mem>>
      %dma_start3A_100 = arith.constant 0 : i32
      %dma_start3A_101 = arith.constant 0 : i32
      %dma_start3A_102 = tpu.memref_slice %arg3[%add3A, %dma_start3A_100, %dma_start3A_101] : memref<32x40x128xi32, #tpu.memory_space<hbm>> -> memref<1x40x128xi32, #tpu.memory_space<hbm>>
      %dma_start3A_103 = tpu.memref_squeeze %dma_start3A_102 : memref<1x40x128xi32, #tpu.memory_space<hbm>> -> memref<40x128xi32, #tpu.memory_space<hbm>>
      %dma_start3A_104 = arith.constant 0 : i32
      %dma_start3A_105 = arith.constant 0 : i32
      %dma_start3A_106 = tpu.memref_slice %arg3[%add3A, %dma_start3A_104, %dma_start3A_105] : memref<32x40x128xi32, #tpu.memory_space<hbm>> -> memref<1x40x128xi32, #tpu.memory_space<hbm>>
      %dma_start3A_107 = tpu.memref_squeeze %dma_start3A_106 : memref<1x40x128xi32, #tpu.memory_space<hbm>> -> memref<40x128xi32, #tpu.memory_space<hbm>>
      tpu.enqueue_dma source(%dma_start3A_107 : memref<40x128xi32, #tpu.memory_space<hbm>>) target(%arg6 : memref<40x128xi32, #tpu.memory_space<vmem>>) target_semaphore(%run_scoped3A : memref<!tpu.dma_semaphore, #tpu.memory_space<semaphore_mem>>)
      %dma_wait3A_108 = arith.constant 0 : i32
      %dma_wait3A_109 = arith.constant 0 : i32
      %dma_wait3A_110 = tpu.memref_slice %arg3[%add3A, %dma_wait3A_108, %dma_wait3A_109] : memref<32x40x128xi32, #tpu.memory_space<hbm>> -> memref<1x40x128xi32, #tpu.memory_space<hbm>>
      %dma_wait3A_111 = tpu.memref_squeeze %dma_wait3A_110 : memref<1x40x128xi32, #tpu.memory_space<hbm>> -> memref<40x128xi32, #tpu.memory_space<hbm>>
      %dma_wait3A_112 = arith.constant 0 : i32
      %dma_wait3A_113 = arith.constant 0 : i32
      %dma_wait3A_114 = tpu.memref_slice %arg3[%add3A, %dma_wait3A_112, %dma_wait3A_113] : memref<32x40x128xi32, #tpu.memory_space<hbm>> -> memref<1x40x128xi32, #tpu.memory_space<hbm>>
      %dma_wait3A_115 = tpu.memref_squeeze %dma_wait3A_114 : memref<1x40x128xi32, #tpu.memory_space<hbm>> -> memref<40x128xi32, #tpu.memory_space<hbm>>
      tpu.wait_dma2 semaphore(%run_scoped3A : memref<!tpu.dma_semaphore, #tpu.memory_space<semaphore_mem>>) src(%dma_wait3A_115 : memref<40x128xi32, #tpu.memory_space<hbm>>) dst(%arg6 : memref<40x128xi32, #tpu.memory_space<vmem>>)
      tpu.yield
    }) : () -> ()
    "tpu.region"() ({
      %run_scoped3A = tpu.sem_alloc : memref<!tpu.dma_semaphore, #tpu.memory_space<semaphore_mem>>
      %dma_start3A_100 = arith.constant 0 : i32
      %dma_start3A_101 = arith.constant 0 : i32
      %dma_start3A_102 = tpu.memref_slice %arg4[%add3A, %dma_start3A_100, %dma_start3A_101] : memref<32x40x128xi32, #tpu.memory_space<hbm>> -> memref<1x40x128xi32, #tpu.memory_space<hbm>>
      %dma_start3A_103 = tpu.memref_squeeze %dma_start3A_102 : memref<1x40x128xi32, #tpu.memory_space<hbm>> -> memref<40x128xi32, #tpu.memory_space<hbm>>
      %dma_start3A_104 = arith.constant 0 : i32
      %dma_start3A_105 = arith.constant 0 : i32
      %dma_start3A_106 = tpu.memref_slice %arg4[%add3A, %dma_start3A_104, %dma_start3A_105] : memref<32x40x128xi32, #tpu.memory_space<hbm>> -> memref<1x40x128xi32, #tpu.memory_space<hbm>>
      %dma_start3A_107 = tpu.memref_squeeze %dma_start3A_106 : memref<1x40x128xi32, #tpu.memory_space<hbm>> -> memref<40x128xi32, #tpu.memory_space<hbm>>
      tpu.enqueue_dma source(%dma_start3A_107 : memref<40x128xi32, #tpu.memory_space<hbm>>) target(%arg7 : memref<40x128xi32, #tpu.memory_space<vmem>>) target_semaphore(%run_scoped3A : memref<!tpu.dma_semaphore, #tpu.memory_space<semaphore_mem>>)
      %dma_wait3A_108 = arith.constant 0 : i32
      %dma_wait3A_109 = arith.constant 0 : i32
      %dma_wait3A_110 = tpu.memref_slice %arg4[%add3A, %dma_wait3A_108, %dma_wait3A_109] : memref<32x40x128xi32, #tpu.memory_space<hbm>> -> memref<1x40x128xi32, #tpu.memory_space<hbm>>
      %dma_wait3A_111 = tpu.memref_squeeze %dma_wait3A_110 : memref<1x40x128xi32, #tpu.memory_space<hbm>> -> memref<40x128xi32, #tpu.memory_space<hbm>>
      %dma_wait3A_112 = arith.constant 0 : i32
      %dma_wait3A_113 = arith.constant 0 : i32
      %dma_wait3A_114 = tpu.memref_slice %arg4[%add3A, %dma_wait3A_112, %dma_wait3A_113] : memref<32x40x128xi32, #tpu.memory_space<hbm>> -> memref<1x40x128xi32, #tpu.memory_space<hbm>>
      %dma_wait3A_115 = tpu.memref_squeeze %dma_wait3A_114 : memref<1x40x128xi32, #tpu.memory_space<hbm>> -> memref<40x128xi32, #tpu.memory_space<hbm>>
      tpu.wait_dma2 semaphore(%run_scoped3A : memref<!tpu.dma_semaphore, #tpu.memory_space<semaphore_mem>>) src(%dma_wait3A_115 : memref<40x128xi32, #tpu.memory_space<hbm>>) dst(%arg7 : memref<40x128xi32, #tpu.memory_space<vmem>>)
      tpu.yield
    }) : () -> ()
    %barrier3A = arith.constant 0 : index
    tpu.barrier barrier_id(%barrier3A)
    %dma_start3A = arith.constant 0 : i32
    %dma_start3A_47 = arith.constant 0 : i32
    %dma_start3A_48 = tpu.memref_slice %arg6[%dma_start3A, %dma_start3A_47] : memref<40x128xi32, #tpu.memory_space<vmem>> -> memref<1x64xi32, #tpu.memory_space<vmem>>
    %dma_start3A_49 = tpu.memref_squeeze %dma_start3A_48 : memref<1x64xi32, #tpu.memory_space<vmem>> -> memref<64xi32, #tpu.memory_space<vmem>>
    %dma_start3A_50 = arith.constant 0 : i32
    %dma_start3A_51 = arith.constant 0 : i32
    %dma_start3A_52 = tpu.memref_slice %arg2[%dma_start3A_50, %dma_start3A_51] : memref<10240x128xf32, #tpu.memory_space<hbm>> -> memref<10240x128xf32, #tpu.memory_space<hbm>>
    tpu.enqueue_indirect_dma source(%dma_start3A_52 : memref<10240x128xf32, #tpu.memory_space<hbm>>) target(%arg8 : memref<64x128xf32, #tpu.memory_space<vmem>>) offsets(%dma_start3A_49 : memref<64xi32, #tpu.memory_space<vmem>>) semaphore(%arg13 : memref<!tpu.dma_semaphore, #tpu.memory_space<semaphore_mem>>)
    %dma_start3A_53 = arith.constant 0 : i32
    %dma_start3A_54 = arith.constant 64 : i32
    %dma_start3A_55 = tpu.memref_slice %arg6[%dma_start3A_53, %dma_start3A_54] : memref<40x128xi32, #tpu.memory_space<vmem>> -> memref<1x64xi32, #tpu.memory_space<vmem>>
    %dma_start3A_56 = tpu.memref_squeeze %dma_start3A_55 : memref<1x64xi32, #tpu.memory_space<vmem>> -> memref<64xi32, #tpu.memory_space<vmem>>
    %dma_start3A_57 = arith.constant 0 : i32
    %dma_start3A_58 = arith.constant 0 : i32
    %dma_start3A_59 = tpu.memref_slice %arg2[%dma_start3A_57, %dma_start3A_58] : memref<10240x128xf32, #tpu.memory_space<hbm>> -> memref<10240x128xf32, #tpu.memory_space<hbm>>
    tpu.enqueue_indirect_dma source(%dma_start3A_59 : memref<10240x128xf32, #tpu.memory_space<hbm>>) target(%arg9 : memref<64x128xf32, #tpu.memory_space<vmem>>) offsets(%dma_start3A_56 : memref<64xi32, #tpu.memory_space<vmem>>) semaphore(%arg14 : memref<!tpu.dma_semaphore, #tpu.memory_space<semaphore_mem>>)
    %dma_start3A_60 = arith.constant 1 : i32
    %dma_start3A_61 = arith.constant 0 : i32
    %dma_start3A_62 = tpu.memref_slice %arg6[%dma_start3A_60, %dma_start3A_61] : memref<40x128xi32, #tpu.memory_space<vmem>> -> memref<1x64xi32, #tpu.memory_space<vmem>>
    %dma_start3A_63 = tpu.memref_squeeze %dma_start3A_62 : memref<1x64xi32, #tpu.memory_space<vmem>> -> memref<64xi32, #tpu.memory_space<vmem>>
    %dma_start3A_64 = arith.constant 0 : i32
    %dma_start3A_65 = arith.constant 0 : i32
    %dma_start3A_66 = tpu.memref_slice %arg2[%dma_start3A_64, %dma_start3A_65] : memref<10240x128xf32, #tpu.memory_space<hbm>> -> memref<10240x128xf32, #tpu.memory_space<hbm>>
    tpu.enqueue_indirect_dma source(%dma_start3A_66 : memref<10240x128xf32, #tpu.memory_space<hbm>>) target(%arg10 : memref<64x128xf32, #tpu.memory_space<vmem>>) offsets(%dma_start3A_63 : memref<64xi32, #tpu.memory_space<vmem>>) semaphore(%arg15 : memref<!tpu.dma_semaphore, #tpu.memory_space<semaphore_mem>>)
    %scan3A_67 = arith.constant 0 : i32
    %scan3A_68 = arith.constant 0 : i32
    %scan3A_69 = arith.constant 20 : i32
    %scan3A_70 = arith.addi %scan3A_68, %scan3A_69 : i32
    %scan3A_71 = arith.constant 1 : i32
    scf.for %scan3A_100 = %scan3A_68 to %scan3A_70 step %scan3A_71  : i32 {
      %mul3A_101 = arith.constant 4 : i32
      %mul3A_102 = arith.muli %mul3A_101, %scan3A_100 : i32
      %add3A_103 = arith.constant 0 : i32
      %add3A_104 = arith.addi %mul3A_102, %add3A_103 : i32
      %ge3A = arith.constant 1 : i32
      %ge3A_105 = arith.cmpi sge, %add3A_104, %ge3A : i32
      %convert_element_type3A = arith.extui %ge3A_105 : i1 to i32
      %cond3A = arith.constant 0 : i32
      %cond3A_106 = arith.cmpi ne, %convert_element_type3A, %cond3A : i32
      scf.if %cond3A_106 {
        %jit3A_536 = arith.constant 2 : i32
        %div3A_537 = arith.divsi %add3A_104, %jit3A_536 : i32
        %sign3A_538 = arith.constant 0 : i32
        %sign3A_539 = arith.cmpi sgt, %add3A_104, %sign3A_538 : i32
        %sign3A_540 = arith.extui %sign3A_539 : i1 to i32
        %sign3A_541 = arith.constant 0 : i32
        %sign3A_542 = arith.cmpi slt, %add3A_104, %sign3A_541 : i32
        %sign3A_543 = arith.extui %sign3A_542 : i1 to i32
        %sign3A_544 = arith.subi %sign3A_540, %sign3A_543 : i32
        %sign3A_545 = arith.constant 0 : i32
        %sign3A_546 = arith.cmpi sgt, %jit3A_536, %sign3A_545 : i32
        %sign3A_547 = arith.extui %sign3A_546 : i1 to i32
        %sign3A_548 = arith.constant 0 : i32
        %sign3A_549 = arith.cmpi slt, %jit3A_536, %sign3A_548 : i32
        %sign3A_550 = arith.extui %sign3A_549 : i1 to i32
        %sign3A_551 = arith.subi %sign3A_547, %sign3A_550 : i32
        %ne3A_552 = arith.cmpi ne, %sign3A_544, %sign3A_551 : i32
        %rem3A_553 = arith.remsi %add3A_104, %jit3A_536 : i32
        %ne3A_554 = arith.constant 0 : i32
        %ne3A_555 = arith.cmpi ne, %rem3A_553, %ne3A_554 : i32
        %and3A_556 = arith.andi %ne3A_552, %ne3A_555 : i1
        %sub3A_557 = arith.constant 1 : i32
        %sub3A_558 = arith.subi %div3A_537, %sub3A_557 : i32
        %select_n3A_559 = arith.select %and3A_556, %sub3A_558, %div3A_537 : i32
        %jit3A_560 = arith.constant 2 : i32
        %eq3A_561 = arith.constant 0 : i32
        %eq3A_562 = arith.cmpi eq, %jit3A_560, %eq3A_561 : i32
        %jit3A_563 = arith.constant 1 : i32
        %select_n3A_564 = arith.select %eq3A_562, %jit3A_563, %jit3A_560 : i32
        %rem3A_565 = arith.remsi %add3A_104, %select_n3A_564 : i32
        %ne3A_566 = arith.constant 0 : i32
        %ne3A_567 = arith.cmpi ne, %rem3A_565, %ne3A_566 : i32
        %lt3A_568 = arith.constant 0 : i32
        %lt3A_569 = arith.cmpi slt, %rem3A_565, %lt3A_568 : i32
        %lt3A_570 = arith.constant 0 : i32
        %lt3A_571 = arith.cmpi slt, %select_n3A_564, %lt3A_570 : i32
        %ne3A_572 = arith.xori %lt3A_569, %lt3A_571 : i1
        %and3A_573 = arith.andi %ne3A_572, %ne3A_567 : i1
        %add3A_574 = arith.addi %rem3A_565, %select_n3A_564 : i32
        %select_n3A_575 = arith.select %and3A_573, %add3A_574, %rem3A_565 : i32
        %mul3A_576 = arith.constant 64 : i32
        %mul3A_577 = arith.muli %select_n3A_575, %mul3A_576 : i32
        %dma_wait3A_578 = tpu.memref_slice %arg7[%select_n3A_559, %mul3A_577] : memref<40x128xi32, #tpu.memory_space<vmem>> -> memref<1x64xi32, #tpu.memory_space<vmem>>
        %dma_wait3A_579 = tpu.memref_squeeze %dma_wait3A_578 : memref<1x64xi32, #tpu.memory_space<vmem>> -> memref<64xi32, #tpu.memory_space<vmem>>
        %dma_wait3A_580 = arith.constant 0 : i32
        %dma_wait3A_581 = arith.constant 0 : i32
        %dma_wait3A_582 = tpu.memref_slice %arg12[%dma_wait3A_580, %dma_wait3A_581] : memref<10240x128xf32, #tpu.memory_space<vmem_shared>> -> memref<10240x128xf32, #tpu.memory_space<vmem_shared>>
        tpu.wait_indirect_dma semaphore(%arg20 : memref<!tpu.dma_semaphore, #tpu.memory_space<semaphore_mem>>) src(%arg11 : memref<64x128xf32, #tpu.memory_space<vmem>>) dst(%dma_wait3A_582 : memref<10240x128xf32, #tpu.memory_space<vmem_shared>>)
      } else {
      }
      %add3A_107 = arith.constant 4 : i32
      %add3A_108 = arith.addi %add3A_104, %add3A_107 : i32
      %sub3A = arith.constant 1 : i32
      %sub3A_109 = arith.subi %add3A_108, %sub3A : i32
      %lt3A = arith.constant 80 : i32
      %lt3A_110 = arith.cmpi slt, %sub3A_109, %lt3A : i32
      %convert_element_type3A_111 = arith.extui %lt3A_110 : i1 to i32
      %cond3A_112 = arith.constant 0 : i32
      %cond3A_113 = arith.cmpi ne, %convert_element_type3A_111, %cond3A_112 : i32
      scf.if %cond3A_113 {
        %add3A_536 = arith.constant 4 : i32
        %add3A_537 = arith.addi %add3A_104, %add3A_536 : i32
        %sub3A_538 = arith.constant 1 : i32
        %sub3A_539 = arith.subi %add3A_537, %sub3A_538 : i32
        %jit3A_540 = arith.constant 2 : i32
        %div3A_541 = arith.divsi %sub3A_539, %jit3A_540 : i32
        %sign3A_542 = arith.constant 0 : i32
        %sign3A_543 = arith.cmpi sgt, %sub3A_539, %sign3A_542 : i32
        %sign3A_544 = arith.extui %sign3A_543 : i1 to i32
        %sign3A_545 = arith.constant 0 : i32
        %sign3A_546 = arith.cmpi slt, %sub3A_539, %sign3A_545 : i32
        %sign3A_547 = arith.extui %sign3A_546 : i1 to i32
        %sign3A_548 = arith.subi %sign3A_544, %sign3A_547 : i32
        %sign3A_549 = arith.constant 0 : i32
        %sign3A_550 = arith.cmpi sgt, %jit3A_540, %sign3A_549 : i32
        %sign3A_551 = arith.extui %sign3A_550 : i1 to i32
        %sign3A_552 = arith.constant 0 : i32
        %sign3A_553 = arith.cmpi slt, %jit3A_540, %sign3A_552 : i32
        %sign3A_554 = arith.extui %sign3A_553 : i1 to i32
        %sign3A_555 = arith.subi %sign3A_551, %sign3A_554 : i32
        %ne3A_556 = arith.cmpi ne, %sign3A_548, %sign3A_555 : i32
        %rem3A_557 = arith.remsi %sub3A_539, %jit3A_540 : i32
        %ne3A_558 = arith.constant 0 : i32
        %ne3A_559 = arith.cmpi ne, %rem3A_557, %ne3A_558 : i32
        %and3A_560 = arith.andi %ne3A_556, %ne3A_559 : i1
        %sub3A_561 = arith.constant 1 : i32
        %sub3A_562 = arith.subi %div3A_541, %sub3A_561 : i32
        %select_n3A_563 = arith.select %and3A_560, %sub3A_562, %div3A_541 : i32
        %jit3A_564 = arith.constant 2 : i32
        %eq3A_565 = arith.constant 0 : i32
        %eq3A_566 = arith.cmpi eq, %jit3A_564, %eq3A_565 : i32
        %jit3A_567 = arith.constant 1 : i32
        %select_n3A_568 = arith.select %eq3A_566, %jit3A_567, %jit3A_564 : i32
        %rem3A_569 = arith.remsi %sub3A_539, %select_n3A_568 : i32
        %ne3A_570 = arith.constant 0 : i32
        %ne3A_571 = arith.cmpi ne, %rem3A_569, %ne3A_570 : i32
        %lt3A_572 = arith.constant 0 : i32
        %lt3A_573 = arith.cmpi slt, %rem3A_569, %lt3A_572 : i32
        %lt3A_574 = arith.constant 0 : i32
        %lt3A_575 = arith.cmpi slt, %select_n3A_568, %lt3A_574 : i32
        %ne3A_576 = arith.xori %lt3A_573, %lt3A_575 : i1
        %and3A_577 = arith.andi %ne3A_576, %ne3A_571 : i1
        %add3A_578 = arith.addi %rem3A_569, %select_n3A_568 : i32
        %select_n3A_579 = arith.select %and3A_577, %add3A_578, %rem3A_569 : i32
        %mul3A_580 = arith.constant 64 : i32
        %mul3A_581 = arith.muli %select_n3A_579, %mul3A_580 : i32
        %dma_start3A_582 = tpu.memref_slice %arg6[%select_n3A_563, %mul3A_581] : memref<40x128xi32, #tpu.memory_space<vmem>> -> memref<1x64xi32, #tpu.memory_space<vmem>>
        %dma_start3A_583 = tpu.memref_squeeze %dma_start3A_582 : memref<1x64xi32, #tpu.memory_space<vmem>> -> memref<64xi32, #tpu.memory_space<vmem>>
        %dma_start3A_584 = arith.constant 0 : i32
        %dma_start3A_585 = arith.constant 0 : i32
        %dma_start3A_586 = tpu.memref_slice %arg2[%dma_start3A_584, %dma_start3A_585] : memref<10240x128xf32, #tpu.memory_space<hbm>> -> memref<10240x128xf32, #tpu.memory_space<hbm>>
        tpu.enqueue_indirect_dma source(%dma_start3A_586 : memref<10240x128xf32, #tpu.memory_space<hbm>>) target(%arg11 : memref<64x128xf32, #tpu.memory_space<vmem>>) offsets(%dma_start3A_583 : memref<64xi32, #tpu.memory_space<vmem>>) semaphore(%arg16 : memref<!tpu.dma_semaphore, #tpu.memory_space<semaphore_mem>>)
      } else {
      }
      %jit3A = arith.constant 2 : i32
      %div3A = arith.divsi %add3A_104, %jit3A : i32
      %sign3A = arith.constant 0 : i32
      %sign3A_114 = arith.cmpi sgt, %add3A_104, %sign3A : i32
      %sign3A_115 = arith.extui %sign3A_114 : i1 to i32
      %sign3A_116 = arith.constant 0 : i32
      %sign3A_117 = arith.cmpi slt, %add3A_104, %sign3A_116 : i32
      %sign3A_118 = arith.extui %sign3A_117 : i1 to i32
      %sign3A_119 = arith.subi %sign3A_115, %sign3A_118 : i32
      %sign3A_120 = arith.constant 0 : i32
      %sign3A_121 = arith.cmpi sgt, %jit3A, %sign3A_120 : i32
      %sign3A_122 = arith.extui %sign3A_121 : i1 to i32
      %sign3A_123 = arith.constant 0 : i32
      %sign3A_124 = arith.cmpi slt, %jit3A, %sign3A_123 : i32
      %sign3A_125 = arith.extui %sign3A_124 : i1 to i32
      %sign3A_126 = arith.subi %sign3A_122, %sign3A_125 : i32
      %ne3A = arith.cmpi ne, %sign3A_119, %sign3A_126 : i32
      %rem3A = arith.remsi %add3A_104, %jit3A : i32
      %ne3A_127 = arith.constant 0 : i32
      %ne3A_128 = arith.cmpi ne, %rem3A, %ne3A_127 : i32
      %and3A = arith.andi %ne3A, %ne3A_128 : i1
      %sub3A_129 = arith.constant 1 : i32
      %sub3A_130 = arith.subi %div3A, %sub3A_129 : i32
      %select_n3A = arith.select %and3A, %sub3A_130, %div3A : i32
      %jit3A_131 = arith.constant 2 : i32
      %eq3A = arith.constant 0 : i32
      %eq3A_132 = arith.cmpi eq, %jit3A_131, %eq3A : i32
      %jit3A_133 = arith.constant 1 : i32
      %select_n3A_134 = arith.select %eq3A_132, %jit3A_133, %jit3A_131 : i32
      %rem3A_135 = arith.remsi %add3A_104, %select_n3A_134 : i32
      %ne3A_136 = arith.constant 0 : i32
      %ne3A_137 = arith.cmpi ne, %rem3A_135, %ne3A_136 : i32
      %lt3A_138 = arith.constant 0 : i32
      %lt3A_139 = arith.cmpi slt, %rem3A_135, %lt3A_138 : i32
      %lt3A_140 = arith.constant 0 : i32
      %lt3A_141 = arith.cmpi slt, %select_n3A_134, %lt3A_140 : i32
      %ne3A_142 = arith.xori %lt3A_139, %lt3A_141 : i1
      %and3A_143 = arith.andi %ne3A_142, %ne3A_137 : i1
      %add3A_144 = arith.addi %rem3A_135, %select_n3A_134 : i32
      %select_n3A_145 = arith.select %and3A_143, %add3A_144, %rem3A_135 : i32
      %mul3A_146 = arith.constant 64 : i32
      %mul3A_147 = arith.muli %select_n3A_145, %mul3A_146 : i32
      %dma_wait3A_148 = tpu.memref_slice %arg6[%select_n3A, %mul3A_147] : memref<40x128xi32, #tpu.memory_space<vmem>> -> memref<1x64xi32, #tpu.memory_space<vmem>>
      %dma_wait3A_149 = tpu.memref_squeeze %dma_wait3A_148 : memref<1x64xi32, #tpu.memory_space<vmem>> -> memref<64xi32, #tpu.memory_space<vmem>>
      %dma_wait3A_150 = arith.constant 0 : i32
      %dma_wait3A_151 = arith.constant 0 : i32
      %dma_wait3A_152 = tpu.memref_slice %arg2[%dma_wait3A_150, %dma_wait3A_151] : memref<10240x128xf32, #tpu.memory_space<hbm>> -> memref<10240x128xf32, #tpu.memory_space<hbm>>
      tpu.wait_indirect_dma semaphore(%arg13 : memref<!tpu.dma_semaphore, #tpu.memory_space<semaphore_mem>>) src(%dma_wait3A_152 : memref<10240x128xf32, #tpu.memory_space<hbm>>) dst(%arg8 : memref<64x128xf32, #tpu.memory_space<vmem>>)
      %jit3A_153 = arith.constant 2 : i32
      %div3A_154 = arith.divsi %add3A_104, %jit3A_153 : i32
      %sign3A_155 = arith.constant 0 : i32
      %sign3A_156 = arith.cmpi sgt, %add3A_104, %sign3A_155 : i32
      %sign3A_157 = arith.extui %sign3A_156 : i1 to i32
      %sign3A_158 = arith.constant 0 : i32
      %sign3A_159 = arith.cmpi slt, %add3A_104, %sign3A_158 : i32
      %sign3A_160 = arith.extui %sign3A_159 : i1 to i32
      %sign3A_161 = arith.subi %sign3A_157, %sign3A_160 : i32
      %sign3A_162 = arith.constant 0 : i32
      %sign3A_163 = arith.cmpi sgt, %jit3A_153, %sign3A_162 : i32
      %sign3A_164 = arith.extui %sign3A_163 : i1 to i32
      %sign3A_165 = arith.constant 0 : i32
      %sign3A_166 = arith.cmpi slt, %jit3A_153, %sign3A_165 : i32
      %sign3A_167 = arith.extui %sign3A_166 : i1 to i32
      %sign3A_168 = arith.subi %sign3A_164, %sign3A_167 : i32
      %ne3A_169 = arith.cmpi ne, %sign3A_161, %sign3A_168 : i32
      %rem3A_170 = arith.remsi %add3A_104, %jit3A_153 : i32
      %ne3A_171 = arith.constant 0 : i32
      %ne3A_172 = arith.cmpi ne, %rem3A_170, %ne3A_171 : i32
      %and3A_173 = arith.andi %ne3A_169, %ne3A_172 : i1
      %sub3A_174 = arith.constant 1 : i32
      %sub3A_175 = arith.subi %div3A_154, %sub3A_174 : i32
      %select_n3A_176 = arith.select %and3A_173, %sub3A_175, %div3A_154 : i32
      %jit3A_177 = arith.constant 2 : i32
      %eq3A_178 = arith.constant 0 : i32
      %eq3A_179 = arith.cmpi eq, %jit3A_177, %eq3A_178 : i32
      %jit3A_180 = arith.constant 1 : i32
      %select_n3A_181 = arith.select %eq3A_179, %jit3A_180, %jit3A_177 : i32
      %rem3A_182 = arith.remsi %add3A_104, %select_n3A_181 : i32
      %ne3A_183 = arith.constant 0 : i32
      %ne3A_184 = arith.cmpi ne, %rem3A_182, %ne3A_183 : i32
      %lt3A_185 = arith.constant 0 : i32
      %lt3A_186 = arith.cmpi slt, %rem3A_182, %lt3A_185 : i32
      %lt3A_187 = arith.constant 0 : i32
      %lt3A_188 = arith.cmpi slt, %select_n3A_181, %lt3A_187 : i32
      %ne3A_189 = arith.xori %lt3A_186, %lt3A_188 : i1
      %and3A_190 = arith.andi %ne3A_189, %ne3A_184 : i1
      %add3A_191 = arith.addi %rem3A_182, %select_n3A_181 : i32
      %select_n3A_192 = arith.select %and3A_190, %add3A_191, %rem3A_182 : i32
      %mul3A_193 = arith.constant 64 : i32
      %mul3A_194 = arith.muli %select_n3A_192, %mul3A_193 : i32
      %dma_start3A_195 = tpu.memref_slice %arg7[%select_n3A_176, %mul3A_194] : memref<40x128xi32, #tpu.memory_space<vmem>> -> memref<1x64xi32, #tpu.memory_space<vmem>>
      %dma_start3A_196 = tpu.memref_squeeze %dma_start3A_195 : memref<1x64xi32, #tpu.memory_space<vmem>> -> memref<64xi32, #tpu.memory_space<vmem>>
      %dma_start3A_197 = arith.constant 0 : i32
      %dma_start3A_198 = arith.constant 0 : i32
      %dma_start3A_199 = tpu.memref_slice %arg12[%dma_start3A_197, %dma_start3A_198] : memref<10240x128xf32, #tpu.memory_space<vmem_shared>> -> memref<10240x128xf32, #tpu.memory_space<vmem_shared>>
      tpu.enqueue_indirect_dma source(%arg8 : memref<64x128xf32, #tpu.memory_space<vmem>>) target(%dma_start3A_199 : memref<10240x128xf32, #tpu.memory_space<vmem_shared>>) offsets(%dma_start3A_196 : memref<64xi32, #tpu.memory_space<vmem>>) semaphore(%arg17 : memref<!tpu.dma_semaphore, #tpu.memory_space<semaphore_mem>>) {add = true}
      %mul3A_200 = arith.constant 4 : i32
      %mul3A_201 = arith.muli %mul3A_200, %scan3A_100 : i32
      %add3A_202 = arith.constant 1 : i32
      %add3A_203 = arith.addi %mul3A_201, %add3A_202 : i32
      %ge3A_204 = arith.constant 1 : i32
      %ge3A_205 = arith.cmpi sge, %add3A_203, %ge3A_204 : i32
      %convert_element_type3A_206 = arith.extui %ge3A_205 : i1 to i32
      %cond3A_207 = arith.constant 0 : i32
      %cond3A_208 = arith.cmpi ne, %convert_element_type3A_206, %cond3A_207 : i32
      scf.if %cond3A_208 {
        %jit3A_536 = arith.constant 2 : i32
        %div3A_537 = arith.divsi %add3A_203, %jit3A_536 : i32
        %sign3A_538 = arith.constant 0 : i32
        %sign3A_539 = arith.cmpi sgt, %add3A_203, %sign3A_538 : i32
        %sign3A_540 = arith.extui %sign3A_539 : i1 to i32
        %sign3A_541 = arith.constant 0 : i32
        %sign3A_542 = arith.cmpi slt, %add3A_203, %sign3A_541 : i32
        %sign3A_543 = arith.extui %sign3A_542 : i1 to i32
        %sign3A_544 = arith.subi %sign3A_540, %sign3A_543 : i32
        %sign3A_545 = arith.constant 0 : i32
        %sign3A_546 = arith.cmpi sgt, %jit3A_536, %sign3A_545 : i32
        %sign3A_547 = arith.extui %sign3A_546 : i1 to i32
        %sign3A_548 = arith.constant 0 : i32
        %sign3A_549 = arith.cmpi slt, %jit3A_536, %sign3A_548 : i32
        %sign3A_550 = arith.extui %sign3A_549 : i1 to i32
        %sign3A_551 = arith.subi %sign3A_547, %sign3A_550 : i32
        %ne3A_552 = arith.cmpi ne, %sign3A_544, %sign3A_551 : i32
        %rem3A_553 = arith.remsi %add3A_203, %jit3A_536 : i32
        %ne3A_554 = arith.constant 0 : i32
        %ne3A_555 = arith.cmpi ne, %rem3A_553, %ne3A_554 : i32
        %and3A_556 = arith.andi %ne3A_552, %ne3A_555 : i1
        %sub3A_557 = arith.constant 1 : i32
        %sub3A_558 = arith.subi %div3A_537, %sub3A_557 : i32
        %select_n3A_559 = arith.select %and3A_556, %sub3A_558, %div3A_537 : i32
        %jit3A_560 = arith.constant 2 : i32
        %eq3A_561 = arith.constant 0 : i32
        %eq3A_562 = arith.cmpi eq, %jit3A_560, %eq3A_561 : i32
        %jit3A_563 = arith.constant 1 : i32
        %select_n3A_564 = arith.select %eq3A_562, %jit3A_563, %jit3A_560 : i32
        %rem3A_565 = arith.remsi %add3A_203, %select_n3A_564 : i32
        %ne3A_566 = arith.constant 0 : i32
        %ne3A_567 = arith.cmpi ne, %rem3A_565, %ne3A_566 : i32
        %lt3A_568 = arith.constant 0 : i32
        %lt3A_569 = arith.cmpi slt, %rem3A_565, %lt3A_568 : i32
        %lt3A_570 = arith.constant 0 : i32
        %lt3A_571 = arith.cmpi slt, %select_n3A_564, %lt3A_570 : i32
        %ne3A_572 = arith.xori %lt3A_569, %lt3A_571 : i1
        %and3A_573 = arith.andi %ne3A_572, %ne3A_567 : i1
        %add3A_574 = arith.addi %rem3A_565, %select_n3A_564 : i32
        %select_n3A_575 = arith.select %and3A_573, %add3A_574, %rem3A_565 : i32
        %mul3A_576 = arith.constant 64 : i32
        %mul3A_577 = arith.muli %select_n3A_575, %mul3A_576 : i32
        %dma_wait3A_578 = tpu.memref_slice %arg7[%select_n3A_559, %mul3A_577] : memref<40x128xi32, #tpu.memory_space<vmem>> -> memref<1x64xi32, #tpu.memory_space<vmem>>
        %dma_wait3A_579 = tpu.memref_squeeze %dma_wait3A_578 : memref<1x64xi32, #tpu.memory_space<vmem>> -> memref<64xi32, #tpu.memory_space<vmem>>
        %dma_wait3A_580 = arith.constant 0 : i32
        %dma_wait3A_581 = arith.constant 0 : i32
        %dma_wait3A_582 = tpu.memref_slice %arg12[%dma_wait3A_580, %dma_wait3A_581] : memref<10240x128xf32, #tpu.memory_space<vmem_shared>> -> memref<10240x128xf32, #tpu.memory_space<vmem_shared>>
        tpu.wait_indirect_dma semaphore(%arg17 : memref<!tpu.dma_semaphore, #tpu.memory_space<semaphore_mem>>) src(%arg8 : memref<64x128xf32, #tpu.memory_space<vmem>>) dst(%dma_wait3A_582 : memref<10240x128xf32, #tpu.memory_space<vmem_shared>>)
      } else {
      }
      %add3A_209 = arith.constant 4 : i32
      %add3A_210 = arith.addi %add3A_203, %add3A_209 : i32
      %sub3A_211 = arith.constant 1 : i32
      %sub3A_212 = arith.subi %add3A_210, %sub3A_211 : i32
      %lt3A_213 = arith.constant 80 : i32
      %lt3A_214 = arith.cmpi slt, %sub3A_212, %lt3A_213 : i32
      %convert_element_type3A_215 = arith.extui %lt3A_214 : i1 to i32
      %cond3A_216 = arith.constant 0 : i32
      %cond3A_217 = arith.cmpi ne, %convert_element_type3A_215, %cond3A_216 : i32
      scf.if %cond3A_217 {
        %add3A_536 = arith.constant 4 : i32
        %add3A_537 = arith.addi %add3A_203, %add3A_536 : i32
        %sub3A_538 = arith.constant 1 : i32
        %sub3A_539 = arith.subi %add3A_537, %sub3A_538 : i32
        %jit3A_540 = arith.constant 2 : i32
        %div3A_541 = arith.divsi %sub3A_539, %jit3A_540 : i32
        %sign3A_542 = arith.constant 0 : i32
        %sign3A_543 = arith.cmpi sgt, %sub3A_539, %sign3A_542 : i32
        %sign3A_544 = arith.extui %sign3A_543 : i1 to i32
        %sign3A_545 = arith.constant 0 : i32
        %sign3A_546 = arith.cmpi slt, %sub3A_539, %sign3A_545 : i32
        %sign3A_547 = arith.extui %sign3A_546 : i1 to i32
        %sign3A_548 = arith.subi %sign3A_544, %sign3A_547 : i32
        %sign3A_549 = arith.constant 0 : i32
        %sign3A_550 = arith.cmpi sgt, %jit3A_540, %sign3A_549 : i32
        %sign3A_551 = arith.extui %sign3A_550 : i1 to i32
        %sign3A_552 = arith.constant 0 : i32
        %sign3A_553 = arith.cmpi slt, %jit3A_540, %sign3A_552 : i32
        %sign3A_554 = arith.extui %sign3A_553 : i1 to i32
        %sign3A_555 = arith.subi %sign3A_551, %sign3A_554 : i32
        %ne3A_556 = arith.cmpi ne, %sign3A_548, %sign3A_555 : i32
        %rem3A_557 = arith.remsi %sub3A_539, %jit3A_540 : i32
        %ne3A_558 = arith.constant 0 : i32
        %ne3A_559 = arith.cmpi ne, %rem3A_557, %ne3A_558 : i32
        %and3A_560 = arith.andi %ne3A_556, %ne3A_559 : i1
        %sub3A_561 = arith.constant 1 : i32
        %sub3A_562 = arith.subi %div3A_541, %sub3A_561 : i32
        %select_n3A_563 = arith.select %and3A_560, %sub3A_562, %div3A_541 : i32
        %jit3A_564 = arith.constant 2 : i32
        %eq3A_565 = arith.constant 0 : i32
        %eq3A_566 = arith.cmpi eq, %jit3A_564, %eq3A_565 : i32
        %jit3A_567 = arith.constant 1 : i32
        %select_n3A_568 = arith.select %eq3A_566, %jit3A_567, %jit3A_564 : i32
        %rem3A_569 = arith.remsi %sub3A_539, %select_n3A_568 : i32
        %ne3A_570 = arith.constant 0 : i32
        %ne3A_571 = arith.cmpi ne, %rem3A_569, %ne3A_570 : i32
        %lt3A_572 = arith.constant 0 : i32
        %lt3A_573 = arith.cmpi slt, %rem3A_569, %lt3A_572 : i32
        %lt3A_574 = arith.constant 0 : i32
        %lt3A_575 = arith.cmpi slt, %select_n3A_568, %lt3A_574 : i32
        %ne3A_576 = arith.xori %lt3A_573, %lt3A_575 : i1
        %and3A_577 = arith.andi %ne3A_576, %ne3A_571 : i1
        %add3A_578 = arith.addi %rem3A_569, %select_n3A_568 : i32
        %select_n3A_579 = arith.select %and3A_577, %add3A_578, %rem3A_569 : i32
        %mul3A_580 = arith.constant 64 : i32
        %mul3A_581 = arith.muli %select_n3A_579, %mul3A_580 : i32
        %dma_start3A_582 = tpu.memref_slice %arg6[%select_n3A_563, %mul3A_581] : memref<40x128xi32, #tpu.memory_space<vmem>> -> memref<1x64xi32, #tpu.memory_space<vmem>>
        %dma_start3A_583 = tpu.memref_squeeze %dma_start3A_582 : memref<1x64xi32, #tpu.memory_space<vmem>> -> memref<64xi32, #tpu.memory_space<vmem>>
        %dma_start3A_584 = arith.constant 0 : i32
        %dma_start3A_585 = arith.constant 0 : i32
        %dma_start3A_586 = tpu.memref_slice %arg2[%dma_start3A_584, %dma_start3A_585] : memref<10240x128xf32, #tpu.memory_space<hbm>> -> memref<10240x128xf32, #tpu.memory_space<hbm>>
        tpu.enqueue_indirect_dma source(%dma_start3A_586 : memref<10240x128xf32, #tpu.memory_space<hbm>>) target(%arg8 : memref<64x128xf32, #tpu.memory_space<vmem>>) offsets(%dma_start3A_583 : memref<64xi32, #tpu.memory_space<vmem>>) semaphore(%arg13 : memref<!tpu.dma_semaphore, #tpu.memory_space<semaphore_mem>>)
      } else {
      }
      %jit3A_218 = arith.constant 2 : i32
      %div3A_219 = arith.divsi %add3A_203, %jit3A_218 : i32
      %sign3A_220 = arith.constant 0 : i32
      %sign3A_221 = arith.cmpi sgt, %add3A_203, %sign3A_220 : i32
      %sign3A_222 = arith.extui %sign3A_221 : i1 to i32
      %sign3A_223 = arith.constant 0 : i32
      %sign3A_224 = arith.cmpi slt, %add3A_203, %sign3A_223 : i32
      %sign3A_225 = arith.extui %sign3A_224 : i1 to i32
      %sign3A_226 = arith.subi %sign3A_222, %sign3A_225 : i32
      %sign3A_227 = arith.constant 0 : i32
      %sign3A_228 = arith.cmpi sgt, %jit3A_218, %sign3A_227 : i32
      %sign3A_229 = arith.extui %sign3A_228 : i1 to i32
      %sign3A_230 = arith.constant 0 : i32
      %sign3A_231 = arith.cmpi slt, %jit3A_218, %sign3A_230 : i32
      %sign3A_232 = arith.extui %sign3A_231 : i1 to i32
      %sign3A_233 = arith.subi %sign3A_229, %sign3A_232 : i32
      %ne3A_234 = arith.cmpi ne, %sign3A_226, %sign3A_233 : i32
      %rem3A_235 = arith.remsi %add3A_203, %jit3A_218 : i32
      %ne3A_236 = arith.constant 0 : i32
      %ne3A_237 = arith.cmpi ne, %rem3A_235, %ne3A_236 : i32
      %and3A_238 = arith.andi %ne3A_234, %ne3A_237 : i1
      %sub3A_239 = arith.constant 1 : i32
      %sub3A_240 = arith.subi %div3A_219, %sub3A_239 : i32
      %select_n3A_241 = arith.select %and3A_238, %sub3A_240, %div3A_219 : i32
      %jit3A_242 = arith.constant 2 : i32
      %eq3A_243 = arith.constant 0 : i32
      %eq3A_244 = arith.cmpi eq, %jit3A_242, %eq3A_243 : i32
      %jit3A_245 = arith.constant 1 : i32
      %select_n3A_246 = arith.select %eq3A_244, %jit3A_245, %jit3A_242 : i32
      %rem3A_247 = arith.remsi %add3A_203, %select_n3A_246 : i32
      %ne3A_248 = arith.constant 0 : i32
      %ne3A_249 = arith.cmpi ne, %rem3A_247, %ne3A_248 : i32
      %lt3A_250 = arith.constant 0 : i32
      %lt3A_251 = arith.cmpi slt, %rem3A_247, %lt3A_250 : i32
      %lt3A_252 = arith.constant 0 : i32
      %lt3A_253 = arith.cmpi slt, %select_n3A_246, %lt3A_252 : i32
      %ne3A_254 = arith.xori %lt3A_251, %lt3A_253 : i1
      %and3A_255 = arith.andi %ne3A_254, %ne3A_249 : i1
      %add3A_256 = arith.addi %rem3A_247, %select_n3A_246 : i32
      %select_n3A_257 = arith.select %and3A_255, %add3A_256, %rem3A_247 : i32
      %mul3A_258 = arith.constant 64 : i32
      %mul3A_259 = arith.muli %select_n3A_257, %mul3A_258 : i32
      %dma_wait3A_260 = tpu.memref_slice %arg6[%select_n3A_241, %mul3A_259] : memref<40x128xi32, #tpu.memory_space<vmem>> -> memref<1x64xi32, #tpu.memory_space<vmem>>
      %dma_wait3A_261 = tpu.memref_squeeze %dma_wait3A_260 : memref<1x64xi32, #tpu.memory_space<vmem>> -> memref<64xi32, #tpu.memory_space<vmem>>
      %dma_wait3A_262 = arith.constant 0 : i32
      %dma_wait3A_263 = arith.constant 0 : i32
      %dma_wait3A_264 = tpu.memref_slice %arg2[%dma_wait3A_262, %dma_wait3A_263] : memref<10240x128xf32, #tpu.memory_space<hbm>> -> memref<10240x128xf32, #tpu.memory_space<hbm>>
      tpu.wait_indirect_dma semaphore(%arg14 : memref<!tpu.dma_semaphore, #tpu.memory_space<semaphore_mem>>) src(%dma_wait3A_264 : memref<10240x128xf32, #tpu.memory_space<hbm>>) dst(%arg9 : memref<64x128xf32, #tpu.memory_space<vmem>>)
      %jit3A_265 = arith.constant 2 : i32
      %div3A_266 = arith.divsi %add3A_203, %jit3A_265 : i32
      %sign3A_267 = arith.constant 0 : i32
      %sign3A_268 = arith.cmpi sgt, %add3A_203, %sign3A_267 : i32
      %sign3A_269 = arith.extui %sign3A_268 : i1 to i32
      %sign3A_270 = arith.constant 0 : i32
      %sign3A_271 = arith.cmpi slt, %add3A_203, %sign3A_270 : i32
      %sign3A_272 = arith.extui %sign3A_271 : i1 to i32
      %sign3A_273 = arith.subi %sign3A_269, %sign3A_272 : i32
      %sign3A_274 = arith.constant 0 : i32
      %sign3A_275 = arith.cmpi sgt, %jit3A_265, %sign3A_274 : i32
      %sign3A_276 = arith.extui %sign3A_275 : i1 to i32
      %sign3A_277 = arith.constant 0 : i32
      %sign3A_278 = arith.cmpi slt, %jit3A_265, %sign3A_277 : i32
      %sign3A_279 = arith.extui %sign3A_278 : i1 to i32
      %sign3A_280 = arith.subi %sign3A_276, %sign3A_279 : i32
      %ne3A_281 = arith.cmpi ne, %sign3A_273, %sign3A_280 : i32
      %rem3A_282 = arith.remsi %add3A_203, %jit3A_265 : i32
      %ne3A_283 = arith.constant 0 : i32
      %ne3A_284 = arith.cmpi ne, %rem3A_282, %ne3A_283 : i32
      %and3A_285 = arith.andi %ne3A_281, %ne3A_284 : i1
      %sub3A_286 = arith.constant 1 : i32
      %sub3A_287 = arith.subi %div3A_266, %sub3A_286 : i32
      %select_n3A_288 = arith.select %and3A_285, %sub3A_287, %div3A_266 : i32
      %jit3A_289 = arith.constant 2 : i32
      %eq3A_290 = arith.constant 0 : i32
      %eq3A_291 = arith.cmpi eq, %jit3A_289, %eq3A_290 : i32
      %jit3A_292 = arith.constant 1 : i32
      %select_n3A_293 = arith.select %eq3A_291, %jit3A_292, %jit3A_289 : i32
      %rem3A_294 = arith.remsi %add3A_203, %select_n3A_293 : i32
      %ne3A_295 = arith.constant 0 : i32
      %ne3A_296 = arith.cmpi ne, %rem3A_294, %ne3A_295 : i32
      %lt3A_297 = arith.constant 0 : i32
      %lt3A_298 = arith.cmpi slt, %rem3A_294, %lt3A_297 : i32
      %lt3A_299 = arith.constant 0 : i32
      %lt3A_300 = arith.cmpi slt, %select_n3A_293, %lt3A_299 : i32
      %ne3A_301 = arith.xori %lt3A_298, %lt3A_300 : i1
      %and3A_302 = arith.andi %ne3A_301, %ne3A_296 : i1
      %add3A_303 = arith.addi %rem3A_294, %select_n3A_293 : i32
      %select_n3A_304 = arith.select %and3A_302, %add3A_303, %rem3A_294 : i32
      %mul3A_305 = arith.constant 64 : i32
      %mul3A_306 = arith.muli %select_n3A_304, %mul3A_305 : i32
      %dma_start3A_307 = tpu.memref_slice %arg7[%select_n3A_288, %mul3A_306] : memref<40x128xi32, #tpu.memory_space<vmem>> -> memref<1x64xi32, #tpu.memory_space<vmem>>
      %dma_start3A_308 = tpu.memref_squeeze %dma_start3A_307 : memref<1x64xi32, #tpu.memory_space<vmem>> -> memref<64xi32, #tpu.memory_space<vmem>>
      %dma_start3A_309 = arith.constant 0 : i32
      %dma_start3A_310 = arith.constant 0 : i32
      %dma_start3A_311 = tpu.memref_slice %arg12[%dma_start3A_309, %dma_start3A_310] : memref<10240x128xf32, #tpu.memory_space<vmem_shared>> -> memref<10240x128xf32, #tpu.memory_space<vmem_shared>>
      tpu.enqueue_indirect_dma source(%arg9 : memref<64x128xf32, #tpu.memory_space<vmem>>) target(%dma_start3A_311 : memref<10240x128xf32, #tpu.memory_space<vmem_shared>>) offsets(%dma_start3A_308 : memref<64xi32, #tpu.memory_space<vmem>>) semaphore(%arg18 : memref<!tpu.dma_semaphore, #tpu.memory_space<semaphore_mem>>) {add = true}
      %mul3A_312 = arith.constant 4 : i32
      %mul3A_313 = arith.muli %mul3A_312, %scan3A_100 : i32
      %add3A_314 = arith.constant 2 : i32
      %add3A_315 = arith.addi %mul3A_313, %add3A_314 : i32
      %ge3A_316 = arith.constant 1 : i32
      %ge3A_317 = arith.cmpi sge, %add3A_315, %ge3A_316 : i32
      %convert_element_type3A_318 = arith.extui %ge3A_317 : i1 to i32
      %cond3A_319 = arith.constant 0 : i32
      %cond3A_320 = arith.cmpi ne, %convert_element_type3A_318, %cond3A_319 : i32
      scf.if %cond3A_320 {
        %jit3A_536 = arith.constant 2 : i32
        %div3A_537 = arith.divsi %add3A_315, %jit3A_536 : i32
        %sign3A_538 = arith.constant 0 : i32
        %sign3A_539 = arith.cmpi sgt, %add3A_315, %sign3A_538 : i32
        %sign3A_540 = arith.extui %sign3A_539 : i1 to i32
        %sign3A_541 = arith.constant 0 : i32
        %sign3A_542 = arith.cmpi slt, %add3A_315, %sign3A_541 : i32
        %sign3A_543 = arith.extui %sign3A_542 : i1 to i32
        %sign3A_544 = arith.subi %sign3A_540, %sign3A_543 : i32
        %sign3A_545 = arith.constant 0 : i32
        %sign3A_546 = arith.cmpi sgt, %jit3A_536, %sign3A_545 : i32
        %sign3A_547 = arith.extui %sign3A_546 : i1 to i32
        %sign3A_548 = arith.constant 0 : i32
        %sign3A_549 = arith.cmpi slt, %jit3A_536, %sign3A_548 : i32
        %sign3A_550 = arith.extui %sign3A_549 : i1 to i32
        %sign3A_551 = arith.subi %sign3A_547, %sign3A_550 : i32
        %ne3A_552 = arith.cmpi ne, %sign3A_544, %sign3A_551 : i32
        %rem3A_553 = arith.remsi %add3A_315, %jit3A_536 : i32
        %ne3A_554 = arith.constant 0 : i32
        %ne3A_555 = arith.cmpi ne, %rem3A_553, %ne3A_554 : i32
        %and3A_556 = arith.andi %ne3A_552, %ne3A_555 : i1
        %sub3A_557 = arith.constant 1 : i32
        %sub3A_558 = arith.subi %div3A_537, %sub3A_557 : i32
        %select_n3A_559 = arith.select %and3A_556, %sub3A_558, %div3A_537 : i32
        %jit3A_560 = arith.constant 2 : i32
        %eq3A_561 = arith.constant 0 : i32
        %eq3A_562 = arith.cmpi eq, %jit3A_560, %eq3A_561 : i32
        %jit3A_563 = arith.constant 1 : i32
        %select_n3A_564 = arith.select %eq3A_562, %jit3A_563, %jit3A_560 : i32
        %rem3A_565 = arith.remsi %add3A_315, %select_n3A_564 : i32
        %ne3A_566 = arith.constant 0 : i32
        %ne3A_567 = arith.cmpi ne, %rem3A_565, %ne3A_566 : i32
        %lt3A_568 = arith.constant 0 : i32
        %lt3A_569 = arith.cmpi slt, %rem3A_565, %lt3A_568 : i32
        %lt3A_570 = arith.constant 0 : i32
        %lt3A_571 = arith.cmpi slt, %select_n3A_564, %lt3A_570 : i32
        %ne3A_572 = arith.xori %lt3A_569, %lt3A_571 : i1
        %and3A_573 = arith.andi %ne3A_572, %ne3A_567 : i1
        %add3A_574 = arith.addi %rem3A_565, %select_n3A_564 : i32
        %select_n3A_575 = arith.select %and3A_573, %add3A_574, %rem3A_565 : i32
        %mul3A_576 = arith.constant 64 : i32
        %mul3A_577 = arith.muli %select_n3A_575, %mul3A_576 : i32
        %dma_wait3A_578 = tpu.memref_slice %arg7[%select_n3A_559, %mul3A_577] : memref<40x128xi32, #tpu.memory_space<vmem>> -> memref<1x64xi32, #tpu.memory_space<vmem>>
        %dma_wait3A_579 = tpu.memref_squeeze %dma_wait3A_578 : memref<1x64xi32, #tpu.memory_space<vmem>> -> memref<64xi32, #tpu.memory_space<vmem>>
        %dma_wait3A_580 = arith.constant 0 : i32
        %dma_wait3A_581 = arith.constant 0 : i32
        %dma_wait3A_582 = tpu.memref_slice %arg12[%dma_wait3A_580, %dma_wait3A_581] : memref<10240x128xf32, #tpu.memory_space<vmem_shared>> -> memref<10240x128xf32, #tpu.memory_space<vmem_shared>>
        tpu.wait_indirect_dma semaphore(%arg18 : memref<!tpu.dma_semaphore, #tpu.memory_space<semaphore_mem>>) src(%arg9 : memref<64x128xf32, #tpu.memory_space<vmem>>) dst(%dma_wait3A_582 : memref<10240x128xf32, #tpu.memory_space<vmem_shared>>)
      } else {
      }
      %add3A_321 = arith.constant 4 : i32
      %add3A_322 = arith.addi %add3A_315, %add3A_321 : i32
      %sub3A_323 = arith.constant 1 : i32
      %sub3A_324 = arith.subi %add3A_322, %sub3A_323 : i32
      %lt3A_325 = arith.constant 80 : i32
      %lt3A_326 = arith.cmpi slt, %sub3A_324, %lt3A_325 : i32
      %convert_element_type3A_327 = arith.extui %lt3A_326 : i1 to i32
      %cond3A_328 = arith.constant 0 : i32
      %cond3A_329 = arith.cmpi ne, %convert_element_type3A_327, %cond3A_328 : i32
      scf.if %cond3A_329 {
        %add3A_536 = arith.constant 4 : i32
        %add3A_537 = arith.addi %add3A_315, %add3A_536 : i32
        %sub3A_538 = arith.constant 1 : i32
        %sub3A_539 = arith.subi %add3A_537, %sub3A_538 : i32
        %jit3A_540 = arith.constant 2 : i32
        %div3A_541 = arith.divsi %sub3A_539, %jit3A_540 : i32
        %sign3A_542 = arith.constant 0 : i32
        %sign3A_543 = arith.cmpi sgt, %sub3A_539, %sign3A_542 : i32
        %sign3A_544 = arith.extui %sign3A_543 : i1 to i32
        %sign3A_545 = arith.constant 0 : i32
        %sign3A_546 = arith.cmpi slt, %sub3A_539, %sign3A_545 : i32
        %sign3A_547 = arith.extui %sign3A_546 : i1 to i32
        %sign3A_548 = arith.subi %sign3A_544, %sign3A_547 : i32
        %sign3A_549 = arith.constant 0 : i32
        %sign3A_550 = arith.cmpi sgt, %jit3A_540, %sign3A_549 : i32
        %sign3A_551 = arith.extui %sign3A_550 : i1 to i32
        %sign3A_552 = arith.constant 0 : i32
        %sign3A_553 = arith.cmpi slt, %jit3A_540, %sign3A_552 : i32
        %sign3A_554 = arith.extui %sign3A_553 : i1 to i32
        %sign3A_555 = arith.subi %sign3A_551, %sign3A_554 : i32
        %ne3A_556 = arith.cmpi ne, %sign3A_548, %sign3A_555 : i32
        %rem3A_557 = arith.remsi %sub3A_539, %jit3A_540 : i32
        %ne3A_558 = arith.constant 0 : i32
        %ne3A_559 = arith.cmpi ne, %rem3A_557, %ne3A_558 : i32
        %and3A_560 = arith.andi %ne3A_556, %ne3A_559 : i1
        %sub3A_561 = arith.constant 1 : i32
        %sub3A_562 = arith.subi %div3A_541, %sub3A_561 : i32
        %select_n3A_563 = arith.select %and3A_560, %sub3A_562, %div3A_541 : i32
        %jit3A_564 = arith.constant 2 : i32
        %eq3A_565 = arith.constant 0 : i32
        %eq3A_566 = arith.cmpi eq, %jit3A_564, %eq3A_565 : i32
        %jit3A_567 = arith.constant 1 : i32
        %select_n3A_568 = arith.select %eq3A_566, %jit3A_567, %jit3A_564 : i32
        %rem3A_569 = arith.remsi %sub3A_539, %select_n3A_568 : i32
        %ne3A_570 = arith.constant 0 : i32
        %ne3A_571 = arith.cmpi ne, %rem3A_569, %ne3A_570 : i32
        %lt3A_572 = arith.constant 0 : i32
        %lt3A_573 = arith.cmpi slt, %rem3A_569, %lt3A_572 : i32
        %lt3A_574 = arith.constant 0 : i32
        %lt3A_575 = arith.cmpi slt, %select_n3A_568, %lt3A_574 : i32
        %ne3A_576 = arith.xori %lt3A_573, %lt3A_575 : i1
        %and3A_577 = arith.andi %ne3A_576, %ne3A_571 : i1
        %add3A_578 = arith.addi %rem3A_569, %select_n3A_568 : i32
        %select_n3A_579 = arith.select %and3A_577, %add3A_578, %rem3A_569 : i32
        %mul3A_580 = arith.constant 64 : i32
        %mul3A_581 = arith.muli %select_n3A_579, %mul3A_580 : i32
        %dma_start3A_582 = tpu.memref_slice %arg6[%select_n3A_563, %mul3A_581] : memref<40x128xi32, #tpu.memory_space<vmem>> -> memref<1x64xi32, #tpu.memory_space<vmem>>
        %dma_start3A_583 = tpu.memref_squeeze %dma_start3A_582 : memref<1x64xi32, #tpu.memory_space<vmem>> -> memref<64xi32, #tpu.memory_space<vmem>>
        %dma_start3A_584 = arith.constant 0 : i32
        %dma_start3A_585 = arith.constant 0 : i32
        %dma_start3A_586 = tpu.memref_slice %arg2[%dma_start3A_584, %dma_start3A_585] : memref<10240x128xf32, #tpu.memory_space<hbm>> -> memref<10240x128xf32, #tpu.memory_space<hbm>>
        tpu.enqueue_indirect_dma source(%dma_start3A_586 : memref<10240x128xf32, #tpu.memory_space<hbm>>) target(%arg9 : memref<64x128xf32, #tpu.memory_space<vmem>>) offsets(%dma_start3A_583 : memref<64xi32, #tpu.memory_space<vmem>>) semaphore(%arg14 : memref<!tpu.dma_semaphore, #tpu.memory_space<semaphore_mem>>)
      } else {
      }
      %jit3A_330 = arith.constant 2 : i32
      %div3A_331 = arith.divsi %add3A_315, %jit3A_330 : i32
      %sign3A_332 = arith.constant 0 : i32
      %sign3A_333 = arith.cmpi sgt, %add3A_315, %sign3A_332 : i32
      %sign3A_334 = arith.extui %sign3A_333 : i1 to i32
      %sign3A_335 = arith.constant 0 : i32
      %sign3A_336 = arith.cmpi slt, %add3A_315, %sign3A_335 : i32
      %sign3A_337 = arith.extui %sign3A_336 : i1 to i32
      %sign3A_338 = arith.subi %sign3A_334, %sign3A_337 : i32
      %sign3A_339 = arith.constant 0 : i32
      %sign3A_340 = arith.cmpi sgt, %jit3A_330, %sign3A_339 : i32
      %sign3A_341 = arith.extui %sign3A_340 : i1 to i32
      %sign3A_342 = arith.constant 0 : i32
      %sign3A_343 = arith.cmpi slt, %jit3A_330, %sign3A_342 : i32
      %sign3A_344 = arith.extui %sign3A_343 : i1 to i32
      %sign3A_345 = arith.subi %sign3A_341, %sign3A_344 : i32
      %ne3A_346 = arith.cmpi ne, %sign3A_338, %sign3A_345 : i32
      %rem3A_347 = arith.remsi %add3A_315, %jit3A_330 : i32
      %ne3A_348 = arith.constant 0 : i32
      %ne3A_349 = arith.cmpi ne, %rem3A_347, %ne3A_348 : i32
      %and3A_350 = arith.andi %ne3A_346, %ne3A_349 : i1
      %sub3A_351 = arith.constant 1 : i32
      %sub3A_352 = arith.subi %div3A_331, %sub3A_351 : i32
      %select_n3A_353 = arith.select %and3A_350, %sub3A_352, %div3A_331 : i32
      %jit3A_354 = arith.constant 2 : i32
      %eq3A_355 = arith.constant 0 : i32
      %eq3A_356 = arith.cmpi eq, %jit3A_354, %eq3A_355 : i32
      %jit3A_357 = arith.constant 1 : i32
      %select_n3A_358 = arith.select %eq3A_356, %jit3A_357, %jit3A_354 : i32
      %rem3A_359 = arith.remsi %add3A_315, %select_n3A_358 : i32
      %ne3A_360 = arith.constant 0 : i32
      %ne3A_361 = arith.cmpi ne, %rem3A_359, %ne3A_360 : i32
      %lt3A_362 = arith.constant 0 : i32
      %lt3A_363 = arith.cmpi slt, %rem3A_359, %lt3A_362 : i32
      %lt3A_364 = arith.constant 0 : i32
      %lt3A_365 = arith.cmpi slt, %select_n3A_358, %lt3A_364 : i32
      %ne3A_366 = arith.xori %lt3A_363, %lt3A_365 : i1
      %and3A_367 = arith.andi %ne3A_366, %ne3A_361 : i1
      %add3A_368 = arith.addi %rem3A_359, %select_n3A_358 : i32
      %select_n3A_369 = arith.select %and3A_367, %add3A_368, %rem3A_359 : i32
      %mul3A_370 = arith.constant 64 : i32
      %mul3A_371 = arith.muli %select_n3A_369, %mul3A_370 : i32
      %dma_wait3A_372 = tpu.memref_slice %arg6[%select_n3A_353, %mul3A_371] : memref<40x128xi32, #tpu.memory_space<vmem>> -> memref<1x64xi32, #tpu.memory_space<vmem>>
      %dma_wait3A_373 = tpu.memref_squeeze %dma_wait3A_372 : memref<1x64xi32, #tpu.memory_space<vmem>> -> memref<64xi32, #tpu.memory_space<vmem>>
      %dma_wait3A_374 = arith.constant 0 : i32
      %dma_wait3A_375 = arith.constant 0 : i32
      %dma_wait3A_376 = tpu.memref_slice %arg2[%dma_wait3A_374, %dma_wait3A_375] : memref<10240x128xf32, #tpu.memory_space<hbm>> -> memref<10240x128xf32, #tpu.memory_space<hbm>>
      tpu.wait_indirect_dma semaphore(%arg15 : memref<!tpu.dma_semaphore, #tpu.memory_space<semaphore_mem>>) src(%dma_wait3A_376 : memref<10240x128xf32, #tpu.memory_space<hbm>>) dst(%arg10 : memref<64x128xf32, #tpu.memory_space<vmem>>)
      %jit3A_377 = arith.constant 2 : i32
      %div3A_378 = arith.divsi %add3A_315, %jit3A_377 : i32
      %sign3A_379 = arith.constant 0 : i32
      %sign3A_380 = arith.cmpi sgt, %add3A_315, %sign3A_379 : i32
      %sign3A_381 = arith.extui %sign3A_380 : i1 to i32
      %sign3A_382 = arith.constant 0 : i32
      %sign3A_383 = arith.cmpi slt, %add3A_315, %sign3A_382 : i32
      %sign3A_384 = arith.extui %sign3A_383 : i1 to i32
      %sign3A_385 = arith.subi %sign3A_381, %sign3A_384 : i32
      %sign3A_386 = arith.constant 0 : i32
      %sign3A_387 = arith.cmpi sgt, %jit3A_377, %sign3A_386 : i32
      %sign3A_388 = arith.extui %sign3A_387 : i1 to i32
      %sign3A_389 = arith.constant 0 : i32
      %sign3A_390 = arith.cmpi slt, %jit3A_377, %sign3A_389 : i32
      %sign3A_391 = arith.extui %sign3A_390 : i1 to i32
      %sign3A_392 = arith.subi %sign3A_388, %sign3A_391 : i32
      %ne3A_393 = arith.cmpi ne, %sign3A_385, %sign3A_392 : i32
      %rem3A_394 = arith.remsi %add3A_315, %jit3A_377 : i32
      %ne3A_395 = arith.constant 0 : i32
      %ne3A_396 = arith.cmpi ne, %rem3A_394, %ne3A_395 : i32
      %and3A_397 = arith.andi %ne3A_393, %ne3A_396 : i1
      %sub3A_398 = arith.constant 1 : i32
      %sub3A_399 = arith.subi %div3A_378, %sub3A_398 : i32
      %select_n3A_400 = arith.select %and3A_397, %sub3A_399, %div3A_378 : i32
      %jit3A_401 = arith.constant 2 : i32
      %eq3A_402 = arith.constant 0 : i32
      %eq3A_403 = arith.cmpi eq, %jit3A_401, %eq3A_402 : i32
      %jit3A_404 = arith.constant 1 : i32
      %select_n3A_405 = arith.select %eq3A_403, %jit3A_404, %jit3A_401 : i32
      %rem3A_406 = arith.remsi %add3A_315, %select_n3A_405 : i32
      %ne3A_407 = arith.constant 0 : i32
      %ne3A_408 = arith.cmpi ne, %rem3A_406, %ne3A_407 : i32
      %lt3A_409 = arith.constant 0 : i32
      %lt3A_410 = arith.cmpi slt, %rem3A_406, %lt3A_409 : i32
      %lt3A_411 = arith.constant 0 : i32
      %lt3A_412 = arith.cmpi slt, %select_n3A_405, %lt3A_411 : i32
      %ne3A_413 = arith.xori %lt3A_410, %lt3A_412 : i1
      %and3A_414 = arith.andi %ne3A_413, %ne3A_408 : i1
      %add3A_415 = arith.addi %rem3A_406, %select_n3A_405 : i32
      %select_n3A_416 = arith.select %and3A_414, %add3A_415, %rem3A_406 : i32
      %mul3A_417 = arith.constant 64 : i32
      %mul3A_418 = arith.muli %select_n3A_416, %mul3A_417 : i32
      %dma_start3A_419 = tpu.memref_slice %arg7[%select_n3A_400, %mul3A_418] : memref<40x128xi32, #tpu.memory_space<vmem>> -> memref<1x64xi32, #tpu.memory_space<vmem>>
      %dma_start3A_420 = tpu.memref_squeeze %dma_start3A_419 : memref<1x64xi32, #tpu.memory_space<vmem>> -> memref<64xi32, #tpu.memory_space<vmem>>
      %dma_start3A_421 = arith.constant 0 : i32
      %dma_start3A_422 = arith.constant 0 : i32
      %dma_start3A_423 = tpu.memref_slice %arg12[%dma_start3A_421, %dma_start3A_422] : memref<10240x128xf32, #tpu.memory_space<vmem_shared>> -> memref<10240x128xf32, #tpu.memory_space<vmem_shared>>
      tpu.enqueue_indirect_dma source(%arg10 : memref<64x128xf32, #tpu.memory_space<vmem>>) target(%dma_start3A_423 : memref<10240x128xf32, #tpu.memory_space<vmem_shared>>) offsets(%dma_start3A_420 : memref<64xi32, #tpu.memory_space<vmem>>) semaphore(%arg19 : memref<!tpu.dma_semaphore, #tpu.memory_space<semaphore_mem>>) {add = true}
      %mul3A_424 = arith.constant 4 : i32
      %mul3A_425 = arith.muli %mul3A_424, %scan3A_100 : i32
      %add3A_426 = arith.constant 3 : i32
      %add3A_427 = arith.addi %mul3A_425, %add3A_426 : i32
      %ge3A_428 = arith.constant 1 : i32
      %ge3A_429 = arith.cmpi sge, %add3A_427, %ge3A_428 : i32
      %convert_element_type3A_430 = arith.extui %ge3A_429 : i1 to i32
      %cond3A_431 = arith.constant 0 : i32
      %cond3A_432 = arith.cmpi ne, %convert_element_type3A_430, %cond3A_431 : i32
      scf.if %cond3A_432 {
        %jit3A_536 = arith.constant 2 : i32
        %div3A_537 = arith.divsi %add3A_427, %jit3A_536 : i32
        %sign3A_538 = arith.constant 0 : i32
        %sign3A_539 = arith.cmpi sgt, %add3A_427, %sign3A_538 : i32
        %sign3A_540 = arith.extui %sign3A_539 : i1 to i32
        %sign3A_541 = arith.constant 0 : i32
        %sign3A_542 = arith.cmpi slt, %add3A_427, %sign3A_541 : i32
        %sign3A_543 = arith.extui %sign3A_542 : i1 to i32
        %sign3A_544 = arith.subi %sign3A_540, %sign3A_543 : i32
        %sign3A_545 = arith.constant 0 : i32
        %sign3A_546 = arith.cmpi sgt, %jit3A_536, %sign3A_545 : i32
        %sign3A_547 = arith.extui %sign3A_546 : i1 to i32
        %sign3A_548 = arith.constant 0 : i32
        %sign3A_549 = arith.cmpi slt, %jit3A_536, %sign3A_548 : i32
        %sign3A_550 = arith.extui %sign3A_549 : i1 to i32
        %sign3A_551 = arith.subi %sign3A_547, %sign3A_550 : i32
        %ne3A_552 = arith.cmpi ne, %sign3A_544, %sign3A_551 : i32
        %rem3A_553 = arith.remsi %add3A_427, %jit3A_536 : i32
        %ne3A_554 = arith.constant 0 : i32
        %ne3A_555 = arith.cmpi ne, %rem3A_553, %ne3A_554 : i32
        %and3A_556 = arith.andi %ne3A_552, %ne3A_555 : i1
        %sub3A_557 = arith.constant 1 : i32
        %sub3A_558 = arith.subi %div3A_537, %sub3A_557 : i32
        %select_n3A_559 = arith.select %and3A_556, %sub3A_558, %div3A_537 : i32
        %jit3A_560 = arith.constant 2 : i32
        %eq3A_561 = arith.constant 0 : i32
        %eq3A_562 = arith.cmpi eq, %jit3A_560, %eq3A_561 : i32
        %jit3A_563 = arith.constant 1 : i32
        %select_n3A_564 = arith.select %eq3A_562, %jit3A_563, %jit3A_560 : i32
        %rem3A_565 = arith.remsi %add3A_427, %select_n3A_564 : i32
        %ne3A_566 = arith.constant 0 : i32
        %ne3A_567 = arith.cmpi ne, %rem3A_565, %ne3A_566 : i32
        %lt3A_568 = arith.constant 0 : i32
        %lt3A_569 = arith.cmpi slt, %rem3A_565, %lt3A_568 : i32
        %lt3A_570 = arith.constant 0 : i32
        %lt3A_571 = arith.cmpi slt, %select_n3A_564, %lt3A_570 : i32
        %ne3A_572 = arith.xori %lt3A_569, %lt3A_571 : i1
        %and3A_573 = arith.andi %ne3A_572, %ne3A_567 : i1
        %add3A_574 = arith.addi %rem3A_565, %select_n3A_564 : i32
        %select_n3A_575 = arith.select %and3A_573, %add3A_574, %rem3A_565 : i32
        %mul3A_576 = arith.constant 64 : i32
        %mul3A_577 = arith.muli %select_n3A_575, %mul3A_576 : i32
        %dma_wait3A_578 = tpu.memref_slice %arg7[%select_n3A_559, %mul3A_577] : memref<40x128xi32, #tpu.memory_space<vmem>> -> memref<1x64xi32, #tpu.memory_space<vmem>>
        %dma_wait3A_579 = tpu.memref_squeeze %dma_wait3A_578 : memref<1x64xi32, #tpu.memory_space<vmem>> -> memref<64xi32, #tpu.memory_space<vmem>>
        %dma_wait3A_580 = arith.constant 0 : i32
        %dma_wait3A_581 = arith.constant 0 : i32
        %dma_wait3A_582 = tpu.memref_slice %arg12[%dma_wait3A_580, %dma_wait3A_581] : memref<10240x128xf32, #tpu.memory_space<vmem_shared>> -> memref<10240x128xf32, #tpu.memory_space<vmem_shared>>
        tpu.wait_indirect_dma semaphore(%arg19 : memref<!tpu.dma_semaphore, #tpu.memory_space<semaphore_mem>>) src(%arg10 : memref<64x128xf32, #tpu.memory_space<vmem>>) dst(%dma_wait3A_582 : memref<10240x128xf32, #tpu.memory_space<vmem_shared>>)
      } else {
      }
      %add3A_433 = arith.constant 4 : i32
      %add3A_434 = arith.addi %add3A_427, %add3A_433 : i32
      %sub3A_435 = arith.constant 1 : i32
      %sub3A_436 = arith.subi %add3A_434, %sub3A_435 : i32
      %lt3A_437 = arith.constant 80 : i32
      %lt3A_438 = arith.cmpi slt, %sub3A_436, %lt3A_437 : i32
      %convert_element_type3A_439 = arith.extui %lt3A_438 : i1 to i32
      %cond3A_440 = arith.constant 0 : i32
      %cond3A_441 = arith.cmpi ne, %convert_element_type3A_439, %cond3A_440 : i32
      scf.if %cond3A_441 {
        %add3A_536 = arith.constant 4 : i32
        %add3A_537 = arith.addi %add3A_427, %add3A_536 : i32
        %sub3A_538 = arith.constant 1 : i32
        %sub3A_539 = arith.subi %add3A_537, %sub3A_538 : i32
        %jit3A_540 = arith.constant 2 : i32
        %div3A_541 = arith.divsi %sub3A_539, %jit3A_540 : i32
        %sign3A_542 = arith.constant 0 : i32
        %sign3A_543 = arith.cmpi sgt, %sub3A_539, %sign3A_542 : i32
        %sign3A_544 = arith.extui %sign3A_543 : i1 to i32
        %sign3A_545 = arith.constant 0 : i32
        %sign3A_546 = arith.cmpi slt, %sub3A_539, %sign3A_545 : i32
        %sign3A_547 = arith.extui %sign3A_546 : i1 to i32
        %sign3A_548 = arith.subi %sign3A_544, %sign3A_547 : i32
        %sign3A_549 = arith.constant 0 : i32
        %sign3A_550 = arith.cmpi sgt, %jit3A_540, %sign3A_549 : i32
        %sign3A_551 = arith.extui %sign3A_550 : i1 to i32
        %sign3A_552 = arith.constant 0 : i32
        %sign3A_553 = arith.cmpi slt, %jit3A_540, %sign3A_552 : i32
        %sign3A_554 = arith.extui %sign3A_553 : i1 to i32
        %sign3A_555 = arith.subi %sign3A_551, %sign3A_554 : i32
        %ne3A_556 = arith.cmpi ne, %sign3A_548, %sign3A_555 : i32
        %rem3A_557 = arith.remsi %sub3A_539, %jit3A_540 : i32
        %ne3A_558 = arith.constant 0 : i32
        %ne3A_559 = arith.cmpi ne, %rem3A_557, %ne3A_558 : i32
        %and3A_560 = arith.andi %ne3A_556, %ne3A_559 : i1
        %sub3A_561 = arith.constant 1 : i32
        %sub3A_562 = arith.subi %div3A_541, %sub3A_561 : i32
        %select_n3A_563 = arith.select %and3A_560, %sub3A_562, %div3A_541 : i32
        %jit3A_564 = arith.constant 2 : i32
        %eq3A_565 = arith.constant 0 : i32
        %eq3A_566 = arith.cmpi eq, %jit3A_564, %eq3A_565 : i32
        %jit3A_567 = arith.constant 1 : i32
        %select_n3A_568 = arith.select %eq3A_566, %jit3A_567, %jit3A_564 : i32
        %rem3A_569 = arith.remsi %sub3A_539, %select_n3A_568 : i32
        %ne3A_570 = arith.constant 0 : i32
        %ne3A_571 = arith.cmpi ne, %rem3A_569, %ne3A_570 : i32
        %lt3A_572 = arith.constant 0 : i32
        %lt3A_573 = arith.cmpi slt, %rem3A_569, %lt3A_572 : i32
        %lt3A_574 = arith.constant 0 : i32
        %lt3A_575 = arith.cmpi slt, %select_n3A_568, %lt3A_574 : i32
        %ne3A_576 = arith.xori %lt3A_573, %lt3A_575 : i1
        %and3A_577 = arith.andi %ne3A_576, %ne3A_571 : i1
        %add3A_578 = arith.addi %rem3A_569, %select_n3A_568 : i32
        %select_n3A_579 = arith.select %and3A_577, %add3A_578, %rem3A_569 : i32
        %mul3A_580 = arith.constant 64 : i32
        %mul3A_581 = arith.muli %select_n3A_579, %mul3A_580 : i32
        %dma_start3A_582 = tpu.memref_slice %arg6[%select_n3A_563, %mul3A_581] : memref<40x128xi32, #tpu.memory_space<vmem>> -> memref<1x64xi32, #tpu.memory_space<vmem>>
        %dma_start3A_583 = tpu.memref_squeeze %dma_start3A_582 : memref<1x64xi32, #tpu.memory_space<vmem>> -> memref<64xi32, #tpu.memory_space<vmem>>
        %dma_start3A_584 = arith.constant 0 : i32
        %dma_start3A_585 = arith.constant 0 : i32
        %dma_start3A_586 = tpu.memref_slice %arg2[%dma_start3A_584, %dma_start3A_585] : memref<10240x128xf32, #tpu.memory_space<hbm>> -> memref<10240x128xf32, #tpu.memory_space<hbm>>
        tpu.enqueue_indirect_dma source(%dma_start3A_586 : memref<10240x128xf32, #tpu.memory_space<hbm>>) target(%arg10 : memref<64x128xf32, #tpu.memory_space<vmem>>) offsets(%dma_start3A_583 : memref<64xi32, #tpu.memory_space<vmem>>) semaphore(%arg15 : memref<!tpu.dma_semaphore, #tpu.memory_space<semaphore_mem>>)
      } else {
      }
      %jit3A_442 = arith.constant 2 : i32
      %div3A_443 = arith.divsi %add3A_427, %jit3A_442 : i32
      %sign3A_444 = arith.constant 0 : i32
      %sign3A_445 = arith.cmpi sgt, %add3A_427, %sign3A_444 : i32
      %sign3A_446 = arith.extui %sign3A_445 : i1 to i32
      %sign3A_447 = arith.constant 0 : i32
      %sign3A_448 = arith.cmpi slt, %add3A_427, %sign3A_447 : i32
      %sign3A_449 = arith.extui %sign3A_448 : i1 to i32
      %sign3A_450 = arith.subi %sign3A_446, %sign3A_449 : i32
      %sign3A_451 = arith.constant 0 : i32
      %sign3A_452 = arith.cmpi sgt, %jit3A_442, %sign3A_451 : i32
      %sign3A_453 = arith.extui %sign3A_452 : i1 to i32
      %sign3A_454 = arith.constant 0 : i32
      %sign3A_455 = arith.cmpi slt, %jit3A_442, %sign3A_454 : i32
      %sign3A_456 = arith.extui %sign3A_455 : i1 to i32
      %sign3A_457 = arith.subi %sign3A_453, %sign3A_456 : i32
      %ne3A_458 = arith.cmpi ne, %sign3A_450, %sign3A_457 : i32
      %rem3A_459 = arith.remsi %add3A_427, %jit3A_442 : i32
      %ne3A_460 = arith.constant 0 : i32
      %ne3A_461 = arith.cmpi ne, %rem3A_459, %ne3A_460 : i32
      %and3A_462 = arith.andi %ne3A_458, %ne3A_461 : i1
      %sub3A_463 = arith.constant 1 : i32
      %sub3A_464 = arith.subi %div3A_443, %sub3A_463 : i32
      %select_n3A_465 = arith.select %and3A_462, %sub3A_464, %div3A_443 : i32
      %jit3A_466 = arith.constant 2 : i32
      %eq3A_467 = arith.constant 0 : i32
      %eq3A_468 = arith.cmpi eq, %jit3A_466, %eq3A_467 : i32
      %jit3A_469 = arith.constant 1 : i32
      %select_n3A_470 = arith.select %eq3A_468, %jit3A_469, %jit3A_466 : i32
      %rem3A_471 = arith.remsi %add3A_427, %select_n3A_470 : i32
      %ne3A_472 = arith.constant 0 : i32
      %ne3A_473 = arith.cmpi ne, %rem3A_471, %ne3A_472 : i32
      %lt3A_474 = arith.constant 0 : i32
      %lt3A_475 = arith.cmpi slt, %rem3A_471, %lt3A_474 : i32
      %lt3A_476 = arith.constant 0 : i32
      %lt3A_477 = arith.cmpi slt, %select_n3A_470, %lt3A_476 : i32
      %ne3A_478 = arith.xori %lt3A_475, %lt3A_477 : i1
      %and3A_479 = arith.andi %ne3A_478, %ne3A_473 : i1
      %add3A_480 = arith.addi %rem3A_471, %select_n3A_470 : i32
      %select_n3A_481 = arith.select %and3A_479, %add3A_480, %rem3A_471 : i32
      %mul3A_482 = arith.constant 64 : i32
      %mul3A_483 = arith.muli %select_n3A_481, %mul3A_482 : i32
      %dma_wait3A_484 = tpu.memref_slice %arg6[%select_n3A_465, %mul3A_483] : memref<40x128xi32, #tpu.memory_space<vmem>> -> memref<1x64xi32, #tpu.memory_space<vmem>>
      %dma_wait3A_485 = tpu.memref_squeeze %dma_wait3A_484 : memref<1x64xi32, #tpu.memory_space<vmem>> -> memref<64xi32, #tpu.memory_space<vmem>>
      %dma_wait3A_486 = arith.constant 0 : i32
      %dma_wait3A_487 = arith.constant 0 : i32
      %dma_wait3A_488 = tpu.memref_slice %arg2[%dma_wait3A_486, %dma_wait3A_487] : memref<10240x128xf32, #tpu.memory_space<hbm>> -> memref<10240x128xf32, #tpu.memory_space<hbm>>
      tpu.wait_indirect_dma semaphore(%arg16 : memref<!tpu.dma_semaphore, #tpu.memory_space<semaphore_mem>>) src(%dma_wait3A_488 : memref<10240x128xf32, #tpu.memory_space<hbm>>) dst(%arg11 : memref<64x128xf32, #tpu.memory_space<vmem>>)
      %jit3A_489 = arith.constant 2 : i32
      %div3A_490 = arith.divsi %add3A_427, %jit3A_489 : i32
      %sign3A_491 = arith.constant 0 : i32
      %sign3A_492 = arith.cmpi sgt, %add3A_427, %sign3A_491 : i32
      %sign3A_493 = arith.extui %sign3A_492 : i1 to i32
      %sign3A_494 = arith.constant 0 : i32
      %sign3A_495 = arith.cmpi slt, %add3A_427, %sign3A_494 : i32
      %sign3A_496 = arith.extui %sign3A_495 : i1 to i32
      %sign3A_497 = arith.subi %sign3A_493, %sign3A_496 : i32
      %sign3A_498 = arith.constant 0 : i32
      %sign3A_499 = arith.cmpi sgt, %jit3A_489, %sign3A_498 : i32
      %sign3A_500 = arith.extui %sign3A_499 : i1 to i32
      %sign3A_501 = arith.constant 0 : i32
      %sign3A_502 = arith.cmpi slt, %jit3A_489, %sign3A_501 : i32
      %sign3A_503 = arith.extui %sign3A_502 : i1 to i32
      %sign3A_504 = arith.subi %sign3A_500, %sign3A_503 : i32
      %ne3A_505 = arith.cmpi ne, %sign3A_497, %sign3A_504 : i32
      %rem3A_506 = arith.remsi %add3A_427, %jit3A_489 : i32
      %ne3A_507 = arith.constant 0 : i32
      %ne3A_508 = arith.cmpi ne, %rem3A_506, %ne3A_507 : i32
      %and3A_509 = arith.andi %ne3A_505, %ne3A_508 : i1
      %sub3A_510 = arith.constant 1 : i32
      %sub3A_511 = arith.subi %div3A_490, %sub3A_510 : i32
      %select_n3A_512 = arith.select %and3A_509, %sub3A_511, %div3A_490 : i32
      %jit3A_513 = arith.constant 2 : i32
      %eq3A_514 = arith.constant 0 : i32
      %eq3A_515 = arith.cmpi eq, %jit3A_513, %eq3A_514 : i32
      %jit3A_516 = arith.constant 1 : i32
      %select_n3A_517 = arith.select %eq3A_515, %jit3A_516, %jit3A_513 : i32
      %rem3A_518 = arith.remsi %add3A_427, %select_n3A_517 : i32
      %ne3A_519 = arith.constant 0 : i32
      %ne3A_520 = arith.cmpi ne, %rem3A_518, %ne3A_519 : i32
      %lt3A_521 = arith.constant 0 : i32
      %lt3A_522 = arith.cmpi slt, %rem3A_518, %lt3A_521 : i32
      %lt3A_523 = arith.constant 0 : i32
      %lt3A_524 = arith.cmpi slt, %select_n3A_517, %lt3A_523 : i32
      %ne3A_525 = arith.xori %lt3A_522, %lt3A_524 : i1
      %and3A_526 = arith.andi %ne3A_525, %ne3A_520 : i1
      %add3A_527 = arith.addi %rem3A_518, %select_n3A_517 : i32
      %select_n3A_528 = arith.select %and3A_526, %add3A_527, %rem3A_518 : i32
      %mul3A_529 = arith.constant 64 : i32
      %mul3A_530 = arith.muli %select_n3A_528, %mul3A_529 : i32
      %dma_start3A_531 = tpu.memref_slice %arg7[%select_n3A_512, %mul3A_530] : memref<40x128xi32, #tpu.memory_space<vmem>> -> memref<1x64xi32, #tpu.memory_space<vmem>>
      %dma_start3A_532 = tpu.memref_squeeze %dma_start3A_531 : memref<1x64xi32, #tpu.memory_space<vmem>> -> memref<64xi32, #tpu.memory_space<vmem>>
      %dma_start3A_533 = arith.constant 0 : i32
      %dma_start3A_534 = arith.constant 0 : i32
      %dma_start3A_535 = tpu.memref_slice %arg12[%dma_start3A_533, %dma_start3A_534] : memref<10240x128xf32, #tpu.memory_space<vmem_shared>> -> memref<10240x128xf32, #tpu.memory_space<vmem_shared>>
      tpu.enqueue_indirect_dma source(%arg11 : memref<64x128xf32, #tpu.memory_space<vmem>>) target(%dma_start3A_535 : memref<10240x128xf32, #tpu.memory_space<vmem_shared>>) offsets(%dma_start3A_532 : memref<64xi32, #tpu.memory_space<vmem>>) semaphore(%arg20 : memref<!tpu.dma_semaphore, #tpu.memory_space<semaphore_mem>>) {add = true}
    }
    %scan3A_72 = arith.constant 20 : i32
    %dma_wait3A = arith.constant 39 : i32
    %dma_wait3A_73 = arith.constant 64 : i32
    %dma_wait3A_74 = tpu.memref_slice %arg7[%dma_wait3A, %dma_wait3A_73] : memref<40x128xi32, #tpu.memory_space<vmem>> -> memref<1x64xi32, #tpu.memory_space<vmem>>
    %dma_wait3A_75 = tpu.memref_squeeze %dma_wait3A_74 : memref<1x64xi32, #tpu.memory_space<vmem>> -> memref<64xi32, #tpu.memory_space<vmem>>
    %dma_wait3A_76 = arith.constant 0 : i32
    %dma_wait3A_77 = arith.constant 0 : i32
    %dma_wait3A_78 = tpu.memref_slice %arg12[%dma_wait3A_76, %dma_wait3A_77] : memref<10240x128xf32, #tpu.memory_space<vmem_shared>> -> memref<10240x128xf32, #tpu.memory_space<vmem_shared>>
    tpu.wait_indirect_dma semaphore(%arg20 : memref<!tpu.dma_semaphore, #tpu.memory_space<semaphore_mem>>) src(%arg11 : memref<64x128xf32, #tpu.memory_space<vmem>>) dst(%dma_wait3A_78 : memref<10240x128xf32, #tpu.memory_space<vmem_shared>>)
    %barrier3A_79 = arith.constant 0 : index
    tpu.barrier barrier_id(%barrier3A_79)
    %mul3A_80 = arith.constant 640 : i32
    %mul3A_81 = arith.muli %arg1, %mul3A_80 : i32
    %add3A_82 = arith.constant 0 : i32
    %add3A_83 = arith.addi %mul3A_81, %add3A_82 : i32
    "tpu.region"() ({
      %run_scoped3A = tpu.sem_alloc : memref<!tpu.dma_semaphore, #tpu.memory_space<semaphore_mem>>
      %dma_start3A_100 = arith.constant 0 : i32
      %dma_start3A_101 = tpu.memref_slice %arg5[%arg0, %add3A_83, %dma_start3A_100] : memref<2x10240x128xf32, #tpu.memory_space<hbm>> -> memref<1x128x128xf32, #tpu.memory_space<hbm>>
      %dma_start3A_102 = tpu.memref_squeeze %dma_start3A_101 : memref<1x128x128xf32, #tpu.memory_space<hbm>> -> memref<128x128xf32, #tpu.memory_space<hbm>>
      %dma_start3A_103 = arith.constant 0 : i32
      %dma_start3A_104 = tpu.memref_slice %arg12[%add3A_83, %dma_start3A_103] : memref<10240x128xf32, #tpu.memory_space<vmem_shared>> -> memref<128x128xf32, #tpu.memory_space<vmem_shared>>
      tpu.enqueue_dma source(%dma_start3A_104 : memref<128x128xf32, #tpu.memory_space<vmem_shared>>) target(%dma_start3A_102 : memref<128x128xf32, #tpu.memory_space<hbm>>) target_semaphore(%run_scoped3A : memref<!tpu.dma_semaphore, #tpu.memory_space<semaphore_mem>>)
      %dma_wait3A_105 = arith.constant 0 : i32
      %dma_wait3A_106 = tpu.memref_slice %arg5[%arg0, %add3A_83, %dma_wait3A_105] : memref<2x10240x128xf32, #tpu.memory_space<hbm>> -> memref<1x128x128xf32, #tpu.memory_space<hbm>>
      %dma_wait3A_107 = tpu.memref_squeeze %dma_wait3A_106 : memref<1x128x128xf32, #tpu.memory_space<hbm>> -> memref<128x128xf32, #tpu.memory_space<hbm>>
      %dma_wait3A_108 = arith.constant 0 : i32
      %dma_wait3A_109 = tpu.memref_slice %arg12[%add3A_83, %dma_wait3A_108] : memref<10240x128xf32, #tpu.memory_space<vmem_shared>> -> memref<128x128xf32, #tpu.memory_space<vmem_shared>>
      tpu.wait_dma2 semaphore(%run_scoped3A : memref<!tpu.dma_semaphore, #tpu.memory_space<semaphore_mem>>) src(%dma_wait3A_109 : memref<128x128xf32, #tpu.memory_space<vmem_shared>>) dst(%dma_wait3A_107 : memref<128x128xf32, #tpu.memory_space<hbm>>)
      tpu.yield
    }) : () -> ()
    %mul3A_84 = arith.constant 640 : i32
    %mul3A_85 = arith.muli %arg1, %mul3A_84 : i32
    %add3A_86 = arith.constant 128 : i32
    %add3A_87 = arith.addi %mul3A_85, %add3A_86 : i32
    "tpu.region"() ({
      %run_scoped3A = tpu.sem_alloc : memref<!tpu.dma_semaphore, #tpu.memory_space<semaphore_mem>>
      %dma_start3A_100 = arith.constant 0 : i32
      %dma_start3A_101 = tpu.memref_slice %arg5[%arg0, %add3A_87, %dma_start3A_100] : memref<2x10240x128xf32, #tpu.memory_space<hbm>> -> memref<1x128x128xf32, #tpu.memory_space<hbm>>
      %dma_start3A_102 = tpu.memref_squeeze %dma_start3A_101 : memref<1x128x128xf32, #tpu.memory_space<hbm>> -> memref<128x128xf32, #tpu.memory_space<hbm>>
      %dma_start3A_103 = arith.constant 0 : i32
      %dma_start3A_104 = tpu.memref_slice %arg12[%add3A_87, %dma_start3A_103] : memref<10240x128xf32, #tpu.memory_space<vmem_shared>> -> memref<128x128xf32, #tpu.memory_space<vmem_shared>>
      tpu.enqueue_dma source(%dma_start3A_104 : memref<128x128xf32, #tpu.memory_space<vmem_shared>>) target(%dma_start3A_102 : memref<128x128xf32, #tpu.memory_space<hbm>>) target_semaphore(%run_scoped3A : memref<!tpu.dma_semaphore, #tpu.memory_space<semaphore_mem>>)
      %dma_wait3A_105 = arith.constant 0 : i32
      %dma_wait3A_106 = tpu.memref_slice %arg5[%arg0, %add3A_87, %dma_wait3A_105] : memref<2x10240x128xf32, #tpu.memory_space<hbm>> -> memref<1x128x128xf32, #tpu.memory_space<hbm>>
      %dma_wait3A_107 = tpu.memref_squeeze %dma_wait3A_106 : memref<1x128x128xf32, #tpu.memory_space<hbm>> -> memref<128x128xf32, #tpu.memory_space<hbm>>
      %dma_wait3A_108 = arith.constant 0 : i32
      %dma_wait3A_109 = tpu.memref_slice %arg12[%add3A_87, %dma_wait3A_108] : memref<10240x128xf32, #tpu.memory_space<vmem_shared>> -> memref<128x128xf32, #tpu.memory_space<vmem_shared>>
      tpu.wait_dma2 semaphore(%run_scoped3A : memref<!tpu.dma_semaphore, #tpu.memory_space<semaphore_mem>>) src(%dma_wait3A_109 : memref<128x128xf32, #tpu.memory_space<vmem_shared>>) dst(%dma_wait3A_107 : memref<128x128xf32, #tpu.memory_space<hbm>>)
      tpu.yield
    }) : () -> ()
    %mul3A_88 = arith.constant 640 : i32
    %mul3A_89 = arith.muli %arg1, %mul3A_88 : i32
    %add3A_90 = arith.constant 256 : i32
    %add3A_91 = arith.addi %mul3A_89, %add3A_90 : i32
    "tpu.region"() ({
      %run_scoped3A = tpu.sem_alloc : memref<!tpu.dma_semaphore, #tpu.memory_space<semaphore_mem>>
      %dma_start3A_100 = arith.constant 0 : i32
      %dma_start3A_101 = tpu.memref_slice %arg5[%arg0, %add3A_91, %dma_start3A_100] : memref<2x10240x128xf32, #tpu.memory_space<hbm>> -> memref<1x128x128xf32, #tpu.memory_space<hbm>>
      %dma_start3A_102 = tpu.memref_squeeze %dma_start3A_101 : memref<1x128x128xf32, #tpu.memory_space<hbm>> -> memref<128x128xf32, #tpu.memory_space<hbm>>
      %dma_start3A_103 = arith.constant 0 : i32
      %dma_start3A_104 = tpu.memref_slice %arg12[%add3A_91, %dma_start3A_103] : memref<10240x128xf32, #tpu.memory_space<vmem_shared>> -> memref<128x128xf32, #tpu.memory_space<vmem_shared>>
      tpu.enqueue_dma source(%dma_start3A_104 : memref<128x128xf32, #tpu.memory_space<vmem_shared>>) target(%dma_start3A_102 : memref<128x128xf32, #tpu.memory_space<hbm>>) target_semaphore(%run_scoped3A : memref<!tpu.dma_semaphore, #tpu.memory_space<semaphore_mem>>)
      %dma_wait3A_105 = arith.constant 0 : i32
      %dma_wait3A_106 = tpu.memref_slice %arg5[%arg0, %add3A_91, %dma_wait3A_105] : memref<2x10240x128xf32, #tpu.memory_space<hbm>> -> memref<1x128x128xf32, #tpu.memory_space<hbm>>
      %dma_wait3A_107 = tpu.memref_squeeze %dma_wait3A_106 : memref<1x128x128xf32, #tpu.memory_space<hbm>> -> memref<128x128xf32, #tpu.memory_space<hbm>>
      %dma_wait3A_108 = arith.constant 0 : i32
      %dma_wait3A_109 = tpu.memref_slice %arg12[%add3A_91, %dma_wait3A_108] : memref<10240x128xf32, #tpu.memory_space<vmem_shared>> -> memref<128x128xf32, #tpu.memory_space<vmem_shared>>
      tpu.wait_dma2 semaphore(%run_scoped3A : memref<!tpu.dma_semaphore, #tpu.memory_space<semaphore_mem>>) src(%dma_wait3A_109 : memref<128x128xf32, #tpu.memory_space<vmem_shared>>) dst(%dma_wait3A_107 : memref<128x128xf32, #tpu.memory_space<hbm>>)
      tpu.yield
    }) : () -> ()
    %mul3A_92 = arith.constant 640 : i32
    %mul3A_93 = arith.muli %arg1, %mul3A_92 : i32
    %add3A_94 = arith.constant 384 : i32
    %add3A_95 = arith.addi %mul3A_93, %add3A_94 : i32
    "tpu.region"() ({
      %run_scoped3A = tpu.sem_alloc : memref<!tpu.dma_semaphore, #tpu.memory_space<semaphore_mem>>
      %dma_start3A_100 = arith.constant 0 : i32
      %dma_start3A_101 = tpu.memref_slice %arg5[%arg0, %add3A_95, %dma_start3A_100] : memref<2x10240x128xf32, #tpu.memory_space<hbm>> -> memref<1x128x128xf32, #tpu.memory_space<hbm>>
      %dma_start3A_102 = tpu.memref_squeeze %dma_start3A_101 : memref<1x128x128xf32, #tpu.memory_space<hbm>> -> memref<128x128xf32, #tpu.memory_space<hbm>>
      %dma_start3A_103 = arith.constant 0 : i32
      %dma_start3A_104 = tpu.memref_slice %arg12[%add3A_95, %dma_start3A_103] : memref<10240x128xf32, #tpu.memory_space<vmem_shared>> -> memref<128x128xf32, #tpu.memory_space<vmem_shared>>
      tpu.enqueue_dma source(%dma_start3A_104 : memref<128x128xf32, #tpu.memory_space<vmem_shared>>) target(%dma_start3A_102 : memref<128x128xf32, #tpu.memory_space<hbm>>) target_semaphore(%run_scoped3A : memref<!tpu.dma_semaphore, #tpu.memory_space<semaphore_mem>>)
      %dma_wait3A_105 = arith.constant 0 : i32
      %dma_wait3A_106 = tpu.memref_slice %arg5[%arg0, %add3A_95, %dma_wait3A_105] : memref<2x10240x128xf32, #tpu.memory_space<hbm>> -> memref<1x128x128xf32, #tpu.memory_space<hbm>>
      %dma_wait3A_107 = tpu.memref_squeeze %dma_wait3A_106 : memref<1x128x128xf32, #tpu.memory_space<hbm>> -> memref<128x128xf32, #tpu.memory_space<hbm>>
      %dma_wait3A_108 = arith.constant 0 : i32
      %dma_wait3A_109 = tpu.memref_slice %arg12[%add3A_95, %dma_wait3A_108] : memref<10240x128xf32, #tpu.memory_space<vmem_shared>> -> memref<128x128xf32, #tpu.memory_space<vmem_shared>>
      tpu.wait_dma2 semaphore(%run_scoped3A : memref<!tpu.dma_semaphore, #tpu.memory_space<semaphore_mem>>) src(%dma_wait3A_109 : memref<128x128xf32, #tpu.memory_space<vmem_shared>>) dst(%dma_wait3A_107 : memref<128x128xf32, #tpu.memory_space<hbm>>)
      tpu.yield
    }) : () -> ()
    %mul3A_96 = arith.constant 640 : i32
    %mul3A_97 = arith.muli %arg1, %mul3A_96 : i32
    %add3A_98 = arith.constant 512 : i32
    %add3A_99 = arith.addi %mul3A_97, %add3A_98 : i32
    "tpu.region"() ({
      %run_scoped3A = tpu.sem_alloc : memref<!tpu.dma_semaphore, #tpu.memory_space<semaphore_mem>>
      %dma_start3A_100 = arith.constant 0 : i32
      %dma_start3A_101 = tpu.memref_slice %arg5[%arg0, %add3A_99, %dma_start3A_100] : memref<2x10240x128xf32, #tpu.memory_space<hbm>> -> memref<1x128x128xf32, #tpu.memory_space<hbm>>
      %dma_start3A_102 = tpu.memref_squeeze %dma_start3A_101 : memref<1x128x128xf32, #tpu.memory_space<hbm>> -> memref<128x128xf32, #tpu.memory_space<hbm>>
      %dma_start3A_103 = arith.constant 0 : i32
      %dma_start3A_104 = tpu.memref_slice %arg12[%add3A_99, %dma_start3A_103] : memref<10240x128xf32, #tpu.memory_space<vmem_shared>> -> memref<128x128xf32, #tpu.memory_space<vmem_shared>>
      tpu.enqueue_dma source(%dma_start3A_104 : memref<128x128xf32, #tpu.memory_space<vmem_shared>>) target(%dma_start3A_102 : memref<128x128xf32, #tpu.memory_space<hbm>>) target_semaphore(%run_scoped3A : memref<!tpu.dma_semaphore, #tpu.memory_space<semaphore_mem>>)
      %dma_wait3A_105 = arith.constant 0 : i32
      %dma_wait3A_106 = tpu.memref_slice %arg5[%arg0, %add3A_99, %dma_wait3A_105] : memref<2x10240x128xf32, #tpu.memory_space<hbm>> -> memref<1x128x128xf32, #tpu.memory_space<hbm>>
      %dma_wait3A_107 = tpu.memref_squeeze %dma_wait3A_106 : memref<1x128x128xf32, #tpu.memory_space<hbm>> -> memref<128x128xf32, #tpu.memory_space<hbm>>
      %dma_wait3A_108 = arith.constant 0 : i32
      %dma_wait3A_109 = tpu.memref_slice %arg12[%add3A_99, %dma_wait3A_108] : memref<10240x128xf32, #tpu.memory_space<vmem_shared>> -> memref<128x128xf32, #tpu.memory_space<vmem_shared>>
      tpu.wait_dma2 semaphore(%run_scoped3A : memref<!tpu.dma_semaphore, #tpu.memory_space<semaphore_mem>>) src(%dma_wait3A_109 : memref<128x128xf32, #tpu.memory_space<vmem_shared>>) dst(%dma_wait3A_107 : memref<128x128xf32, #tpu.memory_space<hbm>>)
      tpu.yield
    }) : () -> ()
    return
  }
}

#map = affine_map<(d0, d1) -> (0, 0)>
#map1 = affine_map<(d0, d1) -> (0, 0, 0)>
module attributes {stable_mosaic.version = 14 : i64} {
  func.func @_sc_aggregate(%arg0: i32, %arg1: i32, %arg2: memref<10240x128xf32, #tpu.memory_space<hbm>>, %arg3: memref<32x40x128xi32, #tpu.memory_space<hbm>>, %arg4: memref<32x40x128xi32, #tpu.memory_space<hbm>>, %arg5: memref<2x10240x128xf32, #tpu.memory_space<hbm>>, %arg6: memref<40x128xi32, #tpu.memory_space<vmem>>, %arg7: memref<40x128xi32, #tpu.memory_space<vmem>>, %arg8: memref<64x128xf32, #tpu.memory_space<vmem>>, %arg9: memref<64x128xf32, #tpu.memory_space<vmem>>, %arg10: memref<64x128xf32, #tpu.memory_space<vmem>>, %arg11: memref<64x128xf32, #tpu.memory_space<vmem>>, %arg12: memref<10240x128xf32, #tpu.memory_space<vmem_shared>>, %arg13: memref<!tpu.dma_semaphore, #tpu.memory_space<semaphore_mem>>, %arg14: memref<!tpu.dma_semaphore, #tpu.memory_space<semaphore_mem>>, %arg15: memref<!tpu.dma_semaphore, #tpu.memory_space<semaphore_mem>>, %arg16: memref<!tpu.dma_semaphore, #tpu.memory_space<semaphore_mem>>, %arg17: memref<!tpu.dma_semaphore, #tpu.memory_space<semaphore_mem>>, %arg18: memref<!tpu.dma_semaphore, #tpu.memory_space<semaphore_mem>>, %arg19: memref<!tpu.dma_semaphore, #tpu.memory_space<semaphore_mem>>, %arg20: memref<!tpu.dma_semaphore, #tpu.memory_space<semaphore_mem>>) attributes {dimension_semantics = [#tpu.dimension_semantics<core_parallel>, #tpu.dimension_semantics<subcore_parallel>], iteration_bounds = array<i64: 2, 16>, scalar_prefetch = 0 : i64, scratch_operands = 15 : i64, tpu.core_type = #tpu.core_type<sc_vector_subcore>, window_params = [{transform_indices = #map}, {transform_indices = #map1}, {transform_indices = #map1}, {transform_indices = #map1}]} {
    %mul3A = arith.constant 2 : i32
    %mul3A_0 = arith.muli %arg1, %mul3A : i32
    %add3A = arith.addi %mul3A_0, %arg0 : i32
    %broadcast_in_dim3A = arith.constant 0.000000e+00 : f32
    %broadcast_in_dim3A_1 = vector.broadcast %broadcast_in_dim3A : f32 to vector<16xf32>
    %scan3A = arith.constant 0 : i32
    %scan3A_2 = arith.constant 0 : i32
    %scan3A_3 = arith.constant 64 : i32
    %scan3A_4 = arith.addi %scan3A_2, %scan3A_3 : i32
    %scan3A_5 = arith.constant 1 : i32
    scf.for %scan3A_100 = %scan3A_2 to %scan3A_4 step %scan3A_5  : i32 {
      %swap3A = arith.index_cast %scan3A_100 : i32 to index
      %swap3A_101 = arith.constant 0 : index
      %swap3A_102 = tpu.vector_load %arg8[%swap3A, %swap3A_101] {strides = array<i32>} : memref<64x128xf32, #tpu.memory_space<vmem>>, vector<1x16xf32>,
      %swap3A_103 = vector.shape_cast %swap3A_102 : vector<1x16xf32> to vector<16xf32>
      %swap3A_104 = vector.shape_cast %broadcast_in_dim3A_1 : vector<16xf32> to vector<1x16xf32>
      tpu.vector_store %arg8[%swap3A, %swap3A_101], %swap3A_104 {strides = array<i32>} : memref<64x128xf32, #tpu.memory_space<vmem>>, vector<1x16xf32>,
      %swap3A_105 = arith.index_cast %scan3A_100 : i32 to index
      %swap3A_106 = arith.constant 16 : index
      %swap3A_107 = tpu.vector_load %arg8[%swap3A_105, %swap3A_106] {strides = array<i32>} : memref<64x128xf32, #tpu.memory_space<vmem>>, vector<1x16xf32>,
      %swap3A_108 = vector.shape_cast %swap3A_107 : vector<1x16xf32> to vector<16xf32>
      %swap3A_109 = vector.shape_cast %broadcast_in_dim3A_1 : vector<16xf32> to vector<1x16xf32>
      tpu.vector_store %arg8[%swap3A_105, %swap3A_106], %swap3A_109 {strides = array<i32>} : memref<64x128xf32, #tpu.memory_space<vmem>>, vector<1x16xf32>,
      %swap3A_110 = arith.index_cast %scan3A_100 : i32 to index
      %swap3A_111 = arith.constant 32 : index
      %swap3A_112 = tpu.vector_load %arg8[%swap3A_110, %swap3A_111] {strides = array<i32>} : memref<64x128xf32, #tpu.memory_space<vmem>>, vector<1x16xf32>,
      %swap3A_113 = vector.shape_cast %swap3A_112 : vector<1x16xf32> to vector<16xf32>
      %swap3A_114 = vector.shape_cast %broadcast_in_dim3A_1 : vector<16xf32> to vector<1x16xf32>
      tpu.vector_store %arg8[%swap3A_110, %swap3A_111], %swap3A_114 {strides = array<i32>} : memref<64x128xf32, #tpu.memory_space<vmem>>, vector<1x16xf32>,
      %swap3A_115 = arith.index_cast %scan3A_100 : i32 to index
      %swap3A_116 = arith.constant 48 : index
      %swap3A_117 = tpu.vector_load %arg8[%swap3A_115, %swap3A_116] {strides = array<i32>} : memref<64x128xf32, #tpu.memory_space<vmem>>, vector<1x16xf32>,
      %swap3A_118 = vector.shape_cast %swap3A_117 : vector<1x16xf32> to vector<16xf32>
      %swap3A_119 = vector.shape_cast %broadcast_in_dim3A_1 : vector<16xf32> to vector<1x16xf32>
      tpu.vector_store %arg8[%swap3A_115, %swap3A_116], %swap3A_119 {strides = array<i32>} : memref<64x128xf32, #tpu.memory_space<vmem>>, vector<1x16xf32>,
      %swap3A_120 = arith.index_cast %scan3A_100 : i32 to index
      %swap3A_121 = arith.constant 64 : index
      %swap3A_122 = tpu.vector_load %arg8[%swap3A_120, %swap3A_121] {strides = array<i32>} : memref<64x128xf32, #tpu.memory_space<vmem>>, vector<1x16xf32>,
      %swap3A_123 = vector.shape_cast %swap3A_122 : vector<1x16xf32> to vector<16xf32>
      %swap3A_124 = vector.shape_cast %broadcast_in_dim3A_1 : vector<16xf32> to vector<1x16xf32>
      tpu.vector_store %arg8[%swap3A_120, %swap3A_121], %swap3A_124 {strides = array<i32>} : memref<64x128xf32, #tpu.memory_space<vmem>>, vector<1x16xf32>,
      %swap3A_125 = arith.index_cast %scan3A_100 : i32 to index
      %swap3A_126 = arith.constant 80 : index
      %swap3A_127 = tpu.vector_load %arg8[%swap3A_125, %swap3A_126] {strides = array<i32>} : memref<64x128xf32, #tpu.memory_space<vmem>>, vector<1x16xf32>,
      %swap3A_128 = vector.shape_cast %swap3A_127 : vector<1x16xf32> to vector<16xf32>
      %swap3A_129 = vector.shape_cast %broadcast_in_dim3A_1 : vector<16xf32> to vector<1x16xf32>
      tpu.vector_store %arg8[%swap3A_125, %swap3A_126], %swap3A_129 {strides = array<i32>} : memref<64x128xf32, #tpu.memory_space<vmem>>, vector<1x16xf32>,
      %swap3A_130 = arith.index_cast %scan3A_100 : i32 to index
      %swap3A_131 = arith.constant 96 : index
      %swap3A_132 = tpu.vector_load %arg8[%swap3A_130, %swap3A_131] {strides = array<i32>} : memref<64x128xf32, #tpu.memory_space<vmem>>, vector<1x16xf32>,
      %swap3A_133 = vector.shape_cast %swap3A_132 : vector<1x16xf32> to vector<16xf32>
      %swap3A_134 = vector.shape_cast %broadcast_in_dim3A_1 : vector<16xf32> to vector<1x16xf32>
      tpu.vector_store %arg8[%swap3A_130, %swap3A_131], %swap3A_134 {strides = array<i32>} : memref<64x128xf32, #tpu.memory_space<vmem>>, vector<1x16xf32>,
      %swap3A_135 = arith.index_cast %scan3A_100 : i32 to index
      %swap3A_136 = arith.constant 112 : index
      %swap3A_137 = tpu.vector_load %arg8[%swap3A_135, %swap3A_136] {strides = array<i32>} : memref<64x128xf32, #tpu.memory_space<vmem>>, vector<1x16xf32>,
      %swap3A_138 = vector.shape_cast %swap3A_137 : vector<1x16xf32> to vector<16xf32>
      %swap3A_139 = vector.shape_cast %broadcast_in_dim3A_1 : vector<16xf32> to vector<1x16xf32>
      tpu.vector_store %arg8[%swap3A_135, %swap3A_136], %swap3A_139 {strides = array<i32>} : memref<64x128xf32, #tpu.memory_space<vmem>>, vector<1x16xf32>,
    }
    %scan3A_6 = arith.constant 64 : i32
    %mul3A_7 = arith.constant 640 : i32
    %mul3A_8 = arith.muli %arg1, %mul3A_7 : i32
    %add3A_9 = arith.constant 0 : i32
    %add3A_10 = arith.addi %mul3A_8, %add3A_9 : i32
    "tpu.region"() ({
      %run_scoped3A = tpu.sem_alloc : memref<!tpu.dma_semaphore, #tpu.memory_space<semaphore_mem>>
      %dma_start3A_100 = arith.constant 0 : i32
      %dma_start3A_101 = tpu.memref_slice %arg12[%add3A_10, %dma_start3A_100] : memref<10240x128xf32, #tpu.memory_space<vmem_shared>> -> memref<64x128xf32, #tpu.memory_space<vmem_shared>>
      %dma_start3A_102 = arith.constant 0 : i32
      %dma_start3A_103 = tpu.memref_slice %arg12[%add3A_10, %dma_start3A_102] : memref<10240x128xf32, #tpu.memory_space<vmem_shared>> -> memref<64x128xf32, #tpu.memory_space<vmem_shared>>
      tpu.enqueue_dma source(%arg8 : memref<64x128xf32, #tpu.memory_space<vmem>>) target(%dma_start3A_103 : memref<64x128xf32, #tpu.memory_space<vmem_shared>>) target_semaphore(%run_scoped3A : memref<!tpu.dma_semaphore, #tpu.memory_space<semaphore_mem>>)
      %dma_wait3A_104 = arith.constant 0 : i32
      %dma_wait3A_105 = tpu.memref_slice %arg12[%add3A_10, %dma_wait3A_104] : memref<10240x128xf32, #tpu.memory_space<vmem_shared>> -> memref<64x128xf32, #tpu.memory_space<vmem_shared>>
      %dma_wait3A_106 = arith.constant 0 : i32
      %dma_wait3A_107 = tpu.memref_slice %arg12[%add3A_10, %dma_wait3A_106] : memref<10240x128xf32, #tpu.memory_space<vmem_shared>> -> memref<64x128xf32, #tpu.memory_space<vmem_shared>>
      tpu.wait_dma2 semaphore(%run_scoped3A : memref<!tpu.dma_semaphore, #tpu.memory_space<semaphore_mem>>) src(%arg8 : memref<64x128xf32, #tpu.memory_space<vmem>>) dst(%dma_wait3A_107 : memref<64x128xf32, #tpu.memory_space<vmem_shared>>)
      tpu.yield
    }) : () -> ()
    %mul3A_11 = arith.constant 640 : i32
    %mul3A_12 = arith.muli %arg1, %mul3A_11 : i32
    %add3A_13 = arith.constant 64 : i32
    %add3A_14 = arith.addi %mul3A_12, %add3A_13 : i32
    "tpu.region"() ({
      %run_scoped3A = tpu.sem_alloc : memref<!tpu.dma_semaphore, #tpu.memory_space<semaphore_mem>>
      %dma_start3A_100 = arith.constant 0 : i32
      %dma_start3A_101 = tpu.memref_slice %arg12[%add3A_14, %dma_start3A_100] : memref<10240x128xf32, #tpu.memory_space<vmem_shared>> -> memref<64x128xf32, #tpu.memory_space<vmem_shared>>
      %dma_start3A_102 = arith.constant 0 : i32
      %dma_start3A_103 = tpu.memref_slice %arg12[%add3A_14, %dma_start3A_102] : memref<10240x128xf32, #tpu.memory_space<vmem_shared>> -> memref<64x128xf32, #tpu.memory_space<vmem_shared>>
      tpu.enqueue_dma source(%arg8 : memref<64x128xf32, #tpu.memory_space<vmem>>) target(%dma_start3A_103 : memref<64x128xf32, #tpu.memory_space<vmem_shared>>) target_semaphore(%run_scoped3A : memref<!tpu.dma_semaphore, #tpu.memory_space<semaphore_mem>>)
      %dma_wait3A_104 = arith.constant 0 : i32
      %dma_wait3A_105 = tpu.memref_slice %arg12[%add3A_14, %dma_wait3A_104] : memref<10240x128xf32, #tpu.memory_space<vmem_shared>> -> memref<64x128xf32, #tpu.memory_space<vmem_shared>>
      %dma_wait3A_106 = arith.constant 0 : i32
      %dma_wait3A_107 = tpu.memref_slice %arg12[%add3A_14, %dma_wait3A_106] : memref<10240x128xf32, #tpu.memory_space<vmem_shared>> -> memref<64x128xf32, #tpu.memory_space<vmem_shared>>
      tpu.wait_dma2 semaphore(%run_scoped3A : memref<!tpu.dma_semaphore, #tpu.memory_space<semaphore_mem>>) src(%arg8 : memref<64x128xf32, #tpu.memory_space<vmem>>) dst(%dma_wait3A_107 : memref<64x128xf32, #tpu.memory_space<vmem_shared>>)
      tpu.yield
    }) : () -> ()
    %mul3A_15 = arith.constant 640 : i32
    %mul3A_16 = arith.muli %arg1, %mul3A_15 : i32
    %add3A_17 = arith.constant 128 : i32
    %add3A_18 = arith.addi %mul3A_16, %add3A_17 : i32
    "tpu.region"() ({
      %run_scoped3A = tpu.sem_alloc : memref<!tpu.dma_semaphore, #tpu.memory_space<semaphore_mem>>
      %dma_start3A_100 = arith.constant 0 : i32
      %dma_start3A_101 = tpu.memref_slice %arg12[%add3A_18, %dma_start3A_100] : memref<10240x128xf32, #tpu.memory_space<vmem_shared>> -> memref<64x128xf32, #tpu.memory_space<vmem_shared>>
      %dma_start3A_102 = arith.constant 0 : i32
      %dma_start3A_103 = tpu.memref_slice %arg12[%add3A_18, %dma_start3A_102] : memref<10240x128xf32, #tpu.memory_space<vmem_shared>> -> memref<64x128xf32, #tpu.memory_space<vmem_shared>>
      tpu.enqueue_dma source(%arg8 : memref<64x128xf32, #tpu.memory_space<vmem>>) target(%dma_start3A_103 : memref<64x128xf32, #tpu.memory_space<vmem_shared>>) target_semaphore(%run_scoped3A : memref<!tpu.dma_semaphore, #tpu.memory_space<semaphore_mem>>)
      %dma_wait3A_104 = arith.constant 0 : i32
      %dma_wait3A_105 = tpu.memref_slice %arg12[%add3A_18, %dma_wait3A_104] : memref<10240x128xf32, #tpu.memory_space<vmem_shared>> -> memref<64x128xf32, #tpu.memory_space<vmem_shared>>
      %dma_wait3A_106 = arith.constant 0 : i32
      %dma_wait3A_107 = tpu.memref_slice %arg12[%add3A_18, %dma_wait3A_106] : memref<10240x128xf32, #tpu.memory_space<vmem_shared>> -> memref<64x128xf32, #tpu.memory_space<vmem_shared>>
      tpu.wait_dma2 semaphore(%run_scoped3A : memref<!tpu.dma_semaphore, #tpu.memory_space<semaphore_mem>>) src(%arg8 : memref<64x128xf32, #tpu.memory_space<vmem>>) dst(%dma_wait3A_107 : memref<64x128xf32, #tpu.memory_space<vmem_shared>>)
      tpu.yield
    }) : () -> ()
    %mul3A_19 = arith.constant 640 : i32
    %mul3A_20 = arith.muli %arg1, %mul3A_19 : i32
    %add3A_21 = arith.constant 192 : i32
    %add3A_22 = arith.addi %mul3A_20, %add3A_21 : i32
    "tpu.region"() ({
      %run_scoped3A = tpu.sem_alloc : memref<!tpu.dma_semaphore, #tpu.memory_space<semaphore_mem>>
      %dma_start3A_100 = arith.constant 0 : i32
      %dma_start3A_101 = tpu.memref_slice %arg12[%add3A_22, %dma_start3A_100] : memref<10240x128xf32, #tpu.memory_space<vmem_shared>> -> memref<64x128xf32, #tpu.memory_space<vmem_shared>>
      %dma_start3A_102 = arith.constant 0 : i32
      %dma_start3A_103 = tpu.memref_slice %arg12[%add3A_22, %dma_start3A_102] : memref<10240x128xf32, #tpu.memory_space<vmem_shared>> -> memref<64x128xf32, #tpu.memory_space<vmem_shared>>
      tpu.enqueue_dma source(%arg8 : memref<64x128xf32, #tpu.memory_space<vmem>>) target(%dma_start3A_103 : memref<64x128xf32, #tpu.memory_space<vmem_shared>>) target_semaphore(%run_scoped3A : memref<!tpu.dma_semaphore, #tpu.memory_space<semaphore_mem>>)
      %dma_wait3A_104 = arith.constant 0 : i32
      %dma_wait3A_105 = tpu.memref_slice %arg12[%add3A_22, %dma_wait3A_104] : memref<10240x128xf32, #tpu.memory_space<vmem_shared>> -> memref<64x128xf32, #tpu.memory_space<vmem_shared>>
      %dma_wait3A_106 = arith.constant 0 : i32
      %dma_wait3A_107 = tpu.memref_slice %arg12[%add3A_22, %dma_wait3A_106] : memref<10240x128xf32, #tpu.memory_space<vmem_shared>> -> memref<64x128xf32, #tpu.memory_space<vmem_shared>>
      tpu.wait_dma2 semaphore(%run_scoped3A : memref<!tpu.dma_semaphore, #tpu.memory_space<semaphore_mem>>) src(%arg8 : memref<64x128xf32, #tpu.memory_space<vmem>>) dst(%dma_wait3A_107 : memref<64x128xf32, #tpu.memory_space<vmem_shared>>)
      tpu.yield
    }) : () -> ()
    %mul3A_23 = arith.constant 640 : i32
    %mul3A_24 = arith.muli %arg1, %mul3A_23 : i32
    %add3A_25 = arith.constant 256 : i32
    %add3A_26 = arith.addi %mul3A_24, %add3A_25 : i32
    "tpu.region"() ({
      %run_scoped3A = tpu.sem_alloc : memref<!tpu.dma_semaphore, #tpu.memory_space<semaphore_mem>>
      %dma_start3A_100 = arith.constant 0 : i32
      %dma_start3A_101 = tpu.memref_slice %arg12[%add3A_26, %dma_start3A_100] : memref<10240x128xf32, #tpu.memory_space<vmem_shared>> -> memref<64x128xf32, #tpu.memory_space<vmem_shared>>
      %dma_start3A_102 = arith.constant 0 : i32
      %dma_start3A_103 = tpu.memref_slice %arg12[%add3A_26, %dma_start3A_102] : memref<10240x128xf32, #tpu.memory_space<vmem_shared>> -> memref<64x128xf32, #tpu.memory_space<vmem_shared>>
      tpu.enqueue_dma source(%arg8 : memref<64x128xf32, #tpu.memory_space<vmem>>) target(%dma_start3A_103 : memref<64x128xf32, #tpu.memory_space<vmem_shared>>) target_semaphore(%run_scoped3A : memref<!tpu.dma_semaphore, #tpu.memory_space<semaphore_mem>>)
      %dma_wait3A_104 = arith.constant 0 : i32
      %dma_wait3A_105 = tpu.memref_slice %arg12[%add3A_26, %dma_wait3A_104] : memref<10240x128xf32, #tpu.memory_space<vmem_shared>> -> memref<64x128xf32, #tpu.memory_space<vmem_shared>>
      %dma_wait3A_106 = arith.constant 0 : i32
      %dma_wait3A_107 = tpu.memref_slice %arg12[%add3A_26, %dma_wait3A_106] : memref<10240x128xf32, #tpu.memory_space<vmem_shared>> -> memref<64x128xf32, #tpu.memory_space<vmem_shared>>
      tpu.wait_dma2 semaphore(%run_scoped3A : memref<!tpu.dma_semaphore, #tpu.memory_space<semaphore_mem>>) src(%arg8 : memref<64x128xf32, #tpu.memory_space<vmem>>) dst(%dma_wait3A_107 : memref<64x128xf32, #tpu.memory_space<vmem_shared>>)
      tpu.yield
    }) : () -> ()
    %mul3A_27 = arith.constant 640 : i32
    %mul3A_28 = arith.muli %arg1, %mul3A_27 : i32
    %add3A_29 = arith.constant 320 : i32
    %add3A_30 = arith.addi %mul3A_28, %add3A_29 : i32
    "tpu.region"() ({
      %run_scoped3A = tpu.sem_alloc : memref<!tpu.dma_semaphore, #tpu.memory_space<semaphore_mem>>
      %dma_start3A_100 = arith.constant 0 : i32
      %dma_start3A_101 = tpu.memref_slice %arg12[%add3A_30, %dma_start3A_100] : memref<10240x128xf32, #tpu.memory_space<vmem_shared>> -> memref<64x128xf32, #tpu.memory_space<vmem_shared>>
      %dma_start3A_102 = arith.constant 0 : i32
      %dma_start3A_103 = tpu.memref_slice %arg12[%add3A_30, %dma_start3A_102] : memref<10240x128xf32, #tpu.memory_space<vmem_shared>> -> memref<64x128xf32, #tpu.memory_space<vmem_shared>>
      tpu.enqueue_dma source(%arg8 : memref<64x128xf32, #tpu.memory_space<vmem>>) target(%dma_start3A_103 : memref<64x128xf32, #tpu.memory_space<vmem_shared>>) target_semaphore(%run_scoped3A : memref<!tpu.dma_semaphore, #tpu.memory_space<semaphore_mem>>)
      %dma_wait3A_104 = arith.constant 0 : i32
      %dma_wait3A_105 = tpu.memref_slice %arg12[%add3A_30, %dma_wait3A_104] : memref<10240x128xf32, #tpu.memory_space<vmem_shared>> -> memref<64x128xf32, #tpu.memory_space<vmem_shared>>
      %dma_wait3A_106 = arith.constant 0 : i32
      %dma_wait3A_107 = tpu.memref_slice %arg12[%add3A_30, %dma_wait3A_106] : memref<10240x128xf32, #tpu.memory_space<vmem_shared>> -> memref<64x128xf32, #tpu.memory_space<vmem_shared>>
      tpu.wait_dma2 semaphore(%run_scoped3A : memref<!tpu.dma_semaphore, #tpu.memory_space<semaphore_mem>>) src(%arg8 : memref<64x128xf32, #tpu.memory_space<vmem>>) dst(%dma_wait3A_107 : memref<64x128xf32, #tpu.memory_space<vmem_shared>>)
      tpu.yield
    }) : () -> ()
    %mul3A_31 = arith.constant 640 : i32
    %mul3A_32 = arith.muli %arg1, %mul3A_31 : i32
    %add3A_33 = arith.constant 384 : i32
    %add3A_34 = arith.addi %mul3A_32, %add3A_33 : i32
    "tpu.region"() ({
      %run_scoped3A = tpu.sem_alloc : memref<!tpu.dma_semaphore, #tpu.memory_space<semaphore_mem>>
      %dma_start3A_100 = arith.constant 0 : i32
      %dma_start3A_101 = tpu.memref_slice %arg12[%add3A_34, %dma_start3A_100] : memref<10240x128xf32, #tpu.memory_space<vmem_shared>> -> memref<64x128xf32, #tpu.memory_space<vmem_shared>>
      %dma_start3A_102 = arith.constant 0 : i32
      %dma_start3A_103 = tpu.memref_slice %arg12[%add3A_34, %dma_start3A_102] : memref<10240x128xf32, #tpu.memory_space<vmem_shared>> -> memref<64x128xf32, #tpu.memory_space<vmem_shared>>
      tpu.enqueue_dma source(%arg8 : memref<64x128xf32, #tpu.memory_space<vmem>>) target(%dma_start3A_103 : memref<64x128xf32, #tpu.memory_space<vmem_shared>>) target_semaphore(%run_scoped3A : memref<!tpu.dma_semaphore, #tpu.memory_space<semaphore_mem>>)
      %dma_wait3A_104 = arith.constant 0 : i32
      %dma_wait3A_105 = tpu.memref_slice %arg12[%add3A_34, %dma_wait3A_104] : memref<10240x128xf32, #tpu.memory_space<vmem_shared>> -> memref<64x128xf32, #tpu.memory_space<vmem_shared>>
      %dma_wait3A_106 = arith.constant 0 : i32
      %dma_wait3A_107 = tpu.memref_slice %arg12[%add3A_34, %dma_wait3A_106] : memref<10240x128xf32, #tpu.memory_space<vmem_shared>> -> memref<64x128xf32, #tpu.memory_space<vmem_shared>>
      tpu.wait_dma2 semaphore(%run_scoped3A : memref<!tpu.dma_semaphore, #tpu.memory_space<semaphore_mem>>) src(%arg8 : memref<64x128xf32, #tpu.memory_space<vmem>>) dst(%dma_wait3A_107 : memref<64x128xf32, #tpu.memory_space<vmem_shared>>)
      tpu.yield
    }) : () -> ()
    %mul3A_35 = arith.constant 640 : i32
    %mul3A_36 = arith.muli %arg1, %mul3A_35 : i32
    %add3A_37 = arith.constant 448 : i32
    %add3A_38 = arith.addi %mul3A_36, %add3A_37 : i32
    "tpu.region"() ({
      %run_scoped3A = tpu.sem_alloc : memref<!tpu.dma_semaphore, #tpu.memory_space<semaphore_mem>>
      %dma_start3A_100 = arith.constant 0 : i32
      %dma_start3A_101 = tpu.memref_slice %arg12[%add3A_38, %dma_start3A_100] : memref<10240x128xf32, #tpu.memory_space<vmem_shared>> -> memref<64x128xf32, #tpu.memory_space<vmem_shared>>
      %dma_start3A_102 = arith.constant 0 : i32
      %dma_start3A_103 = tpu.memref_slice %arg12[%add3A_38, %dma_start3A_102] : memref<10240x128xf32, #tpu.memory_space<vmem_shared>> -> memref<64x128xf32, #tpu.memory_space<vmem_shared>>
      tpu.enqueue_dma source(%arg8 : memref<64x128xf32, #tpu.memory_space<vmem>>) target(%dma_start3A_103 : memref<64x128xf32, #tpu.memory_space<vmem_shared>>) target_semaphore(%run_scoped3A : memref<!tpu.dma_semaphore, #tpu.memory_space<semaphore_mem>>)
      %dma_wait3A_104 = arith.constant 0 : i32
      %dma_wait3A_105 = tpu.memref_slice %arg12[%add3A_38, %dma_wait3A_104] : memref<10240x128xf32, #tpu.memory_space<vmem_shared>> -> memref<64x128xf32, #tpu.memory_space<vmem_shared>>
      %dma_wait3A_106 = arith.constant 0 : i32
      %dma_wait3A_107 = tpu.memref_slice %arg12[%add3A_38, %dma_wait3A_106] : memref<10240x128xf32, #tpu.memory_space<vmem_shared>> -> memref<64x128xf32, #tpu.memory_space<vmem_shared>>
      tpu.wait_dma2 semaphore(%run_scoped3A : memref<!tpu.dma_semaphore, #tpu.memory_space<semaphore_mem>>) src(%arg8 : memref<64x128xf32, #tpu.memory_space<vmem>>) dst(%dma_wait3A_107 : memref<64x128xf32, #tpu.memory_space<vmem_shared>>)
      tpu.yield
    }) : () -> ()
    %mul3A_39 = arith.constant 640 : i32
    %mul3A_40 = arith.muli %arg1, %mul3A_39 : i32
    %add3A_41 = arith.constant 512 : i32
    %add3A_42 = arith.addi %mul3A_40, %add3A_41 : i32
    "tpu.region"() ({
      %run_scoped3A = tpu.sem_alloc : memref<!tpu.dma_semaphore, #tpu.memory_space<semaphore_mem>>
      %dma_start3A_100 = arith.constant 0 : i32
      %dma_start3A_101 = tpu.memref_slice %arg12[%add3A_42, %dma_start3A_100] : memref<10240x128xf32, #tpu.memory_space<vmem_shared>> -> memref<64x128xf32, #tpu.memory_space<vmem_shared>>
      %dma_start3A_102 = arith.constant 0 : i32
      %dma_start3A_103 = tpu.memref_slice %arg12[%add3A_42, %dma_start3A_102] : memref<10240x128xf32, #tpu.memory_space<vmem_shared>> -> memref<64x128xf32, #tpu.memory_space<vmem_shared>>
      tpu.enqueue_dma source(%arg8 : memref<64x128xf32, #tpu.memory_space<vmem>>) target(%dma_start3A_103 : memref<64x128xf32, #tpu.memory_space<vmem_shared>>) target_semaphore(%run_scoped3A : memref<!tpu.dma_semaphore, #tpu.memory_space<semaphore_mem>>)
      %dma_wait3A_104 = arith.constant 0 : i32
      %dma_wait3A_105 = tpu.memref_slice %arg12[%add3A_42, %dma_wait3A_104] : memref<10240x128xf32, #tpu.memory_space<vmem_shared>> -> memref<64x128xf32, #tpu.memory_space<vmem_shared>>
      %dma_wait3A_106 = arith.constant 0 : i32
      %dma_wait3A_107 = tpu.memref_slice %arg12[%add3A_42, %dma_wait3A_106] : memref<10240x128xf32, #tpu.memory_space<vmem_shared>> -> memref<64x128xf32, #tpu.memory_space<vmem_shared>>
      tpu.wait_dma2 semaphore(%run_scoped3A : memref<!tpu.dma_semaphore, #tpu.memory_space<semaphore_mem>>) src(%arg8 : memref<64x128xf32, #tpu.memory_space<vmem>>) dst(%dma_wait3A_107 : memref<64x128xf32, #tpu.memory_space<vmem_shared>>)
      tpu.yield
    }) : () -> ()
    %mul3A_43 = arith.constant 640 : i32
    %mul3A_44 = arith.muli %arg1, %mul3A_43 : i32
    %add3A_45 = arith.constant 576 : i32
    %add3A_46 = arith.addi %mul3A_44, %add3A_45 : i32
    "tpu.region"() ({
      %run_scoped3A = tpu.sem_alloc : memref<!tpu.dma_semaphore, #tpu.memory_space<semaphore_mem>>
      %dma_start3A_100 = arith.constant 0 : i32
      %dma_start3A_101 = tpu.memref_slice %arg12[%add3A_46, %dma_start3A_100] : memref<10240x128xf32, #tpu.memory_space<vmem_shared>> -> memref<64x128xf32, #tpu.memory_space<vmem_shared>>
      %dma_start3A_102 = arith.constant 0 : i32
      %dma_start3A_103 = tpu.memref_slice %arg12[%add3A_46, %dma_start3A_102] : memref<10240x128xf32, #tpu.memory_space<vmem_shared>> -> memref<64x128xf32, #tpu.memory_space<vmem_shared>>
      tpu.enqueue_dma source(%arg8 : memref<64x128xf32, #tpu.memory_space<vmem>>) target(%dma_start3A_103 : memref<64x128xf32, #tpu.memory_space<vmem_shared>>) target_semaphore(%run_scoped3A : memref<!tpu.dma_semaphore, #tpu.memory_space<semaphore_mem>>)
      %dma_wait3A_104 = arith.constant 0 : i32
      %dma_wait3A_105 = tpu.memref_slice %arg12[%add3A_46, %dma_wait3A_104] : memref<10240x128xf32, #tpu.memory_space<vmem_shared>> -> memref<64x128xf32, #tpu.memory_space<vmem_shared>>
      %dma_wait3A_106 = arith.constant 0 : i32
      %dma_wait3A_107 = tpu.memref_slice %arg12[%add3A_46, %dma_wait3A_106] : memref<10240x128xf32, #tpu.memory_space<vmem_shared>> -> memref<64x128xf32, #tpu.memory_space<vmem_shared>>
      tpu.wait_dma2 semaphore(%run_scoped3A : memref<!tpu.dma_semaphore, #tpu.memory_space<semaphore_mem>>) src(%arg8 : memref<64x128xf32, #tpu.memory_space<vmem>>) dst(%dma_wait3A_107 : memref<64x128xf32, #tpu.memory_space<vmem_shared>>)
      tpu.yield
    }) : () -> ()
    "tpu.region"() ({
      %run_scoped3A = tpu.sem_alloc : memref<!tpu.dma_semaphore, #tpu.memory_space<semaphore_mem>>
      %dma_start3A_100 = arith.constant 0 : i32
      %dma_start3A_101 = arith.constant 0 : i32
      %dma_start3A_102 = tpu.memref_slice %arg3[%add3A, %dma_start3A_100, %dma_start3A_101] : memref<32x40x128xi32, #tpu.memory_space<hbm>> -> memref<1x40x128xi32, #tpu.memory_space<hbm>>
      %dma_start3A_103 = tpu.memref_squeeze %dma_start3A_102 : memref<1x40x128xi32, #tpu.memory_space<hbm>> -> memref<40x128xi32, #tpu.memory_space<hbm>>
      %dma_start3A_104 = arith.constant 0 : i32
      %dma_start3A_105 = arith.constant 0 : i32
      %dma_start3A_106 = tpu.memref_slice %arg3[%add3A, %dma_start3A_104, %dma_start3A_105] : memref<32x40x128xi32, #tpu.memory_space<hbm>> -> memref<1x40x128xi32, #tpu.memory_space<hbm>>
      %dma_start3A_107 = tpu.memref_squeeze %dma_start3A_106 : memref<1x40x128xi32, #tpu.memory_space<hbm>> -> memref<40x128xi32, #tpu.memory_space<hbm>>
      tpu.enqueue_dma source(%dma_start3A_107 : memref<40x128xi32, #tpu.memory_space<hbm>>) target(%arg6 : memref<40x128xi32, #tpu.memory_space<vmem>>) target_semaphore(%run_scoped3A : memref<!tpu.dma_semaphore, #tpu.memory_space<semaphore_mem>>)
      %dma_wait3A_108 = arith.constant 0 : i32
      %dma_wait3A_109 = arith.constant 0 : i32
      %dma_wait3A_110 = tpu.memref_slice %arg3[%add3A, %dma_wait3A_108, %dma_wait3A_109] : memref<32x40x128xi32, #tpu.memory_space<hbm>> -> memref<1x40x128xi32, #tpu.memory_space<hbm>>
      %dma_wait3A_111 = tpu.memref_squeeze %dma_wait3A_110 : memref<1x40x128xi32, #tpu.memory_space<hbm>> -> memref<40x128xi32, #tpu.memory_space<hbm>>
      %dma_wait3A_112 = arith.constant 0 : i32
      %dma_wait3A_113 = arith.constant 0 : i32
      %dma_wait3A_114 = tpu.memref_slice %arg3[%add3A, %dma_wait3A_112, %dma_wait3A_113] : memref<32x40x128xi32, #tpu.memory_space<hbm>> -> memref<1x40x128xi32, #tpu.memory_space<hbm>>
      %dma_wait3A_115 = tpu.memref_squeeze %dma_wait3A_114 : memref<1x40x128xi32, #tpu.memory_space<hbm>> -> memref<40x128xi32, #tpu.memory_space<hbm>>
      tpu.wait_dma2 semaphore(%run_scoped3A : memref<!tpu.dma_semaphore, #tpu.memory_space<semaphore_mem>>) src(%dma_wait3A_115 : memref<40x128xi32, #tpu.memory_space<hbm>>) dst(%arg6 : memref<40x128xi32, #tpu.memory_space<vmem>>)
      tpu.yield
    }) : () -> ()
    "tpu.region"() ({
      %run_scoped3A = tpu.sem_alloc : memref<!tpu.dma_semaphore, #tpu.memory_space<semaphore_mem>>
      %dma_start3A_100 = arith.constant 0 : i32
      %dma_start3A_101 = arith.constant 0 : i32
      %dma_start3A_102 = tpu.memref_slice %arg4[%add3A, %dma_start3A_100, %dma_start3A_101] : memref<32x40x128xi32, #tpu.memory_space<hbm>> -> memref<1x40x128xi32, #tpu.memory_space<hbm>>
      %dma_start3A_103 = tpu.memref_squeeze %dma_start3A_102 : memref<1x40x128xi32, #tpu.memory_space<hbm>> -> memref<40x128xi32, #tpu.memory_space<hbm>>
      %dma_start3A_104 = arith.constant 0 : i32
      %dma_start3A_105 = arith.constant 0 : i32
      %dma_start3A_106 = tpu.memref_slice %arg4[%add3A, %dma_start3A_104, %dma_start3A_105] : memref<32x40x128xi32, #tpu.memory_space<hbm>> -> memref<1x40x128xi32, #tpu.memory_space<hbm>>
      %dma_start3A_107 = tpu.memref_squeeze %dma_start3A_106 : memref<1x40x128xi32, #tpu.memory_space<hbm>> -> memref<40x128xi32, #tpu.memory_space<hbm>>
      tpu.enqueue_dma source(%dma_start3A_107 : memref<40x128xi32, #tpu.memory_space<hbm>>) target(%arg7 : memref<40x128xi32, #tpu.memory_space<vmem>>) target_semaphore(%run_scoped3A : memref<!tpu.dma_semaphore, #tpu.memory_space<semaphore_mem>>)
      %dma_wait3A_108 = arith.constant 0 : i32
      %dma_wait3A_109 = arith.constant 0 : i32
      %dma_wait3A_110 = tpu.memref_slice %arg4[%add3A, %dma_wait3A_108, %dma_wait3A_109] : memref<32x40x128xi32, #tpu.memory_space<hbm>> -> memref<1x40x128xi32, #tpu.memory_space<hbm>>
      %dma_wait3A_111 = tpu.memref_squeeze %dma_wait3A_110 : memref<1x40x128xi32, #tpu.memory_space<hbm>> -> memref<40x128xi32, #tpu.memory_space<hbm>>
      %dma_wait3A_112 = arith.constant 0 : i32
      %dma_wait3A_113 = arith.constant 0 : i32
      %dma_wait3A_114 = tpu.memref_slice %arg4[%add3A, %dma_wait3A_112, %dma_wait3A_113] : memref<32x40x128xi32, #tpu.memory_space<hbm>> -> memref<1x40x128xi32, #tpu.memory_space<hbm>>
      %dma_wait3A_115 = tpu.memref_squeeze %dma_wait3A_114 : memref<1x40x128xi32, #tpu.memory_space<hbm>> -> memref<40x128xi32, #tpu.memory_space<hbm>>
      tpu.wait_dma2 semaphore(%run_scoped3A : memref<!tpu.dma_semaphore, #tpu.memory_space<semaphore_mem>>) src(%dma_wait3A_115 : memref<40x128xi32, #tpu.memory_space<hbm>>) dst(%arg7 : memref<40x128xi32, #tpu.memory_space<vmem>>)
      tpu.yield
    }) : () -> ()
    %barrier3A = arith.constant 0 : index
    tpu.barrier barrier_id(%barrier3A)
    %dma_start3A = arith.constant 0 : i32
    %dma_start3A_47 = arith.constant 0 : i32
    %dma_start3A_48 = tpu.memref_slice %arg6[%dma_start3A, %dma_start3A_47] : memref<40x128xi32, #tpu.memory_space<vmem>> -> memref<1x64xi32, #tpu.memory_space<vmem>>
    %dma_start3A_49 = tpu.memref_squeeze %dma_start3A_48 : memref<1x64xi32, #tpu.memory_space<vmem>> -> memref<64xi32, #tpu.memory_space<vmem>>
    %dma_start3A_50 = arith.constant 0 : i32
    %dma_start3A_51 = arith.constant 0 : i32
    %dma_start3A_52 = tpu.memref_slice %arg2[%dma_start3A_50, %dma_start3A_51] : memref<10240x128xf32, #tpu.memory_space<hbm>> -> memref<10240x128xf32, #tpu.memory_space<hbm>>
    tpu.enqueue_indirect_dma source(%dma_start3A_52 : memref<10240x128xf32, #tpu.memory_space<hbm>>) target(%arg8 : memref<64x128xf32, #tpu.memory_space<vmem>>) offsets(%dma_start3A_49 : memref<64xi32, #tpu.memory_space<vmem>>) semaphore(%arg13 : memref<!tpu.dma_semaphore, #tpu.memory_space<semaphore_mem>>)
    %dma_start3A_53 = arith.constant 0 : i32
    %dma_start3A_54 = arith.constant 64 : i32
    %dma_start3A_55 = tpu.memref_slice %arg6[%dma_start3A_53, %dma_start3A_54] : memref<40x128xi32, #tpu.memory_space<vmem>> -> memref<1x64xi32, #tpu.memory_space<vmem>>
    %dma_start3A_56 = tpu.memref_squeeze %dma_start3A_55 : memref<1x64xi32, #tpu.memory_space<vmem>> -> memref<64xi32, #tpu.memory_space<vmem>>
    %dma_start3A_57 = arith.constant 0 : i32
    %dma_start3A_58 = arith.constant 0 : i32
    %dma_start3A_59 = tpu.memref_slice %arg2[%dma_start3A_57, %dma_start3A_58] : memref<10240x128xf32, #tpu.memory_space<hbm>> -> memref<10240x128xf32, #tpu.memory_space<hbm>>
    tpu.enqueue_indirect_dma source(%dma_start3A_59 : memref<10240x128xf32, #tpu.memory_space<hbm>>) target(%arg9 : memref<64x128xf32, #tpu.memory_space<vmem>>) offsets(%dma_start3A_56 : memref<64xi32, #tpu.memory_space<vmem>>) semaphore(%arg14 : memref<!tpu.dma_semaphore, #tpu.memory_space<semaphore_mem>>)
    %dma_start3A_60 = arith.constant 1 : i32
    %dma_start3A_61 = arith.constant 0 : i32
    %dma_start3A_62 = tpu.memref_slice %arg6[%dma_start3A_60, %dma_start3A_61] : memref<40x128xi32, #tpu.memory_space<vmem>> -> memref<1x64xi32, #tpu.memory_space<vmem>>
    %dma_start3A_63 = tpu.memref_squeeze %dma_start3A_62 : memref<1x64xi32, #tpu.memory_space<vmem>> -> memref<64xi32, #tpu.memory_space<vmem>>
    %dma_start3A_64 = arith.constant 0 : i32
    %dma_start3A_65 = arith.constant 0 : i32
    %dma_start3A_66 = tpu.memref_slice %arg2[%dma_start3A_64, %dma_start3A_65] : memref<10240x128xf32, #tpu.memory_space<hbm>> -> memref<10240x128xf32, #tpu.memory_space<hbm>>
    tpu.enqueue_indirect_dma source(%dma_start3A_66 : memref<10240x128xf32, #tpu.memory_space<hbm>>) target(%arg10 : memref<64x128xf32, #tpu.memory_space<vmem>>) offsets(%dma_start3A_63 : memref<64xi32, #tpu.memory_space<vmem>>) semaphore(%arg15 : memref<!tpu.dma_semaphore, #tpu.memory_space<semaphore_mem>>)
    %scan3A_67 = arith.constant 0 : i32
    %scan3A_68 = arith.constant 0 : i32
    %scan3A_69 = arith.constant 20 : i32
    %scan3A_70 = arith.addi %scan3A_68, %scan3A_69 : i32
    %scan3A_71 = arith.constant 1 : i32
    scf.for %scan3A_100 = %scan3A_68 to %scan3A_70 step %scan3A_71  : i32 {
      %mul3A_101 = arith.constant 4 : i32
      %mul3A_102 = arith.muli %mul3A_101, %scan3A_100 : i32
      %add3A_103 = arith.constant 0 : i32
      %add3A_104 = arith.addi %mul3A_102, %add3A_103 : i32
      %ge3A = arith.constant 1 : i32
      %ge3A_105 = arith.cmpi sge, %add3A_104, %ge3A : i32
      %convert_element_type3A = arith.extui %ge3A_105 : i1 to i32
      %cond3A = arith.constant 0 : i32
      %cond3A_106 = arith.cmpi ne, %convert_element_type3A, %cond3A : i32
      scf.if %cond3A_106 {
        %jit3A_536 = arith.constant 2 : i32
        %div3A_537 = arith.divsi %add3A_104, %jit3A_536 : i32
        %sign3A_538 = arith.constant 0 : i32
        %sign3A_539 = arith.cmpi sgt, %add3A_104, %sign3A_538 : i32
        %sign3A_540 = arith.extui %sign3A_539 : i1 to i32
        %sign3A_541 = arith.constant 0 : i32
        %sign3A_542 = arith.cmpi slt, %add3A_104, %sign3A_541 : i32
        %sign3A_543 = arith.extui %sign3A_542 : i1 to i32
        %sign3A_544 = arith.subi %sign3A_540, %sign3A_543 : i32
        %sign3A_545 = arith.constant 0 : i32
        %sign3A_546 = arith.cmpi sgt, %jit3A_536, %sign3A_545 : i32
        %sign3A_547 = arith.extui %sign3A_546 : i1 to i32
        %sign3A_548 = arith.constant 0 : i32
        %sign3A_549 = arith.cmpi slt, %jit3A_536, %sign3A_548 : i32
        %sign3A_550 = arith.extui %sign3A_549 : i1 to i32
        %sign3A_551 = arith.subi %sign3A_547, %sign3A_550 : i32
        %ne3A_552 = arith.cmpi ne, %sign3A_544, %sign3A_551 : i32
        %rem3A_553 = arith.remsi %add3A_104, %jit3A_536 : i32
        %ne3A_554 = arith.constant 0 : i32
        %ne3A_555 = arith.cmpi ne, %rem3A_553, %ne3A_554 : i32
        %and3A_556 = arith.andi %ne3A_552, %ne3A_555 : i1
        %sub3A_557 = arith.constant 1 : i32
        %sub3A_558 = arith.subi %div3A_537, %sub3A_557 : i32
        %select_n3A_559 = arith.select %and3A_556, %sub3A_558, %div3A_537 : i32
        %jit3A_560 = arith.constant 2 : i32
        %eq3A_561 = arith.constant 0 : i32
        %eq3A_562 = arith.cmpi eq, %jit3A_560, %eq3A_561 : i32
        %jit3A_563 = arith.constant 1 : i32
        %select_n3A_564 = arith.select %eq3A_562, %jit3A_563, %jit3A_560 : i32
        %rem3A_565 = arith.remsi %add3A_104, %select_n3A_564 : i32
        %ne3A_566 = arith.constant 0 : i32
        %ne3A_567 = arith.cmpi ne, %rem3A_565, %ne3A_566 : i32
        %lt3A_568 = arith.constant 0 : i32
        %lt3A_569 = arith.cmpi slt, %rem3A_565, %lt3A_568 : i32
        %lt3A_570 = arith.constant 0 : i32
        %lt3A_571 = arith.cmpi slt, %select_n3A_564, %lt3A_570 : i32
        %ne3A_572 = arith.xori %lt3A_569, %lt3A_571 : i1
        %and3A_573 = arith.andi %ne3A_572, %ne3A_567 : i1
        %add3A_574 = arith.addi %rem3A_565, %select_n3A_564 : i32
        %select_n3A_575 = arith.select %and3A_573, %add3A_574, %rem3A_565 : i32
        %mul3A_576 = arith.constant 64 : i32
        %mul3A_577 = arith.muli %select_n3A_575, %mul3A_576 : i32
        %dma_wait3A_578 = tpu.memref_slice %arg7[%select_n3A_559, %mul3A_577] : memref<40x128xi32, #tpu.memory_space<vmem>> -> memref<1x64xi32, #tpu.memory_space<vmem>>
        %dma_wait3A_579 = tpu.memref_squeeze %dma_wait3A_578 : memref<1x64xi32, #tpu.memory_space<vmem>> -> memref<64xi32, #tpu.memory_space<vmem>>
        %dma_wait3A_580 = arith.constant 0 : i32
        %dma_wait3A_581 = arith.constant 0 : i32
        %dma_wait3A_582 = tpu.memref_slice %arg12[%dma_wait3A_580, %dma_wait3A_581] : memref<10240x128xf32, #tpu.memory_space<vmem_shared>> -> memref<10240x128xf32, #tpu.memory_space<vmem_shared>>
        tpu.wait_indirect_dma semaphore(%arg20 : memref<!tpu.dma_semaphore, #tpu.memory_space<semaphore_mem>>) src(%arg11 : memref<64x128xf32, #tpu.memory_space<vmem>>) dst(%dma_wait3A_582 : memref<10240x128xf32, #tpu.memory_space<vmem_shared>>)
      } else {
      }
      %add3A_107 = arith.constant 4 : i32
      %add3A_108 = arith.addi %add3A_104, %add3A_107 : i32
      %sub3A = arith.constant 1 : i32
      %sub3A_109 = arith.subi %add3A_108, %sub3A : i32
      %lt3A = arith.constant 80 : i32
      %lt3A_110 = arith.cmpi slt, %sub3A_109, %lt3A : i32
      %convert_element_type3A_111 = arith.extui %lt3A_110 : i1 to i32
      %cond3A_112 = arith.constant 0 : i32
      %cond3A_113 = arith.cmpi ne, %convert_element_type3A_111, %cond3A_112 : i32
      scf.if %cond3A_113 {
        %add3A_536 = arith.constant 4 : i32
        %add3A_537 = arith.addi %add3A_104, %add3A_536 : i32
        %sub3A_538 = arith.constant 1 : i32
        %sub3A_539 = arith.subi %add3A_537, %sub3A_538 : i32
        %jit3A_540 = arith.constant 2 : i32
        %div3A_541 = arith.divsi %sub3A_539, %jit3A_540 : i32
        %sign3A_542 = arith.constant 0 : i32
        %sign3A_543 = arith.cmpi sgt, %sub3A_539, %sign3A_542 : i32
        %sign3A_544 = arith.extui %sign3A_543 : i1 to i32
        %sign3A_545 = arith.constant 0 : i32
        %sign3A_546 = arith.cmpi slt, %sub3A_539, %sign3A_545 : i32
        %sign3A_547 = arith.extui %sign3A_546 : i1 to i32
        %sign3A_548 = arith.subi %sign3A_544, %sign3A_547 : i32
        %sign3A_549 = arith.constant 0 : i32
        %sign3A_550 = arith.cmpi sgt, %jit3A_540, %sign3A_549 : i32
        %sign3A_551 = arith.extui %sign3A_550 : i1 to i32
        %sign3A_552 = arith.constant 0 : i32
        %sign3A_553 = arith.cmpi slt, %jit3A_540, %sign3A_552 : i32
        %sign3A_554 = arith.extui %sign3A_553 : i1 to i32
        %sign3A_555 = arith.subi %sign3A_551, %sign3A_554 : i32
        %ne3A_556 = arith.cmpi ne, %sign3A_548, %sign3A_555 : i32
        %rem3A_557 = arith.remsi %sub3A_539, %jit3A_540 : i32
        %ne3A_558 = arith.constant 0 : i32
        %ne3A_559 = arith.cmpi ne, %rem3A_557, %ne3A_558 : i32
        %and3A_560 = arith.andi %ne3A_556, %ne3A_559 : i1
        %sub3A_561 = arith.constant 1 : i32
        %sub3A_562 = arith.subi %div3A_541, %sub3A_561 : i32
        %select_n3A_563 = arith.select %and3A_560, %sub3A_562, %div3A_541 : i32
        %jit3A_564 = arith.constant 2 : i32
        %eq3A_565 = arith.constant 0 : i32
        %eq3A_566 = arith.cmpi eq, %jit3A_564, %eq3A_565 : i32
        %jit3A_567 = arith.constant 1 : i32
        %select_n3A_568 = arith.select %eq3A_566, %jit3A_567, %jit3A_564 : i32
        %rem3A_569 = arith.remsi %sub3A_539, %select_n3A_568 : i32
        %ne3A_570 = arith.constant 0 : i32
        %ne3A_571 = arith.cmpi ne, %rem3A_569, %ne3A_570 : i32
        %lt3A_572 = arith.constant 0 : i32
        %lt3A_573 = arith.cmpi slt, %rem3A_569, %lt3A_572 : i32
        %lt3A_574 = arith.constant 0 : i32
        %lt3A_575 = arith.cmpi slt, %select_n3A_568, %lt3A_574 : i32
        %ne3A_576 = arith.xori %lt3A_573, %lt3A_575 : i1
        %and3A_577 = arith.andi %ne3A_576, %ne3A_571 : i1
        %add3A_578 = arith.addi %rem3A_569, %select_n3A_568 : i32
        %select_n3A_579 = arith.select %and3A_577, %add3A_578, %rem3A_569 : i32
        %mul3A_580 = arith.constant 64 : i32
        %mul3A_581 = arith.muli %select_n3A_579, %mul3A_580 : i32
        %dma_start3A_582 = tpu.memref_slice %arg6[%select_n3A_563, %mul3A_581] : memref<40x128xi32, #tpu.memory_space<vmem>> -> memref<1x64xi32, #tpu.memory_space<vmem>>
        %dma_start3A_583 = tpu.memref_squeeze %dma_start3A_582 : memref<1x64xi32, #tpu.memory_space<vmem>> -> memref<64xi32, #tpu.memory_space<vmem>>
        %dma_start3A_584 = arith.constant 0 : i32
        %dma_start3A_585 = arith.constant 0 : i32
        %dma_start3A_586 = tpu.memref_slice %arg2[%dma_start3A_584, %dma_start3A_585] : memref<10240x128xf32, #tpu.memory_space<hbm>> -> memref<10240x128xf32, #tpu.memory_space<hbm>>
        tpu.enqueue_indirect_dma source(%dma_start3A_586 : memref<10240x128xf32, #tpu.memory_space<hbm>>) target(%arg11 : memref<64x128xf32, #tpu.memory_space<vmem>>) offsets(%dma_start3A_583 : memref<64xi32, #tpu.memory_space<vmem>>) semaphore(%arg16 : memref<!tpu.dma_semaphore, #tpu.memory_space<semaphore_mem>>)
      } else {
      }
      %jit3A = arith.constant 2 : i32
      %div3A = arith.divsi %add3A_104, %jit3A : i32
      %sign3A = arith.constant 0 : i32
      %sign3A_114 = arith.cmpi sgt, %add3A_104, %sign3A : i32
      %sign3A_115 = arith.extui %sign3A_114 : i1 to i32
      %sign3A_116 = arith.constant 0 : i32
      %sign3A_117 = arith.cmpi slt, %add3A_104, %sign3A_116 : i32
      %sign3A_118 = arith.extui %sign3A_117 : i1 to i32
      %sign3A_119 = arith.subi %sign3A_115, %sign3A_118 : i32
      %sign3A_120 = arith.constant 0 : i32
      %sign3A_121 = arith.cmpi sgt, %jit3A, %sign3A_120 : i32
      %sign3A_122 = arith.extui %sign3A_121 : i1 to i32
      %sign3A_123 = arith.constant 0 : i32
      %sign3A_124 = arith.cmpi slt, %jit3A, %sign3A_123 : i32
      %sign3A_125 = arith.extui %sign3A_124 : i1 to i32
      %sign3A_126 = arith.subi %sign3A_122, %sign3A_125 : i32
      %ne3A = arith.cmpi ne, %sign3A_119, %sign3A_126 : i32
      %rem3A = arith.remsi %add3A_104, %jit3A : i32
      %ne3A_127 = arith.constant 0 : i32
      %ne3A_128 = arith.cmpi ne, %rem3A, %ne3A_127 : i32
      %and3A = arith.andi %ne3A, %ne3A_128 : i1
      %sub3A_129 = arith.constant 1 : i32
      %sub3A_130 = arith.subi %div3A, %sub3A_129 : i32
      %select_n3A = arith.select %and3A, %sub3A_130, %div3A : i32
      %jit3A_131 = arith.constant 2 : i32
      %eq3A = arith.constant 0 : i32
      %eq3A_132 = arith.cmpi eq, %jit3A_131, %eq3A : i32
      %jit3A_133 = arith.constant 1 : i32
      %select_n3A_134 = arith.select %eq3A_132, %jit3A_133, %jit3A_131 : i32
      %rem3A_135 = arith.remsi %add3A_104, %select_n3A_134 : i32
      %ne3A_136 = arith.constant 0 : i32
      %ne3A_137 = arith.cmpi ne, %rem3A_135, %ne3A_136 : i32
      %lt3A_138 = arith.constant 0 : i32
      %lt3A_139 = arith.cmpi slt, %rem3A_135, %lt3A_138 : i32
      %lt3A_140 = arith.constant 0 : i32
      %lt3A_141 = arith.cmpi slt, %select_n3A_134, %lt3A_140 : i32
      %ne3A_142 = arith.xori %lt3A_139, %lt3A_141 : i1
      %and3A_143 = arith.andi %ne3A_142, %ne3A_137 : i1
      %add3A_144 = arith.addi %rem3A_135, %select_n3A_134 : i32
      %select_n3A_145 = arith.select %and3A_143, %add3A_144, %rem3A_135 : i32
      %mul3A_146 = arith.constant 64 : i32
      %mul3A_147 = arith.muli %select_n3A_145, %mul3A_146 : i32
      %dma_wait3A_148 = tpu.memref_slice %arg6[%select_n3A, %mul3A_147] : memref<40x128xi32, #tpu.memory_space<vmem>> -> memref<1x64xi32, #tpu.memory_space<vmem>>
      %dma_wait3A_149 = tpu.memref_squeeze %dma_wait3A_148 : memref<1x64xi32, #tpu.memory_space<vmem>> -> memref<64xi32, #tpu.memory_space<vmem>>
      %dma_wait3A_150 = arith.constant 0 : i32
      %dma_wait3A_151 = arith.constant 0 : i32
      %dma_wait3A_152 = tpu.memref_slice %arg2[%dma_wait3A_150, %dma_wait3A_151] : memref<10240x128xf32, #tpu.memory_space<hbm>> -> memref<10240x128xf32, #tpu.memory_space<hbm>>
      tpu.wait_indirect_dma semaphore(%arg13 : memref<!tpu.dma_semaphore, #tpu.memory_space<semaphore_mem>>) src(%dma_wait3A_152 : memref<10240x128xf32, #tpu.memory_space<hbm>>) dst(%arg8 : memref<64x128xf32, #tpu.memory_space<vmem>>)
      %jit3A_153 = arith.constant 2 : i32
      %div3A_154 = arith.divsi %add3A_104, %jit3A_153 : i32
      %sign3A_155 = arith.constant 0 : i32
      %sign3A_156 = arith.cmpi sgt, %add3A_104, %sign3A_155 : i32
      %sign3A_157 = arith.extui %sign3A_156 : i1 to i32
      %sign3A_158 = arith.constant 0 : i32
      %sign3A_159 = arith.cmpi slt, %add3A_104, %sign3A_158 : i32
      %sign3A_160 = arith.extui %sign3A_159 : i1 to i32
      %sign3A_161 = arith.subi %sign3A_157, %sign3A_160 : i32
      %sign3A_162 = arith.constant 0 : i32
      %sign3A_163 = arith.cmpi sgt, %jit3A_153, %sign3A_162 : i32
      %sign3A_164 = arith.extui %sign3A_163 : i1 to i32
      %sign3A_165 = arith.constant 0 : i32
      %sign3A_166 = arith.cmpi slt, %jit3A_153, %sign3A_165 : i32
      %sign3A_167 = arith.extui %sign3A_166 : i1 to i32
      %sign3A_168 = arith.subi %sign3A_164, %sign3A_167 : i32
      %ne3A_169 = arith.cmpi ne, %sign3A_161, %sign3A_168 : i32
      %rem3A_170 = arith.remsi %add3A_104, %jit3A_153 : i32
      %ne3A_171 = arith.constant 0 : i32
      %ne3A_172 = arith.cmpi ne, %rem3A_170, %ne3A_171 : i32
      %and3A_173 = arith.andi %ne3A_169, %ne3A_172 : i1
      %sub3A_174 = arith.constant 1 : i32
      %sub3A_175 = arith.subi %div3A_154, %sub3A_174 : i32
      %select_n3A_176 = arith.select %and3A_173, %sub3A_175, %div3A_154 : i32
      %jit3A_177 = arith.constant 2 : i32
      %eq3A_178 = arith.constant 0 : i32
      %eq3A_179 = arith.cmpi eq, %jit3A_177, %eq3A_178 : i32
      %jit3A_180 = arith.constant 1 : i32
      %select_n3A_181 = arith.select %eq3A_179, %jit3A_180, %jit3A_177 : i32
      %rem3A_182 = arith.remsi %add3A_104, %select_n3A_181 : i32
      %ne3A_183 = arith.constant 0 : i32
      %ne3A_184 = arith.cmpi ne, %rem3A_182, %ne3A_183 : i32
      %lt3A_185 = arith.constant 0 : i32
      %lt3A_186 = arith.cmpi slt, %rem3A_182, %lt3A_185 : i32
      %lt3A_187 = arith.constant 0 : i32
      %lt3A_188 = arith.cmpi slt, %select_n3A_181, %lt3A_187 : i32
      %ne3A_189 = arith.xori %lt3A_186, %lt3A_188 : i1
      %and3A_190 = arith.andi %ne3A_189, %ne3A_184 : i1
      %add3A_191 = arith.addi %rem3A_182, %select_n3A_181 : i32
      %select_n3A_192 = arith.select %and3A_190, %add3A_191, %rem3A_182 : i32
      %mul3A_193 = arith.constant 64 : i32
      %mul3A_194 = arith.muli %select_n3A_192, %mul3A_193 : i32
      %dma_start3A_195 = tpu.memref_slice %arg7[%select_n3A_176, %mul3A_194] : memref<40x128xi32, #tpu.memory_space<vmem>> -> memref<1x64xi32, #tpu.memory_space<vmem>>
      %dma_start3A_196 = tpu.memref_squeeze %dma_start3A_195 : memref<1x64xi32, #tpu.memory_space<vmem>> -> memref<64xi32, #tpu.memory_space<vmem>>
      %dma_start3A_197 = arith.constant 0 : i32
      %dma_start3A_198 = arith.constant 0 : i32
      %dma_start3A_199 = tpu.memref_slice %arg12[%dma_start3A_197, %dma_start3A_198] : memref<10240x128xf32, #tpu.memory_space<vmem_shared>> -> memref<10240x128xf32, #tpu.memory_space<vmem_shared>>
      tpu.enqueue_indirect_dma source(%arg8 : memref<64x128xf32, #tpu.memory_space<vmem>>) target(%dma_start3A_199 : memref<10240x128xf32, #tpu.memory_space<vmem_shared>>) offsets(%dma_start3A_196 : memref<64xi32, #tpu.memory_space<vmem>>) semaphore(%arg17 : memref<!tpu.dma_semaphore, #tpu.memory_space<semaphore_mem>>) {add = true}
      %mul3A_200 = arith.constant 4 : i32
      %mul3A_201 = arith.muli %mul3A_200, %scan3A_100 : i32
      %add3A_202 = arith.constant 1 : i32
      %add3A_203 = arith.addi %mul3A_201, %add3A_202 : i32
      %ge3A_204 = arith.constant 1 : i32
      %ge3A_205 = arith.cmpi sge, %add3A_203, %ge3A_204 : i32
      %convert_element_type3A_206 = arith.extui %ge3A_205 : i1 to i32
      %cond3A_207 = arith.constant 0 : i32
      %cond3A_208 = arith.cmpi ne, %convert_element_type3A_206, %cond3A_207 : i32
      scf.if %cond3A_208 {
        %jit3A_536 = arith.constant 2 : i32
        %div3A_537 = arith.divsi %add3A_203, %jit3A_536 : i32
        %sign3A_538 = arith.constant 0 : i32
        %sign3A_539 = arith.cmpi sgt, %add3A_203, %sign3A_538 : i32
        %sign3A_540 = arith.extui %sign3A_539 : i1 to i32
        %sign3A_541 = arith.constant 0 : i32
        %sign3A_542 = arith.cmpi slt, %add3A_203, %sign3A_541 : i32
        %sign3A_543 = arith.extui %sign3A_542 : i1 to i32
        %sign3A_544 = arith.subi %sign3A_540, %sign3A_543 : i32
        %sign3A_545 = arith.constant 0 : i32
        %sign3A_546 = arith.cmpi sgt, %jit3A_536, %sign3A_545 : i32
        %sign3A_547 = arith.extui %sign3A_546 : i1 to i32
        %sign3A_548 = arith.constant 0 : i32
        %sign3A_549 = arith.cmpi slt, %jit3A_536, %sign3A_548 : i32
        %sign3A_550 = arith.extui %sign3A_549 : i1 to i32
        %sign3A_551 = arith.subi %sign3A_547, %sign3A_550 : i32
        %ne3A_552 = arith.cmpi ne, %sign3A_544, %sign3A_551 : i32
        %rem3A_553 = arith.remsi %add3A_203, %jit3A_536 : i32
        %ne3A_554 = arith.constant 0 : i32
        %ne3A_555 = arith.cmpi ne, %rem3A_553, %ne3A_554 : i32
        %and3A_556 = arith.andi %ne3A_552, %ne3A_555 : i1
        %sub3A_557 = arith.constant 1 : i32
        %sub3A_558 = arith.subi %div3A_537, %sub3A_557 : i32
        %select_n3A_559 = arith.select %and3A_556, %sub3A_558, %div3A_537 : i32
        %jit3A_560 = arith.constant 2 : i32
        %eq3A_561 = arith.constant 0 : i32
        %eq3A_562 = arith.cmpi eq, %jit3A_560, %eq3A_561 : i32
        %jit3A_563 = arith.constant 1 : i32
        %select_n3A_564 = arith.select %eq3A_562, %jit3A_563, %jit3A_560 : i32
        %rem3A_565 = arith.remsi %add3A_203, %select_n3A_564 : i32
        %ne3A_566 = arith.constant 0 : i32
        %ne3A_567 = arith.cmpi ne, %rem3A_565, %ne3A_566 : i32
        %lt3A_568 = arith.constant 0 : i32
        %lt3A_569 = arith.cmpi slt, %rem3A_565, %lt3A_568 : i32
        %lt3A_570 = arith.constant 0 : i32
        %lt3A_571 = arith.cmpi slt, %select_n3A_564, %lt3A_570 : i32
        %ne3A_572 = arith.xori %lt3A_569, %lt3A_571 : i1
        %and3A_573 = arith.andi %ne3A_572, %ne3A_567 : i1
        %add3A_574 = arith.addi %rem3A_565, %select_n3A_564 : i32
        %select_n3A_575 = arith.select %and3A_573, %add3A_574, %rem3A_565 : i32
        %mul3A_576 = arith.constant 64 : i32
        %mul3A_577 = arith.muli %select_n3A_575, %mul3A_576 : i32
        %dma_wait3A_578 = tpu.memref_slice %arg7[%select_n3A_559, %mul3A_577] : memref<40x128xi32, #tpu.memory_space<vmem>> -> memref<1x64xi32, #tpu.memory_space<vmem>>
        %dma_wait3A_579 = tpu.memref_squeeze %dma_wait3A_578 : memref<1x64xi32, #tpu.memory_space<vmem>> -> memref<64xi32, #tpu.memory_space<vmem>>
        %dma_wait3A_580 = arith.constant 0 : i32
        %dma_wait3A_581 = arith.constant 0 : i32
        %dma_wait3A_582 = tpu.memref_slice %arg12[%dma_wait3A_580, %dma_wait3A_581] : memref<10240x128xf32, #tpu.memory_space<vmem_shared>> -> memref<10240x128xf32, #tpu.memory_space<vmem_shared>>
        tpu.wait_indirect_dma semaphore(%arg17 : memref<!tpu.dma_semaphore, #tpu.memory_space<semaphore_mem>>) src(%arg8 : memref<64x128xf32, #tpu.memory_space<vmem>>) dst(%dma_wait3A_582 : memref<10240x128xf32, #tpu.memory_space<vmem_shared>>)
      } else {
      }
      %add3A_209 = arith.constant 4 : i32
      %add3A_210 = arith.addi %add3A_203, %add3A_209 : i32
      %sub3A_211 = arith.constant 1 : i32
      %sub3A_212 = arith.subi %add3A_210, %sub3A_211 : i32
      %lt3A_213 = arith.constant 80 : i32
      %lt3A_214 = arith.cmpi slt, %sub3A_212, %lt3A_213 : i32
      %convert_element_type3A_215 = arith.extui %lt3A_214 : i1 to i32
      %cond3A_216 = arith.constant 0 : i32
      %cond3A_217 = arith.cmpi ne, %convert_element_type3A_215, %cond3A_216 : i32
      scf.if %cond3A_217 {
        %add3A_536 = arith.constant 4 : i32
        %add3A_537 = arith.addi %add3A_203, %add3A_536 : i32
        %sub3A_538 = arith.constant 1 : i32
        %sub3A_539 = arith.subi %add3A_537, %sub3A_538 : i32
        %jit3A_540 = arith.constant 2 : i32
        %div3A_541 = arith.divsi %sub3A_539, %jit3A_540 : i32
        %sign3A_542 = arith.constant 0 : i32
        %sign3A_543 = arith.cmpi sgt, %sub3A_539, %sign3A_542 : i32
        %sign3A_544 = arith.extui %sign3A_543 : i1 to i32
        %sign3A_545 = arith.constant 0 : i32
        %sign3A_546 = arith.cmpi slt, %sub3A_539, %sign3A_545 : i32
        %sign3A_547 = arith.extui %sign3A_546 : i1 to i32
        %sign3A_548 = arith.subi %sign3A_544, %sign3A_547 : i32
        %sign3A_549 = arith.constant 0 : i32
        %sign3A_550 = arith.cmpi sgt, %jit3A_540, %sign3A_549 : i32
        %sign3A_551 = arith.extui %sign3A_550 : i1 to i32
        %sign3A_552 = arith.constant 0 : i32
        %sign3A_553 = arith.cmpi slt, %jit3A_540, %sign3A_552 : i32
        %sign3A_554 = arith.extui %sign3A_553 : i1 to i32
        %sign3A_555 = arith.subi %sign3A_551, %sign3A_554 : i32
        %ne3A_556 = arith.cmpi ne, %sign3A_548, %sign3A_555 : i32
        %rem3A_557 = arith.remsi %sub3A_539, %jit3A_540 : i32
        %ne3A_558 = arith.constant 0 : i32
        %ne3A_559 = arith.cmpi ne, %rem3A_557, %ne3A_558 : i32
        %and3A_560 = arith.andi %ne3A_556, %ne3A_559 : i1
        %sub3A_561 = arith.constant 1 : i32
        %sub3A_562 = arith.subi %div3A_541, %sub3A_561 : i32
        %select_n3A_563 = arith.select %and3A_560, %sub3A_562, %div3A_541 : i32
        %jit3A_564 = arith.constant 2 : i32
        %eq3A_565 = arith.constant 0 : i32
        %eq3A_566 = arith.cmpi eq, %jit3A_564, %eq3A_565 : i32
        %jit3A_567 = arith.constant 1 : i32
        %select_n3A_568 = arith.select %eq3A_566, %jit3A_567, %jit3A_564 : i32
        %rem3A_569 = arith.remsi %sub3A_539, %select_n3A_568 : i32
        %ne3A_570 = arith.constant 0 : i32
        %ne3A_571 = arith.cmpi ne, %rem3A_569, %ne3A_570 : i32
        %lt3A_572 = arith.constant 0 : i32
        %lt3A_573 = arith.cmpi slt, %rem3A_569, %lt3A_572 : i32
        %lt3A_574 = arith.constant 0 : i32
        %lt3A_575 = arith.cmpi slt, %select_n3A_568, %lt3A_574 : i32
        %ne3A_576 = arith.xori %lt3A_573, %lt3A_575 : i1
        %and3A_577 = arith.andi %ne3A_576, %ne3A_571 : i1
        %add3A_578 = arith.addi %rem3A_569, %select_n3A_568 : i32
        %select_n3A_579 = arith.select %and3A_577, %add3A_578, %rem3A_569 : i32
        %mul3A_580 = arith.constant 64 : i32
        %mul3A_581 = arith.muli %select_n3A_579, %mul3A_580 : i32
        %dma_start3A_582 = tpu.memref_slice %arg6[%select_n3A_563, %mul3A_581] : memref<40x128xi32, #tpu.memory_space<vmem>> -> memref<1x64xi32, #tpu.memory_space<vmem>>
        %dma_start3A_583 = tpu.memref_squeeze %dma_start3A_582 : memref<1x64xi32, #tpu.memory_space<vmem>> -> memref<64xi32, #tpu.memory_space<vmem>>
        %dma_start3A_584 = arith.constant 0 : i32
        %dma_start3A_585 = arith.constant 0 : i32
        %dma_start3A_586 = tpu.memref_slice %arg2[%dma_start3A_584, %dma_start3A_585] : memref<10240x128xf32, #tpu.memory_space<hbm>> -> memref<10240x128xf32, #tpu.memory_space<hbm>>
        tpu.enqueue_indirect_dma source(%dma_start3A_586 : memref<10240x128xf32, #tpu.memory_space<hbm>>) target(%arg8 : memref<64x128xf32, #tpu.memory_space<vmem>>) offsets(%dma_start3A_583 : memref<64xi32, #tpu.memory_space<vmem>>) semaphore(%arg13 : memref<!tpu.dma_semaphore, #tpu.memory_space<semaphore_mem>>)
      } else {
      }
      %jit3A_218 = arith.constant 2 : i32
      %div3A_219 = arith.divsi %add3A_203, %jit3A_218 : i32
      %sign3A_220 = arith.constant 0 : i32
      %sign3A_221 = arith.cmpi sgt, %add3A_203, %sign3A_220 : i32
      %sign3A_222 = arith.extui %sign3A_221 : i1 to i32
      %sign3A_223 = arith.constant 0 : i32
      %sign3A_224 = arith.cmpi slt, %add3A_203, %sign3A_223 : i32
      %sign3A_225 = arith.extui %sign3A_224 : i1 to i32
      %sign3A_226 = arith.subi %sign3A_222, %sign3A_225 : i32
      %sign3A_227 = arith.constant 0 : i32
      %sign3A_228 = arith.cmpi sgt, %jit3A_218, %sign3A_227 : i32
      %sign3A_229 = arith.extui %sign3A_228 : i1 to i32
      %sign3A_230 = arith.constant 0 : i32
      %sign3A_231 = arith.cmpi slt, %jit3A_218, %sign3A_230 : i32
      %sign3A_232 = arith.extui %sign3A_231 : i1 to i32
      %sign3A_233 = arith.subi %sign3A_229, %sign3A_232 : i32
      %ne3A_234 = arith.cmpi ne, %sign3A_226, %sign3A_233 : i32
      %rem3A_235 = arith.remsi %add3A_203, %jit3A_218 : i32
      %ne3A_236 = arith.constant 0 : i32
      %ne3A_237 = arith.cmpi ne, %rem3A_235, %ne3A_236 : i32
      %and3A_238 = arith.andi %ne3A_234, %ne3A_237 : i1
      %sub3A_239 = arith.constant 1 : i32
      %sub3A_240 = arith.subi %div3A_219, %sub3A_239 : i32
      %select_n3A_241 = arith.select %and3A_238, %sub3A_240, %div3A_219 : i32
      %jit3A_242 = arith.constant 2 : i32
      %eq3A_243 = arith.constant 0 : i32
      %eq3A_244 = arith.cmpi eq, %jit3A_242, %eq3A_243 : i32
      %jit3A_245 = arith.constant 1 : i32
      %select_n3A_246 = arith.select %eq3A_244, %jit3A_245, %jit3A_242 : i32
      %rem3A_247 = arith.remsi %add3A_203, %select_n3A_246 : i32
      %ne3A_248 = arith.constant 0 : i32
      %ne3A_249 = arith.cmpi ne, %rem3A_247, %ne3A_248 : i32
      %lt3A_250 = arith.constant 0 : i32
      %lt3A_251 = arith.cmpi slt, %rem3A_247, %lt3A_250 : i32
      %lt3A_252 = arith.constant 0 : i32
      %lt3A_253 = arith.cmpi slt, %select_n3A_246, %lt3A_252 : i32
      %ne3A_254 = arith.xori %lt3A_251, %lt3A_253 : i1
      %and3A_255 = arith.andi %ne3A_254, %ne3A_249 : i1
      %add3A_256 = arith.addi %rem3A_247, %select_n3A_246 : i32
      %select_n3A_257 = arith.select %and3A_255, %add3A_256, %rem3A_247 : i32
      %mul3A_258 = arith.constant 64 : i32
      %mul3A_259 = arith.muli %select_n3A_257, %mul3A_258 : i32
      %dma_wait3A_260 = tpu.memref_slice %arg6[%select_n3A_241, %mul3A_259] : memref<40x128xi32, #tpu.memory_space<vmem>> -> memref<1x64xi32, #tpu.memory_space<vmem>>
      %dma_wait3A_261 = tpu.memref_squeeze %dma_wait3A_260 : memref<1x64xi32, #tpu.memory_space<vmem>> -> memref<64xi32, #tpu.memory_space<vmem>>
      %dma_wait3A_262 = arith.constant 0 : i32
      %dma_wait3A_263 = arith.constant 0 : i32
      %dma_wait3A_264 = tpu.memref_slice %arg2[%dma_wait3A_262, %dma_wait3A_263] : memref<10240x128xf32, #tpu.memory_space<hbm>> -> memref<10240x128xf32, #tpu.memory_space<hbm>>
      tpu.wait_indirect_dma semaphore(%arg14 : memref<!tpu.dma_semaphore, #tpu.memory_space<semaphore_mem>>) src(%dma_wait3A_264 : memref<10240x128xf32, #tpu.memory_space<hbm>>) dst(%arg9 : memref<64x128xf32, #tpu.memory_space<vmem>>)
      %jit3A_265 = arith.constant 2 : i32
      %div3A_266 = arith.divsi %add3A_203, %jit3A_265 : i32
      %sign3A_267 = arith.constant 0 : i32
      %sign3A_268 = arith.cmpi sgt, %add3A_203, %sign3A_267 : i32
      %sign3A_269 = arith.extui %sign3A_268 : i1 to i32
      %sign3A_270 = arith.constant 0 : i32
      %sign3A_271 = arith.cmpi slt, %add3A_203, %sign3A_270 : i32
      %sign3A_272 = arith.extui %sign3A_271 : i1 to i32
      %sign3A_273 = arith.subi %sign3A_269, %sign3A_272 : i32
      %sign3A_274 = arith.constant 0 : i32
      %sign3A_275 = arith.cmpi sgt, %jit3A_265, %sign3A_274 : i32
      %sign3A_276 = arith.extui %sign3A_275 : i1 to i32
      %sign3A_277 = arith.constant 0 : i32
      %sign3A_278 = arith.cmpi slt, %jit3A_265, %sign3A_277 : i32
      %sign3A_279 = arith.extui %sign3A_278 : i1 to i32
      %sign3A_280 = arith.subi %sign3A_276, %sign3A_279 : i32
      %ne3A_281 = arith.cmpi ne, %sign3A_273, %sign3A_280 : i32
      %rem3A_282 = arith.remsi %add3A_203, %jit3A_265 : i32
      %ne3A_283 = arith.constant 0 : i32
      %ne3A_284 = arith.cmpi ne, %rem3A_282, %ne3A_283 : i32
      %and3A_285 = arith.andi %ne3A_281, %ne3A_284 : i1
      %sub3A_286 = arith.constant 1 : i32
      %sub3A_287 = arith.subi %div3A_266, %sub3A_286 : i32
      %select_n3A_288 = arith.select %and3A_285, %sub3A_287, %div3A_266 : i32
      %jit3A_289 = arith.constant 2 : i32
      %eq3A_290 = arith.constant 0 : i32
      %eq3A_291 = arith.cmpi eq, %jit3A_289, %eq3A_290 : i32
      %jit3A_292 = arith.constant 1 : i32
      %select_n3A_293 = arith.select %eq3A_291, %jit3A_292, %jit3A_289 : i32
      %rem3A_294 = arith.remsi %add3A_203, %select_n3A_293 : i32
      %ne3A_295 = arith.constant 0 : i32
      %ne3A_296 = arith.cmpi ne, %rem3A_294, %ne3A_295 : i32
      %lt3A_297 = arith.constant 0 : i32
      %lt3A_298 = arith.cmpi slt, %rem3A_294, %lt3A_297 : i32
      %lt3A_299 = arith.constant 0 : i32
      %lt3A_300 = arith.cmpi slt, %select_n3A_293, %lt3A_299 : i32
      %ne3A_301 = arith.xori %lt3A_298, %lt3A_300 : i1
      %and3A_302 = arith.andi %ne3A_301, %ne3A_296 : i1
      %add3A_303 = arith.addi %rem3A_294, %select_n3A_293 : i32
      %select_n3A_304 = arith.select %and3A_302, %add3A_303, %rem3A_294 : i32
      %mul3A_305 = arith.constant 64 : i32
      %mul3A_306 = arith.muli %select_n3A_304, %mul3A_305 : i32
      %dma_start3A_307 = tpu.memref_slice %arg7[%select_n3A_288, %mul3A_306] : memref<40x128xi32, #tpu.memory_space<vmem>> -> memref<1x64xi32, #tpu.memory_space<vmem>>
      %dma_start3A_308 = tpu.memref_squeeze %dma_start3A_307 : memref<1x64xi32, #tpu.memory_space<vmem>> -> memref<64xi32, #tpu.memory_space<vmem>>
      %dma_start3A_309 = arith.constant 0 : i32
      %dma_start3A_310 = arith.constant 0 : i32
      %dma_start3A_311 = tpu.memref_slice %arg12[%dma_start3A_309, %dma_start3A_310] : memref<10240x128xf32, #tpu.memory_space<vmem_shared>> -> memref<10240x128xf32, #tpu.memory_space<vmem_shared>>
      tpu.enqueue_indirect_dma source(%arg9 : memref<64x128xf32, #tpu.memory_space<vmem>>) target(%dma_start3A_311 : memref<10240x128xf32, #tpu.memory_space<vmem_shared>>) offsets(%dma_start3A_308 : memref<64xi32, #tpu.memory_space<vmem>>) semaphore(%arg18 : memref<!tpu.dma_semaphore, #tpu.memory_space<semaphore_mem>>) {add = true}
      %mul3A_312 = arith.constant 4 : i32
      %mul3A_313 = arith.muli %mul3A_312, %scan3A_100 : i32
      %add3A_314 = arith.constant 2 : i32
      %add3A_315 = arith.addi %mul3A_313, %add3A_314 : i32
      %ge3A_316 = arith.constant 1 : i32
      %ge3A_317 = arith.cmpi sge, %add3A_315, %ge3A_316 : i32
      %convert_element_type3A_318 = arith.extui %ge3A_317 : i1 to i32
      %cond3A_319 = arith.constant 0 : i32
      %cond3A_320 = arith.cmpi ne, %convert_element_type3A_318, %cond3A_319 : i32
      scf.if %cond3A_320 {
        %jit3A_536 = arith.constant 2 : i32
        %div3A_537 = arith.divsi %add3A_315, %jit3A_536 : i32
        %sign3A_538 = arith.constant 0 : i32
        %sign3A_539 = arith.cmpi sgt, %add3A_315, %sign3A_538 : i32
        %sign3A_540 = arith.extui %sign3A_539 : i1 to i32
        %sign3A_541 = arith.constant 0 : i32
        %sign3A_542 = arith.cmpi slt, %add3A_315, %sign3A_541 : i32
        %sign3A_543 = arith.extui %sign3A_542 : i1 to i32
        %sign3A_544 = arith.subi %sign3A_540, %sign3A_543 : i32
        %sign3A_545 = arith.constant 0 : i32
        %sign3A_546 = arith.cmpi sgt, %jit3A_536, %sign3A_545 : i32
        %sign3A_547 = arith.extui %sign3A_546 : i1 to i32
        %sign3A_548 = arith.constant 0 : i32
        %sign3A_549 = arith.cmpi slt, %jit3A_536, %sign3A_548 : i32
        %sign3A_550 = arith.extui %sign3A_549 : i1 to i32
        %sign3A_551 = arith.subi %sign3A_547, %sign3A_550 : i32
        %ne3A_552 = arith.cmpi ne, %sign3A_544, %sign3A_551 : i32
        %rem3A_553 = arith.remsi %add3A_315, %jit3A_536 : i32
        %ne3A_554 = arith.constant 0 : i32
        %ne3A_555 = arith.cmpi ne, %rem3A_553, %ne3A_554 : i32
        %and3A_556 = arith.andi %ne3A_552, %ne3A_555 : i1
        %sub3A_557 = arith.constant 1 : i32
        %sub3A_558 = arith.subi %div3A_537, %sub3A_557 : i32
        %select_n3A_559 = arith.select %and3A_556, %sub3A_558, %div3A_537 : i32
        %jit3A_560 = arith.constant 2 : i32
        %eq3A_561 = arith.constant 0 : i32
        %eq3A_562 = arith.cmpi eq, %jit3A_560, %eq3A_561 : i32
        %jit3A_563 = arith.constant 1 : i32
        %select_n3A_564 = arith.select %eq3A_562, %jit3A_563, %jit3A_560 : i32
        %rem3A_565 = arith.remsi %add3A_315, %select_n3A_564 : i32
        %ne3A_566 = arith.constant 0 : i32
        %ne3A_567 = arith.cmpi ne, %rem3A_565, %ne3A_566 : i32
        %lt3A_568 = arith.constant 0 : i32
        %lt3A_569 = arith.cmpi slt, %rem3A_565, %lt3A_568 : i32
        %lt3A_570 = arith.constant 0 : i32
        %lt3A_571 = arith.cmpi slt, %select_n3A_564, %lt3A_570 : i32
        %ne3A_572 = arith.xori %lt3A_569, %lt3A_571 : i1
        %and3A_573 = arith.andi %ne3A_572, %ne3A_567 : i1
        %add3A_574 = arith.addi %rem3A_565, %select_n3A_564 : i32
        %select_n3A_575 = arith.select %and3A_573, %add3A_574, %rem3A_565 : i32
        %mul3A_576 = arith.constant 64 : i32
        %mul3A_577 = arith.muli %select_n3A_575, %mul3A_576 : i32
        %dma_wait3A_578 = tpu.memref_slice %arg7[%select_n3A_559, %mul3A_577] : memref<40x128xi32, #tpu.memory_space<vmem>> -> memref<1x64xi32, #tpu.memory_space<vmem>>
        %dma_wait3A_579 = tpu.memref_squeeze %dma_wait3A_578 : memref<1x64xi32, #tpu.memory_space<vmem>> -> memref<64xi32, #tpu.memory_space<vmem>>
        %dma_wait3A_580 = arith.constant 0 : i32
        %dma_wait3A_581 = arith.constant 0 : i32
        %dma_wait3A_582 = tpu.memref_slice %arg12[%dma_wait3A_580, %dma_wait3A_581] : memref<10240x128xf32, #tpu.memory_space<vmem_shared>> -> memref<10240x128xf32, #tpu.memory_space<vmem_shared>>
        tpu.wait_indirect_dma semaphore(%arg18 : memref<!tpu.dma_semaphore, #tpu.memory_space<semaphore_mem>>) src(%arg9 : memref<64x128xf32, #tpu.memory_space<vmem>>) dst(%dma_wait3A_582 : memref<10240x128xf32, #tpu.memory_space<vmem_shared>>)
      } else {
      }
      %add3A_321 = arith.constant 4 : i32
      %add3A_322 = arith.addi %add3A_315, %add3A_321 : i32
      %sub3A_323 = arith.constant 1 : i32
      %sub3A_324 = arith.subi %add3A_322, %sub3A_323 : i32
      %lt3A_325 = arith.constant 80 : i32
      %lt3A_326 = arith.cmpi slt, %sub3A_324, %lt3A_325 : i32
      %convert_element_type3A_327 = arith.extui %lt3A_326 : i1 to i32
      %cond3A_328 = arith.constant 0 : i32
      %cond3A_329 = arith.cmpi ne, %convert_element_type3A_327, %cond3A_328 : i32
      scf.if %cond3A_329 {
        %add3A_536 = arith.constant 4 : i32
        %add3A_537 = arith.addi %add3A_315, %add3A_536 : i32
        %sub3A_538 = arith.constant 1 : i32
        %sub3A_539 = arith.subi %add3A_537, %sub3A_538 : i32
        %jit3A_540 = arith.constant 2 : i32
        %div3A_541 = arith.divsi %sub3A_539, %jit3A_540 : i32
        %sign3A_542 = arith.constant 0 : i32
        %sign3A_543 = arith.cmpi sgt, %sub3A_539, %sign3A_542 : i32
        %sign3A_544 = arith.extui %sign3A_543 : i1 to i32
        %sign3A_545 = arith.constant 0 : i32
        %sign3A_546 = arith.cmpi slt, %sub3A_539, %sign3A_545 : i32
        %sign3A_547 = arith.extui %sign3A_546 : i1 to i32
        %sign3A_548 = arith.subi %sign3A_544, %sign3A_547 : i32
        %sign3A_549 = arith.constant 0 : i32
        %sign3A_550 = arith.cmpi sgt, %jit3A_540, %sign3A_549 : i32
        %sign3A_551 = arith.extui %sign3A_550 : i1 to i32
        %sign3A_552 = arith.constant 0 : i32
        %sign3A_553 = arith.cmpi slt, %jit3A_540, %sign3A_552 : i32
        %sign3A_554 = arith.extui %sign3A_553 : i1 to i32
        %sign3A_555 = arith.subi %sign3A_551, %sign3A_554 : i32
        %ne3A_556 = arith.cmpi ne, %sign3A_548, %sign3A_555 : i32
        %rem3A_557 = arith.remsi %sub3A_539, %jit3A_540 : i32
        %ne3A_558 = arith.constant 0 : i32
        %ne3A_559 = arith.cmpi ne, %rem3A_557, %ne3A_558 : i32
        %and3A_560 = arith.andi %ne3A_556, %ne3A_559 : i1
        %sub3A_561 = arith.constant 1 : i32
        %sub3A_562 = arith.subi %div3A_541, %sub3A_561 : i32
        %select_n3A_563 = arith.select %and3A_560, %sub3A_562, %div3A_541 : i32
        %jit3A_564 = arith.constant 2 : i32
        %eq3A_565 = arith.constant 0 : i32
        %eq3A_566 = arith.cmpi eq, %jit3A_564, %eq3A_565 : i32
        %jit3A_567 = arith.constant 1 : i32
        %select_n3A_568 = arith.select %eq3A_566, %jit3A_567, %jit3A_564 : i32
        %rem3A_569 = arith.remsi %sub3A_539, %select_n3A_568 : i32
        %ne3A_570 = arith.constant 0 : i32
        %ne3A_571 = arith.cmpi ne, %rem3A_569, %ne3A_570 : i32
        %lt3A_572 = arith.constant 0 : i32
        %lt3A_573 = arith.cmpi slt, %rem3A_569, %lt3A_572 : i32
        %lt3A_574 = arith.constant 0 : i32
        %lt3A_575 = arith.cmpi slt, %select_n3A_568, %lt3A_574 : i32
        %ne3A_576 = arith.xori %lt3A_573, %lt3A_575 : i1
        %and3A_577 = arith.andi %ne3A_576, %ne3A_571 : i1
        %add3A_578 = arith.addi %rem3A_569, %select_n3A_568 : i32
        %select_n3A_579 = arith.select %and3A_577, %add3A_578, %rem3A_569 : i32
        %mul3A_580 = arith.constant 64 : i32
        %mul3A_581 = arith.muli %select_n3A_579, %mul3A_580 : i32
        %dma_start3A_582 = tpu.memref_slice %arg6[%select_n3A_563, %mul3A_581] : memref<40x128xi32, #tpu.memory_space<vmem>> -> memref<1x64xi32, #tpu.memory_space<vmem>>
        %dma_start3A_583 = tpu.memref_squeeze %dma_start3A_582 : memref<1x64xi32, #tpu.memory_space<vmem>> -> memref<64xi32, #tpu.memory_space<vmem>>
        %dma_start3A_584 = arith.constant 0 : i32
        %dma_start3A_585 = arith.constant 0 : i32
        %dma_start3A_586 = tpu.memref_slice %arg2[%dma_start3A_584, %dma_start3A_585] : memref<10240x128xf32, #tpu.memory_space<hbm>> -> memref<10240x128xf32, #tpu.memory_space<hbm>>
        tpu.enqueue_indirect_dma source(%dma_start3A_586 : memref<10240x128xf32, #tpu.memory_space<hbm>>) target(%arg9 : memref<64x128xf32, #tpu.memory_space<vmem>>) offsets(%dma_start3A_583 : memref<64xi32, #tpu.memory_space<vmem>>) semaphore(%arg14 : memref<!tpu.dma_semaphore, #tpu.memory_space<semaphore_mem>>)
      } else {
      }
      %jit3A_330 = arith.constant 2 : i32
      %div3A_331 = arith.divsi %add3A_315, %jit3A_330 : i32
      %sign3A_332 = arith.constant 0 : i32
      %sign3A_333 = arith.cmpi sgt, %add3A_315, %sign3A_332 : i32
      %sign3A_334 = arith.extui %sign3A_333 : i1 to i32
      %sign3A_335 = arith.constant 0 : i32
      %sign3A_336 = arith.cmpi slt, %add3A_315, %sign3A_335 : i32
      %sign3A_337 = arith.extui %sign3A_336 : i1 to i32
      %sign3A_338 = arith.subi %sign3A_334, %sign3A_337 : i32
      %sign3A_339 = arith.constant 0 : i32
      %sign3A_340 = arith.cmpi sgt, %jit3A_330, %sign3A_339 : i32
      %sign3A_341 = arith.extui %sign3A_340 : i1 to i32
      %sign3A_342 = arith.constant 0 : i32
      %sign3A_343 = arith.cmpi slt, %jit3A_330, %sign3A_342 : i32
      %sign3A_344 = arith.extui %sign3A_343 : i1 to i32
      %sign3A_345 = arith.subi %sign3A_341, %sign3A_344 : i32
      %ne3A_346 = arith.cmpi ne, %sign3A_338, %sign3A_345 : i32
      %rem3A_347 = arith.remsi %add3A_315, %jit3A_330 : i32
      %ne3A_348 = arith.constant 0 : i32
      %ne3A_349 = arith.cmpi ne, %rem3A_347, %ne3A_348 : i32
      %and3A_350 = arith.andi %ne3A_346, %ne3A_349 : i1
      %sub3A_351 = arith.constant 1 : i32
      %sub3A_352 = arith.subi %div3A_331, %sub3A_351 : i32
      %select_n3A_353 = arith.select %and3A_350, %sub3A_352, %div3A_331 : i32
      %jit3A_354 = arith.constant 2 : i32
      %eq3A_355 = arith.constant 0 : i32
      %eq3A_356 = arith.cmpi eq, %jit3A_354, %eq3A_355 : i32
      %jit3A_357 = arith.constant 1 : i32
      %select_n3A_358 = arith.select %eq3A_356, %jit3A_357, %jit3A_354 : i32
      %rem3A_359 = arith.remsi %add3A_315, %select_n3A_358 : i32
      %ne3A_360 = arith.constant 0 : i32
      %ne3A_361 = arith.cmpi ne, %rem3A_359, %ne3A_360 : i32
      %lt3A_362 = arith.constant 0 : i32
      %lt3A_363 = arith.cmpi slt, %rem3A_359, %lt3A_362 : i32
      %lt3A_364 = arith.constant 0 : i32
      %lt3A_365 = arith.cmpi slt, %select_n3A_358, %lt3A_364 : i32
      %ne3A_366 = arith.xori %lt3A_363, %lt3A_365 : i1
      %and3A_367 = arith.andi %ne3A_366, %ne3A_361 : i1
      %add3A_368 = arith.addi %rem3A_359, %select_n3A_358 : i32
      %select_n3A_369 = arith.select %and3A_367, %add3A_368, %rem3A_359 : i32
      %mul3A_370 = arith.constant 64 : i32
      %mul3A_371 = arith.muli %select_n3A_369, %mul3A_370 : i32
      %dma_wait3A_372 = tpu.memref_slice %arg6[%select_n3A_353, %mul3A_371] : memref<40x128xi32, #tpu.memory_space<vmem>> -> memref<1x64xi32, #tpu.memory_space<vmem>>
      %dma_wait3A_373 = tpu.memref_squeeze %dma_wait3A_372 : memref<1x64xi32, #tpu.memory_space<vmem>> -> memref<64xi32, #tpu.memory_space<vmem>>
      %dma_wait3A_374 = arith.constant 0 : i32
      %dma_wait3A_375 = arith.constant 0 : i32
      %dma_wait3A_376 = tpu.memref_slice %arg2[%dma_wait3A_374, %dma_wait3A_375] : memref<10240x128xf32, #tpu.memory_space<hbm>> -> memref<10240x128xf32, #tpu.memory_space<hbm>>
      tpu.wait_indirect_dma semaphore(%arg15 : memref<!tpu.dma_semaphore, #tpu.memory_space<semaphore_mem>>) src(%dma_wait3A_376 : memref<10240x128xf32, #tpu.memory_space<hbm>>) dst(%arg10 : memref<64x128xf32, #tpu.memory_space<vmem>>)
      %jit3A_377 = arith.constant 2 : i32
      %div3A_378 = arith.divsi %add3A_315, %jit3A_377 : i32
      %sign3A_379 = arith.constant 0 : i32
      %sign3A_380 = arith.cmpi sgt, %add3A_315, %sign3A_379 : i32
      %sign3A_381 = arith.extui %sign3A_380 : i1 to i32
      %sign3A_382 = arith.constant 0 : i32
      %sign3A_383 = arith.cmpi slt, %add3A_315, %sign3A_382 : i32
      %sign3A_384 = arith.extui %sign3A_383 : i1 to i32
      %sign3A_385 = arith.subi %sign3A_381, %sign3A_384 : i32
      %sign3A_386 = arith.constant 0 : i32
      %sign3A_387 = arith.cmpi sgt, %jit3A_377, %sign3A_386 : i32
      %sign3A_388 = arith.extui %sign3A_387 : i1 to i32
      %sign3A_389 = arith.constant 0 : i32
      %sign3A_390 = arith.cmpi slt, %jit3A_377, %sign3A_389 : i32
      %sign3A_391 = arith.extui %sign3A_390 : i1 to i32
      %sign3A_392 = arith.subi %sign3A_388, %sign3A_391 : i32
      %ne3A_393 = arith.cmpi ne, %sign3A_385, %sign3A_392 : i32
      %rem3A_394 = arith.remsi %add3A_315, %jit3A_377 : i32
      %ne3A_395 = arith.constant 0 : i32
      %ne3A_396 = arith.cmpi ne, %rem3A_394, %ne3A_395 : i32
      %and3A_397 = arith.andi %ne3A_393, %ne3A_396 : i1
      %sub3A_398 = arith.constant 1 : i32
      %sub3A_399 = arith.subi %div3A_378, %sub3A_398 : i32
      %select_n3A_400 = arith.select %and3A_397, %sub3A_399, %div3A_378 : i32
      %jit3A_401 = arith.constant 2 : i32
      %eq3A_402 = arith.constant 0 : i32
      %eq3A_403 = arith.cmpi eq, %jit3A_401, %eq3A_402 : i32
      %jit3A_404 = arith.constant 1 : i32
      %select_n3A_405 = arith.select %eq3A_403, %jit3A_404, %jit3A_401 : i32
      %rem3A_406 = arith.remsi %add3A_315, %select_n3A_405 : i32
      %ne3A_407 = arith.constant 0 : i32
      %ne3A_408 = arith.cmpi ne, %rem3A_406, %ne3A_407 : i32
      %lt3A_409 = arith.constant 0 : i32
      %lt3A_410 = arith.cmpi slt, %rem3A_406, %lt3A_409 : i32
      %lt3A_411 = arith.constant 0 : i32
      %lt3A_412 = arith.cmpi slt, %select_n3A_405, %lt3A_411 : i32
      %ne3A_413 = arith.xori %lt3A_410, %lt3A_412 : i1
      %and3A_414 = arith.andi %ne3A_413, %ne3A_408 : i1
      %add3A_415 = arith.addi %rem3A_406, %select_n3A_405 : i32
      %select_n3A_416 = arith.select %and3A_414, %add3A_415, %rem3A_406 : i32
      %mul3A_417 = arith.constant 64 : i32
      %mul3A_418 = arith.muli %select_n3A_416, %mul3A_417 : i32
      %dma_start3A_419 = tpu.memref_slice %arg7[%select_n3A_400, %mul3A_418] : memref<40x128xi32, #tpu.memory_space<vmem>> -> memref<1x64xi32, #tpu.memory_space<vmem>>
      %dma_start3A_420 = tpu.memref_squeeze %dma_start3A_419 : memref<1x64xi32, #tpu.memory_space<vmem>> -> memref<64xi32, #tpu.memory_space<vmem>>
      %dma_start3A_421 = arith.constant 0 : i32
      %dma_start3A_422 = arith.constant 0 : i32
      %dma_start3A_423 = tpu.memref_slice %arg12[%dma_start3A_421, %dma_start3A_422] : memref<10240x128xf32, #tpu.memory_space<vmem_shared>> -> memref<10240x128xf32, #tpu.memory_space<vmem_shared>>
      tpu.enqueue_indirect_dma source(%arg10 : memref<64x128xf32, #tpu.memory_space<vmem>>) target(%dma_start3A_423 : memref<10240x128xf32, #tpu.memory_space<vmem_shared>>) offsets(%dma_start3A_420 : memref<64xi32, #tpu.memory_space<vmem>>) semaphore(%arg19 : memref<!tpu.dma_semaphore, #tpu.memory_space<semaphore_mem>>) {add = true}
      %mul3A_424 = arith.constant 4 : i32
      %mul3A_425 = arith.muli %mul3A_424, %scan3A_100 : i32
      %add3A_426 = arith.constant 3 : i32
      %add3A_427 = arith.addi %mul3A_425, %add3A_426 : i32
      %ge3A_428 = arith.constant 1 : i32
      %ge3A_429 = arith.cmpi sge, %add3A_427, %ge3A_428 : i32
      %convert_element_type3A_430 = arith.extui %ge3A_429 : i1 to i32
      %cond3A_431 = arith.constant 0 : i32
      %cond3A_432 = arith.cmpi ne, %convert_element_type3A_430, %cond3A_431 : i32
      scf.if %cond3A_432 {
        %jit3A_536 = arith.constant 2 : i32
        %div3A_537 = arith.divsi %add3A_427, %jit3A_536 : i32
        %sign3A_538 = arith.constant 0 : i32
        %sign3A_539 = arith.cmpi sgt, %add3A_427, %sign3A_538 : i32
        %sign3A_540 = arith.extui %sign3A_539 : i1 to i32
        %sign3A_541 = arith.constant 0 : i32
        %sign3A_542 = arith.cmpi slt, %add3A_427, %sign3A_541 : i32
        %sign3A_543 = arith.extui %sign3A_542 : i1 to i32
        %sign3A_544 = arith.subi %sign3A_540, %sign3A_543 : i32
        %sign3A_545 = arith.constant 0 : i32
        %sign3A_546 = arith.cmpi sgt, %jit3A_536, %sign3A_545 : i32
        %sign3A_547 = arith.extui %sign3A_546 : i1 to i32
        %sign3A_548 = arith.constant 0 : i32
        %sign3A_549 = arith.cmpi slt, %jit3A_536, %sign3A_548 : i32
        %sign3A_550 = arith.extui %sign3A_549 : i1 to i32
        %sign3A_551 = arith.subi %sign3A_547, %sign3A_550 : i32
        %ne3A_552 = arith.cmpi ne, %sign3A_544, %sign3A_551 : i32
        %rem3A_553 = arith.remsi %add3A_427, %jit3A_536 : i32
        %ne3A_554 = arith.constant 0 : i32
        %ne3A_555 = arith.cmpi ne, %rem3A_553, %ne3A_554 : i32
        %and3A_556 = arith.andi %ne3A_552, %ne3A_555 : i1
        %sub3A_557 = arith.constant 1 : i32
        %sub3A_558 = arith.subi %div3A_537, %sub3A_557 : i32
        %select_n3A_559 = arith.select %and3A_556, %sub3A_558, %div3A_537 : i32
        %jit3A_560 = arith.constant 2 : i32
        %eq3A_561 = arith.constant 0 : i32
        %eq3A_562 = arith.cmpi eq, %jit3A_560, %eq3A_561 : i32
        %jit3A_563 = arith.constant 1 : i32
        %select_n3A_564 = arith.select %eq3A_562, %jit3A_563, %jit3A_560 : i32
        %rem3A_565 = arith.remsi %add3A_427, %select_n3A_564 : i32
        %ne3A_566 = arith.constant 0 : i32
        %ne3A_567 = arith.cmpi ne, %rem3A_565, %ne3A_566 : i32
        %lt3A_568 = arith.constant 0 : i32
        %lt3A_569 = arith.cmpi slt, %rem3A_565, %lt3A_568 : i32
        %lt3A_570 = arith.constant 0 : i32
        %lt3A_571 = arith.cmpi slt, %select_n3A_564, %lt3A_570 : i32
        %ne3A_572 = arith.xori %lt3A_569, %lt3A_571 : i1
        %and3A_573 = arith.andi %ne3A_572, %ne3A_567 : i1
        %add3A_574 = arith.addi %rem3A_565, %select_n3A_564 : i32
        %select_n3A_575 = arith.select %and3A_573, %add3A_574, %rem3A_565 : i32
        %mul3A_576 = arith.constant 64 : i32
        %mul3A_577 = arith.muli %select_n3A_575, %mul3A_576 : i32
        %dma_wait3A_578 = tpu.memref_slice %arg7[%select_n3A_559, %mul3A_577] : memref<40x128xi32, #tpu.memory_space<vmem>> -> memref<1x64xi32, #tpu.memory_space<vmem>>
        %dma_wait3A_579 = tpu.memref_squeeze %dma_wait3A_578 : memref<1x64xi32, #tpu.memory_space<vmem>> -> memref<64xi32, #tpu.memory_space<vmem>>
        %dma_wait3A_580 = arith.constant 0 : i32
        %dma_wait3A_581 = arith.constant 0 : i32
        %dma_wait3A_582 = tpu.memref_slice %arg12[%dma_wait3A_580, %dma_wait3A_581] : memref<10240x128xf32, #tpu.memory_space<vmem_shared>> -> memref<10240x128xf32, #tpu.memory_space<vmem_shared>>
        tpu.wait_indirect_dma semaphore(%arg19 : memref<!tpu.dma_semaphore, #tpu.memory_space<semaphore_mem>>) src(%arg10 : memref<64x128xf32, #tpu.memory_space<vmem>>) dst(%dma_wait3A_582 : memref<10240x128xf32, #tpu.memory_space<vmem_shared>>)
      } else {
      }
      %add3A_433 = arith.constant 4 : i32
      %add3A_434 = arith.addi %add3A_427, %add3A_433 : i32
      %sub3A_435 = arith.constant 1 : i32
      %sub3A_436 = arith.subi %add3A_434, %sub3A_435 : i32
      %lt3A_437 = arith.constant 80 : i32
      %lt3A_438 = arith.cmpi slt, %sub3A_436, %lt3A_437 : i32
      %convert_element_type3A_439 = arith.extui %lt3A_438 : i1 to i32
      %cond3A_440 = arith.constant 0 : i32
      %cond3A_441 = arith.cmpi ne, %convert_element_type3A_439, %cond3A_440 : i32
      scf.if %cond3A_441 {
        %add3A_536 = arith.constant 4 : i32
        %add3A_537 = arith.addi %add3A_427, %add3A_536 : i32
        %sub3A_538 = arith.constant 1 : i32
        %sub3A_539 = arith.subi %add3A_537, %sub3A_538 : i32
        %jit3A_540 = arith.constant 2 : i32
        %div3A_541 = arith.divsi %sub3A_539, %jit3A_540 : i32
        %sign3A_542 = arith.constant 0 : i32
        %sign3A_543 = arith.cmpi sgt, %sub3A_539, %sign3A_542 : i32
        %sign3A_544 = arith.extui %sign3A_543 : i1 to i32
        %sign3A_545 = arith.constant 0 : i32
        %sign3A_546 = arith.cmpi slt, %sub3A_539, %sign3A_545 : i32
        %sign3A_547 = arith.extui %sign3A_546 : i1 to i32
        %sign3A_548 = arith.subi %sign3A_544, %sign3A_547 : i32
        %sign3A_549 = arith.constant 0 : i32
        %sign3A_550 = arith.cmpi sgt, %jit3A_540, %sign3A_549 : i32
        %sign3A_551 = arith.extui %sign3A_550 : i1 to i32
        %sign3A_552 = arith.constant 0 : i32
        %sign3A_553 = arith.cmpi slt, %jit3A_540, %sign3A_552 : i32
        %sign3A_554 = arith.extui %sign3A_553 : i1 to i32
        %sign3A_555 = arith.subi %sign3A_551, %sign3A_554 : i32
        %ne3A_556 = arith.cmpi ne, %sign3A_548, %sign3A_555 : i32
        %rem3A_557 = arith.remsi %sub3A_539, %jit3A_540 : i32
        %ne3A_558 = arith.constant 0 : i32
        %ne3A_559 = arith.cmpi ne, %rem3A_557, %ne3A_558 : i32
        %and3A_560 = arith.andi %ne3A_556, %ne3A_559 : i1
        %sub3A_561 = arith.constant 1 : i32
        %sub3A_562 = arith.subi %div3A_541, %sub3A_561 : i32
        %select_n3A_563 = arith.select %and3A_560, %sub3A_562, %div3A_541 : i32
        %jit3A_564 = arith.constant 2 : i32
        %eq3A_565 = arith.constant 0 : i32
        %eq3A_566 = arith.cmpi eq, %jit3A_564, %eq3A_565 : i32
        %jit3A_567 = arith.constant 1 : i32
        %select_n3A_568 = arith.select %eq3A_566, %jit3A_567, %jit3A_564 : i32
        %rem3A_569 = arith.remsi %sub3A_539, %select_n3A_568 : i32
        %ne3A_570 = arith.constant 0 : i32
        %ne3A_571 = arith.cmpi ne, %rem3A_569, %ne3A_570 : i32
        %lt3A_572 = arith.constant 0 : i32
        %lt3A_573 = arith.cmpi slt, %rem3A_569, %lt3A_572 : i32
        %lt3A_574 = arith.constant 0 : i32
        %lt3A_575 = arith.cmpi slt, %select_n3A_568, %lt3A_574 : i32
        %ne3A_576 = arith.xori %lt3A_573, %lt3A_575 : i1
        %and3A_577 = arith.andi %ne3A_576, %ne3A_571 : i1
        %add3A_578 = arith.addi %rem3A_569, %select_n3A_568 : i32
        %select_n3A_579 = arith.select %and3A_577, %add3A_578, %rem3A_569 : i32
        %mul3A_580 = arith.constant 64 : i32
        %mul3A_581 = arith.muli %select_n3A_579, %mul3A_580 : i32
        %dma_start3A_582 = tpu.memref_slice %arg6[%select_n3A_563, %mul3A_581] : memref<40x128xi32, #tpu.memory_space<vmem>> -> memref<1x64xi32, #tpu.memory_space<vmem>>
        %dma_start3A_583 = tpu.memref_squeeze %dma_start3A_582 : memref<1x64xi32, #tpu.memory_space<vmem>> -> memref<64xi32, #tpu.memory_space<vmem>>
        %dma_start3A_584 = arith.constant 0 : i32
        %dma_start3A_585 = arith.constant 0 : i32
        %dma_start3A_586 = tpu.memref_slice %arg2[%dma_start3A_584, %dma_start3A_585] : memref<10240x128xf32, #tpu.memory_space<hbm>> -> memref<10240x128xf32, #tpu.memory_space<hbm>>
        tpu.enqueue_indirect_dma source(%dma_start3A_586 : memref<10240x128xf32, #tpu.memory_space<hbm>>) target(%arg10 : memref<64x128xf32, #tpu.memory_space<vmem>>) offsets(%dma_start3A_583 : memref<64xi32, #tpu.memory_space<vmem>>) semaphore(%arg15 : memref<!tpu.dma_semaphore, #tpu.memory_space<semaphore_mem>>)
      } else {
      }
      %jit3A_442 = arith.constant 2 : i32
      %div3A_443 = arith.divsi %add3A_427, %jit3A_442 : i32
      %sign3A_444 = arith.constant 0 : i32
      %sign3A_445 = arith.cmpi sgt, %add3A_427, %sign3A_444 : i32
      %sign3A_446 = arith.extui %sign3A_445 : i1 to i32
      %sign3A_447 = arith.constant 0 : i32
      %sign3A_448 = arith.cmpi slt, %add3A_427, %sign3A_447 : i32
      %sign3A_449 = arith.extui %sign3A_448 : i1 to i32
      %sign3A_450 = arith.subi %sign3A_446, %sign3A_449 : i32
      %sign3A_451 = arith.constant 0 : i32
      %sign3A_452 = arith.cmpi sgt, %jit3A_442, %sign3A_451 : i32
      %sign3A_453 = arith.extui %sign3A_452 : i1 to i32
      %sign3A_454 = arith.constant 0 : i32
      %sign3A_455 = arith.cmpi slt, %jit3A_442, %sign3A_454 : i32
      %sign3A_456 = arith.extui %sign3A_455 : i1 to i32
      %sign3A_457 = arith.subi %sign3A_453, %sign3A_456 : i32
      %ne3A_458 = arith.cmpi ne, %sign3A_450, %sign3A_457 : i32
      %rem3A_459 = arith.remsi %add3A_427, %jit3A_442 : i32
      %ne3A_460 = arith.constant 0 : i32
      %ne3A_461 = arith.cmpi ne, %rem3A_459, %ne3A_460 : i32
      %and3A_462 = arith.andi %ne3A_458, %ne3A_461 : i1
      %sub3A_463 = arith.constant 1 : i32
      %sub3A_464 = arith.subi %div3A_443, %sub3A_463 : i32
      %select_n3A_465 = arith.select %and3A_462, %sub3A_464, %div3A_443 : i32
      %jit3A_466 = arith.constant 2 : i32
      %eq3A_467 = arith.constant 0 : i32
      %eq3A_468 = arith.cmpi eq, %jit3A_466, %eq3A_467 : i32
      %jit3A_469 = arith.constant 1 : i32
      %select_n3A_470 = arith.select %eq3A_468, %jit3A_469, %jit3A_466 : i32
      %rem3A_471 = arith.remsi %add3A_427, %select_n3A_470 : i32
      %ne3A_472 = arith.constant 0 : i32
      %ne3A_473 = arith.cmpi ne, %rem3A_471, %ne3A_472 : i32
      %lt3A_474 = arith.constant 0 : i32
      %lt3A_475 = arith.cmpi slt, %rem3A_471, %lt3A_474 : i32
      %lt3A_476 = arith.constant 0 : i32
      %lt3A_477 = arith.cmpi slt, %select_n3A_470, %lt3A_476 : i32
      %ne3A_478 = arith.xori %lt3A_475, %lt3A_477 : i1
      %and3A_479 = arith.andi %ne3A_478, %ne3A_473 : i1
      %add3A_480 = arith.addi %rem3A_471, %select_n3A_470 : i32
      %select_n3A_481 = arith.select %and3A_479, %add3A_480, %rem3A_471 : i32
      %mul3A_482 = arith.constant 64 : i32
      %mul3A_483 = arith.muli %select_n3A_481, %mul3A_482 : i32
      %dma_wait3A_484 = tpu.memref_slice %arg6[%select_n3A_465, %mul3A_483] : memref<40x128xi32, #tpu.memory_space<vmem>> -> memref<1x64xi32, #tpu.memory_space<vmem>>
      %dma_wait3A_485 = tpu.memref_squeeze %dma_wait3A_484 : memref<1x64xi32, #tpu.memory_space<vmem>> -> memref<64xi32, #tpu.memory_space<vmem>>
      %dma_wait3A_486 = arith.constant 0 : i32
      %dma_wait3A_487 = arith.constant 0 : i32
      %dma_wait3A_488 = tpu.memref_slice %arg2[%dma_wait3A_486, %dma_wait3A_487] : memref<10240x128xf32, #tpu.memory_space<hbm>> -> memref<10240x128xf32, #tpu.memory_space<hbm>>
      tpu.wait_indirect_dma semaphore(%arg16 : memref<!tpu.dma_semaphore, #tpu.memory_space<semaphore_mem>>) src(%dma_wait3A_488 : memref<10240x128xf32, #tpu.memory_space<hbm>>) dst(%arg11 : memref<64x128xf32, #tpu.memory_space<vmem>>)
      %jit3A_489 = arith.constant 2 : i32
      %div3A_490 = arith.divsi %add3A_427, %jit3A_489 : i32
      %sign3A_491 = arith.constant 0 : i32
      %sign3A_492 = arith.cmpi sgt, %add3A_427, %sign3A_491 : i32
      %sign3A_493 = arith.extui %sign3A_492 : i1 to i32
      %sign3A_494 = arith.constant 0 : i32
      %sign3A_495 = arith.cmpi slt, %add3A_427, %sign3A_494 : i32
      %sign3A_496 = arith.extui %sign3A_495 : i1 to i32
      %sign3A_497 = arith.subi %sign3A_493, %sign3A_496 : i32
      %sign3A_498 = arith.constant 0 : i32
      %sign3A_499 = arith.cmpi sgt, %jit3A_489, %sign3A_498 : i32
      %sign3A_500 = arith.extui %sign3A_499 : i1 to i32
      %sign3A_501 = arith.constant 0 : i32
      %sign3A_502 = arith.cmpi slt, %jit3A_489, %sign3A_501 : i32
      %sign3A_503 = arith.extui %sign3A_502 : i1 to i32
      %sign3A_504 = arith.subi %sign3A_500, %sign3A_503 : i32
      %ne3A_505 = arith.cmpi ne, %sign3A_497, %sign3A_504 : i32
      %rem3A_506 = arith.remsi %add3A_427, %jit3A_489 : i32
      %ne3A_507 = arith.constant 0 : i32
      %ne3A_508 = arith.cmpi ne, %rem3A_506, %ne3A_507 : i32
      %and3A_509 = arith.andi %ne3A_505, %ne3A_508 : i1
      %sub3A_510 = arith.constant 1 : i32
      %sub3A_511 = arith.subi %div3A_490, %sub3A_510 : i32
      %select_n3A_512 = arith.select %and3A_509, %sub3A_511, %div3A_490 : i32
      %jit3A_513 = arith.constant 2 : i32
      %eq3A_514 = arith.constant 0 : i32
      %eq3A_515 = arith.cmpi eq, %jit3A_513, %eq3A_514 : i32
      %jit3A_516 = arith.constant 1 : i32
      %select_n3A_517 = arith.select %eq3A_515, %jit3A_516, %jit3A_513 : i32
      %rem3A_518 = arith.remsi %add3A_427, %select_n3A_517 : i32
      %ne3A_519 = arith.constant 0 : i32
      %ne3A_520 = arith.cmpi ne, %rem3A_518, %ne3A_519 : i32
      %lt3A_521 = arith.constant 0 : i32
      %lt3A_522 = arith.cmpi slt, %rem3A_518, %lt3A_521 : i32
      %lt3A_523 = arith.constant 0 : i32
      %lt3A_524 = arith.cmpi slt, %select_n3A_517, %lt3A_523 : i32
      %ne3A_525 = arith.xori %lt3A_522, %lt3A_524 : i1
      %and3A_526 = arith.andi %ne3A_525, %ne3A_520 : i1
      %add3A_527 = arith.addi %rem3A_518, %select_n3A_517 : i32
      %select_n3A_528 = arith.select %and3A_526, %add3A_527, %rem3A_518 : i32
      %mul3A_529 = arith.constant 64 : i32
      %mul3A_530 = arith.muli %select_n3A_528, %mul3A_529 : i32
      %dma_start3A_531 = tpu.memref_slice %arg7[%select_n3A_512, %mul3A_530] : memref<40x128xi32, #tpu.memory_space<vmem>> -> memref<1x64xi32, #tpu.memory_space<vmem>>
      %dma_start3A_532 = tpu.memref_squeeze %dma_start3A_531 : memref<1x64xi32, #tpu.memory_space<vmem>> -> memref<64xi32, #tpu.memory_space<vmem>>
      %dma_start3A_533 = arith.constant 0 : i32
      %dma_start3A_534 = arith.constant 0 : i32
      %dma_start3A_535 = tpu.memref_slice %arg12[%dma_start3A_533, %dma_start3A_534] : memref<10240x128xf32, #tpu.memory_space<vmem_shared>> -> memref<10240x128xf32, #tpu.memory_space<vmem_shared>>
      tpu.enqueue_indirect_dma source(%arg11 : memref<64x128xf32, #tpu.memory_space<vmem>>) target(%dma_start3A_535 : memref<10240x128xf32, #tpu.memory_space<vmem_shared>>) offsets(%dma_start3A_532 : memref<64xi32, #tpu.memory_space<vmem>>) semaphore(%arg20 : memref<!tpu.dma_semaphore, #tpu.memory_space<semaphore_mem>>) {add = true}
    }
    %scan3A_72 = arith.constant 20 : i32
    %dma_wait3A = arith.constant 39 : i32
    %dma_wait3A_73 = arith.constant 64 : i32
    %dma_wait3A_74 = tpu.memref_slice %arg7[%dma_wait3A, %dma_wait3A_73] : memref<40x128xi32, #tpu.memory_space<vmem>> -> memref<1x64xi32, #tpu.memory_space<vmem>>
    %dma_wait3A_75 = tpu.memref_squeeze %dma_wait3A_74 : memref<1x64xi32, #tpu.memory_space<vmem>> -> memref<64xi32, #tpu.memory_space<vmem>>
    %dma_wait3A_76 = arith.constant 0 : i32
    %dma_wait3A_77 = arith.constant 0 : i32
    %dma_wait3A_78 = tpu.memref_slice %arg12[%dma_wait3A_76, %dma_wait3A_77] : memref<10240x128xf32, #tpu.memory_space<vmem_shared>> -> memref<10240x128xf32, #tpu.memory_space<vmem_shared>>
    tpu.wait_indirect_dma semaphore(%arg20 : memref<!tpu.dma_semaphore, #tpu.memory_space<semaphore_mem>>) src(%arg11 : memref<64x128xf32, #tpu.memory_space<vmem>>) dst(%dma_wait3A_78 : memref<10240x128xf32, #tpu.memory_space<vmem_shared>>)
    %barrier3A_79 = arith.constant 0 : index
    tpu.barrier barrier_id(%barrier3A_79)
    %mul3A_80 = arith.constant 640 : i32
    %mul3A_81 = arith.muli %arg1, %mul3A_80 : i32
    %add3A_82 = arith.constant 0 : i32
    %add3A_83 = arith.addi %mul3A_81, %add3A_82 : i32
    "tpu.region"() ({
      %run_scoped3A = tpu.sem_alloc : memref<!tpu.dma_semaphore, #tpu.memory_space<semaphore_mem>>
      %dma_start3A_100 = arith.constant 0 : i32
      %dma_start3A_101 = tpu.memref_slice %arg5[%arg0, %add3A_83, %dma_start3A_100] : memref<2x10240x128xf32, #tpu.memory_space<hbm>> -> memref<1x128x128xf32, #tpu.memory_space<hbm>>
      %dma_start3A_102 = tpu.memref_squeeze %dma_start3A_101 : memref<1x128x128xf32, #tpu.memory_space<hbm>> -> memref<128x128xf32, #tpu.memory_space<hbm>>
      %dma_start3A_103 = arith.constant 0 : i32
      %dma_start3A_104 = tpu.memref_slice %arg12[%add3A_83, %dma_start3A_103] : memref<10240x128xf32, #tpu.memory_space<vmem_shared>> -> memref<128x128xf32, #tpu.memory_space<vmem_shared>>
      tpu.enqueue_dma source(%dma_start3A_104 : memref<128x128xf32, #tpu.memory_space<vmem_shared>>) target(%dma_start3A_102 : memref<128x128xf32, #tpu.memory_space<hbm>>) target_semaphore(%run_scoped3A : memref<!tpu.dma_semaphore, #tpu.memory_space<semaphore_mem>>)
      %dma_wait3A_105 = arith.constant 0 : i32
      %dma_wait3A_106 = tpu.memref_slice %arg5[%arg0, %add3A_83, %dma_wait3A_105] : memref<2x10240x128xf32, #tpu.memory_space<hbm>> -> memref<1x128x128xf32, #tpu.memory_space<hbm>>
      %dma_wait3A_107 = tpu.memref_squeeze %dma_wait3A_106 : memref<1x128x128xf32, #tpu.memory_space<hbm>> -> memref<128x128xf32, #tpu.memory_space<hbm>>
      %dma_wait3A_108 = arith.constant 0 : i32
      %dma_wait3A_109 = tpu.memref_slice %arg12[%add3A_83, %dma_wait3A_108] : memref<10240x128xf32, #tpu.memory_space<vmem_shared>> -> memref<128x128xf32, #tpu.memory_space<vmem_shared>>
      tpu.wait_dma2 semaphore(%run_scoped3A : memref<!tpu.dma_semaphore, #tpu.memory_space<semaphore_mem>>) src(%dma_wait3A_109 : memref<128x128xf32, #tpu.memory_space<vmem_shared>>) dst(%dma_wait3A_107 : memref<128x128xf32, #tpu.memory_space<hbm>>)
      tpu.yield
    }) : () -> ()
    %mul3A_84 = arith.constant 640 : i32
    %mul3A_85 = arith.muli %arg1, %mul3A_84 : i32
    %add3A_86 = arith.constant 128 : i32
    %add3A_87 = arith.addi %mul3A_85, %add3A_86 : i32
    "tpu.region"() ({
      %run_scoped3A = tpu.sem_alloc : memref<!tpu.dma_semaphore, #tpu.memory_space<semaphore_mem>>
      %dma_start3A_100 = arith.constant 0 : i32
      %dma_start3A_101 = tpu.memref_slice %arg5[%arg0, %add3A_87, %dma_start3A_100] : memref<2x10240x128xf32, #tpu.memory_space<hbm>> -> memref<1x128x128xf32, #tpu.memory_space<hbm>>
      %dma_start3A_102 = tpu.memref_squeeze %dma_start3A_101 : memref<1x128x128xf32, #tpu.memory_space<hbm>> -> memref<128x128xf32, #tpu.memory_space<hbm>>
      %dma_start3A_103 = arith.constant 0 : i32
      %dma_start3A_104 = tpu.memref_slice %arg12[%add3A_87, %dma_start3A_103] : memref<10240x128xf32, #tpu.memory_space<vmem_shared>> -> memref<128x128xf32, #tpu.memory_space<vmem_shared>>
      tpu.enqueue_dma source(%dma_start3A_104 : memref<128x128xf32, #tpu.memory_space<vmem_shared>>) target(%dma_start3A_102 : memref<128x128xf32, #tpu.memory_space<hbm>>) target_semaphore(%run_scoped3A : memref<!tpu.dma_semaphore, #tpu.memory_space<semaphore_mem>>)
      %dma_wait3A_105 = arith.constant 0 : i32
      %dma_wait3A_106 = tpu.memref_slice %arg5[%arg0, %add3A_87, %dma_wait3A_105] : memref<2x10240x128xf32, #tpu.memory_space<hbm>> -> memref<1x128x128xf32, #tpu.memory_space<hbm>>
      %dma_wait3A_107 = tpu.memref_squeeze %dma_wait3A_106 : memref<1x128x128xf32, #tpu.memory_space<hbm>> -> memref<128x128xf32, #tpu.memory_space<hbm>>
      %dma_wait3A_108 = arith.constant 0 : i32
      %dma_wait3A_109 = tpu.memref_slice %arg12[%add3A_87, %dma_wait3A_108] : memref<10240x128xf32, #tpu.memory_space<vmem_shared>> -> memref<128x128xf32, #tpu.memory_space<vmem_shared>>
      tpu.wait_dma2 semaphore(%run_scoped3A : memref<!tpu.dma_semaphore, #tpu.memory_space<semaphore_mem>>) src(%dma_wait3A_109 : memref<128x128xf32, #tpu.memory_space<vmem_shared>>) dst(%dma_wait3A_107 : memref<128x128xf32, #tpu.memory_space<hbm>>)
      tpu.yield
    }) : () -> ()
    %mul3A_88 = arith.constant 640 : i32
    %mul3A_89 = arith.muli %arg1, %mul3A_88 : i32
    %add3A_90 = arith.constant 256 : i32
    %add3A_91 = arith.addi %mul3A_89, %add3A_90 : i32
    "tpu.region"() ({
      %run_scoped3A = tpu.sem_alloc : memref<!tpu.dma_semaphore, #tpu.memory_space<semaphore_mem>>
      %dma_start3A_100 = arith.constant 0 : i32
      %dma_start3A_101 = tpu.memref_slice %arg5[%arg0, %add3A_91, %dma_start3A_100] : memref<2x10240x128xf32, #tpu.memory_space<hbm>> -> memref<1x128x128xf32, #tpu.memory_space<hbm>>
      %dma_start3A_102 = tpu.memref_squeeze %dma_start3A_101 : memref<1x128x128xf32, #tpu.memory_space<hbm>> -> memref<128x128xf32, #tpu.memory_space<hbm>>
      %dma_start3A_103 = arith.constant 0 : i32
      %dma_start3A_104 = tpu.memref_slice %arg12[%add3A_91, %dma_start3A_103] : memref<10240x128xf32, #tpu.memory_space<vmem_shared>> -> memref<128x128xf32, #tpu.memory_space<vmem_shared>>
      tpu.enqueue_dma source(%dma_start3A_104 : memref<128x128xf32, #tpu.memory_space<vmem_shared>>) target(%dma_start3A_102 : memref<128x128xf32, #tpu.memory_space<hbm>>) target_semaphore(%run_scoped3A : memref<!tpu.dma_semaphore, #tpu.memory_space<semaphore_mem>>)
      %dma_wait3A_105 = arith.constant 0 : i32
      %dma_wait3A_106 = tpu.memref_slice %arg5[%arg0, %add3A_91, %dma_wait3A_105] : memref<2x10240x128xf32, #tpu.memory_space<hbm>> -> memref<1x128x128xf32, #tpu.memory_space<hbm>>
      %dma_wait3A_107 = tpu.memref_squeeze %dma_wait3A_106 : memref<1x128x128xf32, #tpu.memory_space<hbm>> -> memref<128x128xf32, #tpu.memory_space<hbm>>
      %dma_wait3A_108 = arith.constant 0 : i32
      %dma_wait3A_109 = tpu.memref_slice %arg12[%add3A_91, %dma_wait3A_108] : memref<10240x128xf32, #tpu.memory_space<vmem_shared>> -> memref<128x128xf32, #tpu.memory_space<vmem_shared>>
      tpu.wait_dma2 semaphore(%run_scoped3A : memref<!tpu.dma_semaphore, #tpu.memory_space<semaphore_mem>>) src(%dma_wait3A_109 : memref<128x128xf32, #tpu.memory_space<vmem_shared>>) dst(%dma_wait3A_107 : memref<128x128xf32, #tpu.memory_space<hbm>>)
      tpu.yield
    }) : () -> ()
    %mul3A_92 = arith.constant 640 : i32
    %mul3A_93 = arith.muli %arg1, %mul3A_92 : i32
    %add3A_94 = arith.constant 384 : i32
    %add3A_95 = arith.addi %mul3A_93, %add3A_94 : i32
    "tpu.region"() ({
      %run_scoped3A = tpu.sem_alloc : memref<!tpu.dma_semaphore, #tpu.memory_space<semaphore_mem>>
      %dma_start3A_100 = arith.constant 0 : i32
      %dma_start3A_101 = tpu.memref_slice %arg5[%arg0, %add3A_95, %dma_start3A_100] : memref<2x10240x128xf32, #tpu.memory_space<hbm>> -> memref<1x128x128xf32, #tpu.memory_space<hbm>>
      %dma_start3A_102 = tpu.memref_squeeze %dma_start3A_101 : memref<1x128x128xf32, #tpu.memory_space<hbm>> -> memref<128x128xf32, #tpu.memory_space<hbm>>
      %dma_start3A_103 = arith.constant 0 : i32
      %dma_start3A_104 = tpu.memref_slice %arg12[%add3A_95, %dma_start3A_103] : memref<10240x128xf32, #tpu.memory_space<vmem_shared>> -> memref<128x128xf32, #tpu.memory_space<vmem_shared>>
      tpu.enqueue_dma source(%dma_start3A_104 : memref<128x128xf32, #tpu.memory_space<vmem_shared>>) target(%dma_start3A_102 : memref<128x128xf32, #tpu.memory_space<hbm>>) target_semaphore(%run_scoped3A : memref<!tpu.dma_semaphore, #tpu.memory_space<semaphore_mem>>)
      %dma_wait3A_105 = arith.constant 0 : i32
      %dma_wait3A_106 = tpu.memref_slice %arg5[%arg0, %add3A_95, %dma_wait3A_105] : memref<2x10240x128xf32, #tpu.memory_space<hbm>> -> memref<1x128x128xf32, #tpu.memory_space<hbm>>
      %dma_wait3A_107 = tpu.memref_squeeze %dma_wait3A_106 : memref<1x128x128xf32, #tpu.memory_space<hbm>> -> memref<128x128xf32, #tpu.memory_space<hbm>>
      %dma_wait3A_108 = arith.constant 0 : i32
      %dma_wait3A_109 = tpu.memref_slice %arg12[%add3A_95, %dma_wait3A_108] : memref<10240x128xf32, #tpu.memory_space<vmem_shared>> -> memref<128x128xf32, #tpu.memory_space<vmem_shared>>
      tpu.wait_dma2 semaphore(%run_scoped3A : memref<!tpu.dma_semaphore, #tpu.memory_space<semaphore_mem>>) src(%dma_wait3A_109 : memref<128x128xf32, #tpu.memory_space<vmem_shared>>) dst(%dma_wait3A_107 : memref<128x128xf32, #tpu.memory_space<hbm>>)
      tpu.yield
    }) : () -> ()
    %mul3A_96 = arith.constant 640 : i32
    %mul3A_97 = arith.muli %arg1, %mul3A_96 : i32
    %add3A_98 = arith.constant 512 : i32
    %add3A_99 = arith.addi %mul3A_97, %add3A_98 : i32
    "tpu.region"() ({
      %run_scoped3A = tpu.sem_alloc : memref<!tpu.dma_semaphore, #tpu.memory_space<semaphore_mem>>
      %dma_start3A_100 = arith.constant 0 : i32
      %dma_start3A_101 = tpu.memref_slice %arg5[%arg0, %add3A_99, %dma_start3A_100] : memref<2x10240x128xf32, #tpu.memory_space<hbm>> -> memref<1x128x128xf32, #tpu.memory_space<hbm>>
      %dma_start3A_102 = tpu.memref_squeeze %dma_start3A_101 : memref<1x128x128xf32, #tpu.memory_space<hbm>> -> memref<128x128xf32, #tpu.memory_space<hbm>>
      %dma_start3A_103 = arith.constant 0 : i32
      %dma_start3A_104 = tpu.memref_slice %arg12[%add3A_99, %dma_start3A_103] : memref<10240x128xf32, #tpu.memory_space<vmem_shared>> -> memref<128x128xf32, #tpu.memory_space<vmem_shared>>
      tpu.enqueue_dma source(%dma_start3A_104 : memref<128x128xf32, #tpu.memory_space<vmem_shared>>) target(%dma_start3A_102 : memref<128x128xf32, #tpu.memory_space<hbm>>) target_semaphore(%run_scoped3A : memref<!tpu.dma_semaphore, #tpu.memory_space<semaphore_mem>>)
      %dma_wait3A_105 = arith.constant 0 : i32
      %dma_wait3A_106 = tpu.memref_slice %arg5[%arg0, %add3A_99, %dma_wait3A_105] : memref<2x10240x128xf32, #tpu.memory_space<hbm>> -> memref<1x128x128xf32, #tpu.memory_space<hbm>>
      %dma_wait3A_107 = tpu.memref_squeeze %dma_wait3A_106 : memref<1x128x128xf32, #tpu.memory_space<hbm>> -> memref<128x128xf32, #tpu.memory_space<hbm>>
      %dma_wait3A_108 = arith.constant 0 : i32
      %dma_wait3A_109 = tpu.memref_slice %arg12[%add3A_99, %dma_wait3A_108] : memref<10240x128xf32, #tpu.memory_space<vmem_shared>> -> memref<128x128xf32, #tpu.memory_space<vmem_shared>>
      tpu.wait_dma2 semaphore(%run_scoped3A : memref<!tpu.dma_semaphore, #tpu.memory_space<semaphore_mem>>) src(%dma_wait3A_109 : memref<128x128xf32, #tpu.memory_space<vmem_shared>>) dst(%dma_wait3A_107 : memref<128x128xf32, #tpu.memory_space<hbm>>)
      tpu.yield
    }) : () -> ()
    return
  }
}

module attributes {stable_mosaic.version = 14 : i64} {
  func.func @_tc1_body(%arg0: i32, %arg1: memref<2560x256xf32, #tpu.memory_space<vmem>>, %arg2: memref<256x128xf32, #tpu.memory_space<vmem>>, %arg3: memref<2x2560x1xf32, #tpu.memory_space<vmem>>, %arg4: memref<2560x128xf32, #tpu.memory_space<vmem>>) attributes {dimension_semantics = [#tpu.dimension_semantics<arbitrary>], iteration_bounds = array<i64: 4>, scalar_prefetch = 0 : i64, scratch_operands = 0 : i64, tpu.core_type = #tpu.core_type<tc>, window_params = [{transform_indices = @transform_0, window_bounds = array<i64: 2560, 256>}, {pipeline_mode = #tpu.pipeline_mode<synchronous>, transform_indices = @transform_1, window_bounds = array<i64: 256, 128>}, {transform_indices = @transform_2, window_bounds = array<i64: 2, 2560, 1>}, {transform_indices = @transform_3, window_bounds = array<i64: 2560, 128>}]} {
    %get3A = arith.constant 0 : index
    %get3A_0 = arith.constant 0 : index
    %get3A_1 = arith.constant 0 : index
    %get3A_2 = vector.load %arg3[%get3A, %get3A_0, %get3A_1] : memref<2x2560x1xf32, #tpu.memory_space<vmem>>, vector<1x2560x1xf32>
    %get3A_3 = vector.shape_cast %get3A_2 : vector<1x2560x1xf32> to vector<2560x1xf32>
    %get3A_4 = arith.constant 1 : index
    %get3A_5 = arith.constant 0 : index
    %get3A_6 = arith.constant 0 : index
    %get3A_7 = vector.load %arg3[%get3A_4, %get3A_5, %get3A_6] : memref<2x2560x1xf32, #tpu.memory_space<vmem>>, vector<1x2560x1xf32>
    %get3A_8 = vector.shape_cast %get3A_7 : vector<1x2560x1xf32> to vector<2560x1xf32>
    %add3A = arith.addf %get3A_3, %get3A_8 : vector<2560x1xf32>
    %add3A_9 = arith.constant 1.000000e+00 : f32
    %add3A_10 = vector.broadcast %add3A_9 : f32 to vector<2560x1xf32>
    %add3A_11 = arith.addf %add3A, %add3A_10 : vector<2560x1xf32>
    %rsqrt3A = math.rsqrt %add3A_11 : vector<2560x1xf32>
    %get3A_12 = arith.constant 0 : index
    %get3A_13 = arith.constant 0 : index
    %get3A_14 = vector.load %arg1[%get3A_12, %get3A_13] : memref<2560x256xf32, #tpu.memory_space<vmem>>, vector<2560x256xf32>
    %get3A_15 = arith.constant 0 : index
    %get3A_16 = arith.constant 0 : index
    %get3A_17 = vector.load %arg2[%get3A_15, %get3A_16] : memref<256x128xf32, #tpu.memory_space<vmem>>, vector<256x128xf32>
    %dot_general3A = arith.constant dense<0.000000e+00> : vector<2560x128xf32>
    %dot_general3A_18 = tpu.matmul %get3A_14, %get3A_17, %dot_general3A {dimension_numbers = #tpu.dot_dimension_numbers<[1], [0], [0], [1], [0, 0, 1, 1], [], []>, transpose_lhs_hint = false} : vector<2560x256xf32>, vector<256x128xf32>, vector<2560x128xf32> -> vector<2560x128xf32>
    %broadcast_in_dim3A = vector.shape_cast %rsqrt3A : vector<2560x1xf32> to vector<2560x1xf32>
    %broadcast_in_dim3A_19 = vector.broadcast %broadcast_in_dim3A : vector<2560x1xf32> to vector<2560x128xf32>
    %mul3A = arith.mulf %dot_general3A_18, %broadcast_in_dim3A_19 : vector<2560x128xf32>
    %swap3A = arith.constant 0 : index
    %swap3A_20 = arith.constant 0 : index
    %swap3A_21 = vector.load %arg4[%swap3A, %swap3A_20] : memref<2560x128xf32, #tpu.memory_space<vmem>>, vector<2560x128xf32>
    tpu.vector_store %arg4[%swap3A, %swap3A_20], %mul3A {strides = array<i32>} : memref<2560x128xf32, #tpu.memory_space<vmem>>, vector<2560x128xf32>,
    return
  }
  func.func @transform_0(%arg0: i32) -> (i32, i32) {
    %c0_i32 = arith.constant 0 : i32
    %c0_i32_0 = arith.constant 0 : i32
    return %arg0, %c0_i32 : i32, i32
  }
  func.func @transform_1(%arg0: i32) -> (i32, i32) {
    %c0_i32 = arith.constant 0 : i32
    %c0_i32_0 = arith.constant 0 : i32
    %c0_i32_1 = arith.constant 0 : i32
    return %c0_i32, %c0_i32_0 : i32, i32
  }
  func.func @transform_2(%arg0: i32) -> (i32, i32, i32) {
    %c0_i32 = arith.constant 0 : i32
    %c0_i32_0 = arith.constant 0 : i32
    %c0_i32_1 = arith.constant 0 : i32
    return %c0_i32, %arg0, %c0_i32_0 : i32, i32, i32
  }
  func.func @transform_3(%arg0: i32) -> (i32, i32) {
    %c0_i32 = arith.constant 0 : i32
    %c0_i32_0 = arith.constant 0 : i32
    return %arg0, %c0_i32 : i32, i32
  }
}

module attributes {stable_mosaic.version = 14 : i64} {
  func.func @_tc_mid_body(%arg0: i32, %arg1: memref<2x2560x128xf32, #tpu.memory_space<vmem>>, %arg2: memref<2560x128xf32, #tpu.memory_space<vmem>>, %arg3: memref<2x2560x1xf32, #tpu.memory_space<vmem>>, %arg4: memref<1x128xf32, #tpu.memory_space<vmem>>, %arg5: memref<128x128xf32, #tpu.memory_space<vmem>>, %arg6: memref<2560x128xf32, #tpu.memory_space<vmem>>) attributes {dimension_semantics = [#tpu.dimension_semantics<arbitrary>], iteration_bounds = array<i64: 4>, scalar_prefetch = 0 : i64, scratch_operands = 0 : i64, tpu.core_type = #tpu.core_type<tc>, window_params = [{transform_indices = @transform_0, window_bounds = array<i64: 2, 2560, 128>}, {transform_indices = @transform_1, window_bounds = array<i64: 2560, 128>}, {transform_indices = @transform_2, window_bounds = array<i64: 2, 2560, 1>}, {pipeline_mode = #tpu.pipeline_mode<synchronous>, transform_indices = @transform_3, window_bounds = array<i64: 1, 128>}, {pipeline_mode = #tpu.pipeline_mode<synchronous>, transform_indices = @transform_4, window_bounds = array<i64: 128, 128>}, {transform_indices = @transform_5, window_bounds = array<i64: 2560, 128>}]} {
    %get3A = arith.constant 0 : index
    %get3A_0 = arith.constant 0 : index
    %get3A_1 = arith.constant 0 : index
    %get3A_2 = vector.load %arg3[%get3A, %get3A_0, %get3A_1] : memref<2x2560x1xf32, #tpu.memory_space<vmem>>, vector<1x2560x1xf32>
    %get3A_3 = vector.shape_cast %get3A_2 : vector<1x2560x1xf32> to vector<2560x1xf32>
    %get3A_4 = arith.constant 1 : index
    %get3A_5 = arith.constant 0 : index
    %get3A_6 = arith.constant 0 : index
    %get3A_7 = vector.load %arg3[%get3A_4, %get3A_5, %get3A_6] : memref<2x2560x1xf32, #tpu.memory_space<vmem>>, vector<1x2560x1xf32>
    %get3A_8 = vector.shape_cast %get3A_7 : vector<1x2560x1xf32> to vector<2560x1xf32>
    %add3A = arith.addf %get3A_3, %get3A_8 : vector<2560x1xf32>
    %add3A_9 = arith.constant 1.000000e+00 : f32
    %add3A_10 = vector.broadcast %add3A_9 : f32 to vector<2560x1xf32>
    %add3A_11 = arith.addf %add3A, %add3A_10 : vector<2560x1xf32>
    %rsqrt3A = math.rsqrt %add3A_11 : vector<2560x1xf32>
    %broadcast_in_dim3A = vector.shape_cast %rsqrt3A : vector<2560x1xf32> to vector<2560x1xf32>
    %broadcast_in_dim3A_12 = vector.broadcast %broadcast_in_dim3A : vector<2560x1xf32> to vector<2560x128xf32>
    %get3A_13 = arith.constant 0 : index
    %get3A_14 = arith.constant 0 : index
    %get3A_15 = arith.constant 0 : index
    %get3A_16 = vector.load %arg1[%get3A_13, %get3A_14, %get3A_15] : memref<2x2560x128xf32, #tpu.memory_space<vmem>>, vector<1x2560x128xf32>
    %get3A_17 = vector.shape_cast %get3A_16 : vector<1x2560x128xf32> to vector<2560x128xf32>
    %get3A_18 = arith.constant 1 : index
    %get3A_19 = arith.constant 0 : index
    %get3A_20 = arith.constant 0 : index
    %get3A_21 = vector.load %arg1[%get3A_18, %get3A_19, %get3A_20] : memref<2x2560x128xf32, #tpu.memory_space<vmem>>, vector<1x2560x128xf32>
    %get3A_22 = vector.shape_cast %get3A_21 : vector<1x2560x128xf32> to vector<2560x128xf32>
    %add3A_23 = arith.addf %get3A_17, %get3A_22 : vector<2560x128xf32>
    %get3A_24 = arith.constant 0 : index
    %get3A_25 = arith.constant 0 : index
    %get3A_26 = vector.load %arg2[%get3A_24, %get3A_25] : memref<2560x128xf32, #tpu.memory_space<vmem>>, vector<2560x128xf32>
    %add3A_27 = arith.addf %add3A_23, %get3A_26 : vector<2560x128xf32>
    %mul3A = arith.mulf %add3A_27, %broadcast_in_dim3A_12 : vector<2560x128xf32>
    %get3A_28 = arith.constant 0 : index
    %get3A_29 = arith.constant 0 : index
    %get3A_30 = vector.load %arg4[%get3A_28, %get3A_29] : memref<1x128xf32, #tpu.memory_space<vmem>>, vector<1x128xf32>
    %add3A_31 = vector.broadcast %get3A_30 : vector<1x128xf32> to vector<2560x128xf32>
    %add3A_32 = arith.addf %mul3A, %add3A_31 : vector<2560x128xf32>
    %ge3A = arith.constant 0.000000e+00 : f32
    %ge3A_33 = vector.broadcast %ge3A : f32 to vector<2560x128xf32>
    %ge3A_34 = arith.cmpf oge, %add3A_32, %ge3A_33 : vector<2560x128xf32>
    %mul3A_35 = arith.constant 0.00999999977 : f32
    %mul3A_36 = vector.broadcast %mul3A_35 : f32 to vector<2560x128xf32>
    %mul3A_37 = arith.mulf %mul3A_36, %add3A_32 : vector<2560x128xf32>
    %select_n3A = arith.select %ge3A_34, %add3A_32, %mul3A_37 : vector<2560x128xi1>, vector<2560x128xf32>
    %get3A_38 = arith.constant 0 : index
    %get3A_39 = arith.constant 0 : index
    %get3A_40 = vector.load %arg5[%get3A_38, %get3A_39] : memref<128x128xf32, #tpu.memory_space<vmem>>, vector<128x128xf32>
    %dot_general3A = arith.constant dense<0.000000e+00> : vector<2560x128xf32>
    %dot_general3A_41 = tpu.matmul %select_n3A, %get3A_40, %dot_general3A {dimension_numbers = #tpu.dot_dimension_numbers<[1], [0], [0], [1], [0, 0, 1, 1], [], []>, transpose_lhs_hint = false} : vector<2560x128xf32>, vector<128x128xf32>, vector<2560x128xf32> -> vector<2560x128xf32>
    %mul3A_42 = arith.mulf %dot_general3A_41, %broadcast_in_dim3A_12 : vector<2560x128xf32>
    %swap3A = arith.constant 0 : index
    %swap3A_43 = arith.constant 0 : index
    %swap3A_44 = vector.load %arg6[%swap3A, %swap3A_43] : memref<2560x128xf32, #tpu.memory_space<vmem>>, vector<2560x128xf32>
    tpu.vector_store %arg6[%swap3A, %swap3A_43], %mul3A_42 {strides = array<i32>} : memref<2560x128xf32, #tpu.memory_space<vmem>>, vector<2560x128xf32>,
    return
  }
  func.func @transform_0(%arg0: i32) -> (i32, i32, i32) {
    %c0_i32 = arith.constant 0 : i32
    %c0_i32_0 = arith.constant 0 : i32
    %c0_i32_1 = arith.constant 0 : i32
    return %c0_i32, %arg0, %c0_i32_0 : i32, i32, i32
  }
  func.func @transform_1(%arg0: i32) -> (i32, i32) {
    %c0_i32 = arith.constant 0 : i32
    %c0_i32_0 = arith.constant 0 : i32
    return %arg0, %c0_i32 : i32, i32
  }
  func.func @transform_2(%arg0: i32) -> (i32, i32, i32) {
    %c0_i32 = arith.constant 0 : i32
    %c0_i32_0 = arith.constant 0 : i32
    %c0_i32_1 = arith.constant 0 : i32
    return %c0_i32, %arg0, %c0_i32_0 : i32, i32, i32
  }
  func.func @transform_3(%arg0: i32) -> (i32, i32) {
    %c0_i32 = arith.constant 0 : i32
    %c0_i32_0 = arith.constant 0 : i32
    %c0_i32_1 = arith.constant 0 : i32
    return %c0_i32, %c0_i32_0 : i32, i32
  }
  func.func @transform_4(%arg0: i32) -> (i32, i32) {
    %c0_i32 = arith.constant 0 : i32
    %c0_i32_0 = arith.constant 0 : i32
    %c0_i32_1 = arith.constant 0 : i32
    return %c0_i32, %c0_i32_0 : i32, i32
  }
  func.func @transform_5(%arg0: i32) -> (i32, i32) {
    %c0_i32 = arith.constant 0 : i32
    %c0_i32_0 = arith.constant 0 : i32
    return %arg0, %c0_i32 : i32, i32
  }
}

module attributes {stable_mosaic.version = 14 : i64} {
  func.func @_tc_final_body(%arg0: memref<2x10240x128xf32, #tpu.memory_space<vmem>>, %arg1: memref<10240x128xf32, #tpu.memory_space<vmem>>, %arg2: memref<2x10240x1xf32, #tpu.memory_space<vmem>>, %arg3: memref<1x128xf32, #tpu.memory_space<vmem>>, %arg4: memref<1x10240xi32, #tpu.memory_space<vmem>>, %arg5: memref<128x32xf32, #tpu.memory_space<vmem>>, %arg6: memref<1x32xf32, #tpu.memory_space<vmem>>, %arg7: memref<16x32xf32, #tpu.memory_space<vmem>>) attributes {dimension_semantics = [], scalar_prefetch = 0 : i64, scratch_operands = 0 : i64, tpu.core_type = #tpu.core_type<tc>} {
    %get3A = arith.constant 0 : index
    %get3A_0 = arith.constant 0 : index
    %get3A_1 = arith.constant 0 : index
    %get3A_2 = vector.load %arg2[%get3A, %get3A_0, %get3A_1] : memref<2x10240x1xf32, #tpu.memory_space<vmem>>, vector<1x10240x1xf32>
    %get3A_3 = vector.shape_cast %get3A_2 : vector<1x10240x1xf32> to vector<10240x1xf32>
    %get3A_4 = arith.constant 1 : index
    %get3A_5 = arith.constant 0 : index
    %get3A_6 = arith.constant 0 : index
    %get3A_7 = vector.load %arg2[%get3A_4, %get3A_5, %get3A_6] : memref<2x10240x1xf32, #tpu.memory_space<vmem>>, vector<1x10240x1xf32>
    %get3A_8 = vector.shape_cast %get3A_7 : vector<1x10240x1xf32> to vector<10240x1xf32>
    %add3A = arith.addf %get3A_3, %get3A_8 : vector<10240x1xf32>
    %add3A_9 = arith.constant 1.000000e+00 : f32
    %add3A_10 = vector.broadcast %add3A_9 : f32 to vector<10240x1xf32>
    %add3A_11 = arith.addf %add3A, %add3A_10 : vector<10240x1xf32>
    %rsqrt3A = math.rsqrt %add3A_11 : vector<10240x1xf32>
    %get3A_12 = arith.constant 0 : index
    %get3A_13 = arith.constant 0 : index
    %get3A_14 = arith.constant 0 : index
    %get3A_15 = vector.load %arg0[%get3A_12, %get3A_13, %get3A_14] : memref<2x10240x128xf32, #tpu.memory_space<vmem>>, vector<1x10240x128xf32>
    %get3A_16 = vector.shape_cast %get3A_15 : vector<1x10240x128xf32> to vector<10240x128xf32>
    %get3A_17 = arith.constant 1 : index
    %get3A_18 = arith.constant 0 : index
    %get3A_19 = arith.constant 0 : index
    %get3A_20 = vector.load %arg0[%get3A_17, %get3A_18, %get3A_19] : memref<2x10240x128xf32, #tpu.memory_space<vmem>>, vector<1x10240x128xf32>
    %get3A_21 = vector.shape_cast %get3A_20 : vector<1x10240x128xf32> to vector<10240x128xf32>
    %add3A_22 = arith.addf %get3A_16, %get3A_21 : vector<10240x128xf32>
    %get3A_23 = arith.constant 0 : index
    %get3A_24 = arith.constant 0 : index
    %get3A_25 = vector.load %arg1[%get3A_23, %get3A_24] : memref<10240x128xf32, #tpu.memory_space<vmem>>, vector<10240x128xf32>
    %add3A_26 = arith.addf %add3A_22, %get3A_25 : vector<10240x128xf32>
    %broadcast_in_dim3A = vector.shape_cast %rsqrt3A : vector<10240x1xf32> to vector<10240x1xf32>
    %broadcast_in_dim3A_27 = vector.broadcast %broadcast_in_dim3A : vector<10240x1xf32> to vector<10240x128xf32>
    %mul3A = arith.mulf %add3A_26, %broadcast_in_dim3A_27 : vector<10240x128xf32>
    %get3A_28 = arith.constant 0 : index
    %get3A_29 = arith.constant 0 : index
    %get3A_30 = vector.load %arg3[%get3A_28, %get3A_29] : memref<1x128xf32, #tpu.memory_space<vmem>>, vector<1x128xf32>
    %add3A_31 = vector.broadcast %get3A_30 : vector<1x128xf32> to vector<10240x128xf32>
    %add3A_32 = arith.addf %mul3A, %add3A_31 : vector<10240x128xf32>
    %get3A_33 = arith.constant 0 : index
    %get3A_34 = arith.constant 0 : index
    %get3A_35 = vector.load %arg4[%get3A_33, %get3A_34] : memref<1x10240xi32, #tpu.memory_space<vmem>>, vector<1x10240xi32>
    %iota3A = tpu.iota {dimensions = array<i32: 0>} : vector<16x10240xi32>
    %eq3A = vector.broadcast %get3A_35 : vector<1x10240xi32> to vector<16x10240xi32>
    %eq3A_36 = arith.cmpi eq, %eq3A, %iota3A : vector<16x10240xi32>
    %jit3A = arith.constant 1.000000e+00 : f32
    %jit3A_37 = arith.constant 0.000000e+00 : f32
    %broadcast_in_dim3A_38 = vector.broadcast %jit3A : f32 to vector<16x10240xf32>
    %broadcast_in_dim3A_39 = vector.broadcast %jit3A_37 : f32 to vector<16x10240xf32>
    %select_n3A = arith.select %eq3A_36, %broadcast_in_dim3A_38, %broadcast_in_dim3A_39 : vector<16x10240xi1>, vector<16x10240xf32>
    %dot_general3A = arith.constant dense<0.000000e+00> : vector<16x128xf32>
    %dot_general3A_40 = tpu.matmul %select_n3A, %add3A_32, %dot_general3A {dimension_numbers = #tpu.dot_dimension_numbers<[1], [0], [0], [1], [0, 0, 1, 1], [], []>, transpose_lhs_hint = false} : vector<16x10240xf32>, vector<10240x128xf32>, vector<16x128xf32> -> vector<16x128xf32>
    %reduce_sum3A = arith.constant dense<0.000000e+00> : vector<16xf32>
    %reduce_sum3A_41 = vector.multi_reduction <add>, %select_n3A, %reduce_sum3A [1] : vector<16x10240xf32> to vector<16xf32>
    %broadcast_in_dim3A_42 = vector.shape_cast %reduce_sum3A_41 : vector<16xf32> to vector<16x1xf32>
    %max3A = arith.constant 1.000000e+00 : f32
    %max3A_43 = vector.broadcast %max3A : f32 to vector<16x1xf32>
    %max3A_44 = arith.maximumf %broadcast_in_dim3A_42, %max3A_43 : vector<16x1xf32>
    %div3A = vector.broadcast %max3A_44 : vector<16x1xf32> to vector<16x128xf32>
    %div3A_45 = arith.divf %dot_general3A_40, %div3A : vector<16x128xf32>
    %get3A_46 = arith.constant 0 : index
    %get3A_47 = arith.constant 0 : index
    %get3A_48 = vector.load %arg5[%get3A_46, %get3A_47] : memref<128x32xf32, #tpu.memory_space<vmem>>, vector<128x32xf32>
    %dot_general3A_49 = arith.constant dense<0.000000e+00> : vector<16x32xf32>
    %dot_general3A_50 = tpu.matmul %div3A_45, %get3A_48, %dot_general3A_49 {dimension_numbers = #tpu.dot_dimension_numbers<[1], [0], [0], [1], [0, 0, 1, 1], [], []>, transpose_lhs_hint = false} : vector<16x128xf32>, vector<128x32xf32>, vector<16x32xf32> -> vector<16x32xf32>
    %get3A_51 = arith.constant 0 : index
    %get3A_52 = arith.constant 0 : index
    %get3A_53 = vector.load %arg6[%get3A_51, %get3A_52] : memref<1x32xf32, #tpu.memory_space<vmem>>, vector<1x32xf32>
    %add3A_54 = vector.broadcast %get3A_53 : vector<1x32xf32> to vector<16x32xf32>
    %add3A_55 = arith.addf %dot_general3A_50, %add3A_54 : vector<16x32xf32>
    %reduce_max3A = arith.constant dense<0xFF800000> : vector<16xf32>
    %reduce_max3A_56 = vector.multi_reduction <maximumf>, %add3A_55, %reduce_max3A [1] : vector<16x32xf32> to vector<16xf32>
    %broadcast_in_dim3A_57 = vector.shape_cast %reduce_max3A_56 : vector<16xf32> to vector<16x1xf32>
    %sub3A = vector.broadcast %broadcast_in_dim3A_57 : vector<16x1xf32> to vector<16x32xf32>
    %sub3A_58 = arith.subf %add3A_55, %sub3A : vector<16x32xf32>
    %exp3A = math.exp %sub3A_58 : vector<16x32xf32>
    %reduce_sum3A_59 = arith.constant dense<0.000000e+00> : vector<16xf32>
    %reduce_sum3A_60 = vector.multi_reduction <add>, %exp3A, %reduce_sum3A_59 [1] : vector<16x32xf32> to vector<16xf32>
    %broadcast_in_dim3A_61 = vector.shape_cast %reduce_sum3A_60 : vector<16xf32> to vector<16x1xf32>
    %log3A = math.log %broadcast_in_dim3A_61 : vector<16x1xf32>
    %add3A_62 = arith.addf %log3A, %broadcast_in_dim3A_57 : vector<16x1xf32>
    %sub3A_63 = vector.broadcast %add3A_62 : vector<16x1xf32> to vector<16x32xf32>
    %sub3A_64 = arith.subf %add3A_55, %sub3A_63 : vector<16x32xf32>
    %swap3A = arith.constant 0 : index
    %swap3A_65 = arith.constant 0 : index
    %swap3A_66 = vector.load %arg7[%swap3A, %swap3A_65] : memref<16x32xf32, #tpu.memory_space<vmem>>, vector<16x32xf32>
    tpu.vector_store %arg7[%swap3A, %swap3A_65], %sub3A_64 {strides = array<i32>} : memref<16x32xf32, #tpu.memory_space<vmem>>, vector<16x32xf32>,
    return
  }
}

</mosaic_0001>

<sc_bundles>
// kernel: kernel.10.cloned.1.call-start
scs
__scs_entry_jumppad:
0x0: {  	(pc) =	sbr.rel $0x88, $3  }
0x1: {  	(tag) =	ssettag $0x0;
	lr =	simm.s32 $0x1  }
0x2: {  	[smem:$0x3F96] =	sst lr;
	_ =	strace $0xD0000000  }
0x3: {  	_ = 	snop  }
0x4: {  	_ = 	snop  }
0x5: {  	_ = 	snop  }
0x6: {  	_ = 	snop  }
0x7: {  	_ = 	snop  }
__scs_overlays_trampoline_lowered:
0x8: {  	[smem:$0x3FA5] =	sst s0  }
0x9: {  	[smem:$0x3FA6] =	sst s1  }
0xa: {  	[smem:$0x3FA7] =	sst s2  }
0xb: {  	[smem:$0x3FA8] =	sst s3  }
0xc: {  	[smem:$0x3FA9] =	sst s4  }
0xd: {  	[smem:$0x3FAA] =	sst s5  }
0xe: {  	[smem:$0x3FAB] =	sst s6  }
0xf: {  	[smem:$0x3FAC] =	sst s7  }
0x10: {  	[smem:$0x3FAD] =	sst s8  }
0x11: {  	[smem:$0x3FAE] =	sst s9;
	s0 =	simm.s32 @!p0 $0x0  }
0x12: {  	s1 =	sld [smem:$0x3F94];
	s0 =	simm.s32 @p0 $0x1  }
0x13: {  	[smem:$0x3FAF] =	sst s0;
	s0 =	simm.s32 @!p1 $0x0  }
0x14: {  	s2 =	sld [smem:$0x3F93];
	s0 =	simm.s32 @p1 $0x1  }
0x15: {  	[smem:$0x3FB0] =	sst s0;
	s0 =	simm.s32 @!p2 $0x0  }
0x16: {  	s3 =	sld [smem:$0x3FDB];
	s0 =	simm.s32 @p2 $0x1  }
0x17: {  	s4 =	simm.s32 $0x1BF5;
	[smem:$0x3FB2] =	sst s0  }
0x18: {  	s0 =	sld [smem:$0x3F95];
	_ =	swait.ge [sflag:s4], $0x0  }
0x19: {  	s7 =	sld [smem:$0x3F96]  }
0x1a: {  	s8 =	sadd.s32 $0xFFFFE003, lr  }
0x1b: {  	s9 =	sadd.s32 $0xFFFFFEF7, lr;
	s5 =	simm.s32 $0xFFFFFFFF;
	p2 =	slt.u32 s8, $0xFFFFF086  }
0x1c: {  	p1 =	slt.u32 s9, $0xF7A;
	s5 =	simm.s32 @!p2 $0x0  }
0x1d: {  	s5 =	simm.s32 @p1 $0x1;
	p0 =	seq.s32 s7, s2  }
0x1e: {  	s7 =	smul.u32 @!p0 $0xF7A, s2;
	p2 =	seq.s32 @!p0 s5, $0x0  }
0x1f: {  	s9 =	smul.u32 $0xF7A, s1;
	s8 =	simm.s32 @!p0 $0x1BF5;
	p2 =	por !p2, p0  }
0x20: {  	[sflag:s8] =	ssyncset.s32 @!p0 $0xFFFFF086;
	s6 =	sadd.s32 @!p0 s3, s7;
	s7 =	simm.s32 @!p0 $0x108  }
0x21: {  	s3 =	sadd.s32 s3, s9;
	s6 =	sadd.s32 @!p0 $0x88, s6;
	s7 =	simm.s32 @p2 $0x1082  }
0x22: {  	[simem:s7], [sflag:s8] =	dma.local @!p0 [hbm:s6], $0xF7A  }
0x23: {  	s9 =	sor.u32 $0xD0000000, s2;
	s6 =	simm.s32 $0x108;
	_ =	swait.ge @!p0 [sflag:s8], $0x0  }
0x24: {  	s3 =	sadd.s32 $0x88, s3;
	s6 =	simm.s32 @!p1 $0x1082;
	[sflag:s4] =	ssyncset.s32 $0xFFFFF086  }
0x25: {  	[simem:s6], [sflag:s4] =	dma.local [hbm:s3], $0xF7A  }
0x26: {  	[smem:$0x3F96] =	sst s1;
	(tag) =	ssettag s2;
	_ =	strace s9  }
0x27: {  	s1 =	sld [smem:$0x3FA6]  }
0x28: {  	s2 =	sld [smem:$0x3FA7]  }
0x29: {  	s4 =	sld [smem:$0x3FA9]  }
0x2a: {  	p0 =	seq.s32 s5, $0x0;
	s5 =	sld [smem:$0x3FAA]  }
0x2b: {  	s6 =	sld [smem:$0x3FAB]  }
0x2c: {  	s7 =	sld [smem:$0x3FAC]  }
0x2d: {  	s3 =	simm.s32 $0x108;
	s8 =	sld [smem:$0x3FAD]  }
0x2e: {  	s3 =	simm.s32 @!p0 $0x1082;
	s9 =	sld [smem:$0x3FAE]  }
0x2f: {  	lr =	sadd.s32 s0, s3;
	s0 =	sld [smem:$0x3FA5]  }
0x30: {  	s3 =	sld [smem:$0x3FA8]  }
0x31: {  	[smem:$0x3FB1] =	sst s10  }
0x32: {  	s10 =	sld [smem:$0x3FAF];
	_ =	sdelay $0x3  }
0x33: {  	p0 =	seq.s32 s10, $0x1;
	s10 =	sld [smem:$0x3FB1];
	_ =	sdelay $0x3  }
0x34: {  	[smem:$0x3FB1] =	sst s10  }
0x35: {  	s10 =	sld [smem:$0x3FB0];
	_ =	sdelay $0x3  }
0x36: {  	p1 =	seq.s32 s10, $0x1;
	s10 =	sld [smem:$0x3FB1];
	_ =	sdelay $0x3  }
0x37: {  	[smem:$0x3FB1] =	sst s10  }
0x38: {  	s10 =	sld [smem:$0x3FB2]  }
0x39: {  	_ = 	snop;
	(pc) =	sbr.ind lr, $3  }
0x3a: {  	_ = 	snop  }
0x3b: {  	_ = 	snop  }
0x3c: {  	p2 =	seq.s32 s10, $0x1;
	s10 =	sld [smem:$0x3FB1]  }
0x3d: {  	_ =	shalt  }
0x3e: {  	_ =	shalt  }
0x3f: {  	_ =	shalt  }
0x40: {  	_ =	shalt  }
0x41: {  	_ =	shalt  }
0x42: {  	_ =	shalt  }
0x43: {  	_ =	shalt  }
0x44: {  	_ =	shalt  }
0x45: {  	_ =	shalt  }
0x46: {  	_ =	shalt  }
0x47: {  	_ =	shalt  }
0x48: {  	_ =	shalt  }
0x49: {  	_ =	shalt  }
0x4a: {  	_ =	shalt  }
0x4b: {  	_ =	shalt  }
0x4c: {  	_ =	shalt  }
0x4d: {  	_ =	shalt  }
0x4e: {  	_ =	shalt  }
0x4f: {  	_ =	shalt  }
0x50: {  	_ =	shalt  }
0x51: {  	_ =	shalt  }
0x52: {  	_ =	shalt  }
0x53: {  	_ =	shalt  }
0x54: {  	_ =	shalt  }
0x55: {  	_ =	shalt  }
0x56: {  	_ =	shalt  }
0x57: {  	_ =	shalt  }
0x58: {  	_ =	shalt  }
0x59: {  	_ =	shalt  }
0x5a: {  	_ =	shalt  }
0x5b: {  	_ =	shalt  }
0x5c: {  	_ =	shalt  }
0x5d: {  	_ =	shalt  }
0x5e: {  	_ =	shalt  }
0x5f: {  	_ =	shalt  }
0x60: {  	_ =	shalt  }
0x61: {  	_ =	shalt  }
0x62: {  	_ =	shalt  }
0x63: {  	_ =	shalt  }
0x64: {  	_ =	shalt  }
0x65: {  	_ =	shalt  }
0x66: {  	_ =	shalt  }
0x67: {  	_ =	shalt  }
0x68: {  	_ =	shalt  }
0x69: {  	_ =	shalt  }
0x6a: {  	_ =	shalt  }
0x6b: {  	_ =	shalt  }
0x6c: {  	_ =	shalt  }
0x6d: {  	_ =	shalt  }
0x6e: {  	_ =	shalt  }
0x6f: {  	_ =	shalt  }
0x70: {  	_ =	shalt  }
0x71: {  	_ =	shalt  }
0x72: {  	_ =	shalt  }
0x73: {  	_ =	shalt  }
0x74: {  	_ =	shalt  }
0x75: {  	_ =	shalt  }
0x76: {  	_ =	shalt  }
0x77: {  	_ =	shalt  }
0x78: {  	_ =	shalt  }
0x79: {  	_ =	shalt  }
0x7a: {  	_ =	shalt  }
0x7b: {  	_ =	shalt  }
0x7c: {  	_ =	shalt  }
0x7d: {  	_ =	shalt  }
0x7e: {  	_ =	shalt  }
0x7f: {  	_ =	shalt  }
0x80: {  	_ =	shalt  }
0x81: {  	_ =	shalt  }
0x82: {  	_ =	shalt  }
0x83: {  	_ =	shalt  }
0x84: {  	_ =	shalt  }
0x85: {  	_ =	shalt  }
0x86: {  	_ =	shalt  }
0x87: {  	_ =	shalt  }
.Lfunc_end0:
.L_simem_size_0:
called_computation_lowered:
.L_overlay_start_0:
0x88: {  	s2 =	sld [smem:$0x3FD9]  }
0x89: {  	s3 =	sld [smem:$0x3FFE];
	_ =	sdelay $0x1  }
0x8a: {  	s1 =	srdreg.scid  }
0x8b: {  	s0 =	sand.u32 $0x1, s1  }
0x8c: {  	s16 =	sshll.u32 s0, $0xA;
	s2 =	sadd.s32 s3, s2  }
0x8d: {  	s2 =	sadd.s32 s2, s16  }
0x8e: {  	[smem:$0x3FBD] =	sst s2  }
0x8f: {  	_ = 	snop  }
0x90: {  	(tm) =	ssettm $0x1  }
0x91: {  	s17 =	sld [smem:$0x3FFB];
	_ =	sdelay $0x3  }
0x92: {  	_ =	strace s17  }
0x93: {  	s2 =	sld [smem:$0x3FFC];
	_ =	sdelay $0x3  }
0x94: {  	_ =	strace s2  }
0x95: {  	s2 =	sld [smem:$0x3FFD];
	_ =	sdelay $0x3  }
0x96: {  	_ =	strace s2  }
0x97: {  	_ =	strace $0x8FFFFFFF  }
0x98: {  	s18 =	sld [smem:$0x3FDB];
	_ =	sdelay $0x1  }
0x99: {  	s19 =	simm.s32 $_scs_section_size  }
0x9a: {  	s4 =	simm.s32 $_size__tile_overlayer_lowered;
	s5 =	simm.s32 $_tile_overlayer_lowered  }
0x9b: {  	s22 =	simm.s32 $0x1BFF;
	s21 =	sshll.u32 s5, $0x1;
	s2 =	sadd.s32 s19, s18  }
0x9c: {  	s6 =	simm.s32 $0x0;
	s20 =	sshll.u32 s4, $0x1;
	s4 =	sadd.s32 s21, s2  }
0x9d: {  	[timem:s6], [sflag:s22] =	dma.local [hbm:s4], s20  }
0x9e: {  	_ =	swait.ge [sflag:s22], s20  }
0x9f: {  	s3 =	ssub.s32 $0x0, s20;
	[sflag:s22] =	ssyncset.done $0x0  }
0xa0: {  	[sflag:s22] =	ssyncadd.s32 s3;
	_ =	sdelay $0x1  }
0xa1: {  	s23 =	simm.s32 $0x1B8B  }
0xa2: {  	_ =	swait.ge [sflag:s23], $0x1  }
0xa3: {  	[sflag:s23] =	ssyncset.done $0x0  }
0xa4: {  	s25 =	simm.s32 $0x1B8E;
	s24 =	sld [smem:$0x3FFE];
	[sflag:s23] =	ssyncadd.s32 $0xFFFFFFFF  }
0xa5: {  	s26 =	simm.s32 $execute0_lowered;
	[smem:$0x3FD2] =	sst s25  }
0xa6: {  	s4 =	sshll.u32 s26, $0x1;
	_ =	strace $0x80000046;
	[dreg:$0x1] =	wrdreg $0xFFFFFFFF  }
0xa7: {  	s28 =	simm.s32 $_size_execute0_lowered;
	s2 =	sadd.s32 s2, s4;
	[dreg:$0x0] =	wrdreg $0x0  }
0xa8: {  	s4 =	sshll.u32 s28, $0x1;
	[dreg:$0x2] =	wrdreg s2  }
0xa9: {  	[dreg:$0x3] =	wrdreg s4  }
0xaa: {  	[dreg:$0x4] =	wrdreg $0xC0  }
0xab: {  	_ =	task [dreg:s6], $0x5FFFF  }
0xac: {  	[dreg:$0x1] =	wrdreg $0xFFFFFFFF  }
0xad: {  	[dreg:$0x0] =	wrdreg $0x60  }
0xae: {  	[dreg:$0x2] =	wrdreg s24  }
0xaf: {  	[dreg:$0x3] =	wrdreg $0x17000  }
0xb0: {  	[dreg:$0x4] =	wrdreg $0x9  }
0xb1: {  	_ =	task.clear_ibuf [dreg:s6], $0x5FFFF;
	_ =	strace $0x90000046  }
0xb2: {  	s29 =	simm.s32 $0x9;
	_ =	strace $0x80000048  }
0xb3: {  	_ =	swait.ge [sflag:s29], $0x1  }
0xb4: {  	[sflag:s29] =	ssyncadd.s32 $0xFFFFFFFF  }
0xb5: {  	_ =	strace $0x90000048  }
0xb6: {  	_ =	sfence  }
0xb7: {  	s30 =	sld [smem:$0x0];
	_ =	sdelay $0x2  }
0xb8: {  	s31 =	sshll.u32 s1, $0xD;
	s1 =	sshrl.u32 s1, $0x2  }
0xb9: {  	s3 =	sand.u32 $0x4000, s31;
	s1 =	sadd.s32 s1, s30  }
0xba: {  	s0 =	sor.u32 s3, s0;
	s1 =	sshll.u32 s1, $0x11  }
0xbb: {  	s0 =	sor.u32 s1, s0  }
0xbc: {  	s0 =	sadd.s32 $0x8F2B, s0  }
0xbd: {  	[sflag:s0] =	ssyncadd.remote.s32 $0x1  }
0xbe: {  	_ =	sfence.sel $0xFFFF  }
0xbf: {  	[dreg:$0x0] =	wrdreg $0xFFFFFFFF;
	(pc) =	sbr.abs _section_cstart, $3  }
0xc0: {  	[dreg:$0x1] =	wrdreg $0xFFFFFFFF  }
0xc1: {  	_ =	task.clear_ibuf [dreg:s6], $0x2FFFF;
	_ =	strace $0x9FFFFFFF  }
0xc2: {  	(tm) =	ssettm $0x7FFFFFFF  }
0xc3: {  	_ =	shalt  }
tec
execute0_lowered:
.L_overlay_start_1:
0x0: {  	(tag) =	ssettag $0x1  }
0x1: {  	s1 =	srdreg.scid  }
0x2: {  	s0 =	stileid.u32;
	s4 =	rddreg [dreg:$0x0]  }
0x3: {  	s2 =	rddreg [dreg:$0x1];
	s3 =	simm.s32 $0x0;
	s10 =	simm.s32 $0x80  }
0x4: {  	s11 =	simm.s32 $0x1400;
	s12 =	simm.s32 $0x100;
	s13 =	simm.s32 $0x0  }
0x5: {  	s5 =	sand.u32 $0x1, s1;
	s1 =	rddreg [dreg:$0x2];
	s7 =	smul.u32 $0x500, s0  }
0x6: {  	s30 =	sshll.u32 s0, $0x1;
	[smem:$0x7FF] =	sst s3;
	s9 =	smul.u32 $0xA00, s0  }
0x7: {  	s6 =	sor.u32 s5, s30;
	_ =	strace $0x80000047;
	s8 =	sshll.u32 s5, $0x7  }
0x8: {  	s5 =	ssub.s32 $0x2, s5;
	s6 =	smul.u32 $0x280, s6;
	s7 =	sor.u32 s8, s7  }
0x9: {  	s31 =	sshrl.u32 s5, $0x1;
	s9 =	sshrl.u32 s9, $0x2;
	s7 =	sshrl.u32 s7, $0x3  }
0xa: {  	s8 =	ssub.s32 s5, s31;
	s6 =	sadd.s32 s6, s4;
	s7 =	sadd.s32 s7, s4  }
0xb: {  	s4 =	sadd.s32 s9, s2;
	s9 =	simm.s32 $0x1;
	s5 =	sadd.s32 $0x2E00, s6  }
0xc: {  	v0 =	vimm.f32 $1.000000000e+00;
	v1 =	vimm.f32 $0.0e+00;
	s6 =	sadd.s32 $0xCE00, s7;
	s7 =	smax.u32 s8, $0x1;
	s8 =	simm.s32 $0x1480  }
.LBB2_1:
0xd: {  	[tilespmem:$0x1400] =	vst v0  }
0xe: {  	[tilespmem:$0x1410] =	vst v0  }
0xf: {  	[tilespmem:$0x1420] =	vst v0  }
0x10: {  	[tilespmem:$0x1430] =	vst v0  }
0x11: {  	[tilespmem:$0x1440] =	vst v0  }
0x12: {  	[tilespmem:$0x1450] =	vst v0  }
0x13: {  	[tilespmem:$0x1460] =	vst v0  }
0x14: {  	[tilespmem:$0x1470] =	vst v0  }
0x15: {  	[tilespmem:$0x1480] =	vst v1  }
0x16: {  	[tilespmem:$0x1490] =	vst v1  }
0x17: {  	[tilespmem:$0x14A0] =	vst v1  }
0x18: {  	[tilespmem:$0x14B0] =	vst v1  }
0x19: {  	[tilespmem:$0x14C0] =	vst v1  }
0x1a: {  	[tilespmem:$0x14D0] =	vst v1  }
0x1b: {  	[tilespmem:$0x14E0] =	vst v1  }
0x1c: {  	[tilespmem:$0x14F0] =	vst v1  }
0x1d: {  	[tilespmem:$0x1500] =	vst v1  }
0x1e: {  	[tilespmem:$0x1510] =	vst v1  }
0x1f: {  	[tilespmem:$0x1520] =	vst v1  }
0x20: {  	[tilespmem:$0x1530] =	vst v1  }
0x21: {  	[tilespmem:$0x1540] =	vst v1  }
0x22: {  	[tilespmem:$0x1550] =	vst v1  }
0x23: {  	[tilespmem:$0x1560] =	vst v1  }
0x24: {  	[tilespmem:$0x1570] =	vst v1  }
0x25: {  	[tilespmem:$0x1580] =	vst v1  }
0x26: {  	[tilespmem:$0x1590] =	vst v1  }
0x27: {  	[tilespmem:$0x15A0] =	vst v1  }
0x28: {  	[tilespmem:$0x15B0] =	vst v1  }
0x29: {  	[tilespmem:$0x15C0] =	vst v1  }
0x2a: {  	[tilespmem:$0x15D0] =	vst v1  }
0x2b: {  	[tilespmem:$0x15E0] =	vst v1  }
0x2c: {  	[tilespmem:$0x15F0] =	vst v1  }
0x2d: {  	[tilespmem:$0x1600] =	vst v1  }
0x2e: {  	[tilespmem:$0x1610] =	vst v1  }
0x2f: {  	[tilespmem:$0x1620] =	vst v1  }
0x30: {  	[tilespmem:$0x1630] =	vst v1  }
0x31: {  	[tilespmem:$0x1640] =	vst v1  }
0x32: {  	[tilespmem:$0x1650] =	vst v1  }
0x33: {  	[tilespmem:$0x1660] =	vst v1  }
0x34: {  	[tilespmem:$0x1670] =	vst v1  }
0x35: {  	[tilespmem:$0x1680] =	vst v1  }
0x36: {  	[tilespmem:$0x1690] =	vst v1  }
0x37: {  	[tilespmem:$0x16A0] =	vst v1  }
0x38: {  	[tilespmem:$0x16B0] =	vst v1  }
0x39: {  	[tilespmem:$0x16C0] =	vst v1  }
0x3a: {  	[tilespmem:$0x16D0] =	vst v1  }
0x3b: {  	[tilespmem:$0x16E0] =	vst v1  }
0x3c: {  	[tilespmem:$0x16F0] =	vst v1  }
0x3d: {  	[spmem:s4] =	stream.linear.scatter [tilespmem:s8], [sflag:$0x1], $0x280, $0x38;
	[tilespmem:$0x1980] =	vst v63  }
0x3e: {  	_ =	swait.ge [sflag:s9], $0x280  }
0x3f: {  	[sflag:s9] =	ssyncset.done $0x0  }
0x40: {  	[sflag:s9] =	ssyncadd.s32 $0xFFFFFD80  }
0x41: {  	[bflag:$0x0] =	sbarrier.arrive $0xFFFF  }
0x42: {  	[tilespmem:s3], [sflag:$0x1] =	stream.linear.gather [hbm4b:s5+s3], $0x1400, $0x38;
	[tilespmem:$0x1980] =	vst v63  }
0x43: {  	_ =	swait.ge [sflag:s9], $0x1400  }
0x44: {  	[sflag:s9] =	ssyncset.done $0x0  }
0x45: {  	s14 =	simm.s32 $0x0;
	[sflag:s9] =	ssyncadd.s32 $0xFFFFEC00  }
0x46: {  	[spmem:s2] =	stream.indirect.scatter.add.f32 [tilespmem:s11], [sflag:$0x1], $0x1, s14, s10, $0xb8;
	[tilespmem:$0x1980] =	vst v63  }
0x47: {  	_ =	swait.ge [sflag:s9], $0x80  }
0x48: {  	s14 =	simm.s32 $0x200;
	[sflag:s9] =	ssyncset.done $0x0  }
.LBB2_2:
0x49: {  	s15 =	sshra.s32 s14, $0x2;
	[sflag:s9] =	ssyncadd.s32 $0xFFFFFF80;
	p0 =	sne.s32 s14, $0x4E00  }
0x4a: {  	[spmem:s2] =	stream.indirect.scatter.add.f32 [tilespmem:s11], [sflag:$0x1], $0x1, s15, s10, $0xb8;
	[tilespmem:$0x1980] =	vst v63  }
.Ltmp0:
0x4b: {  	_ = 	snop;
	(pc) =	sbr.rel @p0 .LBB2_2-.Ltmp0, $4  }
0x4c: {  	_ = 	snop  }
0x4d: {  	s14 =	sadd.s32 $0x200, s14  }
0x4e: {  	_ =	swait.ge [sflag:s9], $0x80  }
0x4f: {  	[sflag:s9] =	ssyncset.done $0x0  }
0x50: {  	[sflag:s9] =	ssyncadd.s32 $0xFFFFFF80  }
0x51: {  	[bflag:$0x0] =	sbarrier.arrive $0xFFFF  }
0x52: {  	[tilespmem:s8], [sflag:$0x1] =	stream.linear.gather [spmem:s4], $0x280, $0x38;
	[tilespmem:$0x1980] =	vst v63  }
0x53: {  	s13 =	sadd.s32 $0x1, s13;
	_ =	swait.ge [sflag:s9], $0x280  }
0x54: {  	p0 =	sne.s32 s13, s7;
	[sflag:s9] =	ssyncset.done $0x0  }
.Ltmp1:
0x55: {  	[sflag:s9] =	ssyncadd.s32 $0xFFFFFD80;
	(pc) =	sbr.rel @p0 .LBB2_1-.Ltmp1, $4  }
0x56: {  	[hbm4b:s6+s10] =	stream.strided.scatter [tilespmem:s8], [sflag:$0x1], $0x280, s12, s10, $0x38;
	[tilespmem:$0x1980] =	vst v63  }
0x57: {  	_ =	swait.ge [sflag:s9], $0x280  }
0x58: {  	[sflag:s9] =	ssyncset.done $0x0  }
0x59: {  	[sflag:s9] =	ssyncadd.s32 $0xFFFFFD80  }
0x5a: {  	_ =	sfence.sel $0x180000  }
0x5b: {  	[bflag:$0x0] =	sbarrier.arrive $0xFFFF  }
0x5c: {  	p0 =	sne.s32 s0, $0x0;
	_ =	strace $0x90000047  }
0x5d: {  	s0 =	sadd.s32 @!p0 $0x100000, s1;
	[bflag:$0x2] =	sbarrier.arrive $0xFFFF  }
0x5e: {  	[sflag:s0] =	ssyncadd.tile.s32 @!p0 $0x1;
	_ =	shalt  }
.Lfunc_end2:
_tile_overlayer_lowered:
.L_overlay_start_2:
0x5f: {  	(tag) =	ssettag $0x2  }
0x60: {  	s0 =	rddreg [dreg:$0x0];
	s2 =	stileid.u32  }
0x61: {  	s1 =	rddreg [dreg:$0x1];
	p0 =	sne.s32 s2, $0x0  }
0x62: {  	s3 =	rddreg [dreg:$0x2];
	[bflag:$0x3] =	sbarrier.arrive $0xFFFF;
	s2 =	simm.s32 @!p0 $0x1C01  }
0x63: {  	[timem:s3], [sflag:s2] =	dma.local @!p0 [hbm:s0], s1  }
0x64: {  	s0 =	simm.s32 @!p0 $0x1  }
0x65: {  	_ =	swait.ge @!p0 [sflag:s0], s1  }
0x66: {  	s1 =	ssub.s32 @!p0 $0x0, s1;
	[sflag:s0] =	ssyncset.done @!p0 $0x0  }
0x67: {  	[sflag:s0] =	ssyncadd.s32 @!p0 s1  }
0x68: {  	[bflag:$0x3] =	sbarrier.arrive $0xFFFF  }
0x69: {  	_ =	shalt  }

// kernel: kernel.13.cloned.1.call-start
scs
__scs_entry_jumppad:
0x0: {  	(pc) =	sbr.rel $0x88, $3  }
0x1: {  	(tag) =	ssettag $0x0;
	lr =	simm.s32 $0x1  }
0x2: {  	[smem:$0x3F96] =	sst lr;
	_ =	strace $0xD0000000  }
0x3: {  	_ = 	snop  }
0x4: {  	_ = 	snop  }
0x5: {  	_ = 	snop  }
0x6: {  	_ = 	snop  }
0x7: {  	_ = 	snop  }
__scs_overlays_trampoline_lowered:
0x8: {  	[smem:$0x3FA5] =	sst s0  }
0x9: {  	[smem:$0x3FA6] =	sst s1  }
0xa: {  	[smem:$0x3FA7] =	sst s2  }
0xb: {  	[smem:$0x3FA8] =	sst s3  }
0xc: {  	[smem:$0x3FA9] =	sst s4  }
0xd: {  	[smem:$0x3FAA] =	sst s5  }
0xe: {  	[smem:$0x3FAB] =	sst s6  }
0xf: {  	[smem:$0x3FAC] =	sst s7  }
0x10: {  	[smem:$0x3FAD] =	sst s8  }
0x11: {  	[smem:$0x3FAE] =	sst s9;
	s0 =	simm.s32 @!p0 $0x0  }
0x12: {  	s1 =	sld [smem:$0x3F94];
	s0 =	simm.s32 @p0 $0x1  }
0x13: {  	[smem:$0x3FAF] =	sst s0;
	s0 =	simm.s32 @!p1 $0x0  }
0x14: {  	s2 =	sld [smem:$0x3F93];
	s0 =	simm.s32 @p1 $0x1  }
0x15: {  	[smem:$0x3FB0] =	sst s0;
	s0 =	simm.s32 @!p2 $0x0  }
0x16: {  	s3 =	sld [smem:$0x3FDB];
	s0 =	simm.s32 @p2 $0x1  }
0x17: {  	s4 =	simm.s32 $0x1BF5;
	[smem:$0x3FB2] =	sst s0  }
0x18: {  	s0 =	sld [smem:$0x3F95];
	_ =	swait.ge [sflag:s4], $0x0  }
0x19: {  	s7 =	sld [smem:$0x3F96]  }
0x1a: {  	s8 =	sadd.s32 $0xFFFFE003, lr  }
0x1b: {  	s9 =	sadd.s32 $0xFFFFFEF7, lr;
	s5 =	simm.s32 $0xFFFFFFFF;
	p2 =	slt.u32 s8, $0xFFFFF086  }
0x1c: {  	p1 =	slt.u32 s9, $0xF7A;
	s5 =	simm.s32 @!p2 $0x0  }
0x1d: {  	s5 =	simm.s32 @p1 $0x1;
	p0 =	seq.s32 s7, s2  }
0x1e: {  	s7 =	smul.u32 @!p0 $0xF7A, s2;
	p2 =	seq.s32 @!p0 s5, $0x0  }
0x1f: {  	s9 =	smul.u32 $0xF7A, s1;
	s8 =	simm.s32 @!p0 $0x1BF5;
	p2 =	por !p2, p0  }
0x20: {  	[sflag:s8] =	ssyncset.s32 @!p0 $0xFFFFF086;
	s6 =	sadd.s32 @!p0 s3, s7;
	s7 =	simm.s32 @!p0 $0x108  }
0x21: {  	s3 =	sadd.s32 s3, s9;
	s6 =	sadd.s32 @!p0 $0x88, s6;
	s7 =	simm.s32 @p2 $0x1082  }
0x22: {  	[simem:s7], [sflag:s8] =	dma.local @!p0 [hbm:s6], $0xF7A  }
0x23: {  	s9 =	sor.u32 $0xD0000000, s2;
	s6 =	simm.s32 $0x108;
	_ =	swait.ge @!p0 [sflag:s8], $0x0  }
0x24: {  	s3 =	sadd.s32 $0x88, s3;
	s6 =	simm.s32 @!p1 $0x1082;
	[sflag:s4] =	ssyncset.s32 $0xFFFFF086  }
0x25: {  	[simem:s6], [sflag:s4] =	dma.local [hbm:s3], $0xF7A  }
0x26: {  	[smem:$0x3F96] =	sst s1;
	(tag) =	ssettag s2;
	_ =	strace s9  }
0x27: {  	s1 =	sld [smem:$0x3FA6]  }
0x28: {  	s2 =	sld [smem:$0x3FA7]  }
0x29: {  	s4 =	sld [smem:$0x3FA9]  }
0x2a: {  	p0 =	seq.s32 s5, $0x0;
	s5 =	sld [smem:$0x3FAA]  }
0x2b: {  	s6 =	sld [smem:$0x3FAB]  }
0x2c: {  	s7 =	sld [smem:$0x3FAC]  }
0x2d: {  	s3 =	simm.s32 $0x108;
	s8 =	sld [smem:$0x3FAD]  }
0x2e: {  	s3 =	simm.s32 @!p0 $0x1082;
	s9 =	sld [smem:$0x3FAE]  }
0x2f: {  	lr =	sadd.s32 s0, s3;
	s0 =	sld [smem:$0x3FA5]  }
0x30: {  	s3 =	sld [smem:$0x3FA8]  }
0x31: {  	[smem:$0x3FB1] =	sst s10  }
0x32: {  	s10 =	sld [smem:$0x3FAF];
	_ =	sdelay $0x3  }
0x33: {  	p0 =	seq.s32 s10, $0x1;
	s10 =	sld [smem:$0x3FB1];
	_ =	sdelay $0x3  }
0x34: {  	[smem:$0x3FB1] =	sst s10  }
0x35: {  	s10 =	sld [smem:$0x3FB0];
	_ =	sdelay $0x3  }
0x36: {  	p1 =	seq.s32 s10, $0x1;
	s10 =	sld [smem:$0x3FB1];
	_ =	sdelay $0x3  }
0x37: {  	[smem:$0x3FB1] =	sst s10  }
0x38: {  	s10 =	sld [smem:$0x3FB2]  }
0x39: {  	_ = 	snop;
	(pc) =	sbr.ind lr, $3  }
0x3a: {  	_ = 	snop  }
0x3b: {  	_ = 	snop  }
0x3c: {  	p2 =	seq.s32 s10, $0x1;
	s10 =	sld [smem:$0x3FB1]  }
0x3d: {  	_ =	shalt  }
0x3e: {  	_ =	shalt  }
0x3f: {  	_ =	shalt  }
0x40: {  	_ =	shalt  }
0x41: {  	_ =	shalt  }
0x42: {  	_ =	shalt  }
0x43: {  	_ =	shalt  }
0x44: {  	_ =	shalt  }
0x45: {  	_ =	shalt  }
0x46: {  	_ =	shalt  }
0x47: {  	_ =	shalt  }
0x48: {  	_ =	shalt  }
0x49: {  	_ =	shalt  }
0x4a: {  	_ =	shalt  }
0x4b: {  	_ =	shalt  }
0x4c: {  	_ =	shalt  }
0x4d: {  	_ =	shalt  }
0x4e: {  	_ =	shalt  }
0x4f: {  	_ =	shalt  }
0x50: {  	_ =	shalt  }
0x51: {  	_ =	shalt  }
0x52: {  	_ =	shalt  }
0x53: {  	_ =	shalt  }
0x54: {  	_ =	shalt  }
0x55: {  	_ =	shalt  }
0x56: {  	_ =	shalt  }
0x57: {  	_ =	shalt  }
0x58: {  	_ =	shalt  }
0x59: {  	_ =	shalt  }
0x5a: {  	_ =	shalt  }
0x5b: {  	_ =	shalt  }
0x5c: {  	_ =	shalt  }
0x5d: {  	_ =	shalt  }
0x5e: {  	_ =	shalt  }
0x5f: {  	_ =	shalt  }
0x60: {  	_ =	shalt  }
0x61: {  	_ =	shalt  }
0x62: {  	_ =	shalt  }
0x63: {  	_ =	shalt  }
0x64: {  	_ =	shalt  }
0x65: {  	_ =	shalt  }
0x66: {  	_ =	shalt  }
0x67: {  	_ =	shalt  }
0x68: {  	_ =	shalt  }
0x69: {  	_ =	shalt  }
0x6a: {  	_ =	shalt  }
0x6b: {  	_ =	shalt  }
0x6c: {  	_ =	shalt  }
0x6d: {  	_ =	shalt  }
0x6e: {  	_ =	shalt  }
0x6f: {  	_ =	shalt  }
0x70: {  	_ =	shalt  }
0x71: {  	_ =	shalt  }
0x72: {  	_ =	shalt  }
0x73: {  	_ =	shalt  }
0x74: {  	_ =	shalt  }
0x75: {  	_ =	shalt  }
0x76: {  	_ =	shalt  }
0x77: {  	_ =	shalt  }
0x78: {  	_ =	shalt  }
0x79: {  	_ =	shalt  }
0x7a: {  	_ =	shalt  }
0x7b: {  	_ =	shalt  }
0x7c: {  	_ =	shalt  }
0x7d: {  	_ =	shalt  }
0x7e: {  	_ =	shalt  }
0x7f: {  	_ =	shalt  }
0x80: {  	_ =	shalt  }
0x81: {  	_ =	shalt  }
0x82: {  	_ =	shalt  }
0x83: {  	_ =	shalt  }
0x84: {  	_ =	shalt  }
0x85: {  	_ =	shalt  }
0x86: {  	_ =	shalt  }
0x87: {  	_ =	shalt  }
.Lfunc_end0:
.L_simem_size_0:
called_computation.1_lowered:
.L_overlay_start_0:
0x88: {  	s2 =	sld [smem:$0x3FD9]  }
0x89: {  	s3 =	sld [smem:$0x3FFE];
	_ =	sdelay $0x1  }
0x8a: {  	s1 =	srdreg.scid  }
0x8b: {  	s0 =	sand.u32 $0x1, s1  }
0x8c: {  	s16 =	sshll.u32 s0, $0xA;
	s2 =	sadd.s32 s3, s2  }
0x8d: {  	s2 =	sadd.s32 s2, s16  }
0x8e: {  	[smem:$0x3FBD] =	sst s2  }
0x8f: {  	_ = 	snop  }
0x90: {  	(tm) =	ssettm $0x1  }
0x91: {  	s17 =	sld [smem:$0x3FFB];
	_ =	sdelay $0x3  }
0x92: {  	_ =	strace s17  }
0x93: {  	s2 =	sld [smem:$0x3FFC];
	_ =	sdelay $0x3  }
0x94: {  	_ =	strace s2  }
0x95: {  	s2 =	sld [smem:$0x3FFD];
	_ =	sdelay $0x3  }
0x96: {  	_ =	strace s2  }
0x97: {  	_ =	strace $0x8FFFFFFF  }
0x98: {  	s18 =	sld [smem:$0x3FDB];
	_ =	sdelay $0x1  }
0x99: {  	s19 =	simm.s32 $_scs_section_size  }
0x9a: {  	s4 =	simm.s32 $_size__tile_overlayer_lowered;
	s5 =	simm.s32 $_tile_overlayer_lowered  }
0x9b: {  	s22 =	simm.s32 $0x1BFF;
	s21 =	sshll.u32 s5, $0x1;
	s2 =	sadd.s32 s19, s18  }
0x9c: {  	s6 =	simm.s32 $0x0;
	s20 =	sshll.u32 s4, $0x1;
	s4 =	sadd.s32 s21, s2  }
0x9d: {  	[timem:s6], [sflag:s22] =	dma.local [hbm:s4], s20  }
0x9e: {  	_ =	swait.ge [sflag:s22], s20  }
0x9f: {  	s3 =	ssub.s32 $0x0, s20;
	[sflag:s22] =	ssyncset.done $0x0  }
0xa0: {  	[sflag:s22] =	ssyncadd.s32 s3;
	_ =	sdelay $0x1  }
0xa1: {  	s23 =	simm.s32 $0x1B8B  }
0xa2: {  	_ =	swait.ge [sflag:s23], $0x1  }
0xa3: {  	[sflag:s23] =	ssyncset.done $0x0  }
0xa4: {  	s25 =	simm.s32 $0x1B8E;
	s24 =	sld [smem:$0x3FFE];
	[sflag:s23] =	ssyncadd.s32 $0xFFFFFFFF  }
0xa5: {  	s26 =	simm.s32 $execute0_lowered;
	[smem:$0x3FD2] =	sst s25  }
0xa6: {  	s4 =	sshll.u32 s26, $0x1;
	_ =	strace $0x80000049;
	[dreg:$0x1] =	wrdreg $0xFFFFFFFF  }
0xa7: {  	s28 =	simm.s32 $_size_execute0_lowered;
	s2 =	sadd.s32 s2, s4;
	[dreg:$0x0] =	wrdreg $0x0  }
0xa8: {  	s4 =	sshll.u32 s28, $0x1;
	[dreg:$0x2] =	wrdreg s2  }
0xa9: {  	[dreg:$0x3] =	wrdreg s4  }
0xaa: {  	[dreg:$0x4] =	wrdreg $0xC0  }
0xab: {  	_ =	task [dreg:s6], $0x5FFFF  }
0xac: {  	[dreg:$0x1] =	wrdreg $0xFFFFFFFF  }
0xad: {  	[dreg:$0x0] =	wrdreg $0x60  }
0xae: {  	[dreg:$0x2] =	wrdreg s24  }
0xaf: {  	[dreg:$0x3] =	wrdreg $0xA8000  }
0xb0: {  	[dreg:$0x4] =	wrdreg $0x9  }
0xb1: {  	_ =	task.clear_ibuf [dreg:s6], $0x5FFFF;
	_ =	strace $0x90000049  }
0xb2: {  	s29 =	simm.s32 $0x9;
	_ =	strace $0x8000004B  }
0xb3: {  	_ =	swait.ge [sflag:s29], $0x1  }
0xb4: {  	[sflag:s29] =	ssyncadd.s32 $0xFFFFFFFF  }
0xb5: {  	_ =	strace $0x9000004B  }
0xb6: {  	_ =	sfence  }
0xb7: {  	s30 =	sld [smem:$0x0];
	_ =	sdelay $0x2  }
0xb8: {  	s31 =	sshll.u32 s1, $0xD;
	s1 =	sshrl.u32 s1, $0x2  }
0xb9: {  	s3 =	sand.u32 $0x4000, s31;
	s1 =	sadd.s32 s1, s30  }
0xba: {  	s0 =	sor.u32 s3, s0;
	s1 =	sshll.u32 s1, $0x11  }
0xbb: {  	s0 =	sor.u32 s1, s0  }
0xbc: {  	s0 =	sadd.s32 $0x8F2B, s0  }
0xbd: {  	[sflag:s0] =	ssyncadd.remote.s32 $0x1  }
0xbe: {  	_ =	sfence.sel $0xFFFF  }
0xbf: {  	[dreg:$0x0] =	wrdreg $0xFFFFFFFF;
	(pc) =	sbr.abs _section_cstart, $3  }
0xc0: {  	[dreg:$0x1] =	wrdreg $0xFFFFFFFF  }
0xc1: {  	_ =	task.clear_ibuf [dreg:s6], $0x2FFFF;
	_ =	strace $0x9FFFFFFF  }
0xc2: {  	(tm) =	ssettm $0x7FFFFFFF  }
0xc3: {  	_ =	shalt  }
tec
execute0_lowered:
.L_overlay_start_1:
0x0: {  	(tag) =	ssettag $0x1  }
0x1: {  	s0 =	rddreg [dreg:$0x0];
	s1 =	srdreg.scid  }
0x2: {  	s9 =	stileid.u32;
	s2 =	rddreg [dreg:$0x1]  }
0x3: {  	s3 =	simm.s32 $0x0;
	s28 =	simm.s32 $0x4800;
	s30 =	simm.s32 $0x6800  }
0x4: {  	s29 =	simm.s32 $0x5;
	s1 =	sand.u32 $0x1, s1;
	s6 =	smul.u32 $0x50000, s9  }
0x5: {  	s4 =	sshll.u32 s9, $0x1;
	[smem:$0x7FF] =	sst s3;
	s10 =	smul.u32 $0x14000, s9  }
0x6: {  	s4 =	sor.u32 s1, s4;
	s20 =	ssub.s32 $0x2, s1;
	s1 =	smul.u32 $0x140000, s1  }
0x7: {  	s31 =	simm.s32 $0x2;
	_ =	strace $0x8000004A;
	s5 =	smul.u32 $0x280, s4  }
0x8: {  	s4 =	sadd.s32 $0x5D800, s0;
	s7 =	sshrl.u32 s20, $0x1;
	s6 =	sshrl.u32 s6, $0x2  }
0x9: {  	s21 =	sadd.s32 $0x4000, s10;
	s14 =	sadd.s32 $0x8000, s10;
	s15 =	sadd.s32 $0xC000, s10  }
0xa: {  	s16 =	sadd.s32 $0x10000, s10;
	s12 =	ssub.s32 s20, s7;
	s7 =	sadd.s32 s21, s2  }
0xb: {  	s9 =	sadd.s32 s14, s2;
	s8 =	sadd.s32 s5, s0;
	s5 =	sadd.s32 s6, s2  }
0xc: {  	s10 =	sadd.s32 s10, s1;
	s25 =	sadd.s32 s1, s14;
	s6 =	sadd.s32 $0x2000, s5  }
0xd: {  	s26 =	sadd.s32 s1, s15;
	s22 =	sadd.s32 $0x6000, s5;
	[dreg:$0x3] =	wrdreg s6  }
0xe: {  	s14 =	simm.s32 $0x8;
	s11 =	sadd.s32 $0xA000, s5;
	[dreg:$0x4] =	wrdreg s22  }
0xf: {  	s0 =	sadd.s32 $0x85800, s0;
	s13 =	sadd.s32 $0xE000, s5;
	[dreg:$0x5] =	wrdreg s11  }
0x10: {  	s10 =	sshrl.u32 s10, $0x3;
	s17 =	sadd.s32 $0x12000, s5;
	[dreg:$0x6] =	wrdreg s13  }
0x11: {  	s23 =	sadd.s32 $0x7E00, s8;
	s8 =	sadd.s32 $0x2E00, s8;
	[dreg:$0x7] =	wrdreg s17  }
0x12: {  	s24 =	sadd.s32 s0, s10;
	s10 =	simm.s32 $0x7;
	[dreg:$0x8] =	wrdreg s23  }
0x13: {  	s11 =	sadd.s32 s15, s2;
	s13 =	sadd.s32 s16, s2;
	[dreg:$0x9] =	wrdreg s8  }
0x14: {  	s6 =	sadd.s32 s1, s21;
	[dreg:$0xa] =	wrdreg s24;
	s8 =	sshrl.u32 s26, $0x3  }
0x15: {  	s1 =	sadd.s32 s1, s16;
	s22 =	smax.u32 s12, $0x1;
	s23 =	simm.s32 $0x2800  }
0x16: {  	s24 =	simm.s32 $0x9;
	s26 =	simm.s32 $0x40;
	s12 =	simm.s32 $0x4  }
0x17: {  	s6 =	sshrl.u32 s6, $0x3;
	s20 =	sadd.s32 s0, s8;
	s1 =	sshrl.u32 s1, $0x3  }
0x18: {  	s8 =	simm.s32 $0x3;
	s18 =	sadd.s32 s0, s6;
	s6 =	sshrl.u32 s25, $0x3  }
0x19: {  	s21 =	sadd.s32 s0, s1;
	s25 =	simm.s32 $0x1400;
	s1 =	simm.s32 $0x8800  }
0x1a: {  	v0 =	vimm.f32 $0.0e+00;
	s19 =	sadd.s32 s0, s6;
	s0 =	simm.s32 $0x1;
	s6 =	simm.s32 $0x6  }
.LBB2_1:
0x1b: {  	s15 =	simm.s32 $0x0;
	s16 =	simm.s32 $0x200  }
.LBB2_2:
0x1c: {  	p0 =	sne.s32 s16, $0x7E00;
	[tilespmem:s15+$0x2870] =	vst v0  }
0x1d: {  	[tilespmem:s15+$0x2800] =	vst v0  }
0x1e: {  	[tilespmem:s15+$0x2810] =	vst v0  }
.Ltmp0:
0x1f: {  	[tilespmem:s15+$0x2820] =	vst v0;
	(pc) =	sbr.rel @p0 .LBB2_2-.Ltmp0, $4  }
0x20: {  	[tilespmem:s15+$0x2830] =	vst v0  }
0x21: {  	[tilespmem:s15+$0x2840] =	vst v0  }
0x22: {  	[tilespmem:s15+$0x2850] =	vst v0  }
0x23: {  	[tilespmem:s15+$0x2860] =	vst v0;
	s15 =	sshra.s32 s16, $0x2;
	s16 =	sadd.s32 $0x200, s16  }
0x24: {  	[tilespmem:s15+$0x2870] =	vst v0  }
0x25: {  	[tilespmem:s15+$0x2800] =	vst v0  }
0x26: {  	[tilespmem:s15+$0x2810] =	vst v0  }
0x27: {  	[tilespmem:s15+$0x2820] =	vst v0  }
0x28: {  	[tilespmem:s15+$0x2830] =	vst v0  }
0x29: {  	[tilespmem:s15+$0x2840] =	vst v0  }
0x2a: {  	[tilespmem:s15+$0x2850] =	vst v0  }
0x2b: {  	[tilespmem:s15+$0x2860] =	vst v0  }
0x2c: {  	[spmem:s5] =	stream.linear.scatter [tilespmem:s23], [sflag:$0x9], $0x2000, $0x38;
	[tilespmem:$0x1E800] =	vst v63  }
0x2d: {  	_ =	swait.ge [sflag:s24], $0x2000  }
0x2e: {  	[sflag:s24] =	ssyncset.done $0x0  }
0x2f: {  	s16 =	rddreg [dreg:$0x3];
	[sflag:s24] =	ssyncadd.s32 $0xFFFFE000  }
0x30: {  	[spmem:s16] =	stream.linear.scatter [tilespmem:s23], [sflag:$0x9], $0x2000, $0x38;
	[tilespmem:$0x1E800] =	vst v63  }
0x31: {  	_ =	swait.ge [sflag:s24], $0x2000  }
0x32: {  	[sflag:s24] =	ssyncset.done $0x0  }
0x33: {  	[sflag:s24] =	ssyncadd.s32 $0xFFFFE000  }
0x34: {  	[spmem:s7] =	stream.linear.scatter [tilespmem:s23], [sflag:$0x9], $0x2000, $0x38;
	[tilespmem:$0x1E800] =	vst v63  }
0x35: {  	_ =	swait.ge [sflag:s24], $0x2000  }
0x36: {  	[sflag:s24] =	ssyncset.done $0x0  }
0x37: {  	s17 =	rddreg [dreg:$0x4];
	[sflag:s24] =	ssyncadd.s32 $0xFFFFE000  }
0x38: {  	[spmem:s17] =	stream.linear.scatter [tilespmem:s23], [sflag:$0x9], $0x2000, $0x38;
	[tilespmem:$0x1E800] =	vst v63  }
0x39: {  	_ =	swait.ge [sflag:s24], $0x2000  }
0x3a: {  	[sflag:s24] =	ssyncset.done $0x0  }
0x3b: {  	[sflag:s24] =	ssyncadd.s32 $0xFFFFE000  }
0x3c: {  	[spmem:s9] =	stream.linear.scatter [tilespmem:s23], [sflag:$0x9], $0x2000, $0x38;
	[tilespmem:$0x1E800] =	vst v63  }
0x3d: {  	_ =	swait.ge [sflag:s24], $0x2000  }
0x3e: {  	[sflag:s24] =	ssyncset.done $0x0  }
0x3f: {  	s16 =	rddreg [dreg:$0x5];
	[sflag:s24] =	ssyncadd.s32 $0xFFFFE000  }
0x40: {  	[spmem:s16] =	stream.linear.scatter [tilespmem:s23], [sflag:$0x9], $0x2000, $0x38;
	[tilespmem:$0x1E800] =	vst v63  }
0x41: {  	_ =	swait.ge [sflag:s24], $0x2000  }
0x42: {  	[sflag:s24] =	ssyncset.done $0x0  }
0x43: {  	[sflag:s24] =	ssyncadd.s32 $0xFFFFE000  }
0x44: {  	[spmem:s11] =	stream.linear.scatter [tilespmem:s23], [sflag:$0x9], $0x2000, $0x38;
	[tilespmem:$0x1E800] =	vst v63  }
0x45: {  	_ =	swait.ge [sflag:s24], $0x2000  }
0x46: {  	[sflag:s24] =	ssyncset.done $0x0  }
0x47: {  	s17 =	rddreg [dreg:$0x6];
	[sflag:s24] =	ssyncadd.s32 $0xFFFFE000  }
0x48: {  	[spmem:s17] =	stream.linear.scatter [tilespmem:s23], [sflag:$0x9], $0x2000, $0x38;
	[tilespmem:$0x1E800] =	vst v63  }
0x49: {  	_ =	swait.ge [sflag:s24], $0x2000  }
0x4a: {  	[sflag:s24] =	ssyncset.done $0x0  }
0x4b: {  	[sflag:s24] =	ssyncadd.s32 $0xFFFFE000  }
0x4c: {  	[spmem:s13] =	stream.linear.scatter [tilespmem:s23], [sflag:$0x9], $0x2000, $0x38;
	[tilespmem:$0x1E800] =	vst v63  }
0x4d: {  	_ =	swait.ge [sflag:s24], $0x2000  }
0x4e: {  	[sflag:s24] =	ssyncset.done $0x0  }
0x4f: {  	s16 =	rddreg [dreg:$0x7];
	[sflag:s24] =	ssyncadd.s32 $0xFFFFE000  }
0x50: {  	[spmem:s16] =	stream.linear.scatter [tilespmem:s23], [sflag:$0x9], $0x2000, $0x38;
	[tilespmem:$0x1E800] =	vst v63  }
0x51: {  	_ =	swait.ge [sflag:s24], $0x2000  }
0x52: {  	[sflag:s24] =	ssyncset.done $0x0  }
0x53: {  	s15 =	simm.s32 $0x0;
	s16 =	rddreg [dreg:$0x8];
	[sflag:s24] =	ssyncadd.s32 $0xFFFFE000  }
0x54: {  	[tilespmem:s15], [sflag:$0x9] =	stream.linear.gather [hbm4b:s16+s15], $0x1400, $0x38;
	[tilespmem:$0x1E800] =	vst v63  }
0x55: {  	_ =	swait.ge [sflag:s24], $0x1400  }
0x56: {  	[sflag:s24] =	ssyncset.done $0x0  }
0x57: {  	s17 =	rddreg [dreg:$0x9];
	[sflag:s24] =	ssyncadd.s32 $0xFFFFEC00  }
0x58: {  	[tilespmem:s25], [sflag:$0x9] =	stream.linear.gather [hbm4b:s17+s15], $0x1400, $0x38;
	[tilespmem:$0x1E800] =	vst v63  }
0x59: {  	_ =	swait.ge [sflag:s24], $0x1400  }
0x5a: {  	[sflag:s24] =	ssyncset.done $0x0  }
0x5b: {  	[sflag:s24] =	ssyncadd.s32 $0xFFFFEC00  }
0x5c: {  	[bflag:$0x0] =	sbarrier.arrive $0xFFFF  }
0x5d: {  	[tilespmem:s23], [sflag:$0x1] =	stream.indirect.gather [hbm4b:s4+s26], $0x80, s15, s26, $0xb8;
	[tilespmem:$0x1E800] =	vst v63  }
0x5e: {  	_ = 	snop  }
0x5f: {  	[tilespmem:s28], [sflag:$0x2] =	stream.indirect.gather [hbm4b:s4+s26], $0x80, s26, s26, $0xb8;
	[tilespmem:$0x1E800] =	vst v63  }
0x60: {  	s17 =	simm.s32 $0x80  }
0x61: {  	[tilespmem:s30], [sflag:$0x3] =	stream.indirect.gather [hbm4b:s4+s26], $0x80, s17, s26, $0xb8;
	[tilespmem:$0x1E800] =	vst v63  }
0x62: {  	s16 =	simm.s32 $0xC0  }
0x63: {  	[tilespmem:s1], [sflag:$0x4] =	stream.indirect.gather [hbm4b:s4+s26], $0x80, s16, s26, $0xb8;
	[tilespmem:$0x1E800] =	vst v63  }
0x64: {  	_ =	swait.ge [sflag:s0], $0x2000  }
0x65: {  	[sflag:s0] =	ssyncset.done $0x0  }
0x66: {  	[sflag:s0] =	ssyncadd.s32 $0xFFFFE000  }
0x67: {  	[spmem:s2] =	stream.indirect.scatter.add.f32 [tilespmem:s23], [sflag:$0x5], $0x80, s25, s26, $0xb8;
	[tilespmem:$0x1E800] =	vst v63  }
0x68: {  	_ =	swait.ge [sflag:s29], $0x2000  }
0x69: {  	[sflag:s29] =	ssyncset.done $0x0  }
0x6a: {  	s17 =	simm.s32 $0x100;
	[sflag:s29] =	ssyncadd.s32 $0xFFFFE000  }
0x6b: {  	[tilespmem:s23], [sflag:$0x1] =	stream.indirect.gather [hbm4b:s4+s26], $0x80, s17, s26, $0xb8;
	[tilespmem:$0x1E800] =	vst v63  }
0x6c: {  	_ =	swait.ge [sflag:s31], $0x2000  }
0x6d: {  	[sflag:s31] =	ssyncset.done $0x0  }
0x6e: {  	s16 =	simm.s32 $0x1440;
	[sflag:s31] =	ssyncadd.s32 $0xFFFFE000  }
0x6f: {  	[spmem:s2] =	stream.indirect.scatter.add.f32 [tilespmem:s28], [sflag:$0x6], $0x80, s16, s26, $0xb8;
	[tilespmem:$0x1E800] =	vst v63  }
0x70: {  	_ =	swait.ge [sflag:s6], $0x2000  }
0x71: {  	[sflag:s6] =	ssyncset.done $0x0  }
0x72: {  	s17 =	simm.s32 $0x140;
	[sflag:s6] =	ssyncadd.s32 $0xFFFFE000  }
0x73: {  	[tilespmem:s28], [sflag:$0x2] =	stream.indirect.gather [hbm4b:s4+s26], $0x80, s17, s26, $0xb8;
	[tilespmem:$0x1E800] =	vst v63  }
0x74: {  	_ =	swait.ge [sflag:s8], $0x2000  }
0x75: {  	[sflag:s8] =	ssyncset.done $0x0  }
0x76: {  	s16 =	simm.s32 $0x1480;
	[sflag:s8] =	ssyncadd.s32 $0xFFFFE000  }
0x77: {  	[spmem:s2] =	stream.indirect.scatter.add.f32 [tilespmem:s30], [sflag:$0x7], $0x80, s16, s26, $0xb8;
	[tilespmem:$0x1E800] =	vst v63  }
0x78: {  	_ =	swait.ge [sflag:s10], $0x2000  }
0x79: {  	[sflag:s10] =	ssyncset.done $0x0  }
0x7a: {  	s17 =	simm.s32 $0x180;
	[sflag:s10] =	ssyncadd.s32 $0xFFFFE000  }
0x7b: {  	[tilespmem:s30], [sflag:$0x3] =	stream.indirect.gather [hbm4b:s4+s26], $0x80, s17, s26, $0xb8;
	[tilespmem:$0x1E800] =	vst v63  }
0x7c: {  	_ =	swait.ge [sflag:s12], $0x2000  }
0x7d: {  	[sflag:s12] =	ssyncset.done $0x0  }
0x7e: {  	s16 =	simm.s32 $0x14C0;
	[sflag:s12] =	ssyncadd.s32 $0xFFFFE000  }
0x7f: {  	[spmem:s2] =	stream.indirect.scatter.add.f32 [tilespmem:s1], [sflag:$0x8], $0x80, s16, s26, $0xb8;
	[tilespmem:$0x1E800] =	vst v63  }
0x80: {  	_ =	swait.ge [sflag:s14], $0x2000  }
0x81: {  	[sflag:s14] =	ssyncset.done $0x0  }
0x82: {  	s17 =	simm.s32 $0x1C0;
	[sflag:s14] =	ssyncadd.s32 $0xFFFFE000  }
0x83: {  	[tilespmem:s1], [sflag:$0x4] =	stream.indirect.gather [hbm4b:s4+s26], $0x80, s17, s26, $0xb8;
	[tilespmem:$0x1E800] =	vst v63  }
0x84: {  	_ =	swait.ge [sflag:s0], $0x2000  }
0x85: {  	[sflag:s0] =	ssyncset.done $0x0  }
0x86: {  	s16 =	simm.s32 $0x1500;
	[sflag:s0] =	ssyncadd.s32 $0xFFFFE000  }
0x87: {  	[spmem:s2] =	stream.indirect.scatter.add.f32 [tilespmem:s23], [sflag:$0x5], $0x80, s16, s26, $0xb8;
	[tilespmem:$0x1E800] =	vst v63  }
0x88: {  	_ =	swait.ge [sflag:s29], $0x2000  }
0x89: {  	[sflag:s29] =	ssyncset.done $0x0  }
0x8a: {  	s17 =	simm.s32 $0x200;
	[sflag:s29] =	ssyncadd.s32 $0xFFFFE000  }
0x8b: {  	[tilespmem:s23], [sflag:$0x1] =	stream.indirect.gather [hbm4b:s4+s26], $0x80, s17, s26, $0xb8;
	[tilespmem:$0x1E800] =	vst v63  }
0x8c: {  	_ =	swait.ge [sflag:s31], $0x2000  }
0x8d: {  	[sflag:s31] =	ssyncset.done $0x0  }
0x8e: {  	s16 =	simm.s32 $0x1540;
	[sflag:s31] =	ssyncadd.s32 $0xFFFFE000  }
0x8f: {  	[spmem:s2] =	stream.indirect.scatter.add.f32 [tilespmem:s28], [sflag:$0x6], $0x80, s16, s26, $0xb8;
	[tilespmem:$0x1E800] =	vst v63  }
0x90: {  	_ =	swait.ge [sflag:s6], $0x2000  }
0x91: {  	[sflag:s6] =	ssyncset.done $0x0  }
0x92: {  	s17 =	simm.s32 $0x240;
	[sflag:s6] =	ssyncadd.s32 $0xFFFFE000  }
0x93: {  	[tilespmem:s28], [sflag:$0x2] =	stream.indirect.gather [hbm4b:s4+s26], $0x80, s17, s26, $0xb8;
	[tilespmem:$0x1E800] =	vst v63  }
0x94: {  	_ =	swait.ge [sflag:s8], $0x2000  }
0x95: {  	[sflag:s8] =	ssyncset.done $0x0  }
0x96: {  	s16 =	simm.s32 $0x1580;
	[sflag:s8] =	ssyncadd.s32 $0xFFFFE000  }
0x97: {  	[spmem:s2] =	stream.indirect.scatter.add.f32 [tilespmem:s30], [sflag:$0x7], $0x80, s16, s26, $0xb8;
	[tilespmem:$0x1E800] =	vst v63  }
0x98: {  	_ =	swait.ge [sflag:s10], $0x2000  }
0x99: {  	[sflag:s10] =	ssyncset.done $0x0  }
0x9a: {  	s17 =	simm.s32 $0x280;
	[sflag:s10] =	ssyncadd.s32 $0xFFFFE000  }
0x9b: {  	[tilespmem:s30], [sflag:$0x3] =	stream.indirect.gather [hbm4b:s4+s26], $0x80, s17, s26, $0xb8;
	[tilespmem:$0x1E800] =	vst v63  }
0x9c: {  	_ =	swait.ge [sflag:s12], $0x2000  }
0x9d: {  	[sflag:s12] =	ssyncset.done $0x0  }
0x9e: {  	s15 =	simm.s32 $0x400;
	s16 =	simm.s32 $0x15C0;
	[sflag:s12] =	ssyncadd.s32 $0xFFFFE000  }
.LBB2_4:
0x9f: {  	[spmem:s2] =	stream.indirect.scatter.add.f32 [tilespmem:s1], [sflag:$0x8], $0x80, s16, s26, $0xb8;
	[tilespmem:$0x1E800] =	vst v63  }
0xa0: {  	s16 =	smov.u32 s15  }
0xa1: {  	p0 =	sne.s32 s15, $0x4400;
	s15 =	sadd.s32 $0x400, s15;
	_ =	swait.ge [sflag:s14], $0x2000  }
0xa2: {  	s16 =	sshra.s32 s16, $0x2;
	[sflag:s14] =	ssyncset.done $0x0  }
0xa3: {  	s17 =	sadd.s32 $0x1C0, s16;
	[sflag:s14] =	ssyncadd.s32 $0xFFFFE000  }
0xa4: {  	[tilespmem:s1], [sflag:$0x4] =	stream.indirect.gather [hbm4b:s4+s26], $0x80, s17, s26, $0xb8;
	[tilespmem:$0x1E800] =	vst v63  }
0xa5: {  	_ =	swait.ge [sflag:s0], $0x2000  }
0xa6: {  	[sflag:s0] =	ssyncset.done $0x0  }
0xa7: {  	s17 =	sadd.s32 $0x1500, s16;
	[sflag:s0] =	ssyncadd.s32 $0xFFFFE000  }
0xa8: {  	[spmem:s2] =	stream.indirect.scatter.add.f32 [tilespmem:s23], [sflag:$0x5], $0x80, s17, s26, $0xb8;
	[tilespmem:$0x1E800] =	vst v63  }
0xa9: {  	_ =	swait.ge [sflag:s29], $0x2000  }
0xaa: {  	[sflag:s29] =	ssyncset.done $0x0  }
0xab: {  	s17 =	sadd.s32 $0x200, s16;
	[sflag:s29] =	ssyncadd.s32 $0xFFFFE000  }
0xac: {  	[tilespmem:s23], [sflag:$0x1] =	stream.indirect.gather [hbm4b:s4+s26], $0x80, s17, s26, $0xb8;
	[tilespmem:$0x1E800] =	vst v63  }
0xad: {  	_ =	swait.ge [sflag:s31], $0x2000  }
0xae: {  	[sflag:s31] =	ssyncset.done $0x0  }
0xaf: {  	s17 =	sadd.s32 $0x1540, s16;
	[sflag:s31] =	ssyncadd.s32 $0xFFFFE000  }
0xb0: {  	[spmem:s2] =	stream.indirect.scatter.add.f32 [tilespmem:s28], [sflag:$0x6], $0x80, s17, s26, $0xb8;
	[tilespmem:$0x1E800] =	vst v63  }
0xb1: {  	_ =	swait.ge [sflag:s6], $0x2000  }
0xb2: {  	[sflag:s6] =	ssyncset.done $0x0  }
0xb3: {  	s17 =	sadd.s32 $0x240, s16;
	[sflag:s6] =	ssyncadd.s32 $0xFFFFE000  }
0xb4: {  	[tilespmem:s28], [sflag:$0x2] =	stream.indirect.gather [hbm4b:s4+s26], $0x80, s17, s26, $0xb8;
	[tilespmem:$0x1E800] =	vst v63  }
0xb5: {  	_ =	swait.ge [sflag:s8], $0x2000  }
0xb6: {  	[sflag:s8] =	ssyncset.done $0x0  }
0xb7: {  	s17 =	sadd.s32 $0x1580, s16;
	[sflag:s8] =	ssyncadd.s32 $0xFFFFE000  }
0xb8: {  	[spmem:s2] =	stream.indirect.scatter.add.f32 [tilespmem:s30], [sflag:$0x7], $0x80, s17, s26, $0xb8;
	[tilespmem:$0x1E800] =	vst v63  }
0xb9: {  	_ =	swait.ge [sflag:s10], $0x2000  }
0xba: {  	[sflag:s10] =	ssyncset.done $0x0  }
.Ltmp1:
0xbb: {  	s17 =	sadd.s32 $0x280, s16;
	[sflag:s10] =	ssyncadd.s32 $0xFFFFE000;
	(pc) =	sbr.rel @p0 .LBB2_4-.Ltmp1, $4  }
0xbc: {  	[tilespmem:s30], [sflag:$0x3] =	stream.indirect.gather [hbm4b:s4+s26], $0x80, s17, s26, $0xb8;
	[tilespmem:$0x1E800] =	vst v63  }
0xbd: {  	_ =	swait.ge [sflag:s12], $0x2000  }
0xbe: {  	[sflag:s12] =	ssyncset.done $0x0  }
0xbf: {  	s16 =	sadd.s32 $0x15C0, s16;
	[sflag:s12] =	ssyncadd.s32 $0xFFFFE000  }
0xc0: {  	[spmem:s2] =	stream.indirect.scatter.add.f32 [tilespmem:s1], [sflag:$0x8], $0x80, s16, s26, $0xb8;
	[tilespmem:$0x1E800] =	vst v63  }
0xc1: {  	_ =	swait.ge [sflag:s14], $0x2000  }
0xc2: {  	[sflag:s14] =	ssyncset.done $0x0  }
0xc3: {  	s15 =	simm.s32 $0x13C0;
	[sflag:s14] =	ssyncadd.s32 $0xFFFFE000  }
0xc4: {  	[tilespmem:s1], [sflag:$0x4] =	stream.indirect.gather [hbm4b:s4+s26], $0x80, s15, s26, $0xb8;
	[tilespmem:$0x1E800] =	vst v63  }
0xc5: {  	_ =	swait.ge [sflag:s0], $0x2000  }
0xc6: {  	[sflag:s0] =	ssyncset.done $0x0  }
0xc7: {  	s16 =	simm.s32 $0x2700;
	[sflag:s0] =	ssyncadd.s32 $0xFFFFE000  }
0xc8: {  	[spmem:s2] =	stream.indirect.scatter.add.f32 [tilespmem:s23], [sflag:$0x5], $0x80, s16, s26, $0xb8;
	[tilespmem:$0x1E800] =	vst v63  }
0xc9: {  	_ =	swait.ge [sflag:s29], $0x2000  }
0xca: {  	[sflag:s29] =	ssyncset.done $0x0  }
0xcb: {  	[sflag:s29] =	ssyncadd.s32 $0xFFFFE000  }
0xcc: {  	_ =	swait.ge [sflag:s31], $0x2000  }
0xcd: {  	[sflag:s31] =	ssyncset.done $0x0  }
0xce: {  	s17 =	simm.s32 $0x2740;
	[sflag:s31] =	ssyncadd.s32 $0xFFFFE000  }
0xcf: {  	[spmem:s2] =	stream.indirect.scatter.add.f32 [tilespmem:s28], [sflag:$0x6], $0x80, s17, s26, $0xb8;
	[tilespmem:$0x1E800] =	vst v63  }
0xd0: {  	_ =	swait.ge [sflag:s6], $0x2000  }
0xd1: {  	[sflag:s6] =	ssyncset.done $0x0  }
0xd2: {  	[sflag:s6] =	ssyncadd.s32 $0xFFFFE000  }
0xd3: {  	_ =	swait.ge [sflag:s8], $0x2000  }
0xd4: {  	[sflag:s8] =	ssyncset.done $0x0  }
0xd5: {  	s16 =	simm.s32 $0x2780;
	[sflag:s8] =	ssyncadd.s32 $0xFFFFE000  }
0xd6: {  	[spmem:s2] =	stream.indirect.scatter.add.f32 [tilespmem:s30], [sflag:$0x7], $0x80, s16, s26, $0xb8;
	[tilespmem:$0x1E800] =	vst v63  }
0xd7: {  	_ =	swait.ge [sflag:s10], $0x2000  }
0xd8: {  	[sflag:s10] =	ssyncset.done $0x0  }
0xd9: {  	[sflag:s10] =	ssyncadd.s32 $0xFFFFE000  }
0xda: {  	_ =	swait.ge [sflag:s12], $0x2000  }
0xdb: {  	[sflag:s12] =	ssyncset.done $0x0  }
0xdc: {  	s17 =	simm.s32 $0x27C0;
	[sflag:s12] =	ssyncadd.s32 $0xFFFFE000  }
0xdd: {  	[spmem:s2] =	stream.indirect.scatter.add.f32 [tilespmem:s1], [sflag:$0x8], $0x80, s17, s26, $0xb8;
	[tilespmem:$0x1E800] =	vst v63  }
0xde: {  	_ =	swait.ge [sflag:s14], $0x2000  }
0xdf: {  	[sflag:s14] =	ssyncset.done $0x0  }
0xe0: {  	s16 =	stileid.u32;
	[sflag:s14] =	ssyncadd.s32 $0xFFFFE000  }
0xe1: {  	s15 =	sshll.u32 s16, $0x6;
	[bflag:$0x0] =	sbarrier.arrive $0xFFFF  }
0xe2: {  	s16 =	sshrl.u32 s5, $0x3;
	s15 =	sor.u32 $0x1C09, s15;
	s17 =	rddreg [dreg:$0xa]  }
0xe3: {  	[hbm:s17], [sflag:s15] =	dma.local [spmem:s16], $0x800  }
0xe4: {  	_ =	swait.ge [sflag:s24], $0x800  }
0xe5: {  	[sflag:s24] =	ssyncset.done $0x0  }
0xe6: {  	s17 =	sshrl.u32 s7, $0x3;
	[sflag:s24] =	ssyncadd.s32 $0xFFFFF800  }
0xe7: {  	[hbm:s18], [sflag:s15] =	dma.local [spmem:s17], $0x800  }
0xe8: {  	_ =	swait.ge [sflag:s24], $0x800  }
0xe9: {  	[sflag:s24] =	ssyncset.done $0x0  }
0xea: {  	s17 =	sshrl.u32 s9, $0x3;
	[sflag:s24] =	ssyncadd.s32 $0xFFFFF800  }
0xeb: {  	[hbm:s19], [sflag:s15] =	dma.local [spmem:s17], $0x800  }
0xec: {  	_ =	swait.ge [sflag:s24], $0x800  }
0xed: {  	[sflag:s24] =	ssyncset.done $0x0  }
0xee: {  	s17 =	sshrl.u32 s11, $0x3;
	[sflag:s24] =	ssyncadd.s32 $0xFFFFF800  }
0xef: {  	[hbm:s20], [sflag:s15] =	dma.local [spmem:s17], $0x800  }
0xf0: {  	s3 =	sadd.s32 $0x1, s3;
	_ =	swait.ge [sflag:s24], $0x800  }
0xf1: {  	p0 =	sne.s32 s3, s22;
	[sflag:s24] =	ssyncset.done $0x0  }
.Ltmp2:
0xf2: {  	s17 =	sshrl.u32 s13, $0x3;
	[sflag:s24] =	ssyncadd.s32 $0xFFFFF800;
	(pc) =	sbr.rel @p0 .LBB2_1-.Ltmp2, $4  }
0xf3: {  	[hbm:s21], [sflag:s15] =	dma.local [spmem:s17], $0x800  }
0xf4: {  	_ =	swait.ge [sflag:s24], $0x800  }
0xf5: {  	[sflag:s24] =	ssyncset.done $0x0  }
0xf6: {  	[sflag:s24] =	ssyncadd.s32 $0xFFFFF800  }
0xf7: {  	_ =	sfence.sel $0x180000  }
0xf8: {  	[bflag:$0x0] =	sbarrier.arrive $0xFFFF  }
0xf9: {  	_ =	strace $0x9000004A  }
0xfa: {  	s0 =	stileid.u32;
	[bflag:$0x2] =	sbarrier.arrive $0xFFFF  }
0xfb: {  	p0 =	sne.s32 s0, $0x0;
	s0 =	rddreg [dreg:$0x2]  }
0xfc: {  	s0 =	sadd.s32 @!p0 $0x100000, s0  }
0xfd: {  	[sflag:s0] =	ssyncadd.tile.s32 @!p0 $0x1;
	_ =	shalt  }
.Lfunc_end2:
_tile_overlayer_lowered:
.L_overlay_start_2:
0xfe: {  	(tag) =	ssettag $0x2  }
0xff: {  	s0 =	rddreg [dreg:$0x0];
	s2 =	stileid.u32  }
0x100: {  	s1 =	rddreg [dreg:$0x1];
	p0 =	sne.s32 s2, $0x0  }
0x101: {  	s3 =	rddreg [dreg:$0x2];
	[bflag:$0x3] =	sbarrier.arrive $0xFFFF;
	s2 =	simm.s32 @!p0 $0x1C09  }
0x102: {  	[timem:s3], [sflag:s2] =	dma.local @!p0 [hbm:s0], s1  }
0x103: {  	s0 =	simm.s32 @!p0 $0x9  }
0x104: {  	_ =	swait.ge @!p0 [sflag:s0], s1  }
0x105: {  	s1 =	ssub.s32 @!p0 $0x0, s1;
	[sflag:s0] =	ssyncset.done @!p0 $0x0  }
0x106: {  	[sflag:s0] =	ssyncadd.s32 @!p0 s1  }
0x107: {  	[bflag:$0x3] =	sbarrier.arrive $0xFFFF  }
0x108: {  	_ =	shalt  }

// kernel: kernel.16.cloned.1.call-start
scs
__scs_entry_jumppad:
0x0: {  	(pc) =	sbr.rel $0x88, $3  }
0x1: {  	(tag) =	ssettag $0x0;
	lr =	simm.s32 $0x1  }
0x2: {  	[smem:$0x3F96] =	sst lr;
	_ =	strace $0xD0000000  }
0x3: {  	_ = 	snop  }
0x4: {  	_ = 	snop  }
0x5: {  	_ = 	snop  }
0x6: {  	_ = 	snop  }
0x7: {  	_ = 	snop  }
__scs_overlays_trampoline_lowered:
0x8: {  	[smem:$0x3FA5] =	sst s0  }
0x9: {  	[smem:$0x3FA6] =	sst s1  }
0xa: {  	[smem:$0x3FA7] =	sst s2  }
0xb: {  	[smem:$0x3FA8] =	sst s3  }
0xc: {  	[smem:$0x3FA9] =	sst s4  }
0xd: {  	[smem:$0x3FAA] =	sst s5  }
0xe: {  	[smem:$0x3FAB] =	sst s6  }
0xf: {  	[smem:$0x3FAC] =	sst s7  }
0x10: {  	[smem:$0x3FAD] =	sst s8  }
0x11: {  	[smem:$0x3FAE] =	sst s9;
	s0 =	simm.s32 @!p0 $0x0  }
0x12: {  	s1 =	sld [smem:$0x3F94];
	s0 =	simm.s32 @p0 $0x1  }
0x13: {  	[smem:$0x3FAF] =	sst s0;
	s0 =	simm.s32 @!p1 $0x0  }
0x14: {  	s2 =	sld [smem:$0x3F93];
	s0 =	simm.s32 @p1 $0x1  }
0x15: {  	[smem:$0x3FB0] =	sst s0;
	s0 =	simm.s32 @!p2 $0x0  }
0x16: {  	s3 =	sld [smem:$0x3FDB];
	s0 =	simm.s32 @p2 $0x1  }
0x17: {  	s4 =	simm.s32 $0x1BF5;
	[smem:$0x3FB2] =	sst s0  }
0x18: {  	s0 =	sld [smem:$0x3F95];
	_ =	swait.ge [sflag:s4], $0x0  }
0x19: {  	s7 =	sld [smem:$0x3F96]  }
0x1a: {  	s8 =	sadd.s32 $0xFFFFE003, lr  }
0x1b: {  	s9 =	sadd.s32 $0xFFFFFEF7, lr;
	s5 =	simm.s32 $0xFFFFFFFF;
	p2 =	slt.u32 s8, $0xFFFFF086  }
0x1c: {  	p1 =	slt.u32 s9, $0xF7A;
	s5 =	simm.s32 @!p2 $0x0  }
0x1d: {  	s5 =	simm.s32 @p1 $0x1;
	p0 =	seq.s32 s7, s2  }
0x1e: {  	s7 =	smul.u32 @!p0 $0xF7A, s2;
	p2 =	seq.s32 @!p0 s5, $0x0  }
0x1f: {  	s9 =	smul.u32 $0xF7A, s1;
	s8 =	simm.s32 @!p0 $0x1BF5;
	p2 =	por !p2, p0  }
0x20: {  	[sflag:s8] =	ssyncset.s32 @!p0 $0xFFFFF086;
	s6 =	sadd.s32 @!p0 s3, s7;
	s7 =	simm.s32 @!p0 $0x108  }
0x21: {  	s3 =	sadd.s32 s3, s9;
	s6 =	sadd.s32 @!p0 $0x88, s6;
	s7 =	simm.s32 @p2 $0x1082  }
0x22: {  	[simem:s7], [sflag:s8] =	dma.local @!p0 [hbm:s6], $0xF7A  }
0x23: {  	s9 =	sor.u32 $0xD0000000, s2;
	s6 =	simm.s32 $0x108;
	_ =	swait.ge @!p0 [sflag:s8], $0x0  }
0x24: {  	s3 =	sadd.s32 $0x88, s3;
	s6 =	simm.s32 @!p1 $0x1082;
	[sflag:s4] =	ssyncset.s32 $0xFFFFF086  }
0x25: {  	[simem:s6], [sflag:s4] =	dma.local [hbm:s3], $0xF7A  }
0x26: {  	[smem:$0x3F96] =	sst s1;
	(tag) =	ssettag s2;
	_ =	strace s9  }
0x27: {  	s1 =	sld [smem:$0x3FA6]  }
0x28: {  	s2 =	sld [smem:$0x3FA7]  }
0x29: {  	s4 =	sld [smem:$0x3FA9]  }
0x2a: {  	p0 =	seq.s32 s5, $0x0;
	s5 =	sld [smem:$0x3FAA]  }
0x2b: {  	s6 =	sld [smem:$0x3FAB]  }
0x2c: {  	s7 =	sld [smem:$0x3FAC]  }
0x2d: {  	s3 =	simm.s32 $0x108;
	s8 =	sld [smem:$0x3FAD]  }
0x2e: {  	s3 =	simm.s32 @!p0 $0x1082;
	s9 =	sld [smem:$0x3FAE]  }
0x2f: {  	lr =	sadd.s32 s0, s3;
	s0 =	sld [smem:$0x3FA5]  }
0x30: {  	s3 =	sld [smem:$0x3FA8]  }
0x31: {  	[smem:$0x3FB1] =	sst s10  }
0x32: {  	s10 =	sld [smem:$0x3FAF];
	_ =	sdelay $0x3  }
0x33: {  	p0 =	seq.s32 s10, $0x1;
	s10 =	sld [smem:$0x3FB1];
	_ =	sdelay $0x3  }
0x34: {  	[smem:$0x3FB1] =	sst s10  }
0x35: {  	s10 =	sld [smem:$0x3FB0];
	_ =	sdelay $0x3  }
0x36: {  	p1 =	seq.s32 s10, $0x1;
	s10 =	sld [smem:$0x3FB1];
	_ =	sdelay $0x3  }
0x37: {  	[smem:$0x3FB1] =	sst s10  }
0x38: {  	s10 =	sld [smem:$0x3FB2]  }
0x39: {  	_ = 	snop;
	(pc) =	sbr.ind lr, $3  }
0x3a: {  	_ = 	snop  }
0x3b: {  	_ = 	snop  }
0x3c: {  	p2 =	seq.s32 s10, $0x1;
	s10 =	sld [smem:$0x3FB1]  }
0x3d: {  	_ =	shalt  }
0x3e: {  	_ =	shalt  }
0x3f: {  	_ =	shalt  }
0x40: {  	_ =	shalt  }
0x41: {  	_ =	shalt  }
0x42: {  	_ =	shalt  }
0x43: {  	_ =	shalt  }
0x44: {  	_ =	shalt  }
0x45: {  	_ =	shalt  }
0x46: {  	_ =	shalt  }
0x47: {  	_ =	shalt  }
0x48: {  	_ =	shalt  }
0x49: {  	_ =	shalt  }
0x4a: {  	_ =	shalt  }
0x4b: {  	_ =	shalt  }
0x4c: {  	_ =	shalt  }
0x4d: {  	_ =	shalt  }
0x4e: {  	_ =	shalt  }
0x4f: {  	_ =	shalt  }
0x50: {  	_ =	shalt  }
0x51: {  	_ =	shalt  }
0x52: {  	_ =	shalt  }
0x53: {  	_ =	shalt  }
0x54: {  	_ =	shalt  }
0x55: {  	_ =	shalt  }
0x56: {  	_ =	shalt  }
0x57: {  	_ =	shalt  }
0x58: {  	_ =	shalt  }
0x59: {  	_ =	shalt  }
0x5a: {  	_ =	shalt  }
0x5b: {  	_ =	shalt  }
0x5c: {  	_ =	shalt  }
0x5d: {  	_ =	shalt  }
0x5e: {  	_ =	shalt  }
0x5f: {  	_ =	shalt  }
0x60: {  	_ =	shalt  }
0x61: {  	_ =	shalt  }
0x62: {  	_ =	shalt  }
0x63: {  	_ =	shalt  }
0x64: {  	_ =	shalt  }
0x65: {  	_ =	shalt  }
0x66: {  	_ =	shalt  }
0x67: {  	_ =	shalt  }
0x68: {  	_ =	shalt  }
0x69: {  	_ =	shalt  }
0x6a: {  	_ =	shalt  }
0x6b: {  	_ =	shalt  }
0x6c: {  	_ =	shalt  }
0x6d: {  	_ =	shalt  }
0x6e: {  	_ =	shalt  }
0x6f: {  	_ =	shalt  }
0x70: {  	_ =	shalt  }
0x71: {  	_ =	shalt  }
0x72: {  	_ =	shalt  }
0x73: {  	_ =	shalt  }
0x74: {  	_ =	shalt  }
0x75: {  	_ =	shalt  }
0x76: {  	_ =	shalt  }
0x77: {  	_ =	shalt  }
0x78: {  	_ =	shalt  }
0x79: {  	_ =	shalt  }
0x7a: {  	_ =	shalt  }
0x7b: {  	_ =	shalt  }
0x7c: {  	_ =	shalt  }
0x7d: {  	_ =	shalt  }
0x7e: {  	_ =	shalt  }
0x7f: {  	_ =	shalt  }
0x80: {  	_ =	shalt  }
0x81: {  	_ =	shalt  }
0x82: {  	_ =	shalt  }
0x83: {  	_ =	shalt  }
0x84: {  	_ =	shalt  }
0x85: {  	_ =	shalt  }
0x86: {  	_ =	shalt  }
0x87: {  	_ =	shalt  }
.Lfunc_end0:
.L_simem_size_0:
called_computation.2_lowered:
.L_overlay_start_0:
0x88: {  	s2 =	sld [smem:$0x3FD9]  }
0x89: {  	s3 =	sld [smem:$0x3FFE];
	_ =	sdelay $0x1  }
0x8a: {  	s1 =	srdreg.scid  }
0x8b: {  	s0 =	sand.u32 $0x1, s1  }
0x8c: {  	s16 =	sshll.u32 s0, $0xA;
	s2 =	sadd.s32 s3, s2  }
0x8d: {  	s2 =	sadd.s32 s2, s16  }
0x8e: {  	[smem:$0x3FBD] =	sst s2  }
0x8f: {  	_ = 	snop  }
0x90: {  	(tm) =	ssettm $0x1  }
0x91: {  	s17 =	sld [smem:$0x3FFB];
	_ =	sdelay $0x3  }
0x92: {  	_ =	strace s17  }
0x93: {  	s2 =	sld [smem:$0x3FFC];
	_ =	sdelay $0x3  }
0x94: {  	_ =	strace s2  }
0x95: {  	s2 =	sld [smem:$0x3FFD];
	_ =	sdelay $0x3  }
0x96: {  	_ =	strace s2  }
0x97: {  	_ =	strace $0x8FFFFFFF  }
0x98: {  	s18 =	sld [smem:$0x3FDB];
	_ =	sdelay $0x1  }
0x99: {  	s19 =	simm.s32 $_scs_section_size  }
0x9a: {  	s4 =	simm.s32 $_size__tile_overlayer_lowered;
	s5 =	simm.s32 $_tile_overlayer_lowered  }
0x9b: {  	s22 =	simm.s32 $0x1BFF;
	s21 =	sshll.u32 s5, $0x1;
	s2 =	sadd.s32 s19, s18  }
0x9c: {  	s6 =	simm.s32 $0x0;
	s20 =	sshll.u32 s4, $0x1;
	s4 =	sadd.s32 s21, s2  }
0x9d: {  	[timem:s6], [sflag:s22] =	dma.local [hbm:s4], s20  }
0x9e: {  	_ =	swait.ge [sflag:s22], s20  }
0x9f: {  	s3 =	ssub.s32 $0x0, s20;
	[sflag:s22] =	ssyncset.done $0x0  }
0xa0: {  	[sflag:s22] =	ssyncadd.s32 s3;
	_ =	sdelay $0x1  }
0xa1: {  	s23 =	simm.s32 $0x1B8B  }
0xa2: {  	_ =	swait.ge [sflag:s23], $0x1  }
0xa3: {  	[sflag:s23] =	ssyncset.done $0x0  }
0xa4: {  	s25 =	simm.s32 $0x1B8E;
	s24 =	sld [smem:$0x3FFE];
	[sflag:s23] =	ssyncadd.s32 $0xFFFFFFFF  }
0xa5: {  	s26 =	simm.s32 $execute0_lowered;
	[smem:$0x3FD2] =	sst s25  }
0xa6: {  	s4 =	sshll.u32 s26, $0x1;
	_ =	strace $0x8000004C;
	[dreg:$0x1] =	wrdreg $0xFFFFFFFF  }
0xa7: {  	s28 =	simm.s32 $_size_execute0_lowered;
	s2 =	sadd.s32 s2, s4;
	[dreg:$0x0] =	wrdreg $0x0  }
0xa8: {  	s4 =	sshll.u32 s28, $0x1;
	[dreg:$0x2] =	wrdreg s2  }
0xa9: {  	[dreg:$0x3] =	wrdreg s4  }
0xaa: {  	[dreg:$0x4] =	wrdreg $0xC0  }
0xab: {  	_ =	task [dreg:s6], $0x5FFFF  }
0xac: {  	[dreg:$0x1] =	wrdreg $0xFFFFFFFF  }
0xad: {  	[dreg:$0x0] =	wrdreg $0x60  }
0xae: {  	[dreg:$0x2] =	wrdreg s24  }
0xaf: {  	[dreg:$0x3] =	wrdreg $0xA8000  }
0xb0: {  	[dreg:$0x4] =	wrdreg $0x9  }
0xb1: {  	_ =	task.clear_ibuf [dreg:s6], $0x5FFFF;
	_ =	strace $0x9000004C  }
0xb2: {  	s29 =	simm.s32 $0x9;
	_ =	strace $0x8000004E  }
0xb3: {  	_ =	swait.ge [sflag:s29], $0x1  }
0xb4: {  	[sflag:s29] =	ssyncadd.s32 $0xFFFFFFFF  }
0xb5: {  	_ =	strace $0x9000004E  }
0xb6: {  	_ =	sfence  }
0xb7: {  	s30 =	sld [smem:$0x0];
	_ =	sdelay $0x2  }
0xb8: {  	s31 =	sshll.u32 s1, $0xD;
	s1 =	sshrl.u32 s1, $0x2  }
0xb9: {  	s3 =	sand.u32 $0x4000, s31;
	s1 =	sadd.s32 s1, s30  }
0xba: {  	s0 =	sor.u32 s3, s0;
	s1 =	sshll.u32 s1, $0x11  }
0xbb: {  	s0 =	sor.u32 s1, s0  }
0xbc: {  	s0 =	sadd.s32 $0x8F2B, s0  }
0xbd: {  	[sflag:s0] =	ssyncadd.remote.s32 $0x1  }
0xbe: {  	_ =	sfence.sel $0xFFFF  }
0xbf: {  	[dreg:$0x0] =	wrdreg $0xFFFFFFFF;
	(pc) =	sbr.abs _section_cstart, $3  }
0xc0: {  	[dreg:$0x1] =	wrdreg $0xFFFFFFFF  }
0xc1: {  	_ =	task.clear_ibuf [dreg:s6], $0x2FFFF;
	_ =	strace $0x9FFFFFFF  }
0xc2: {  	(tm) =	ssettm $0x7FFFFFFF  }
0xc3: {  	_ =	shalt  }
tec
execute0_lowered:
.L_overlay_start_1:
0x0: {  	(tag) =	ssettag $0x1  }
0x1: {  	s0 =	rddreg [dreg:$0x0];
	s1 =	srdreg.scid  }
0x2: {  	s9 =	stileid.u32;
	s2 =	rddreg [dreg:$0x1]  }
0x3: {  	s3 =	simm.s32 $0x0;
	s28 =	simm.s32 $0x4800;
	s30 =	simm.s32 $0x6800  }
0x4: {  	s29 =	simm.s32 $0x5;
	s1 =	sand.u32 $0x1, s1;
	s6 =	smul.u32 $0x50000, s9  }
0x5: {  	s4 =	sshll.u32 s9, $0x1;
	[smem:$0x7FF] =	sst s3;
	s10 =	smul.u32 $0x14000, s9  }
0x6: {  	s4 =	sor.u32 s1, s4;
	s20 =	ssub.s32 $0x2, s1;
	s1 =	smul.u32 $0x140000, s1  }
0x7: {  	s31 =	simm.s32 $0x2;
	_ =	strace $0x8000004D;
	s5 =	smul.u32 $0x280, s4  }
0x8: {  	s4 =	sadd.s32 $0x5D800, s0;
	s7 =	sshrl.u32 s20, $0x1;
	s6 =	sshrl.u32 s6, $0x2  }
0x9: {  	s21 =	sadd.s32 $0x4000, s10;
	s14 =	sadd.s32 $0x8000, s10;
	s15 =	sadd.s32 $0xC000, s10  }
0xa: {  	s16 =	sadd.s32 $0x10000, s10;
	s12 =	ssub.s32 s20, s7;
	s7 =	sadd.s32 s21, s2  }
0xb: {  	s9 =	sadd.s32 s14, s2;
	s8 =	sadd.s32 s5, s0;
	s5 =	sadd.s32 s6, s2  }
0xc: {  	s10 =	sadd.s32 s10, s1;
	s25 =	sadd.s32 s1, s14;
	s6 =	sadd.s32 $0x2000, s5  }
0xd: {  	s26 =	sadd.s32 s1, s15;
	s22 =	sadd.s32 $0x6000, s5;
	[dreg:$0x3] =	wrdreg s6  }
0xe: {  	s14 =	simm.s32 $0x8;
	s11 =	sadd.s32 $0xA000, s5;
	[dreg:$0x4] =	wrdreg s22  }
0xf: {  	s0 =	sadd.s32 $0x85800, s0;
	s13 =	sadd.s32 $0xE000, s5;
	[dreg:$0x5] =	wrdreg s11  }
0x10: {  	s10 =	sshrl.u32 s10, $0x3;
	s17 =	sadd.s32 $0x12000, s5;
	[dreg:$0x6] =	wrdreg s13  }
0x11: {  	s23 =	sadd.s32 $0x7E00, s8;
	s8 =	sadd.s32 $0x2E00, s8;
	[dreg:$0x7] =	wrdreg s17  }
0x12: {  	s24 =	sadd.s32 s0, s10;
	s10 =	simm.s32 $0x7;
	[dreg:$0x8] =	wrdreg s23  }
0x13: {  	s11 =	sadd.s32 s15, s2;
	s13 =	sadd.s32 s16, s2;
	[dreg:$0x9] =	wrdreg s8  }
0x14: {  	s6 =	sadd.s32 s1, s21;
	[dreg:$0xa] =	wrdreg s24;
	s8 =	sshrl.u32 s26, $0x3  }
0x15: {  	s1 =	sadd.s32 s1, s16;
	s22 =	smax.u32 s12, $0x1;
	s23 =	simm.s32 $0x2800  }
0x16: {  	s24 =	simm.s32 $0x9;
	s26 =	simm.s32 $0x40;
	s12 =	simm.s32 $0x4  }
0x17: {  	s6 =	sshrl.u32 s6, $0x3;
	s20 =	sadd.s32 s0, s8;
	s1 =	sshrl.u32 s1, $0x3  }
0x18: {  	s8 =	simm.s32 $0x3;
	s18 =	sadd.s32 s0, s6;
	s6 =	sshrl.u32 s25, $0x3  }
0x19: {  	s21 =	sadd.s32 s0, s1;
	s25 =	simm.s32 $0x1400;
	s1 =	simm.s32 $0x8800  }
0x1a: {  	v0 =	vimm.f32 $0.0e+00;
	s19 =	sadd.s32 s0, s6;
	s0 =	simm.s32 $0x1;
	s6 =	simm.s32 $0x6  }
.LBB2_1:
0x1b: {  	s15 =	simm.s32 $0x0;
	s16 =	simm.s32 $0x200  }
.LBB2_2:
0x1c: {  	p0 =	sne.s32 s16, $0x7E00;
	[tilespmem:s15+$0x2870] =	vst v0  }
0x1d: {  	[tilespmem:s15+$0x2800] =	vst v0  }
0x1e: {  	[tilespmem:s15+$0x2810] =	vst v0  }
.Ltmp0:
0x1f: {  	[tilespmem:s15+$0x2820] =	vst v0;
	(pc) =	sbr.rel @p0 .LBB2_2-.Ltmp0, $4  }
0x20: {  	[tilespmem:s15+$0x2830] =	vst v0  }
0x21: {  	[tilespmem:s15+$0x2840] =	vst v0  }
0x22: {  	[tilespmem:s15+$0x2850] =	vst v0  }
0x23: {  	[tilespmem:s15+$0x2860] =	vst v0;
	s15 =	sshra.s32 s16, $0x2;
	s16 =	sadd.s32 $0x200, s16  }
0x24: {  	[tilespmem:s15+$0x2870] =	vst v0  }
0x25: {  	[tilespmem:s15+$0x2800] =	vst v0  }
0x26: {  	[tilespmem:s15+$0x2810] =	vst v0  }
0x27: {  	[tilespmem:s15+$0x2820] =	vst v0  }
0x28: {  	[tilespmem:s15+$0x2830] =	vst v0  }
0x29: {  	[tilespmem:s15+$0x2840] =	vst v0  }
0x2a: {  	[tilespmem:s15+$0x2850] =	vst v0  }
0x2b: {  	[tilespmem:s15+$0x2860] =	vst v0  }
0x2c: {  	[spmem:s5] =	stream.linear.scatter [tilespmem:s23], [sflag:$0x9], $0x2000, $0x38;
	[tilespmem:$0x1E800] =	vst v63  }
0x2d: {  	_ =	swait.ge [sflag:s24], $0x2000  }
0x2e: {  	[sflag:s24] =	ssyncset.done $0x0  }
0x2f: {  	s16 =	rddreg [dreg:$0x3];
	[sflag:s24] =	ssyncadd.s32 $0xFFFFE000  }
0x30: {  	[spmem:s16] =	stream.linear.scatter [tilespmem:s23], [sflag:$0x9], $0x2000, $0x38;
	[tilespmem:$0x1E800] =	vst v63  }
0x31: {  	_ =	swait.ge [sflag:s24], $0x2000  }
0x32: {  	[sflag:s24] =	ssyncset.done $0x0  }
0x33: {  	[sflag:s24] =	ssyncadd.s32 $0xFFFFE000  }
0x34: {  	[spmem:s7] =	stream.linear.scatter [tilespmem:s23], [sflag:$0x9], $0x2000, $0x38;
	[tilespmem:$0x1E800] =	vst v63  }
0x35: {  	_ =	swait.ge [sflag:s24], $0x2000  }
0x36: {  	[sflag:s24] =	ssyncset.done $0x0  }
0x37: {  	s17 =	rddreg [dreg:$0x4];
	[sflag:s24] =	ssyncadd.s32 $0xFFFFE000  }
0x38: {  	[spmem:s17] =	stream.linear.scatter [tilespmem:s23], [sflag:$0x9], $0x2000, $0x38;
	[tilespmem:$0x1E800] =	vst v63  }
0x39: {  	_ =	swait.ge [sflag:s24], $0x2000  }
0x3a: {  	[sflag:s24] =	ssyncset.done $0x0  }
0x3b: {  	[sflag:s24] =	ssyncadd.s32 $0xFFFFE000  }
0x3c: {  	[spmem:s9] =	stream.linear.scatter [tilespmem:s23], [sflag:$0x9], $0x2000, $0x38;
	[tilespmem:$0x1E800] =	vst v63  }
0x3d: {  	_ =	swait.ge [sflag:s24], $0x2000  }
0x3e: {  	[sflag:s24] =	ssyncset.done $0x0  }
0x3f: {  	s16 =	rddreg [dreg:$0x5];
	[sflag:s24] =	ssyncadd.s32 $0xFFFFE000  }
0x40: {  	[spmem:s16] =	stream.linear.scatter [tilespmem:s23], [sflag:$0x9], $0x2000, $0x38;
	[tilespmem:$0x1E800] =	vst v63  }
0x41: {  	_ =	swait.ge [sflag:s24], $0x2000  }
0x42: {  	[sflag:s24] =	ssyncset.done $0x0  }
0x43: {  	[sflag:s24] =	ssyncadd.s32 $0xFFFFE000  }
0x44: {  	[spmem:s11] =	stream.linear.scatter [tilespmem:s23], [sflag:$0x9], $0x2000, $0x38;
	[tilespmem:$0x1E800] =	vst v63  }
0x45: {  	_ =	swait.ge [sflag:s24], $0x2000  }
0x46: {  	[sflag:s24] =	ssyncset.done $0x0  }
0x47: {  	s17 =	rddreg [dreg:$0x6];
	[sflag:s24] =	ssyncadd.s32 $0xFFFFE000  }
0x48: {  	[spmem:s17] =	stream.linear.scatter [tilespmem:s23], [sflag:$0x9], $0x2000, $0x38;
	[tilespmem:$0x1E800] =	vst v63  }
0x49: {  	_ =	swait.ge [sflag:s24], $0x2000  }
0x4a: {  	[sflag:s24] =	ssyncset.done $0x0  }
0x4b: {  	[sflag:s24] =	ssyncadd.s32 $0xFFFFE000  }
0x4c: {  	[spmem:s13] =	stream.linear.scatter [tilespmem:s23], [sflag:$0x9], $0x2000, $0x38;
	[tilespmem:$0x1E800] =	vst v63  }
0x4d: {  	_ =	swait.ge [sflag:s24], $0x2000  }
0x4e: {  	[sflag:s24] =	ssyncset.done $0x0  }
0x4f: {  	s16 =	rddreg [dreg:$0x7];
	[sflag:s24] =	ssyncadd.s32 $0xFFFFE000  }
0x50: {  	[spmem:s16] =	stream.linear.scatter [tilespmem:s23], [sflag:$0x9], $0x2000, $0x38;
	[tilespmem:$0x1E800] =	vst v63  }
0x51: {  	_ =	swait.ge [sflag:s24], $0x2000  }
0x52: {  	[sflag:s24] =	ssyncset.done $0x0  }
0x53: {  	s15 =	simm.s32 $0x0;
	s16 =	rddreg [dreg:$0x8];
	[sflag:s24] =	ssyncadd.s32 $0xFFFFE000  }
0x54: {  	[tilespmem:s15], [sflag:$0x9] =	stream.linear.gather [hbm4b:s16+s15], $0x1400, $0x38;
	[tilespmem:$0x1E800] =	vst v63  }
0x55: {  	_ =	swait.ge [sflag:s24], $0x1400  }
0x56: {  	[sflag:s24] =	ssyncset.done $0x0  }
0x57: {  	s17 =	rddreg [dreg:$0x9];
	[sflag:s24] =	ssyncadd.s32 $0xFFFFEC00  }
0x58: {  	[tilespmem:s25], [sflag:$0x9] =	stream.linear.gather [hbm4b:s17+s15], $0x1400, $0x38;
	[tilespmem:$0x1E800] =	vst v63  }
0x59: {  	_ =	swait.ge [sflag:s24], $0x1400  }
0x5a: {  	[sflag:s24] =	ssyncset.done $0x0  }
0x5b: {  	[sflag:s24] =	ssyncadd.s32 $0xFFFFEC00  }
0x5c: {  	[bflag:$0x0] =	sbarrier.arrive $0xFFFF  }
0x5d: {  	[tilespmem:s23], [sflag:$0x1] =	stream.indirect.gather [hbm4b:s4+s26], $0x80, s15, s26, $0xb8;
	[tilespmem:$0x1E800] =	vst v63  }
0x5e: {  	_ = 	snop  }
0x5f: {  	[tilespmem:s28], [sflag:$0x2] =	stream.indirect.gather [hbm4b:s4+s26], $0x80, s26, s26, $0xb8;
	[tilespmem:$0x1E800] =	vst v63  }
0x60: {  	s17 =	simm.s32 $0x80  }
0x61: {  	[tilespmem:s30], [sflag:$0x3] =	stream.indirect.gather [hbm4b:s4+s26], $0x80, s17, s26, $0xb8;
	[tilespmem:$0x1E800] =	vst v63  }
0x62: {  	s16 =	simm.s32 $0xC0  }
0x63: {  	[tilespmem:s1], [sflag:$0x4] =	stream.indirect.gather [hbm4b:s4+s26], $0x80, s16, s26, $0xb8;
	[tilespmem:$0x1E800] =	vst v63  }
0x64: {  	_ =	swait.ge [sflag:s0], $0x2000  }
0x65: {  	[sflag:s0] =	ssyncset.done $0x0  }
0x66: {  	[sflag:s0] =	ssyncadd.s32 $0xFFFFE000  }
0x67: {  	[spmem:s2] =	stream.indirect.scatter.add.f32 [tilespmem:s23], [sflag:$0x5], $0x80, s25, s26, $0xb8;
	[tilespmem:$0x1E800] =	vst v63  }
0x68: {  	_ =	swait.ge [sflag:s29], $0x2000  }
0x69: {  	[sflag:s29] =	ssyncset.done $0x0  }
0x6a: {  	s17 =	simm.s32 $0x100;
	[sflag:s29] =	ssyncadd.s32 $0xFFFFE000  }
0x6b: {  	[tilespmem:s23], [sflag:$0x1] =	stream.indirect.gather [hbm4b:s4+s26], $0x80, s17, s26, $0xb8;
	[tilespmem:$0x1E800] =	vst v63  }
0x6c: {  	_ =	swait.ge [sflag:s31], $0x2000  }
0x6d: {  	[sflag:s31] =	ssyncset.done $0x0  }
0x6e: {  	s16 =	simm.s32 $0x1440;
	[sflag:s31] =	ssyncadd.s32 $0xFFFFE000  }
0x6f: {  	[spmem:s2] =	stream.indirect.scatter.add.f32 [tilespmem:s28], [sflag:$0x6], $0x80, s16, s26, $0xb8;
	[tilespmem:$0x1E800] =	vst v63  }
0x70: {  	_ =	swait.ge [sflag:s6], $0x2000  }
0x71: {  	[sflag:s6] =	ssyncset.done $0x0  }
0x72: {  	s17 =	simm.s32 $0x140;
	[sflag:s6] =	ssyncadd.s32 $0xFFFFE000  }
0x73: {  	[tilespmem:s28], [sflag:$0x2] =	stream.indirect.gather [hbm4b:s4+s26], $0x80, s17, s26, $0xb8;
	[tilespmem:$0x1E800] =	vst v63  }
0x74: {  	_ =	swait.ge [sflag:s8], $0x2000  }
0x75: {  	[sflag:s8] =	ssyncset.done $0x0  }
0x76: {  	s16 =	simm.s32 $0x1480;
	[sflag:s8] =	ssyncadd.s32 $0xFFFFE000  }
0x77: {  	[spmem:s2] =	stream.indirect.scatter.add.f32 [tilespmem:s30], [sflag:$0x7], $0x80, s16, s26, $0xb8;
	[tilespmem:$0x1E800] =	vst v63  }
0x78: {  	_ =	swait.ge [sflag:s10], $0x2000  }
0x79: {  	[sflag:s10] =	ssyncset.done $0x0  }
0x7a: {  	s17 =	simm.s32 $0x180;
	[sflag:s10] =	ssyncadd.s32 $0xFFFFE000  }
0x7b: {  	[tilespmem:s30], [sflag:$0x3] =	stream.indirect.gather [hbm4b:s4+s26], $0x80, s17, s26, $0xb8;
	[tilespmem:$0x1E800] =	vst v63  }
0x7c: {  	_ =	swait.ge [sflag:s12], $0x2000  }
0x7d: {  	[sflag:s12] =	ssyncset.done $0x0  }
0x7e: {  	s16 =	simm.s32 $0x14C0;
	[sflag:s12] =	ssyncadd.s32 $0xFFFFE000  }
0x7f: {  	[spmem:s2] =	stream.indirect.scatter.add.f32 [tilespmem:s1], [sflag:$0x8], $0x80, s16, s26, $0xb8;
	[tilespmem:$0x1E800] =	vst v63  }
0x80: {  	_ =	swait.ge [sflag:s14], $0x2000  }
0x81: {  	[sflag:s14] =	ssyncset.done $0x0  }
0x82: {  	s17 =	simm.s32 $0x1C0;
	[sflag:s14] =	ssyncadd.s32 $0xFFFFE000  }
0x83: {  	[tilespmem:s1], [sflag:$0x4] =	stream.indirect.gather [hbm4b:s4+s26], $0x80, s17, s26, $0xb8;
	[tilespmem:$0x1E800] =	vst v63  }
0x84: {  	_ =	swait.ge [sflag:s0], $0x2000  }
0x85: {  	[sflag:s0] =	ssyncset.done $0x0  }
0x86: {  	s16 =	simm.s32 $0x1500;
	[sflag:s0] =	ssyncadd.s32 $0xFFFFE000  }
0x87: {  	[spmem:s2] =	stream.indirect.scatter.add.f32 [tilespmem:s23], [sflag:$0x5], $0x80, s16, s26, $0xb8;
	[tilespmem:$0x1E800] =	vst v63  }
0x88: {  	_ =	swait.ge [sflag:s29], $0x2000  }
0x89: {  	[sflag:s29] =	ssyncset.done $0x0  }
0x8a: {  	s17 =	simm.s32 $0x200;
	[sflag:s29] =	ssyncadd.s32 $0xFFFFE000  }
0x8b: {  	[tilespmem:s23], [sflag:$0x1] =	stream.indirect.gather [hbm4b:s4+s26], $0x80, s17, s26, $0xb8;
	[tilespmem:$0x1E800] =	vst v63  }
0x8c: {  	_ =	swait.ge [sflag:s31], $0x2000  }
0x8d: {  	[sflag:s31] =	ssyncset.done $0x0  }
0x8e: {  	s16 =	simm.s32 $0x1540;
	[sflag:s31] =	ssyncadd.s32 $0xFFFFE000  }
0x8f: {  	[spmem:s2] =	stream.indirect.scatter.add.f32 [tilespmem:s28], [sflag:$0x6], $0x80, s16, s26, $0xb8;
	[tilespmem:$0x1E800] =	vst v63  }
0x90: {  	_ =	swait.ge [sflag:s6], $0x2000  }
0x91: {  	[sflag:s6] =	ssyncset.done $0x0  }
0x92: {  	s17 =	simm.s32 $0x240;
	[sflag:s6] =	ssyncadd.s32 $0xFFFFE000  }
0x93: {  	[tilespmem:s28], [sflag:$0x2] =	stream.indirect.gather [hbm4b:s4+s26], $0x80, s17, s26, $0xb8;
	[tilespmem:$0x1E800] =	vst v63  }
0x94: {  	_ =	swait.ge [sflag:s8], $0x2000  }
0x95: {  	[sflag:s8] =	ssyncset.done $0x0  }
0x96: {  	s16 =	simm.s32 $0x1580;
	[sflag:s8] =	ssyncadd.s32 $0xFFFFE000  }
0x97: {  	[spmem:s2] =	stream.indirect.scatter.add.f32 [tilespmem:s30], [sflag:$0x7], $0x80, s16, s26, $0xb8;
	[tilespmem:$0x1E800] =	vst v63  }
0x98: {  	_ =	swait.ge [sflag:s10], $0x2000  }
0x99: {  	[sflag:s10] =	ssyncset.done $0x0  }
0x9a: {  	s17 =	simm.s32 $0x280;
	[sflag:s10] =	ssyncadd.s32 $0xFFFFE000  }
0x9b: {  	[tilespmem:s30], [sflag:$0x3] =	stream.indirect.gather [hbm4b:s4+s26], $0x80, s17, s26, $0xb8;
	[tilespmem:$0x1E800] =	vst v63  }
0x9c: {  	_ =	swait.ge [sflag:s12], $0x2000  }
0x9d: {  	[sflag:s12] =	ssyncset.done $0x0  }
0x9e: {  	s15 =	simm.s32 $0x400;
	s16 =	simm.s32 $0x15C0;
	[sflag:s12] =	ssyncadd.s32 $0xFFFFE000  }
.LBB2_4:
0x9f: {  	[spmem:s2] =	stream.indirect.scatter.add.f32 [tilespmem:s1], [sflag:$0x8], $0x80, s16, s26, $0xb8;
	[tilespmem:$0x1E800] =	vst v63  }
0xa0: {  	s16 =	smov.u32 s15  }
0xa1: {  	p0 =	sne.s32 s15, $0x4400;
	s15 =	sadd.s32 $0x400, s15;
	_ =	swait.ge [sflag:s14], $0x2000  }
0xa2: {  	s16 =	sshra.s32 s16, $0x2;
	[sflag:s14] =	ssyncset.done $0x0  }
0xa3: {  	s17 =	sadd.s32 $0x1C0, s16;
	[sflag:s14] =	ssyncadd.s32 $0xFFFFE000  }
0xa4: {  	[tilespmem:s1], [sflag:$0x4] =	stream.indirect.gather [hbm4b:s4+s26], $0x80, s17, s26, $0xb8;
	[tilespmem:$0x1E800] =	vst v63  }
0xa5: {  	_ =	swait.ge [sflag:s0], $0x2000  }
0xa6: {  	[sflag:s0] =	ssyncset.done $0x0  }
0xa7: {  	s17 =	sadd.s32 $0x1500, s16;
	[sflag:s0] =	ssyncadd.s32 $0xFFFFE000  }
0xa8: {  	[spmem:s2] =	stream.indirect.scatter.add.f32 [tilespmem:s23], [sflag:$0x5], $0x80, s17, s26, $0xb8;
	[tilespmem:$0x1E800] =	vst v63  }
0xa9: {  	_ =	swait.ge [sflag:s29], $0x2000  }
0xaa: {  	[sflag:s29] =	ssyncset.done $0x0  }
0xab: {  	s17 =	sadd.s32 $0x200, s16;
	[sflag:s29] =	ssyncadd.s32 $0xFFFFE000  }
0xac: {  	[tilespmem:s23], [sflag:$0x1] =	stream.indirect.gather [hbm4b:s4+s26], $0x80, s17, s26, $0xb8;
	[tilespmem:$0x1E800] =	vst v63  }
0xad: {  	_ =	swait.ge [sflag:s31], $0x2000  }
0xae: {  	[sflag:s31] =	ssyncset.done $0x0  }
0xaf: {  	s17 =	sadd.s32 $0x1540, s16;
	[sflag:s31] =	ssyncadd.s32 $0xFFFFE000  }
0xb0: {  	[spmem:s2] =	stream.indirect.scatter.add.f32 [tilespmem:s28], [sflag:$0x6], $0x80, s17, s26, $0xb8;
	[tilespmem:$0x1E800] =	vst v63  }
0xb1: {  	_ =	swait.ge [sflag:s6], $0x2000  }
0xb2: {  	[sflag:s6] =	ssyncset.done $0x0  }
0xb3: {  	s17 =	sadd.s32 $0x240, s16;
	[sflag:s6] =	ssyncadd.s32 $0xFFFFE000  }
0xb4: {  	[tilespmem:s28], [sflag:$0x2] =	stream.indirect.gather [hbm4b:s4+s26], $0x80, s17, s26, $0xb8;
	[tilespmem:$0x1E800] =	vst v63  }
0xb5: {  	_ =	swait.ge [sflag:s8], $0x2000  }
0xb6: {  	[sflag:s8] =	ssyncset.done $0x0  }
0xb7: {  	s17 =	sadd.s32 $0x1580, s16;
	[sflag:s8] =	ssyncadd.s32 $0xFFFFE000  }
0xb8: {  	[spmem:s2] =	stream.indirect.scatter.add.f32 [tilespmem:s30], [sflag:$0x7], $0x80, s17, s26, $0xb8;
	[tilespmem:$0x1E800] =	vst v63  }
0xb9: {  	_ =	swait.ge [sflag:s10], $0x2000  }
0xba: {  	[sflag:s10] =	ssyncset.done $0x0  }
.Ltmp1:
0xbb: {  	s17 =	sadd.s32 $0x280, s16;
	[sflag:s10] =	ssyncadd.s32 $0xFFFFE000;
	(pc) =	sbr.rel @p0 .LBB2_4-.Ltmp1, $4  }
0xbc: {  	[tilespmem:s30], [sflag:$0x3] =	stream.indirect.gather [hbm4b:s4+s26], $0x80, s17, s26, $0xb8;
	[tilespmem:$0x1E800] =	vst v63  }
0xbd: {  	_ =	swait.ge [sflag:s12], $0x2000  }
0xbe: {  	[sflag:s12] =	ssyncset.done $0x0  }
0xbf: {  	s16 =	sadd.s32 $0x15C0, s16;
	[sflag:s12] =	ssyncadd.s32 $0xFFFFE000  }
0xc0: {  	[spmem:s2] =	stream.indirect.scatter.add.f32 [tilespmem:s1], [sflag:$0x8], $0x80, s16, s26, $0xb8;
	[tilespmem:$0x1E800] =	vst v63  }
0xc1: {  	_ =	swait.ge [sflag:s14], $0x2000  }
0xc2: {  	[sflag:s14] =	ssyncset.done $0x0  }
0xc3: {  	s15 =	simm.s32 $0x13C0;
	[sflag:s14] =	ssyncadd.s32 $0xFFFFE000  }
0xc4: {  	[tilespmem:s1], [sflag:$0x4] =	stream.indirect.gather [hbm4b:s4+s26], $0x80, s15, s26, $0xb8;
	[tilespmem:$0x1E800] =	vst v63  }
0xc5: {  	_ =	swait.ge [sflag:s0], $0x2000  }
0xc6: {  	[sflag:s0] =	ssyncset.done $0x0  }
0xc7: {  	s16 =	simm.s32 $0x2700;
	[sflag:s0] =	ssyncadd.s32 $0xFFFFE000  }
0xc8: {  	[spmem:s2] =	stream.indirect.scatter.add.f32 [tilespmem:s23], [sflag:$0x5], $0x80, s16, s26, $0xb8;
	[tilespmem:$0x1E800] =	vst v63  }
0xc9: {  	_ =	swait.ge [sflag:s29], $0x2000  }
0xca: {  	[sflag:s29] =	ssyncset.done $0x0  }
0xcb: {  	[sflag:s29] =	ssyncadd.s32 $0xFFFFE000  }
0xcc: {  	_ =	swait.ge [sflag:s31], $0x2000  }
0xcd: {  	[sflag:s31] =	ssyncset.done $0x0  }
0xce: {  	s17 =	simm.s32 $0x2740;
	[sflag:s31] =	ssyncadd.s32 $0xFFFFE000  }
0xcf: {  	[spmem:s2] =	stream.indirect.scatter.add.f32 [tilespmem:s28], [sflag:$0x6], $0x80, s17, s26, $0xb8;
	[tilespmem:$0x1E800] =	vst v63  }
0xd0: {  	_ =	swait.ge [sflag:s6], $0x2000  }
0xd1: {  	[sflag:s6] =	ssyncset.done $0x0  }
0xd2: {  	[sflag:s6] =	ssyncadd.s32 $0xFFFFE000  }
0xd3: {  	_ =	swait.ge [sflag:s8], $0x2000  }
0xd4: {  	[sflag:s8] =	ssyncset.done $0x0  }
0xd5: {  	s16 =	simm.s32 $0x2780;
	[sflag:s8] =	ssyncadd.s32 $0xFFFFE000  }
0xd6: {  	[spmem:s2] =	stream.indirect.scatter.add.f32 [tilespmem:s30], [sflag:$0x7], $0x80, s16, s26, $0xb8;
	[tilespmem:$0x1E800] =	vst v63  }
0xd7: {  	_ =	swait.ge [sflag:s10], $0x2000  }
0xd8: {  	[sflag:s10] =	ssyncset.done $0x0  }
0xd9: {  	[sflag:s10] =	ssyncadd.s32 $0xFFFFE000  }
0xda: {  	_ =	swait.ge [sflag:s12], $0x2000  }
0xdb: {  	[sflag:s12] =	ssyncset.done $0x0  }
0xdc: {  	s17 =	simm.s32 $0x27C0;
	[sflag:s12] =	ssyncadd.s32 $0xFFFFE000  }
0xdd: {  	[spmem:s2] =	stream.indirect.scatter.add.f32 [tilespmem:s1], [sflag:$0x8], $0x80, s17, s26, $0xb8;
	[tilespmem:$0x1E800] =	vst v63  }
0xde: {  	_ =	swait.ge [sflag:s14], $0x2000  }
0xdf: {  	[sflag:s14] =	ssyncset.done $0x0  }
0xe0: {  	s16 =	stileid.u32;
	[sflag:s14] =	ssyncadd.s32 $0xFFFFE000  }
0xe1: {  	s15 =	sshll.u32 s16, $0x6;
	[bflag:$0x0] =	sbarrier.arrive $0xFFFF  }
0xe2: {  	s16 =	sshrl.u32 s5, $0x3;
	s15 =	sor.u32 $0x1C09, s15;
	s17 =	rddreg [dreg:$0xa]  }
0xe3: {  	[hbm:s17], [sflag:s15] =	dma.local [spmem:s16], $0x800  }
0xe4: {  	_ =	swait.ge [sflag:s24], $0x800  }
0xe5: {  	[sflag:s24] =	ssyncset.done $0x0  }
0xe6: {  	s17 =	sshrl.u32 s7, $0x3;
	[sflag:s24] =	ssyncadd.s32 $0xFFFFF800  }
0xe7: {  	[hbm:s18], [sflag:s15] =	dma.local [spmem:s17], $0x800  }
0xe8: {  	_ =	swait.ge [sflag:s24], $0x800  }
0xe9: {  	[sflag:s24] =	ssyncset.done $0x0  }
0xea: {  	s17 =	sshrl.u32 s9, $0x3;
	[sflag:s24] =	ssyncadd.s32 $0xFFFFF800  }
0xeb: {  	[hbm:s19], [sflag:s15] =	dma.local [spmem:s17], $0x800  }
0xec: {  	_ =	swait.ge [sflag:s24], $0x800  }
0xed: {  	[sflag:s24] =	ssyncset.done $0x0  }
0xee: {  	s17 =	sshrl.u32 s11, $0x3;
	[sflag:s24] =	ssyncadd.s32 $0xFFFFF800  }
0xef: {  	[hbm:s20], [sflag:s15] =	dma.local [spmem:s17], $0x800  }
0xf0: {  	s3 =	sadd.s32 $0x1, s3;
	_ =	swait.ge [sflag:s24], $0x800  }
0xf1: {  	p0 =	sne.s32 s3, s22;
	[sflag:s24] =	ssyncset.done $0x0  }
.Ltmp2:
0xf2: {  	s17 =	sshrl.u32 s13, $0x3;
	[sflag:s24] =	ssyncadd.s32 $0xFFFFF800;
	(pc) =	sbr.rel @p0 .LBB2_1-.Ltmp2, $4  }
0xf3: {  	[hbm:s21], [sflag:s15] =	dma.local [spmem:s17], $0x800  }
0xf4: {  	_ =	swait.ge [sflag:s24], $0x800  }
0xf5: {  	[sflag:s24] =	ssyncset.done $0x0  }
0xf6: {  	[sflag:s24] =	ssyncadd.s32 $0xFFFFF800  }
0xf7: {  	_ =	sfence.sel $0x180000  }
0xf8: {  	[bflag:$0x0] =	sbarrier.arrive $0xFFFF  }
0xf9: {  	_ =	strace $0x9000004D  }
0xfa: {  	s0 =	stileid.u32;
	[bflag:$0x2] =	sbarrier.arrive $0xFFFF  }
0xfb: {  	p0 =	sne.s32 s0, $0x0;
	s0 =	rddreg [dreg:$0x2]  }
0xfc: {  	s0 =	sadd.s32 @!p0 $0x100000, s0  }
0xfd: {  	[sflag:s0] =	ssyncadd.tile.s32 @!p0 $0x1;
	_ =	shalt  }
.Lfunc_end2:
_tile_overlayer_lowered:
.L_overlay_start_2:
0xfe: {  	(tag) =	ssettag $0x2  }
0xff: {  	s0 =	rddreg [dreg:$0x0];
	s2 =	stileid.u32  }
0x100: {  	s1 =	rddreg [dreg:$0x1];
	p0 =	sne.s32 s2, $0x0  }
0x101: {  	s3 =	rddreg [dreg:$0x2];
	[bflag:$0x3] =	sbarrier.arrive $0xFFFF;
	s2 =	simm.s32 @!p0 $0x1C09  }
0x102: {  	[timem:s3], [sflag:s2] =	dma.local @!p0 [hbm:s0], s1  }
0x103: {  	s0 =	simm.s32 @!p0 $0x9  }
0x104: {  	_ =	swait.ge @!p0 [sflag:s0], s1  }
0x105: {  	s1 =	ssub.s32 @!p0 $0x0, s1;
	[sflag:s0] =	ssyncset.done @!p0 $0x0  }
0x106: {  	[sflag:s0] =	ssyncadd.s32 @!p0 s1  }
0x107: {  	[bflag:$0x3] =	sbarrier.arrive $0xFFFF  }
0x108: {  	_ =	shalt  }

// kernel: kernel.19.cloned.1.call-start
scs
__scs_entry_jumppad:
0x0: {  	(pc) =	sbr.rel $0x88, $3  }
0x1: {  	(tag) =	ssettag $0x0;
	lr =	simm.s32 $0x1  }
0x2: {  	[smem:$0x3F96] =	sst lr;
	_ =	strace $0xD0000000  }
0x3: {  	_ = 	snop  }
0x4: {  	_ = 	snop  }
0x5: {  	_ = 	snop  }
0x6: {  	_ = 	snop  }
0x7: {  	_ = 	snop  }
__scs_overlays_trampoline_lowered:
0x8: {  	[smem:$0x3FA5] =	sst s0  }
0x9: {  	[smem:$0x3FA6] =	sst s1  }
0xa: {  	[smem:$0x3FA7] =	sst s2  }
0xb: {  	[smem:$0x3FA8] =	sst s3  }
0xc: {  	[smem:$0x3FA9] =	sst s4  }
0xd: {  	[smem:$0x3FAA] =	sst s5  }
0xe: {  	[smem:$0x3FAB] =	sst s6  }
0xf: {  	[smem:$0x3FAC] =	sst s7  }
0x10: {  	[smem:$0x3FAD] =	sst s8  }
0x11: {  	[smem:$0x3FAE] =	sst s9;
	s0 =	simm.s32 @!p0 $0x0  }
0x12: {  	s1 =	sld [smem:$0x3F94];
	s0 =	simm.s32 @p0 $0x1  }
0x13: {  	[smem:$0x3FAF] =	sst s0;
	s0 =	simm.s32 @!p1 $0x0  }
0x14: {  	s2 =	sld [smem:$0x3F93];
	s0 =	simm.s32 @p1 $0x1  }
0x15: {  	[smem:$0x3FB0] =	sst s0;
	s0 =	simm.s32 @!p2 $0x0  }
0x16: {  	s3 =	sld [smem:$0x3FDB];
	s0 =	simm.s32 @p2 $0x1  }
0x17: {  	s4 =	simm.s32 $0x1BF5;
	[smem:$0x3FB2] =	sst s0  }
0x18: {  	s0 =	sld [smem:$0x3F95];
	_ =	swait.ge [sflag:s4], $0x0  }
0x19: {  	s7 =	sld [smem:$0x3F96]  }
0x1a: {  	s8 =	sadd.s32 $0xFFFFE003, lr  }
0x1b: {  	s9 =	sadd.s32 $0xFFFFFEF7, lr;
	s5 =	simm.s32 $0xFFFFFFFF;
	p2 =	slt.u32 s8, $0xFFFFF086  }
0x1c: {  	p1 =	slt.u32 s9, $0xF7A;
	s5 =	simm.s32 @!p2 $0x0  }
0x1d: {  	s5 =	simm.s32 @p1 $0x1;
	p0 =	seq.s32 s7, s2  }
0x1e: {  	s7 =	smul.u32 @!p0 $0xF7A, s2;
	p2 =	seq.s32 @!p0 s5, $0x0  }
0x1f: {  	s9 =	smul.u32 $0xF7A, s1;
	s8 =	simm.s32 @!p0 $0x1BF5;
	p2 =	por !p2, p0  }
0x20: {  	[sflag:s8] =	ssyncset.s32 @!p0 $0xFFFFF086;
	s6 =	sadd.s32 @!p0 s3, s7;
	s7 =	simm.s32 @!p0 $0x108  }
0x21: {  	s3 =	sadd.s32 s3, s9;
	s6 =	sadd.s32 @!p0 $0x88, s6;
	s7 =	simm.s32 @p2 $0x1082  }
0x22: {  	[simem:s7], [sflag:s8] =	dma.local @!p0 [hbm:s6], $0xF7A  }
0x23: {  	s9 =	sor.u32 $0xD0000000, s2;
	s6 =	simm.s32 $0x108;
	_ =	swait.ge @!p0 [sflag:s8], $0x0  }
0x24: {  	s3 =	sadd.s32 $0x88, s3;
	s6 =	simm.s32 @!p1 $0x1082;
	[sflag:s4] =	ssyncset.s32 $0xFFFFF086  }
0x25: {  	[simem:s6], [sflag:s4] =	dma.local [hbm:s3], $0xF7A  }
0x26: {  	[smem:$0x3F96] =	sst s1;
	(tag) =	ssettag s2;
	_ =	strace s9  }
0x27: {  	s1 =	sld [smem:$0x3FA6]  }
0x28: {  	s2 =	sld [smem:$0x3FA7]  }
0x29: {  	s4 =	sld [smem:$0x3FA9]  }
0x2a: {  	p0 =	seq.s32 s5, $0x0;
	s5 =	sld [smem:$0x3FAA]  }
0x2b: {  	s6 =	sld [smem:$0x3FAB]  }
0x2c: {  	s7 =	sld [smem:$0x3FAC]  }
0x2d: {  	s3 =	simm.s32 $0x108;
	s8 =	sld [smem:$0x3FAD]  }
0x2e: {  	s3 =	simm.s32 @!p0 $0x1082;
	s9 =	sld [smem:$0x3FAE]  }
0x2f: {  	lr =	sadd.s32 s0, s3;
	s0 =	sld [smem:$0x3FA5]  }
0x30: {  	s3 =	sld [smem:$0x3FA8]  }
0x31: {  	[smem:$0x3FB1] =	sst s10  }
0x32: {  	s10 =	sld [smem:$0x3FAF];
	_ =	sdelay $0x3  }
0x33: {  	p0 =	seq.s32 s10, $0x1;
	s10 =	sld [smem:$0x3FB1];
	_ =	sdelay $0x3  }
0x34: {  	[smem:$0x3FB1] =	sst s10  }
0x35: {  	s10 =	sld [smem:$0x3FB0];
	_ =	sdelay $0x3  }
0x36: {  	p1 =	seq.s32 s10, $0x1;
	s10 =	sld [smem:$0x3FB1];
	_ =	sdelay $0x3  }
0x37: {  	[smem:$0x3FB1] =	sst s10  }
0x38: {  	s10 =	sld [smem:$0x3FB2]  }
0x39: {  	_ = 	snop;
	(pc) =	sbr.ind lr, $3  }
0x3a: {  	_ = 	snop  }
0x3b: {  	_ = 	snop  }
0x3c: {  	p2 =	seq.s32 s10, $0x1;
	s10 =	sld [smem:$0x3FB1]  }
0x3d: {  	_ =	shalt  }
0x3e: {  	_ =	shalt  }
0x3f: {  	_ =	shalt  }
0x40: {  	_ =	shalt  }
0x41: {  	_ =	shalt  }
0x42: {  	_ =	shalt  }
0x43: {  	_ =	shalt  }
0x44: {  	_ =	shalt  }
0x45: {  	_ =	shalt  }
0x46: {  	_ =	shalt  }
0x47: {  	_ =	shalt  }
0x48: {  	_ =	shalt  }
0x49: {  	_ =	shalt  }
0x4a: {  	_ =	shalt  }
0x4b: {  	_ =	shalt  }
0x4c: {  	_ =	shalt  }
0x4d: {  	_ =	shalt  }
0x4e: {  	_ =	shalt  }
0x4f: {  	_ =	shalt  }
0x50: {  	_ =	shalt  }
0x51: {  	_ =	shalt  }
0x52: {  	_ =	shalt  }
0x53: {  	_ =	shalt  }
0x54: {  	_ =	shalt  }
0x55: {  	_ =	shalt  }
0x56: {  	_ =	shalt  }
0x57: {  	_ =	shalt  }
0x58: {  	_ =	shalt  }
0x59: {  	_ =	shalt  }
0x5a: {  	_ =	shalt  }
0x5b: {  	_ =	shalt  }
0x5c: {  	_ =	shalt  }
0x5d: {  	_ =	shalt  }
0x5e: {  	_ =	shalt  }
0x5f: {  	_ =	shalt  }
0x60: {  	_ =	shalt  }
0x61: {  	_ =	shalt  }
0x62: {  	_ =	shalt  }
0x63: {  	_ =	shalt  }
0x64: {  	_ =	shalt  }
0x65: {  	_ =	shalt  }
0x66: {  	_ =	shalt  }
0x67: {  	_ =	shalt  }
0x68: {  	_ =	shalt  }
0x69: {  	_ =	shalt  }
0x6a: {  	_ =	shalt  }
0x6b: {  	_ =	shalt  }
0x6c: {  	_ =	shalt  }
0x6d: {  	_ =	shalt  }
0x6e: {  	_ =	shalt  }
0x6f: {  	_ =	shalt  }
0x70: {  	_ =	shalt  }
0x71: {  	_ =	shalt  }
0x72: {  	_ =	shalt  }
0x73: {  	_ =	shalt  }
0x74: {  	_ =	shalt  }
0x75: {  	_ =	shalt  }
0x76: {  	_ =	shalt  }
0x77: {  	_ =	shalt  }
0x78: {  	_ =	shalt  }
0x79: {  	_ =	shalt  }
0x7a: {  	_ =	shalt  }
0x7b: {  	_ =	shalt  }
0x7c: {  	_ =	shalt  }
0x7d: {  	_ =	shalt  }
0x7e: {  	_ =	shalt  }
0x7f: {  	_ =	shalt  }
0x80: {  	_ =	shalt  }
0x81: {  	_ =	shalt  }
0x82: {  	_ =	shalt  }
0x83: {  	_ =	shalt  }
0x84: {  	_ =	shalt  }
0x85: {  	_ =	shalt  }
0x86: {  	_ =	shalt  }
0x87: {  	_ =	shalt  }
.Lfunc_end0:
.L_simem_size_0:
called_computation.3_lowered:
.L_overlay_start_0:
0x88: {  	s2 =	sld [smem:$0x3FD9]  }
0x89: {  	s3 =	sld [smem:$0x3FFE];
	_ =	sdelay $0x1  }
0x8a: {  	s1 =	srdreg.scid  }
0x8b: {  	s0 =	sand.u32 $0x1, s1  }
0x8c: {  	s16 =	sshll.u32 s0, $0xA;
	s2 =	sadd.s32 s3, s2  }
0x8d: {  	s2 =	sadd.s32 s2, s16  }
0x8e: {  	[smem:$0x3FBD] =	sst s2  }
0x8f: {  	_ = 	snop  }
0x90: {  	(tm) =	ssettm $0x1  }
0x91: {  	s17 =	sld [smem:$0x3FFB];
	_ =	sdelay $0x3  }
0x92: {  	_ =	strace s17  }
0x93: {  	s2 =	sld [smem:$0x3FFC];
	_ =	sdelay $0x3  }
0x94: {  	_ =	strace s2  }
0x95: {  	s2 =	sld [smem:$0x3FFD];
	_ =	sdelay $0x3  }
0x96: {  	_ =	strace s2  }
0x97: {  	_ =	strace $0x8FFFFFFF  }
0x98: {  	s18 =	sld [smem:$0x3FDB];
	_ =	sdelay $0x1  }
0x99: {  	s19 =	simm.s32 $_scs_section_size  }
0x9a: {  	s4 =	simm.s32 $_size__tile_overlayer_lowered;
	s5 =	simm.s32 $_tile_overlayer_lowered  }
0x9b: {  	s22 =	simm.s32 $0x1BFF;
	s21 =	sshll.u32 s5, $0x1;
	s2 =	sadd.s32 s19, s18  }
0x9c: {  	s6 =	simm.s32 $0x0;
	s20 =	sshll.u32 s4, $0x1;
	s4 =	sadd.s32 s21, s2  }
0x9d: {  	[timem:s6], [sflag:s22] =	dma.local [hbm:s4], s20  }
0x9e: {  	_ =	swait.ge [sflag:s22], s20  }
0x9f: {  	s3 =	ssub.s32 $0x0, s20;
	[sflag:s22] =	ssyncset.done $0x0  }
0xa0: {  	[sflag:s22] =	ssyncadd.s32 s3;
	_ =	sdelay $0x1  }
0xa1: {  	s23 =	simm.s32 $0x1B8B  }
0xa2: {  	_ =	swait.ge [sflag:s23], $0x1  }
0xa3: {  	[sflag:s23] =	ssyncset.done $0x0  }
0xa4: {  	s25 =	simm.s32 $0x1B8E;
	s24 =	sld [smem:$0x3FFE];
	[sflag:s23] =	ssyncadd.s32 $0xFFFFFFFF  }
0xa5: {  	s26 =	simm.s32 $execute0_lowered;
	[smem:$0x3FD2] =	sst s25  }
0xa6: {  	s4 =	sshll.u32 s26, $0x1;
	_ =	strace $0x8000004F;
	[dreg:$0x1] =	wrdreg $0xFFFFFFFF  }
0xa7: {  	s28 =	simm.s32 $_size_execute0_lowered;
	s2 =	sadd.s32 s2, s4;
	[dreg:$0x0] =	wrdreg $0x0  }
0xa8: {  	s4 =	sshll.u32 s28, $0x1;
	[dreg:$0x2] =	wrdreg s2  }
0xa9: {  	[dreg:$0x3] =	wrdreg s4  }
0xaa: {  	[dreg:$0x4] =	wrdreg $0xC0  }
0xab: {  	_ =	task [dreg:s6], $0x5FFFF  }
0xac: {  	[dreg:$0x1] =	wrdreg $0xFFFFFFFF  }
0xad: {  	[dreg:$0x0] =	wrdreg $0x60  }
0xae: {  	[dreg:$0x2] =	wrdreg s24  }
0xaf: {  	[dreg:$0x3] =	wrdreg $0xA8000  }
0xb0: {  	[dreg:$0x4] =	wrdreg $0x9  }
0xb1: {  	_ =	task.clear_ibuf [dreg:s6], $0x5FFFF;
	_ =	strace $0x9000004F  }
0xb2: {  	s29 =	simm.s32 $0x9;
	_ =	strace $0x80000051  }
0xb3: {  	_ =	swait.ge [sflag:s29], $0x1  }
0xb4: {  	[sflag:s29] =	ssyncadd.s32 $0xFFFFFFFF  }
0xb5: {  	_ =	strace $0x90000051  }
0xb6: {  	_ =	sfence  }
0xb7: {  	s30 =	sld [smem:$0x0];
	_ =	sdelay $0x2  }
0xb8: {  	s31 =	sshll.u32 s1, $0xD;
	s1 =	sshrl.u32 s1, $0x2  }
0xb9: {  	s3 =	sand.u32 $0x4000, s31;
	s1 =	sadd.s32 s1, s30  }
0xba: {  	s0 =	sor.u32 s3, s0;
	s1 =	sshll.u32 s1, $0x11  }
0xbb: {  	s0 =	sor.u32 s1, s0  }
0xbc: {  	s0 =	sadd.s32 $0x8F2B, s0  }
0xbd: {  	[sflag:s0] =	ssyncadd.remote.s32 $0x1  }
0xbe: {  	_ =	sfence.sel $0xFFFF  }
0xbf: {  	[dreg:$0x0] =	wrdreg $0xFFFFFFFF;
	(pc) =	sbr.abs _section_cstart, $3  }
0xc0: {  	[dreg:$0x1] =	wrdreg $0xFFFFFFFF  }
0xc1: {  	_ =	task.clear_ibuf [dreg:s6], $0x2FFFF;
	_ =	strace $0x9FFFFFFF  }
0xc2: {  	(tm) =	ssettm $0x7FFFFFFF  }
0xc3: {  	_ =	shalt  }
tec
execute0_lowered:
.L_overlay_start_1:
0x0: {  	(tag) =	ssettag $0x1  }
0x1: {  	s0 =	rddreg [dreg:$0x0];
	s1 =	srdreg.scid  }
0x2: {  	s9 =	stileid.u32;
	s2 =	rddreg [dreg:$0x1]  }
0x3: {  	s3 =	simm.s32 $0x0;
	s28 =	simm.s32 $0x4800;
	s30 =	simm.s32 $0x6800  }
0x4: {  	s29 =	simm.s32 $0x5;
	s1 =	sand.u32 $0x1, s1;
	s6 =	smul.u32 $0x50000, s9  }
0x5: {  	s4 =	sshll.u32 s9, $0x1;
	[smem:$0x7FF] =	sst s3;
	s10 =	smul.u32 $0x14000, s9  }
0x6: {  	s4 =	sor.u32 s1, s4;
	s20 =	ssub.s32 $0x2, s1;
	s1 =	smul.u32 $0x140000, s1  }
0x7: {  	s31 =	simm.s32 $0x2;
	_ =	strace $0x80000050;
	s5 =	smul.u32 $0x280, s4  }
0x8: {  	s4 =	sadd.s32 $0x5D800, s0;
	s7 =	sshrl.u32 s20, $0x1;
	s6 =	sshrl.u32 s6, $0x2  }
0x9: {  	s21 =	sadd.s32 $0x4000, s10;
	s14 =	sadd.s32 $0x8000, s10;
	s15 =	sadd.s32 $0xC000, s10  }
0xa: {  	s16 =	sadd.s32 $0x10000, s10;
	s12 =	ssub.s32 s20, s7;
	s7 =	sadd.s32 s21, s2  }
0xb: {  	s9 =	sadd.s32 s14, s2;
	s8 =	sadd.s32 s5, s0;
	s5 =	sadd.s32 s6, s2  }
0xc: {  	s10 =	sadd.s32 s10, s1;
	s25 =	sadd.s32 s1, s14;
	s6 =	sadd.s32 $0x2000, s5  }
0xd: {  	s26 =	sadd.s32 s1, s15;
	s22 =	sadd.s32 $0x6000, s5;
	[dreg:$0x3] =	wrdreg s6  }
0xe: {  	s14 =	simm.s32 $0x8;
	s11 =	sadd.s32 $0xA000, s5;
	[dreg:$0x4] =	wrdreg s22  }
0xf: {  	s0 =	sadd.s32 $0x85800, s0;
	s13 =	sadd.s32 $0xE000, s5;
	[dreg:$0x5] =	wrdreg s11  }
0x10: {  	s10 =	sshrl.u32 s10, $0x3;
	s17 =	sadd.s32 $0x12000, s5;
	[dreg:$0x6] =	wrdreg s13  }
0x11: {  	s23 =	sadd.s32 $0x7E00, s8;
	s8 =	sadd.s32 $0x2E00, s8;
	[dreg:$0x7] =	wrdreg s17  }
0x12: {  	s24 =	sadd.s32 s0, s10;
	s10 =	simm.s32 $0x7;
	[dreg:$0x8] =	wrdreg s23  }
0x13: {  	s11 =	sadd.s32 s15, s2;
	s13 =	sadd.s32 s16, s2;
	[dreg:$0x9] =	wrdreg s8  }
0x14: {  	s6 =	sadd.s32 s1, s21;
	[dreg:$0xa] =	wrdreg s24;
	s8 =	sshrl.u32 s26, $0x3  }
0x15: {  	s1 =	sadd.s32 s1, s16;
	s22 =	smax.u32 s12, $0x1;
	s23 =	simm.s32 $0x2800  }
0x16: {  	s24 =	simm.s32 $0x9;
	s26 =	simm.s32 $0x40;
	s12 =	simm.s32 $0x4  }
0x17: {  	s6 =	sshrl.u32 s6, $0x3;
	s20 =	sadd.s32 s0, s8;
	s1 =	sshrl.u32 s1, $0x3  }
0x18: {  	s8 =	simm.s32 $0x3;
	s18 =	sadd.s32 s0, s6;
	s6 =	sshrl.u32 s25, $0x3  }
0x19: {  	s21 =	sadd.s32 s0, s1;
	s25 =	simm.s32 $0x1400;
	s1 =	simm.s32 $0x8800  }
0x1a: {  	v0 =	vimm.f32 $0.0e+00;
	s19 =	sadd.s32 s0, s6;
	s0 =	simm.s32 $0x1;
	s6 =	simm.s32 $0x6  }
.LBB2_1:
0x1b: {  	s15 =	simm.s32 $0x0;
	s16 =	simm.s32 $0x200  }
.LBB2_2:
0x1c: {  	p0 =	sne.s32 s16, $0x7E00;
	[tilespmem:s15+$0x2870] =	vst v0  }
0x1d: {  	[tilespmem:s15+$0x2800] =	vst v0  }
0x1e: {  	[tilespmem:s15+$0x2810] =	vst v0  }
.Ltmp0:
0x1f: {  	[tilespmem:s15+$0x2820] =	vst v0;
	(pc) =	sbr.rel @p0 .LBB2_2-.Ltmp0, $4  }
0x20: {  	[tilespmem:s15+$0x2830] =	vst v0  }
0x21: {  	[tilespmem:s15+$0x2840] =	vst v0  }
0x22: {  	[tilespmem:s15+$0x2850] =	vst v0  }
0x23: {  	[tilespmem:s15+$0x2860] =	vst v0;
	s15 =	sshra.s32 s16, $0x2;
	s16 =	sadd.s32 $0x200, s16  }
0x24: {  	[tilespmem:s15+$0x2870] =	vst v0  }
0x25: {  	[tilespmem:s15+$0x2800] =	vst v0  }
0x26: {  	[tilespmem:s15+$0x2810] =	vst v0  }
0x27: {  	[tilespmem:s15+$0x2820] =	vst v0  }
0x28: {  	[tilespmem:s15+$0x2830] =	vst v0  }
0x29: {  	[tilespmem:s15+$0x2840] =	vst v0  }
0x2a: {  	[tilespmem:s15+$0x2850] =	vst v0  }
0x2b: {  	[tilespmem:s15+$0x2860] =	vst v0  }
0x2c: {  	[spmem:s5] =	stream.linear.scatter [tilespmem:s23], [sflag:$0x9], $0x2000, $0x38;
	[tilespmem:$0x1E800] =	vst v63  }
0x2d: {  	_ =	swait.ge [sflag:s24], $0x2000  }
0x2e: {  	[sflag:s24] =	ssyncset.done $0x0  }
0x2f: {  	s16 =	rddreg [dreg:$0x3];
	[sflag:s24] =	ssyncadd.s32 $0xFFFFE000  }
0x30: {  	[spmem:s16] =	stream.linear.scatter [tilespmem:s23], [sflag:$0x9], $0x2000, $0x38;
	[tilespmem:$0x1E800] =	vst v63  }
0x31: {  	_ =	swait.ge [sflag:s24], $0x2000  }
0x32: {  	[sflag:s24] =	ssyncset.done $0x0  }
0x33: {  	[sflag:s24] =	ssyncadd.s32 $0xFFFFE000  }
0x34: {  	[spmem:s7] =	stream.linear.scatter [tilespmem:s23], [sflag:$0x9], $0x2000, $0x38;
	[tilespmem:$0x1E800] =	vst v63  }
0x35: {  	_ =	swait.ge [sflag:s24], $0x2000  }
0x36: {  	[sflag:s24] =	ssyncset.done $0x0  }
0x37: {  	s17 =	rddreg [dreg:$0x4];
	[sflag:s24] =	ssyncadd.s32 $0xFFFFE000  }
0x38: {  	[spmem:s17] =	stream.linear.scatter [tilespmem:s23], [sflag:$0x9], $0x2000, $0x38;
	[tilespmem:$0x1E800] =	vst v63  }
0x39: {  	_ =	swait.ge [sflag:s24], $0x2000  }
0x3a: {  	[sflag:s24] =	ssyncset.done $0x0  }
0x3b: {  	[sflag:s24] =	ssyncadd.s32 $0xFFFFE000  }
0x3c: {  	[spmem:s9] =	stream.linear.scatter [tilespmem:s23], [sflag:$0x9], $0x2000, $0x38;
	[tilespmem:$0x1E800] =	vst v63  }
0x3d: {  	_ =	swait.ge [sflag:s24], $0x2000  }
0x3e: {  	[sflag:s24] =	ssyncset.done $0x0  }
0x3f: {  	s16 =	rddreg [dreg:$0x5];
	[sflag:s24] =	ssyncadd.s32 $0xFFFFE000  }
0x40: {  	[spmem:s16] =	stream.linear.scatter [tilespmem:s23], [sflag:$0x9], $0x2000, $0x38;
	[tilespmem:$0x1E800] =	vst v63  }
0x41: {  	_ =	swait.ge [sflag:s24], $0x2000  }
0x42: {  	[sflag:s24] =	ssyncset.done $0x0  }
0x43: {  	[sflag:s24] =	ssyncadd.s32 $0xFFFFE000  }
0x44: {  	[spmem:s11] =	stream.linear.scatter [tilespmem:s23], [sflag:$0x9], $0x2000, $0x38;
	[tilespmem:$0x1E800] =	vst v63  }
0x45: {  	_ =	swait.ge [sflag:s24], $0x2000  }
0x46: {  	[sflag:s24] =	ssyncset.done $0x0  }
0x47: {  	s17 =	rddreg [dreg:$0x6];
	[sflag:s24] =	ssyncadd.s32 $0xFFFFE000  }
0x48: {  	[spmem:s17] =	stream.linear.scatter [tilespmem:s23], [sflag:$0x9], $0x2000, $0x38;
	[tilespmem:$0x1E800] =	vst v63  }
0x49: {  	_ =	swait.ge [sflag:s24], $0x2000  }
0x4a: {  	[sflag:s24] =	ssyncset.done $0x0  }
0x4b: {  	[sflag:s24] =	ssyncadd.s32 $0xFFFFE000  }
0x4c: {  	[spmem:s13] =	stream.linear.scatter [tilespmem:s23], [sflag:$0x9], $0x2000, $0x38;
	[tilespmem:$0x1E800] =	vst v63  }
0x4d: {  	_ =	swait.ge [sflag:s24], $0x2000  }
0x4e: {  	[sflag:s24] =	ssyncset.done $0x0  }
0x4f: {  	s16 =	rddreg [dreg:$0x7];
	[sflag:s24] =	ssyncadd.s32 $0xFFFFE000  }
0x50: {  	[spmem:s16] =	stream.linear.scatter [tilespmem:s23], [sflag:$0x9], $0x2000, $0x38;
	[tilespmem:$0x1E800] =	vst v63  }
0x51: {  	_ =	swait.ge [sflag:s24], $0x2000  }
0x52: {  	[sflag:s24] =	ssyncset.done $0x0  }
0x53: {  	s15 =	simm.s32 $0x0;
	s16 =	rddreg [dreg:$0x8];
	[sflag:s24] =	ssyncadd.s32 $0xFFFFE000  }
0x54: {  	[tilespmem:s15], [sflag:$0x9] =	stream.linear.gather [hbm4b:s16+s15], $0x1400, $0x38;
	[tilespmem:$0x1E800] =	vst v63  }
0x55: {  	_ =	swait.ge [sflag:s24], $0x1400  }
0x56: {  	[sflag:s24] =	ssyncset.done $0x0  }
0x57: {  	s17 =	rddreg [dreg:$0x9];
	[sflag:s24] =	ssyncadd.s32 $0xFFFFEC00  }
0x58: {  	[tilespmem:s25], [sflag:$0x9] =	stream.linear.gather [hbm4b:s17+s15], $0x1400, $0x38;
	[tilespmem:$0x1E800] =	vst v63  }
0x59: {  	_ =	swait.ge [sflag:s24], $0x1400  }
0x5a: {  	[sflag:s24] =	ssyncset.done $0x0  }
0x5b: {  	[sflag:s24] =	ssyncadd.s32 $0xFFFFEC00  }
0x5c: {  	[bflag:$0x0] =	sbarrier.arrive $0xFFFF  }
0x5d: {  	[tilespmem:s23], [sflag:$0x1] =	stream.indirect.gather [hbm4b:s4+s26], $0x80, s15, s26, $0xb8;
	[tilespmem:$0x1E800] =	vst v63  }
0x5e: {  	_ = 	snop  }
0x5f: {  	[tilespmem:s28], [sflag:$0x2] =	stream.indirect.gather [hbm4b:s4+s26], $0x80, s26, s26, $0xb8;
	[tilespmem:$0x1E800] =	vst v63  }
0x60: {  	s17 =	simm.s32 $0x80  }
0x61: {  	[tilespmem:s30], [sflag:$0x3] =	stream.indirect.gather [hbm4b:s4+s26], $0x80, s17, s26, $0xb8;
	[tilespmem:$0x1E800] =	vst v63  }
0x62: {  	s16 =	simm.s32 $0xC0  }
0x63: {  	[tilespmem:s1], [sflag:$0x4] =	stream.indirect.gather [hbm4b:s4+s26], $0x80, s16, s26, $0xb8;
	[tilespmem:$0x1E800] =	vst v63  }
0x64: {  	_ =	swait.ge [sflag:s0], $0x2000  }
0x65: {  	[sflag:s0] =	ssyncset.done $0x0  }
0x66: {  	[sflag:s0] =	ssyncadd.s32 $0xFFFFE000  }
0x67: {  	[spmem:s2] =	stream.indirect.scatter.add.f32 [tilespmem:s23], [sflag:$0x5], $0x80, s25, s26, $0xb8;
	[tilespmem:$0x1E800] =	vst v63  }
0x68: {  	_ =	swait.ge [sflag:s29], $0x2000  }
0x69: {  	[sflag:s29] =	ssyncset.done $0x0  }
0x6a: {  	s17 =	simm.s32 $0x100;
	[sflag:s29] =	ssyncadd.s32 $0xFFFFE000  }
0x6b: {  	[tilespmem:s23], [sflag:$0x1] =	stream.indirect.gather [hbm4b:s4+s26], $0x80, s17, s26, $0xb8;
	[tilespmem:$0x1E800] =	vst v63  }
0x6c: {  	_ =	swait.ge [sflag:s31], $0x2000  }
0x6d: {  	[sflag:s31] =	ssyncset.done $0x0  }
0x6e: {  	s16 =	simm.s32 $0x1440;
	[sflag:s31] =	ssyncadd.s32 $0xFFFFE000  }
0x6f: {  	[spmem:s2] =	stream.indirect.scatter.add.f32 [tilespmem:s28], [sflag:$0x6], $0x80, s16, s26, $0xb8;
	[tilespmem:$0x1E800] =	vst v63  }
0x70: {  	_ =	swait.ge [sflag:s6], $0x2000  }
0x71: {  	[sflag:s6] =	ssyncset.done $0x0  }
0x72: {  	s17 =	simm.s32 $0x140;
	[sflag:s6] =	ssyncadd.s32 $0xFFFFE000  }
0x73: {  	[tilespmem:s28], [sflag:$0x2] =	stream.indirect.gather [hbm4b:s4+s26], $0x80, s17, s26, $0xb8;
	[tilespmem:$0x1E800] =	vst v63  }
0x74: {  	_ =	swait.ge [sflag:s8], $0x2000  }
0x75: {  	[sflag:s8] =	ssyncset.done $0x0  }
0x76: {  	s16 =	simm.s32 $0x1480;
	[sflag:s8] =	ssyncadd.s32 $0xFFFFE000  }
0x77: {  	[spmem:s2] =	stream.indirect.scatter.add.f32 [tilespmem:s30], [sflag:$0x7], $0x80, s16, s26, $0xb8;
	[tilespmem:$0x1E800] =	vst v63  }
0x78: {  	_ =	swait.ge [sflag:s10], $0x2000  }
0x79: {  	[sflag:s10] =	ssyncset.done $0x0  }
0x7a: {  	s17 =	simm.s32 $0x180;
	[sflag:s10] =	ssyncadd.s32 $0xFFFFE000  }
0x7b: {  	[tilespmem:s30], [sflag:$0x3] =	stream.indirect.gather [hbm4b:s4+s26], $0x80, s17, s26, $0xb8;
	[tilespmem:$0x1E800] =	vst v63  }
0x7c: {  	_ =	swait.ge [sflag:s12], $0x2000  }
0x7d: {  	[sflag:s12] =	ssyncset.done $0x0  }
0x7e: {  	s16 =	simm.s32 $0x14C0;
	[sflag:s12] =	ssyncadd.s32 $0xFFFFE000  }
0x7f: {  	[spmem:s2] =	stream.indirect.scatter.add.f32 [tilespmem:s1], [sflag:$0x8], $0x80, s16, s26, $0xb8;
	[tilespmem:$0x1E800] =	vst v63  }
0x80: {  	_ =	swait.ge [sflag:s14], $0x2000  }
0x81: {  	[sflag:s14] =	ssyncset.done $0x0  }
0x82: {  	s17 =	simm.s32 $0x1C0;
	[sflag:s14] =	ssyncadd.s32 $0xFFFFE000  }
0x83: {  	[tilespmem:s1], [sflag:$0x4] =	stream.indirect.gather [hbm4b:s4+s26], $0x80, s17, s26, $0xb8;
	[tilespmem:$0x1E800] =	vst v63  }
0x84: {  	_ =	swait.ge [sflag:s0], $0x2000  }
0x85: {  	[sflag:s0] =	ssyncset.done $0x0  }
0x86: {  	s16 =	simm.s32 $0x1500;
	[sflag:s0] =	ssyncadd.s32 $0xFFFFE000  }
0x87: {  	[spmem:s2] =	stream.indirect.scatter.add.f32 [tilespmem:s23], [sflag:$0x5], $0x80, s16, s26, $0xb8;
	[tilespmem:$0x1E800] =	vst v63  }
0x88: {  	_ =	swait.ge [sflag:s29], $0x2000  }
0x89: {  	[sflag:s29] =	ssyncset.done $0x0  }
0x8a: {  	s17 =	simm.s32 $0x200;
	[sflag:s29] =	ssyncadd.s32 $0xFFFFE000  }
0x8b: {  	[tilespmem:s23], [sflag:$0x1] =	stream.indirect.gather [hbm4b:s4+s26], $0x80, s17, s26, $0xb8;
	[tilespmem:$0x1E800] =	vst v63  }
0x8c: {  	_ =	swait.ge [sflag:s31], $0x2000  }
0x8d: {  	[sflag:s31] =	ssyncset.done $0x0  }
0x8e: {  	s16 =	simm.s32 $0x1540;
	[sflag:s31] =	ssyncadd.s32 $0xFFFFE000  }
0x8f: {  	[spmem:s2] =	stream.indirect.scatter.add.f32 [tilespmem:s28], [sflag:$0x6], $0x80, s16, s26, $0xb8;
	[tilespmem:$0x1E800] =	vst v63  }
0x90: {  	_ =	swait.ge [sflag:s6], $0x2000  }
0x91: {  	[sflag:s6] =	ssyncset.done $0x0  }
0x92: {  	s17 =	simm.s32 $0x240;
	[sflag:s6] =	ssyncadd.s32 $0xFFFFE000  }
0x93: {  	[tilespmem:s28], [sflag:$0x2] =	stream.indirect.gather [hbm4b:s4+s26], $0x80, s17, s26, $0xb8;
	[tilespmem:$0x1E800] =	vst v63  }
0x94: {  	_ =	swait.ge [sflag:s8], $0x2000  }
0x95: {  	[sflag:s8] =	ssyncset.done $0x0  }
0x96: {  	s16 =	simm.s32 $0x1580;
	[sflag:s8] =	ssyncadd.s32 $0xFFFFE000  }
0x97: {  	[spmem:s2] =	stream.indirect.scatter.add.f32 [tilespmem:s30], [sflag:$0x7], $0x80, s16, s26, $0xb8;
	[tilespmem:$0x1E800] =	vst v63  }
0x98: {  	_ =	swait.ge [sflag:s10], $0x2000  }
0x99: {  	[sflag:s10] =	ssyncset.done $0x0  }
0x9a: {  	s17 =	simm.s32 $0x280;
	[sflag:s10] =	ssyncadd.s32 $0xFFFFE000  }
0x9b: {  	[tilespmem:s30], [sflag:$0x3] =	stream.indirect.gather [hbm4b:s4+s26], $0x80, s17, s26, $0xb8;
	[tilespmem:$0x1E800] =	vst v63  }
0x9c: {  	_ =	swait.ge [sflag:s12], $0x2000  }
0x9d: {  	[sflag:s12] =	ssyncset.done $0x0  }
0x9e: {  	s15 =	simm.s32 $0x400;
	s16 =	simm.s32 $0x15C0;
	[sflag:s12] =	ssyncadd.s32 $0xFFFFE000  }
.LBB2_4:
0x9f: {  	[spmem:s2] =	stream.indirect.scatter.add.f32 [tilespmem:s1], [sflag:$0x8], $0x80, s16, s26, $0xb8;
	[tilespmem:$0x1E800] =	vst v63  }
0xa0: {  	s16 =	smov.u32 s15  }
0xa1: {  	p0 =	sne.s32 s15, $0x4400;
	s15 =	sadd.s32 $0x400, s15;
	_ =	swait.ge [sflag:s14], $0x2000  }
0xa2: {  	s16 =	sshra.s32 s16, $0x2;
	[sflag:s14] =	ssyncset.done $0x0  }
0xa3: {  	s17 =	sadd.s32 $0x1C0, s16;
	[sflag:s14] =	ssyncadd.s32 $0xFFFFE000  }
0xa4: {  	[tilespmem:s1], [sflag:$0x4] =	stream.indirect.gather [hbm4b:s4+s26], $0x80, s17, s26, $0xb8;
	[tilespmem:$0x1E800] =	vst v63  }
0xa5: {  	_ =	swait.ge [sflag:s0], $0x2000  }
0xa6: {  	[sflag:s0] =	ssyncset.done $0x0  }
0xa7: {  	s17 =	sadd.s32 $0x1500, s16;
	[sflag:s0] =	ssyncadd.s32 $0xFFFFE000  }
0xa8: {  	[spmem:s2] =	stream.indirect.scatter.add.f32 [tilespmem:s23], [sflag:$0x5], $0x80, s17, s26, $0xb8;
	[tilespmem:$0x1E800] =	vst v63  }
0xa9: {  	_ =	swait.ge [sflag:s29], $0x2000  }
0xaa: {  	[sflag:s29] =	ssyncset.done $0x0  }
0xab: {  	s17 =	sadd.s32 $0x200, s16;
	[sflag:s29] =	ssyncadd.s32 $0xFFFFE000  }
0xac: {  	[tilespmem:s23], [sflag:$0x1] =	stream.indirect.gather [hbm4b:s4+s26], $0x80, s17, s26, $0xb8;
	[tilespmem:$0x1E800] =	vst v63  }
0xad: {  	_ =	swait.ge [sflag:s31], $0x2000  }
0xae: {  	[sflag:s31] =	ssyncset.done $0x0  }
0xaf: {  	s17 =	sadd.s32 $0x1540, s16;
	[sflag:s31] =	ssyncadd.s32 $0xFFFFE000  }
0xb0: {  	[spmem:s2] =	stream.indirect.scatter.add.f32 [tilespmem:s28], [sflag:$0x6], $0x80, s17, s26, $0xb8;
	[tilespmem:$0x1E800] =	vst v63  }
0xb1: {  	_ =	swait.ge [sflag:s6], $0x2000  }
0xb2: {  	[sflag:s6] =	ssyncset.done $0x0  }
0xb3: {  	s17 =	sadd.s32 $0x240, s16;
	[sflag:s6] =	ssyncadd.s32 $0xFFFFE000  }
0xb4: {  	[tilespmem:s28], [sflag:$0x2] =	stream.indirect.gather [hbm4b:s4+s26], $0x80, s17, s26, $0xb8;
	[tilespmem:$0x1E800] =	vst v63  }
0xb5: {  	_ =	swait.ge [sflag:s8], $0x2000  }
0xb6: {  	[sflag:s8] =	ssyncset.done $0x0  }
0xb7: {  	s17 =	sadd.s32 $0x1580, s16;
	[sflag:s8] =	ssyncadd.s32 $0xFFFFE000  }
0xb8: {  	[spmem:s2] =	stream.indirect.scatter.add.f32 [tilespmem:s30], [sflag:$0x7], $0x80, s17, s26, $0xb8;
	[tilespmem:$0x1E800] =	vst v63  }
0xb9: {  	_ =	swait.ge [sflag:s10], $0x2000  }
0xba: {  	[sflag:s10] =	ssyncset.done $0x0  }
.Ltmp1:
0xbb: {  	s17 =	sadd.s32 $0x280, s16;
	[sflag:s10] =	ssyncadd.s32 $0xFFFFE000;
	(pc) =	sbr.rel @p0 .LBB2_4-.Ltmp1, $4  }
0xbc: {  	[tilespmem:s30], [sflag:$0x3] =	stream.indirect.gather [hbm4b:s4+s26], $0x80, s17, s26, $0xb8;
	[tilespmem:$0x1E800] =	vst v63  }
0xbd: {  	_ =	swait.ge [sflag:s12], $0x2000  }
0xbe: {  	[sflag:s12] =	ssyncset.done $0x0  }
0xbf: {  	s16 =	sadd.s32 $0x15C0, s16;
	[sflag:s12] =	ssyncadd.s32 $0xFFFFE000  }
0xc0: {  	[spmem:s2] =	stream.indirect.scatter.add.f32 [tilespmem:s1], [sflag:$0x8], $0x80, s16, s26, $0xb8;
	[tilespmem:$0x1E800] =	vst v63  }
0xc1: {  	_ =	swait.ge [sflag:s14], $0x2000  }
0xc2: {  	[sflag:s14] =	ssyncset.done $0x0  }
0xc3: {  	s15 =	simm.s32 $0x13C0;
	[sflag:s14] =	ssyncadd.s32 $0xFFFFE000  }
0xc4: {  	[tilespmem:s1], [sflag:$0x4] =	stream.indirect.gather [hbm4b:s4+s26], $0x80, s15, s26, $0xb8;
	[tilespmem:$0x1E800] =	vst v63  }
0xc5: {  	_ =	swait.ge [sflag:s0], $0x2000  }
0xc6: {  	[sflag:s0] =	ssyncset.done $0x0  }
0xc7: {  	s16 =	simm.s32 $0x2700;
	[sflag:s0] =	ssyncadd.s32 $0xFFFFE000  }
0xc8: {  	[spmem:s2] =	stream.indirect.scatter.add.f32 [tilespmem:s23], [sflag:$0x5], $0x80, s16, s26, $0xb8;
	[tilespmem:$0x1E800] =	vst v63  }
0xc9: {  	_ =	swait.ge [sflag:s29], $0x2000  }
0xca: {  	[sflag:s29] =	ssyncset.done $0x0  }
0xcb: {  	[sflag:s29] =	ssyncadd.s32 $0xFFFFE000  }
0xcc: {  	_ =	swait.ge [sflag:s31], $0x2000  }
0xcd: {  	[sflag:s31] =	ssyncset.done $0x0  }
0xce: {  	s17 =	simm.s32 $0x2740;
	[sflag:s31] =	ssyncadd.s32 $0xFFFFE000  }
0xcf: {  	[spmem:s2] =	stream.indirect.scatter.add.f32 [tilespmem:s28], [sflag:$0x6], $0x80, s17, s26, $0xb8;
	[tilespmem:$0x1E800] =	vst v63  }
0xd0: {  	_ =	swait.ge [sflag:s6], $0x2000  }
0xd1: {  	[sflag:s6] =	ssyncset.done $0x0  }
0xd2: {  	[sflag:s6] =	ssyncadd.s32 $0xFFFFE000  }
0xd3: {  	_ =	swait.ge [sflag:s8], $0x2000  }
0xd4: {  	[sflag:s8] =	ssyncset.done $0x0  }
0xd5: {  	s16 =	simm.s32 $0x2780;
	[sflag:s8] =	ssyncadd.s32 $0xFFFFE000  }
0xd6: {  	[spmem:s2] =	stream.indirect.scatter.add.f32 [tilespmem:s30], [sflag:$0x7], $0x80, s16, s26, $0xb8;
	[tilespmem:$0x1E800] =	vst v63  }
0xd7: {  	_ =	swait.ge [sflag:s10], $0x2000  }
0xd8: {  	[sflag:s10] =	ssyncset.done $0x0  }
0xd9: {  	[sflag:s10] =	ssyncadd.s32 $0xFFFFE000  }
0xda: {  	_ =	swait.ge [sflag:s12], $0x2000  }
0xdb: {  	[sflag:s12] =	ssyncset.done $0x0  }
0xdc: {  	s17 =	simm.s32 $0x27C0;
	[sflag:s12] =	ssyncadd.s32 $0xFFFFE000  }
0xdd: {  	[spmem:s2] =	stream.indirect.scatter.add.f32 [tilespmem:s1], [sflag:$0x8], $0x80, s17, s26, $0xb8;
	[tilespmem:$0x1E800] =	vst v63  }
0xde: {  	_ =	swait.ge [sflag:s14], $0x2000  }
0xdf: {  	[sflag:s14] =	ssyncset.done $0x0  }
0xe0: {  	s16 =	stileid.u32;
	[sflag:s14] =	ssyncadd.s32 $0xFFFFE000  }
0xe1: {  	s15 =	sshll.u32 s16, $0x6;
	[bflag:$0x0] =	sbarrier.arrive $0xFFFF  }
0xe2: {  	s16 =	sshrl.u32 s5, $0x3;
	s15 =	sor.u32 $0x1C09, s15;
	s17 =	rddreg [dreg:$0xa]  }
0xe3: {  	[hbm:s17], [sflag:s15] =	dma.local [spmem:s16], $0x800  }
0xe4: {  	_ =	swait.ge [sflag:s24], $0x800  }
0xe5: {  	[sflag:s24] =	ssyncset.done $0x0  }
0xe6: {  	s17 =	sshrl.u32 s7, $0x3;
	[sflag:s24] =	ssyncadd.s32 $0xFFFFF800  }
0xe7: {  	[hbm:s18], [sflag:s15] =	dma.local [spmem:s17], $0x800  }
0xe8: {  	_ =	swait.ge [sflag:s24], $0x800  }
0xe9: {  	[sflag:s24] =	ssyncset.done $0x0  }
0xea: {  	s17 =	sshrl.u32 s9, $0x3;
	[sflag:s24] =	ssyncadd.s32 $0xFFFFF800  }
0xeb: {  	[hbm:s19], [sflag:s15] =	dma.local [spmem:s17], $0x800  }
0xec: {  	_ =	swait.ge [sflag:s24], $0x800  }
0xed: {  	[sflag:s24] =	ssyncset.done $0x0  }
0xee: {  	s17 =	sshrl.u32 s11, $0x3;
	[sflag:s24] =	ssyncadd.s32 $0xFFFFF800  }
0xef: {  	[hbm:s20], [sflag:s15] =	dma.local [spmem:s17], $0x800  }
0xf0: {  	s3 =	sadd.s32 $0x1, s3;
	_ =	swait.ge [sflag:s24], $0x800  }
0xf1: {  	p0 =	sne.s32 s3, s22;
	[sflag:s24] =	ssyncset.done $0x0  }
.Ltmp2:
0xf2: {  	s17 =	sshrl.u32 s13, $0x3;
	[sflag:s24] =	ssyncadd.s32 $0xFFFFF800;
	(pc) =	sbr.rel @p0 .LBB2_1-.Ltmp2, $4  }
0xf3: {  	[hbm:s21], [sflag:s15] =	dma.local [spmem:s17], $0x800  }
0xf4: {  	_ =	swait.ge [sflag:s24], $0x800  }
0xf5: {  	[sflag:s24] =	ssyncset.done $0x0  }
0xf6: {  	[sflag:s24] =	ssyncadd.s32 $0xFFFFF800  }
0xf7: {  	_ =	sfence.sel $0x180000  }
0xf8: {  	[bflag:$0x0] =	sbarrier.arrive $0xFFFF  }
0xf9: {  	_ =	strace $0x90000050  }
0xfa: {  	s0 =	stileid.u32;
	[bflag:$0x2] =	sbarrier.arrive $0xFFFF  }
0xfb: {  	p0 =	sne.s32 s0, $0x0;
	s0 =	rddreg [dreg:$0x2]  }
0xfc: {  	s0 =	sadd.s32 @!p0 $0x100000, s0  }
0xfd: {  	[sflag:s0] =	ssyncadd.tile.s32 @!p0 $0x1;
	_ =	shalt  }
.Lfunc_end2:
_tile_overlayer_lowered:
.L_overlay_start_2:
0xfe: {  	(tag) =	ssettag $0x2  }
0xff: {  	s0 =	rddreg [dreg:$0x0];
	s2 =	stileid.u32  }
0x100: {  	s1 =	rddreg [dreg:$0x1];
	p0 =	sne.s32 s2, $0x0  }
0x101: {  	s3 =	rddreg [dreg:$0x2];
	[bflag:$0x3] =	sbarrier.arrive $0xFFFF;
	s2 =	simm.s32 @!p0 $0x1C09  }
0x102: {  	[timem:s3], [sflag:s2] =	dma.local @!p0 [hbm:s0], s1  }
0x103: {  	s0 =	simm.s32 @!p0 $0x9  }
0x104: {  	_ =	swait.ge @!p0 [sflag:s0], s1  }
0x105: {  	s1 =	ssub.s32 @!p0 $0x0, s1;
	[sflag:s0] =	ssyncset.done @!p0 $0x0  }
0x106: {  	[sflag:s0] =	ssyncadd.s32 @!p0 s1  }
0x107: {  	[bflag:$0x3] =	sbarrier.arrive $0xFFFF  }
0x108: {  	_ =	shalt  }

</sc_bundles>
